<compile_context>
chip_gen: v7x
topology: tpu7x:2x2x1
jax: 0.10.2.dev20260603
libtpu: 0.0.44.dev20260713+nightly
codegen_flags: <defaults>
</compile_context>

<pallas_src>
import functools

import jax
import jax.numpy as jnp
from jax import lax
from jax.experimental import pallas as pl
from jax.experimental.pallas import tpu as pltpu
from jax.experimental.pallas import tpu_sc as plsc

NC = 2
NS = 16
L = 16

_MESH = plsc.VectorSubcoreMesh(
    core_axis_name="c", subcore_axis_name="s", num_cores=NC, num_subcores=NS)


def _zero_1d(ref, n):
  z = jnp.zeros((L,), jnp.float32)

  def body(i, _):
    ref[pl.ds(i * L, L)] = z
    return 0

  lax.fori_loop(0, n // L, body, 0)


def _vec_add_into(acc, tmp, n):
  def body(i, _):
    acc[pl.ds(i * L, L)] = acc[pl.ds(i * L, L)] + tmp[pl.ds(i * L, L)]
    return 0

  lax.fori_loop(0, n // L, body, 0)


def _dot128(aref, bref, aoff, boff):
  acc = jnp.zeros((L,), jnp.float32)
  for j in range(128 // L):
    acc = acc + aref[pl.ds(aoff + j * L, L)] * bref[pl.ds(boff + j * L, L)]
  return jnp.sum(acc)


def _row_dot128(mref, row, bref, boff):
  acc = jnp.zeros((L,), jnp.float32)
  for j in range(128 // L):
    acc = acc + mref[row, pl.ds(j * L, L)] * bref[pl.ds(boff + j * L, L)]
  return jnp.sum(acc)


def _make_sc_deg(np_, e):
  ew = e // (NC * NS)
  rows = np_ // NS

  @functools.partial(
      pl.kernel,
      out_type=[jax.ShapeDtypeStruct((np_,), jnp.float32),
                jax.ShapeDtypeStruct((np_,), jnp.float32)],
      mesh=_MESH,
      compiler_params=pltpu.CompilerParams(needs_layout_passes=False),
      scratch_types=[
          pltpu.VMEM((ew,), jnp.int32),
          pltpu.VMEM((np_,), jnp.float32),
          pltpu.VMEM_SHARED((NS, np_), jnp.float32),
          pltpu.VMEM((rows,), jnp.float32),
          pltpu.VMEM((rows,), jnp.float32),
      ],
  )
  def k(dst_hbm, dega, degb, dstv, degloc, parts, tmp, acc):
    c = lax.axis_index("c")
    s = lax.axis_index("s")
    w = c * NS + s
    _zero_1d(degloc, np_)
    pltpu.sync_copy(dst_hbm.at[pl.ds(w * ew, ew)], dstv)
    ones = jnp.ones((L,), jnp.float32)

    def body(i, _):
      for u in range(5):
        d16 = dstv[pl.ds(i * 5 * L + u * L, L)]
        plsc.addupdate_scatter(degloc, [d16], ones)
      return 0

    lax.fori_loop(0, ew // (5 * L), body, 0)
    pltpu.sync_copy(degloc, parts.at[s])
    plsc.subcore_barrier()
    _zero_1d(acc, rows)
    for p in range(NS):
      pltpu.sync_copy(parts.at[p, pl.ds(s * rows, rows)], tmp)
      _vec_add_into(acc, tmp, rows)

    @pl.when(c == 0)
    def _():
      pltpu.sync_copy(acc, dega.at[pl.ds(s * rows, rows)])

    @pl.when(c == 1)
    def _():
      pltpu.sync_copy(acc, degb.at[pl.ds(s * rows, rows)])

  return k


def _tc1_body(x_ref, w1_ref, da_ref, db_ref, zs_ref, dis_ref):
  deg = da_ref[...] + db_ref[...] + 1.0
  y = lax.rsqrt(deg)
  dis = y * (1.5 - 0.5 * deg * y * y)
  z = jnp.dot(x_ref[...], w1_ref[...], preferred_element_type=jnp.float32)
  zs_ref[...] = z * dis
  dis_ref[...] = dis


def _tc1(x_p, w1, dega, degb, np_):
  r = 512
  h = w1.shape[1]
  return pl.pallas_call(
      _tc1_body,
      grid=(np_ // r,),
      in_specs=[
          pl.BlockSpec((r, x_p.shape[1]), lambda i: (i, 0)),
          pl.BlockSpec((w1.shape[0], h), lambda i: (0, 0)),
          pl.BlockSpec((r, 1), lambda i: (i, 0)),
          pl.BlockSpec((r, 1), lambda i: (i, 0)),
      ],
      out_specs=[
          pl.BlockSpec((r, h), lambda i: (i, 0)),
          pl.BlockSpec((r, 1), lambda i: (i, 0)),
      ],
      out_shape=[
          jax.ShapeDtypeStruct((np_, h), jnp.float32),
          jax.ShapeDtypeStruct((np_, 1), jnp.float32),
      ],
  )(x_p, w1, dega, degb)


def _make_sc_agg(np_, e, h):
  k_ = 125
  ew = e // (NC * NS)
  nch = ew // k_
  blk = 40
  nblk = nch // blk
  rows_out = np_ // NS
  zr = 32

  @functools.partial(
      pl.kernel,
      out_type=[jax.ShapeDtypeStruct((np_, h), jnp.float32),
                jax.ShapeDtypeStruct((np_, h), jnp.float32)],
      mesh=_MESH,
      compiler_params=pltpu.CompilerParams(needs_layout_passes=False),
      scratch_types=[
          pltpu.VMEM((blk, k_), jnp.int32),
          pltpu.VMEM((blk, k_), jnp.int32),
          pltpu.VMEM((k_, h), jnp.float32),
          pltpu.VMEM((k_, h), jnp.float32),
          pltpu.VMEM((zr, h), jnp.float32),
          pltpu.VMEM_SHARED((np_, h), jnp.float32),
          pltpu.SemaphoreType.DMA,
          pltpu.SemaphoreType.DMA,
          pltpu.SemaphoreType.DMA,
          pltpu.SemaphoreType.DMA,
      ],
  )
  def k(zs_hbm, src2_hbm, dst2_hbm, agga, aggb,
        srcv, dstv, rows0, rows1, zbuf, aggs, gsem0, gsem1, ssem0, ssem1):
    c = lax.axis_index("c")
    s = lax.axis_index("s")
    w = c * NS + s

    nz = h // L

    def zb(i, _):
      zbuf[i // nz, pl.ds((i % nz) * L, L)] = jnp.zeros((L,), jnp.float32)
      return 0

    lax.fori_loop(0, zr * nz, zb, 0)
    for b in range(rows_out // zr):
      pltpu.sync_copy(zbuf, aggs.at[pl.ds(s * rows_out + b * zr, zr)])
    plsc.subcore_barrier()

    def gissue(i, buf, sem):
      pltpu.async_copy(zs_hbm.at[srcv.at[i]], buf, sem)

    def gwait(i, buf, sem):
      pltpu.make_async_copy(zs_hbm.at[srcv.at[i]], buf, sem).wait()

    def sissue(i, buf, sem):
      pltpu.async_copy(buf, aggs.at[dstv.at[i]], sem, add=True)

    def swait(buf, sem):
      pltpu.make_async_copy(buf, aggs.at[dstv.at[0]], sem).wait()

    def outer(kk, _):
      base = w * nch + kk * blk
      pltpu.sync_copy(src2_hbm.at[pl.ds(base, blk)], srcv)
      pltpu.sync_copy(dst2_hbm.at[pl.ds(base, blk)], dstv)
      gissue(0, rows0, gsem0)

      def body(i, _):
        @pl.when(i < blk - 1)
        def _():
          @pl.when(i % 2 == 0)
          def _():
            @pl.when(i > 0)
            def _():
              swait(rows1, ssem1)

            gissue(i + 1, rows1, gsem1)

          @pl.when(i % 2 == 1)
          def _():
            swait(rows0, ssem0)
            gissue(i + 1, rows0, gsem0)

        @pl.when(i % 2 == 0)
        def _():
          gwait(i, rows0, gsem0)
          sissue(i, rows0, ssem0)

        @pl.when(i % 2 == 1)
        def _():
          gwait(i, rows1, gsem1)
          sissue(i, rows1, ssem1)

        return 0

      lax.fori_loop(0, blk, body, 0)
      swait(rows0, ssem0)
      swait(rows1, ssem1)
      return 0

    lax.fori_loop(0, nblk, outer, 0)
    plsc.subcore_barrier()

    @pl.when(c == 0)
    def _():
      pltpu.sync_copy(aggs.at[pl.ds(s * rows_out, rows_out)],
                      agga.at[pl.ds(s * rows_out, rows_out)])

    @pl.when(c == 1)
    def _():
      pltpu.sync_copy(aggs.at[pl.ds(s * rows_out, rows_out)],
                      aggb.at[pl.ds(s * rows_out, rows_out)])

  return k


def _tc2_body(aa_ref, ab_ref, zs_ref, dis_ref, b1_ref, w2_ref,
              wl_ref, vs_ref):
  agg = aa_ref[...] + ab_ref[...] + zs_ref[...]
  dis = dis_ref[...]
  h1 = jnp.maximum(dis * agg + b1_ref[...], 0.0)
  w2l = jnp.dot(w2_ref[...], wl_ref[...][:128],
                preferred_element_type=jnp.float32)
  vs_ref[...] = dis * jnp.dot(h1, w2l, preferred_element_type=jnp.float32)


def _tc2(agga, aggb, zs, dis2, b1r, w2, wl, np_):
  r = 512
  return pl.pallas_call(
      _tc2_body,
      grid=(np_ // r,),
      in_specs=[
          pl.BlockSpec((r, 128), lambda i: (i, 0)),
          pl.BlockSpec((r, 128), lambda i: (i, 0)),
          pl.BlockSpec((r, 128), lambda i: (i, 0)),
          pl.BlockSpec((r, 1), lambda i: (i, 0)),
          pl.BlockSpec((1, 128), lambda i: (0, 0)),
          pl.BlockSpec((128, 128), lambda i: (0, 0)),
          pl.BlockSpec((256, 1), lambda i: (0, 0)),
      ],
      out_specs=pl.BlockSpec((r, 1), lambda i: (i, 0)),
      out_shape=jax.ShapeDtypeStruct((np_, 1), jnp.float32),
  )(agga, aggb, zs, dis2, b1r, w2, wl)


def _make_sc_fin(np_, e):
  et = e // NS
  ch = 2000
  ew = e // (NC * NS)
  rows = np_ // NS

  @functools.partial(
      pl.kernel,
      out_type=jax.ShapeDtypeStruct((e,), jnp.float32),
      mesh=_MESH,
      compiler_params=pltpu.CompilerParams(needs_layout_passes=False),
      scratch_types=[
          pltpu.SemaphoreType.DMA,
          pltpu.VMEM((np_,), jnp.float32),
          pltpu.VMEM((np_,), jnp.float32),
          pltpu.VMEM((np_,), jnp.float32),
          pltpu.VMEM((ch,), jnp.int32),
          pltpu.VMEM((ch,), jnp.int32),
          pltpu.VMEM((ew,), jnp.int32),
          pltpu.VMEM((ew,), jnp.float32),
          pltpu.VMEM((ew,), jnp.float32),
          pltpu.VMEM((ew,), jnp.float32),
          pltpu.VMEM((ew,), jnp.float32),
          pltpu.VMEM((ew,), jnp.float32),
          pltpu.VMEM((rows,), jnp.float32),
          pltpu.VMEM((rows,), jnp.float32),
          pltpu.VMEM((256,), jnp.float32),
          pltpu.VMEM((4, 128), jnp.float32),
          pltpu.VMEM((128,), jnp.float32),
          pltpu.VMEM((128,), jnp.float32),
          pltpu.VMEM((L,), jnp.float32),
          pltpu.VMEM_SHARED((NS, np_), jnp.float32),
          pltpu.VMEM_SHARED((np_,), jnp.float32),
      ],
  )
  def k(src_hbm, dst_hbm, vs_hbm, dis_hbm, ea0, ea1, ea2, ea3, we_hbm,
        wl_hbm, b2_hbm, be_hbm, bl_hbm, out_hbm, bsem, vv, uv, aggloc, srcv,
        dstv, srcb, a0, a1, a2, a3, outv, tmp, acc, wlv, wev, b2v, bev, blv,
        parts, us):
    c = lax.axis_index("c")
    s = lax.axis_index("s")
    w = c * NS + s
    off = w * ew

    pltpu.async_copy(src_hbm.at[pl.ds(off, ew)], srcb, bsem)
    pltpu.async_copy(ea0.at[pl.ds(off, ew)], a0, bsem)
    pltpu.async_copy(ea1.at[pl.ds(off, ew)], a1, bsem)
    pltpu.async_copy(ea2.at[pl.ds(off, ew)], a2, bsem)
    pltpu.async_copy(ea3.at[pl.ds(off, ew)], a3, bsem)

    pltpu.sync_copy(vs_hbm, vv)
    pltpu.sync_copy(wl_hbm, wlv)
    pltpu.sync_copy(we_hbm, wev)
    pltpu.sync_copy(b2_hbm, b2v)
    pltpu.sync_copy(be_hbm, bev)
    pltpu.sync_copy(bl_hbm, blv)
    _zero_1d(aggloc, np_)

    def chunk(kk, _):
      off = s * et + kk * ch
      pltpu.sync_copy(src_hbm.at[pl.ds(off, ch)], srcv)
      pltpu.sync_copy(dst_hbm.at[pl.ds(off, ch)], dstv)

      def inner(i, _):
        for u in range(5):
          sl = pl.ds(i * 5 * L + u * L, L)
          vals = plsc.load_gather(vv, [srcv[sl]])
          plsc.addupdate_scatter(aggloc, [dstv[sl]], vals)
        return 0

      lax.fori_loop(0, ch // (5 * L), inner, 0)
      return 0

    lax.fori_loop(0, et // ch, chunk, 0)
    pltpu.sync_copy(aggloc, parts.at[s])
    plsc.subcore_barrier()

    _zero_1d(acc, rows)
    for p in range(NS):
      pltpu.sync_copy(parts.at[p, pl.ds(s * rows, rows)], tmp)
      _vec_add_into(acc, tmp, rows)
    pltpu.sync_copy(dis_hbm.at[pl.ds(s * rows, rows)], tmp)
    cb = _dot128(b2v, wlv, 0, 0)

    def mku(i, _):
      d16 = tmp[pl.ds(i * L, L)]
      v16 = vv[pl.ds(s * rows + i * L, L)]
      acc[pl.ds(i * L, L)] = d16 * (acc[pl.ds(i * L, L)] + v16) + cb
      return 0

    lax.fori_loop(0, rows // L, mku, 0)
    pltpu.sync_copy(acc, us.at[pl.ds(s * rows, rows)])
    plsc.subcore_barrier()
    pltpu.sync_copy(us, uv)

    c0 = _row_dot128(wev, 0, wlv, 128)
    c1 = _row_dot128(wev, 1, wlv, 128)
    c2 = _row_dot128(wev, 2, wlv, 128)
    c3 = _row_dot128(wev, 3, wlv, 128)
    cbias = _dot128(bev, wlv, 0, 128) + jnp.sum(blv[...])

    pltpu.make_async_copy(src_hbm.at[pl.ds(off, ew)], srcb, bsem).wait()
    pltpu.make_async_copy(ea0.at[pl.ds(off, ew)], a0, bsem).wait()
    pltpu.make_async_copy(ea1.at[pl.ds(off, ew)], a1, bsem).wait()
    pltpu.make_async_copy(ea2.at[pl.ds(off, ew)], a2, bsem).wait()
    pltpu.make_async_copy(ea3.at[pl.ds(off, ew)], a3, bsem).wait()

    def obody(i, _):
      for u in range(5):
        sl = pl.ds(i * 5 * L + u * L, L)
        uu = plsc.load_gather(uv, [srcb[sl]])
        cv = a0[sl] * c0 + a1[sl] * c1 + a2[sl] * c2 + a3[sl] * c3 + cbias
        outv[sl] = uu + cv
      return 0

    lax.fori_loop(0, ew // (5 * L), obody, 0)
    pltpu.sync_copy(outv, out_hbm.at[pl.ds(off, ew)])

  return k


def kernel(x, edge_index, edge_attr, W1, b1, W2, b2, We, be, Wl, bl):
  n, _ = x.shape
  e = edge_index.shape[1]
  np_ = ((n + 2047) // 2048) * 2048

  src = edge_index[0]
  dst = edge_index[1]
  x_p = jnp.pad(x, ((0, np_ - n), (0, 0)))
  ea0, ea1, ea2, ea3 = (edge_attr[:, j] for j in range(4))
  blp = jnp.pad(bl, (0, L - bl.shape[0]))
  wl_f = Wl[:, 0]
  b1r = b1.reshape(1, -1)
  src2 = src.reshape(-1, 125)
  dst2 = dst.reshape(-1, 125)

  dega, degb = _make_sc_deg(np_, e)(dst)
  zs, dis2 = _tc1(x_p, W1, dega.reshape(np_, 1), degb.reshape(np_, 1), np_)
  agga, aggb = _make_sc_agg(np_, e, 128)(zs, src2, dst2)
  vs2 = _tc2(agga, aggb, zs, dis2, b1r, W2, Wl, np_)
  out = _make_sc_fin(np_, e)(src, dst, vs2.reshape(np_), dis2.reshape(np_),
                             ea0, ea1, ea2, ea3, We, wl_f, b2, be, blp)
  return out[:, None]

# --- scband reference (transcript-rebuilt; emitter-appended) ---
"""Pipeline reference for scband-custom-gcn-57492432224710 (READ-ONLY COPY).

The authoritative reference and input builder live on the scoring server;
editing this copy changes nothing except your own understanding.
"""

import jax, jax.numpy as jnp
import numpy as np

N = 10000
E = 320000
D_IN = 128
D_EDGE = 4
H = 128


def setup_inputs(seed: int = 0) -> dict:
    key = jax.random.key(seed)
    ks = jax.random.split(key, 12)
    x = jax.random.normal(ks[0], (N, D_IN), dtype=jnp.float32)
    edge_index = jax.random.randint(ks[1], (2, E), 0, N, dtype=jnp.int32)
    edge_attr = jax.random.normal(ks[2], (E, D_EDGE), dtype=jnp.float32)
    s1 = 1.0 / np.sqrt(D_IN)
    s2 = 1.0 / np.sqrt(H)
    se = 1.0 / np.sqrt(D_EDGE)
    sl = 1.0 / np.sqrt(2 * H)
    W1 = jax.random.normal(ks[3], (D_IN, H), dtype=jnp.float32) * s1
    b1 = jnp.zeros((H,), dtype=jnp.float32)
    W2 = jax.random.normal(ks[4], (H, H), dtype=jnp.float32) * s2
    b2 = jnp.zeros((H,), dtype=jnp.float32)
    We = jax.random.normal(ks[5], (D_EDGE, H), dtype=jnp.float32) * se
    be = jax.random.normal(ks[6], (H,), dtype=jnp.float32) * se
    Wl = jax.random.normal(ks[7], (2 * H, 1), dtype=jnp.float32) * sl
    bl = jax.random.normal(ks[8], (1,), dtype=jnp.float32) * sl
    return {"x": x, "edge_index": edge_index, "edge_attr": edge_attr,
            "W1": W1, "b1": b1, "W2": W2, "b2": b2,
            "We": We, "be": be, "Wl": Wl, "bl": bl}


def gcn_conv(x, edge_index, W, b):
    # Faithful PyG GCNConv: add self-loops, symmetric normalization, scatter-add aggregation.
    n = x.shape[0]
    loop = jnp.arange(n, dtype=edge_index.dtype)
    src = jnp.concatenate([edge_index[0], loop])
    dst = jnp.concatenate([edge_index[1], loop])
    deg = jnp.zeros((n,), dtype=x.dtype).at[dst].add(1.0)
    dis = jnp.where(deg > 0, jax.lax.rsqrt(deg), 0.0)
    norm = dis[src] * dis[dst]
    xw = x @ W
    msg = jnp.take(xw, src, axis=0) * norm[:, None]
    out = jnp.zeros((n, W.shape[1]), dtype=x.dtype).at[dst].add(msg)
    return out + b


def reference(x, edge_index, edge_attr, W1, b1, W2, b2, We, be, Wl, bl):
    h = jax.nn.relu(gcn_conv(x, edge_index, W1, b1))
    # dropout p=0.5 is identity in eval mode
    h = gcn_conv(h, edge_index, W2, b2)
    edge_features = edge_attr @ We + be
    x_combined = jnp.concatenate([jnp.take(h, edge_index[0], axis=0), edge_features], axis=1)
    out = x_combined @ Wl + bl
    return out

if __name__ == "__main__":
    import jax
    _d = setup_inputs()
    print(jax.jit(kernel)(*tuple(_d.values())))

</pallas_src>

<mosaic_0001>
#map = affine_map<(d0, d1) -> (0)>
module attributes {stable_mosaic.version = 14 : i64} {
  func.func @k(%arg0: i32, %arg1: i32, %arg2: memref<320000xi32, #tpu.memory_space<hbm>>, %arg3: memref<10240xf32, #tpu.memory_space<hbm>>, %arg4: memref<10240xf32, #tpu.memory_space<hbm>>, %arg5: memref<10000xi32, #tpu.memory_space<vmem>>, %arg6: memref<10240xf32, #tpu.memory_space<vmem>>, %arg7: memref<16x10240xf32, #tpu.memory_space<vmem_shared>>, %arg8: memref<640xf32, #tpu.memory_space<vmem>>, %arg9: memref<640xf32, #tpu.memory_space<vmem>>) attributes {dimension_semantics = [#tpu.dimension_semantics<core_parallel>, #tpu.dimension_semantics<subcore_parallel>], iteration_bounds = array<i64: 2, 16>, scalar_prefetch = 0 : i64, scratch_operands = 5 : i64, tpu.core_type = #tpu.core_type<sc_vector_subcore>, window_params = [{transform_indices = #map}, {transform_indices = #map}, {transform_indices = #map}]} {
    %mul3A = arith.constant 16 : i32
    %mul3A_0 = arith.muli %arg0, %mul3A : i32
    %add3A = arith.addi %mul3A_0, %arg1 : i32
    %broadcast_in_dim3A = arith.constant 0.000000e+00 : f32
    %broadcast_in_dim3A_1 = vector.broadcast %broadcast_in_dim3A : f32 to vector<16xf32>
    %scan3A = arith.constant 0 : i32
    %scan3A_2 = arith.constant 0 : i32
    %scan3A_3 = arith.constant 640 : i32
    %scan3A_4 = arith.addi %scan3A_2, %scan3A_3 : i32
    %scan3A_5 = arith.constant 1 : i32
    %scan3A_6 = scf.for %scan3A_194 = %scan3A_2 to %scan3A_4 step %scan3A_5 iter_args(%scan3A_195 = %scan3A) -> (i32)  : i32 {
      %mul3A_196 = arith.constant 16 : i32
      %mul3A_197 = arith.muli %scan3A_194, %mul3A_196 : i32
      %swap3A = arith.index_cast %mul3A_197 : i32 to index
      %swap3A_198 = tpu.vector_load %arg6[%swap3A] {strides = array<i32>} : memref<10240xf32, #tpu.memory_space<vmem>>, vector<16xf32>,
      tpu.vector_store %arg6[%swap3A], %broadcast_in_dim3A_1 {strides = array<i32>} : memref<10240xf32, #tpu.memory_space<vmem>>, vector<16xf32>,
      %scan3A_199 = arith.constant 0 : i32
      scf.yield %scan3A_199 : i32
    }
    %scan3A_7 = arith.constant 640 : i32
    %mul3A_8 = arith.constant 10000 : i32
    %mul3A_9 = arith.muli %add3A, %mul3A_8 : i32
    "tpu.region"() ({
      %run_scoped3A_194 = tpu.sem_alloc : memref<!tpu.dma_semaphore, #tpu.memory_space<semaphore_mem>>
      %dma_start3A = tpu.memref_slice %arg2[%mul3A_9] : memref<320000xi32, #tpu.memory_space<hbm>> -> memref<10000xi32, #tpu.memory_space<hbm>>
      %dma_start3A_195 = tpu.memref_slice %arg2[%mul3A_9] : memref<320000xi32, #tpu.memory_space<hbm>> -> memref<10000xi32, #tpu.memory_space<hbm>>
      tpu.enqueue_dma source(%dma_start3A_195 : memref<10000xi32, #tpu.memory_space<hbm>>) target(%arg5 : memref<10000xi32, #tpu.memory_space<vmem>>) target_semaphore(%run_scoped3A_194 : memref<!tpu.dma_semaphore, #tpu.memory_space<semaphore_mem>>)
      %dma_wait3A = tpu.memref_slice %arg2[%mul3A_9] : memref<320000xi32, #tpu.memory_space<hbm>> -> memref<10000xi32, #tpu.memory_space<hbm>>
      %dma_wait3A_196 = tpu.memref_slice %arg2[%mul3A_9] : memref<320000xi32, #tpu.memory_space<hbm>> -> memref<10000xi32, #tpu.memory_space<hbm>>
      tpu.wait_dma2 semaphore(%run_scoped3A_194 : memref<!tpu.dma_semaphore, #tpu.memory_space<semaphore_mem>>) src(%dma_wait3A_196 : memref<10000xi32, #tpu.memory_space<hbm>>) dst(%arg5 : memref<10000xi32, #tpu.memory_space<vmem>>)
      tpu.yield
    }) : () -> ()
    %broadcast_in_dim3A_10 = arith.constant 1.000000e+00 : f32
    %broadcast_in_dim3A_11 = vector.broadcast %broadcast_in_dim3A_10 : f32 to vector<16xf32>
    %scan3A_12 = arith.constant 0 : i32
    %scan3A_13 = arith.constant 0 : i32
    %scan3A_14 = arith.constant 125 : i32
    %scan3A_15 = arith.addi %scan3A_13, %scan3A_14 : i32
    %scan3A_16 = arith.constant 1 : i32
    %scan3A_17 = scf.for %scan3A_194 = %scan3A_13 to %scan3A_15 step %scan3A_16 iter_args(%scan3A_195 = %scan3A_12) -> (i32)  : i32 {
      %mul3A_196 = arith.constant 5 : i32
      %mul3A_197 = arith.muli %scan3A_194, %mul3A_196 : i32
      %mul3A_198 = arith.constant 16 : i32
      %mul3A_199 = arith.muli %mul3A_197, %mul3A_198 : i32
      %add3A_200 = arith.constant 0 : i32
      %add3A_201 = arith.addi %mul3A_199, %add3A_200 : i32
      %get3A = arith.index_cast %add3A_201 : i32 to index
      %get3A_202 = tpu.vector_load %arg5[%get3A] {strides = array<i32>} : memref<10000xi32, #tpu.memory_space<vmem>>, vector<16xi32>,
      tpu.vector_store_idx %arg6[%get3A_202], %broadcast_in_dim3A_11 {add = true} : memref<10240xf32, #tpu.memory_space<vmem>>[vector<16xi32>], vector<16xf32>,
      %mul3A_203 = arith.constant 5 : i32
      %mul3A_204 = arith.muli %scan3A_194, %mul3A_203 : i32
      %mul3A_205 = arith.constant 16 : i32
      %mul3A_206 = arith.muli %mul3A_204, %mul3A_205 : i32
      %add3A_207 = arith.constant 16 : i32
      %add3A_208 = arith.addi %mul3A_206, %add3A_207 : i32
      %get3A_209 = arith.index_cast %add3A_208 : i32 to index
      %get3A_210 = tpu.vector_load %arg5[%get3A_209] {strides = array<i32>} : memref<10000xi32, #tpu.memory_space<vmem>>, vector<16xi32>,
      tpu.vector_store_idx %arg6[%get3A_210], %broadcast_in_dim3A_11 {add = true} : memref<10240xf32, #tpu.memory_space<vmem>>[vector<16xi32>], vector<16xf32>,
      %mul3A_211 = arith.constant 5 : i32
      %mul3A_212 = arith.muli %scan3A_194, %mul3A_211 : i32
      %mul3A_213 = arith.constant 16 : i32
      %mul3A_214 = arith.muli %mul3A_212, %mul3A_213 : i32
      %add3A_215 = arith.constant 32 : i32
      %add3A_216 = arith.addi %mul3A_214, %add3A_215 : i32
      %get3A_217 = arith.index_cast %add3A_216 : i32 to index
      %get3A_218 = tpu.vector_load %arg5[%get3A_217] {strides = array<i32>} : memref<10000xi32, #tpu.memory_space<vmem>>, vector<16xi32>,
      tpu.vector_store_idx %arg6[%get3A_218], %broadcast_in_dim3A_11 {add = true} : memref<10240xf32, #tpu.memory_space<vmem>>[vector<16xi32>], vector<16xf32>,
      %mul3A_219 = arith.constant 5 : i32
      %mul3A_220 = arith.muli %scan3A_194, %mul3A_219 : i32
      %mul3A_221 = arith.constant 16 : i32
      %mul3A_222 = arith.muli %mul3A_220, %mul3A_221 : i32
      %add3A_223 = arith.constant 48 : i32
      %add3A_224 = arith.addi %mul3A_222, %add3A_223 : i32
      %get3A_225 = arith.index_cast %add3A_224 : i32 to index
      %get3A_226 = tpu.vector_load %arg5[%get3A_225] {strides = array<i32>} : memref<10000xi32, #tpu.memory_space<vmem>>, vector<16xi32>,
      tpu.vector_store_idx %arg6[%get3A_226], %broadcast_in_dim3A_11 {add = true} : memref<10240xf32, #tpu.memory_space<vmem>>[vector<16xi32>], vector<16xf32>,
      %mul3A_227 = arith.constant 5 : i32
      %mul3A_228 = arith.muli %scan3A_194, %mul3A_227 : i32
      %mul3A_229 = arith.constant 16 : i32
      %mul3A_230 = arith.muli %mul3A_228, %mul3A_229 : i32
      %add3A_231 = arith.constant 64 : i32
      %add3A_232 = arith.addi %mul3A_230, %add3A_231 : i32
      %get3A_233 = arith.index_cast %add3A_232 : i32 to index
      %get3A_234 = tpu.vector_load %arg5[%get3A_233] {strides = array<i32>} : memref<10000xi32, #tpu.memory_space<vmem>>, vector<16xi32>,
      tpu.vector_store_idx %arg6[%get3A_234], %broadcast_in_dim3A_11 {add = true} : memref<10240xf32, #tpu.memory_space<vmem>>[vector<16xi32>], vector<16xf32>,
      %scan3A_235 = arith.constant 0 : i32
      scf.yield %scan3A_235 : i32
    }
    %scan3A_18 = arith.constant 125 : i32
    "tpu.region"() ({
      %run_scoped3A_194 = tpu.sem_alloc : memref<!tpu.dma_semaphore, #tpu.memory_space<semaphore_mem>>
      %dma_start3A = arith.constant 0 : i32
      %dma_start3A_195 = tpu.memref_slice %arg7[%arg1, %dma_start3A] : memref<16x10240xf32, #tpu.memory_space<vmem_shared>> -> memref<1x10240xf32, #tpu.memory_space<vmem_shared>>
      %dma_start3A_196 = tpu.memref_squeeze %dma_start3A_195 : memref<1x10240xf32, #tpu.memory_space<vmem_shared>> -> memref<10240xf32, #tpu.memory_space<vmem_shared>>
      %dma_start3A_197 = arith.constant 0 : i32
      %dma_start3A_198 = tpu.memref_slice %arg7[%arg1, %dma_start3A_197] : memref<16x10240xf32, #tpu.memory_space<vmem_shared>> -> memref<1x10240xf32, #tpu.memory_space<vmem_shared>>
      %dma_start3A_199 = tpu.memref_squeeze %dma_start3A_198 : memref<1x10240xf32, #tpu.memory_space<vmem_shared>> -> memref<10240xf32, #tpu.memory_space<vmem_shared>>
      tpu.enqueue_dma source(%arg6 : memref<10240xf32, #tpu.memory_space<vmem>>) target(%dma_start3A_199 : memref<10240xf32, #tpu.memory_space<vmem_shared>>) target_semaphore(%run_scoped3A_194 : memref<!tpu.dma_semaphore, #tpu.memory_space<semaphore_mem>>)
      %dma_wait3A = arith.constant 0 : i32
      %dma_wait3A_200 = tpu.memref_slice %arg7[%arg1, %dma_wait3A] : memref<16x10240xf32, #tpu.memory_space<vmem_shared>> -> memref<1x10240xf32, #tpu.memory_space<vmem_shared>>
      %dma_wait3A_201 = tpu.memref_squeeze %dma_wait3A_200 : memref<1x10240xf32, #tpu.memory_space<vmem_shared>> -> memref<10240xf32, #tpu.memory_space<vmem_shared>>
      %dma_wait3A_202 = arith.constant 0 : i32
      %dma_wait3A_203 = tpu.memref_slice %arg7[%arg1, %dma_wait3A_202] : memref<16x10240xf32, #tpu.memory_space<vmem_shared>> -> memref<1x10240xf32, #tpu.memory_space<vmem_shared>>
      %dma_wait3A_204 = tpu.memref_squeeze %dma_wait3A_203 : memref<1x10240xf32, #tpu.memory_space<vmem_shared>> -> memref<10240xf32, #tpu.memory_space<vmem_shared>>
      tpu.wait_dma2 semaphore(%run_scoped3A_194 : memref<!tpu.dma_semaphore, #tpu.memory_space<semaphore_mem>>) src(%arg6 : memref<10240xf32, #tpu.memory_space<vmem>>) dst(%dma_wait3A_204 : memref<10240xf32, #tpu.memory_space<vmem_shared>>)
      tpu.yield
    }) : () -> ()
    %barrier3A = arith.constant 0 : index
    tpu.barrier barrier_id(%barrier3A)
    %broadcast_in_dim3A_19 = arith.constant 0.000000e+00 : f32
    %broadcast_in_dim3A_20 = vector.broadcast %broadcast_in_dim3A_19 : f32 to vector<16xf32>
    %scan3A_21 = arith.constant 0 : i32
    %scan3A_22 = arith.constant 0 : i32
    %scan3A_23 = arith.constant 40 : i32
    %scan3A_24 = arith.addi %scan3A_22, %scan3A_23 : i32
    %scan3A_25 = arith.constant 1 : i32
    %scan3A_26 = scf.for %scan3A_194 = %scan3A_22 to %scan3A_24 step %scan3A_25 iter_args(%scan3A_195 = %scan3A_21) -> (i32)  : i32 {
      %mul3A_196 = arith.constant 16 : i32
      %mul3A_197 = arith.muli %scan3A_194, %mul3A_196 : i32
      %swap3A = arith.index_cast %mul3A_197 : i32 to index
      %swap3A_198 = tpu.vector_load %arg9[%swap3A] {strides = array<i32>} : memref<640xf32, #tpu.memory_space<vmem>>, vector<16xf32>,
      tpu.vector_store %arg9[%swap3A], %broadcast_in_dim3A_20 {strides = array<i32>} : memref<640xf32, #tpu.memory_space<vmem>>, vector<16xf32>,
      %scan3A_199 = arith.constant 0 : i32
      scf.yield %scan3A_199 : i32
    }
    %scan3A_27 = arith.constant 40 : i32
    %mul3A_28 = arith.constant 640 : i32
    %mul3A_29 = arith.muli %arg1, %mul3A_28 : i32
    %run_scoped3A = arith.constant 0 : i32
    "tpu.region"() ({
      %run_scoped3A_194 = tpu.sem_alloc : memref<!tpu.dma_semaphore, #tpu.memory_space<semaphore_mem>>
      %dma_start3A = tpu.memref_slice %arg7[%run_scoped3A, %mul3A_29] : memref<16x10240xf32, #tpu.memory_space<vmem_shared>> -> memref<1x640xf32, #tpu.memory_space<vmem_shared>>
      %dma_start3A_195 = tpu.memref_squeeze %dma_start3A : memref<1x640xf32, #tpu.memory_space<vmem_shared>> -> memref<640xf32, #tpu.memory_space<vmem_shared>>
      %dma_start3A_196 = tpu.memref_slice %arg7[%run_scoped3A, %mul3A_29] : memref<16x10240xf32, #tpu.memory_space<vmem_shared>> -> memref<1x640xf32, #tpu.memory_space<vmem_shared>>
      %dma_start3A_197 = tpu.memref_squeeze %dma_start3A_196 : memref<1x640xf32, #tpu.memory_space<vmem_shared>> -> memref<640xf32, #tpu.memory_space<vmem_shared>>
      tpu.enqueue_dma source(%dma_start3A_197 : memref<640xf32, #tpu.memory_space<vmem_shared>>) target(%arg8 : memref<640xf32, #tpu.memory_space<vmem>>) target_semaphore(%run_scoped3A_194 : memref<!tpu.dma_semaphore, #tpu.memory_space<semaphore_mem>>)
      %dma_wait3A = tpu.memref_slice %arg7[%run_scoped3A, %mul3A_29] : memref<16x10240xf32, #tpu.memory_space<vmem_shared>> -> memref<1x640xf32, #tpu.memory_space<vmem_shared>>
      %dma_wait3A_198 = tpu.memref_squeeze %dma_wait3A : memref<1x640xf32, #tpu.memory_space<vmem_shared>> -> memref<640xf32, #tpu.memory_space<vmem_shared>>
      %dma_wait3A_199 = tpu.memref_slice %arg7[%run_scoped3A, %mul3A_29] : memref<16x10240xf32, #tpu.memory_space<vmem_shared>> -> memref<1x640xf32, #tpu.memory_space<vmem_shared>>
      %dma_wait3A_200 = tpu.memref_squeeze %dma_wait3A_199 : memref<1x640xf32, #tpu.memory_space<vmem_shared>> -> memref<640xf32, #tpu.memory_space<vmem_shared>>
      tpu.wait_dma2 semaphore(%run_scoped3A_194 : memref<!tpu.dma_semaphore, #tpu.memory_space<semaphore_mem>>) src(%dma_wait3A_200 : memref<640xf32, #tpu.memory_space<vmem_shared>>) dst(%arg8 : memref<640xf32, #tpu.memory_space<vmem>>)
      tpu.yield
    }) : () -> ()
    %scan3A_30 = arith.constant 0 : i32
    %scan3A_31 = arith.constant 0 : i32
    %scan3A_32 = arith.constant 40 : i32
    %scan3A_33 = arith.addi %scan3A_31, %scan3A_32 : i32
    %scan3A_34 = arith.constant 1 : i32
    %scan3A_35 = scf.for %scan3A_194 = %scan3A_31 to %scan3A_33 step %scan3A_34 iter_args(%scan3A_195 = %scan3A_30) -> (i32)  : i32 {
      %mul3A_196 = arith.constant 16 : i32
      %mul3A_197 = arith.muli %scan3A_194, %mul3A_196 : i32
      %get3A = arith.index_cast %mul3A_197 : i32 to index
      %get3A_198 = tpu.vector_load %arg9[%get3A] {strides = array<i32>} : memref<640xf32, #tpu.memory_space<vmem>>, vector<16xf32>,
      %mul3A_199 = arith.constant 16 : i32
      %mul3A_200 = arith.muli %scan3A_194, %mul3A_199 : i32
      %get3A_201 = arith.index_cast %mul3A_200 : i32 to index
      %get3A_202 = tpu.vector_load %arg8[%get3A_201] {strides = array<i32>} : memref<640xf32, #tpu.memory_space<vmem>>, vector<16xf32>,
      %add3A_203 = arith.addf %get3A_198, %get3A_202 : vector<16xf32>
      %mul3A_204 = arith.constant 16 : i32
      %mul3A_205 = arith.muli %scan3A_194, %mul3A_204 : i32
      %swap3A = arith.index_cast %mul3A_205 : i32 to index
      %swap3A_206 = tpu.vector_load %arg9[%swap3A] {strides = array<i32>} : memref<640xf32, #tpu.memory_space<vmem>>, vector<16xf32>,
      tpu.vector_store %arg9[%swap3A], %add3A_203 {strides = array<i32>} : memref<640xf32, #tpu.memory_space<vmem>>, vector<16xf32>,
      %scan3A_207 = arith.constant 0 : i32
      scf.yield %scan3A_207 : i32
    }
    %scan3A_36 = arith.constant 40 : i32
    %mul3A_37 = arith.constant 640 : i32
    %mul3A_38 = arith.muli %arg1, %mul3A_37 : i32
    %run_scoped3A_39 = arith.constant 1 : i32
    "tpu.region"() ({
      %run_scoped3A_194 = tpu.sem_alloc : memref<!tpu.dma_semaphore, #tpu.memory_space<semaphore_mem>>
      %dma_start3A = tpu.memref_slice %arg7[%run_scoped3A_39, %mul3A_38] : memref<16x10240xf32, #tpu.memory_space<vmem_shared>> -> memref<1x640xf32, #tpu.memory_space<vmem_shared>>
      %dma_start3A_195 = tpu.memref_squeeze %dma_start3A : memref<1x640xf32, #tpu.memory_space<vmem_shared>> -> memref<640xf32, #tpu.memory_space<vmem_shared>>
      %dma_start3A_196 = tpu.memref_slice %arg7[%run_scoped3A_39, %mul3A_38] : memref<16x10240xf32, #tpu.memory_space<vmem_shared>> -> memref<1x640xf32, #tpu.memory_space<vmem_shared>>
      %dma_start3A_197 = tpu.memref_squeeze %dma_start3A_196 : memref<1x640xf32, #tpu.memory_space<vmem_shared>> -> memref<640xf32, #tpu.memory_space<vmem_shared>>
      tpu.enqueue_dma source(%dma_start3A_197 : memref<640xf32, #tpu.memory_space<vmem_shared>>) target(%arg8 : memref<640xf32, #tpu.memory_space<vmem>>) target_semaphore(%run_scoped3A_194 : memref<!tpu.dma_semaphore, #tpu.memory_space<semaphore_mem>>)
      %dma_wait3A = tpu.memref_slice %arg7[%run_scoped3A_39, %mul3A_38] : memref<16x10240xf32, #tpu.memory_space<vmem_shared>> -> memref<1x640xf32, #tpu.memory_space<vmem_shared>>
      %dma_wait3A_198 = tpu.memref_squeeze %dma_wait3A : memref<1x640xf32, #tpu.memory_space<vmem_shared>> -> memref<640xf32, #tpu.memory_space<vmem_shared>>
      %dma_wait3A_199 = tpu.memref_slice %arg7[%run_scoped3A_39, %mul3A_38] : memref<16x10240xf32, #tpu.memory_space<vmem_shared>> -> memref<1x640xf32, #tpu.memory_space<vmem_shared>>
      %dma_wait3A_200 = tpu.memref_squeeze %dma_wait3A_199 : memref<1x640xf32, #tpu.memory_space<vmem_shared>> -> memref<640xf32, #tpu.memory_space<vmem_shared>>
      tpu.wait_dma2 semaphore(%run_scoped3A_194 : memref<!tpu.dma_semaphore, #tpu.memory_space<semaphore_mem>>) src(%dma_wait3A_200 : memref<640xf32, #tpu.memory_space<vmem_shared>>) dst(%arg8 : memref<640xf32, #tpu.memory_space<vmem>>)
      tpu.yield
    }) : () -> ()
    %scan3A_40 = arith.constant 0 : i32
    %scan3A_41 = arith.constant 0 : i32
    %scan3A_42 = arith.constant 40 : i32
    %scan3A_43 = arith.addi %scan3A_41, %scan3A_42 : i32
    %scan3A_44 = arith.constant 1 : i32
    %scan3A_45 = scf.for %scan3A_194 = %scan3A_41 to %scan3A_43 step %scan3A_44 iter_args(%scan3A_195 = %scan3A_40) -> (i32)  : i32 {
      %mul3A_196 = arith.constant 16 : i32
      %mul3A_197 = arith.muli %scan3A_194, %mul3A_196 : i32
      %get3A = arith.index_cast %mul3A_197 : i32 to index
      %get3A_198 = tpu.vector_load %arg9[%get3A] {strides = array<i32>} : memref<640xf32, #tpu.memory_space<vmem>>, vector<16xf32>,
      %mul3A_199 = arith.constant 16 : i32
      %mul3A_200 = arith.muli %scan3A_194, %mul3A_199 : i32
      %get3A_201 = arith.index_cast %mul3A_200 : i32 to index
      %get3A_202 = tpu.vector_load %arg8[%get3A_201] {strides = array<i32>} : memref<640xf32, #tpu.memory_space<vmem>>, vector<16xf32>,
      %add3A_203 = arith.addf %get3A_198, %get3A_202 : vector<16xf32>
      %mul3A_204 = arith.constant 16 : i32
      %mul3A_205 = arith.muli %scan3A_194, %mul3A_204 : i32
      %swap3A = arith.index_cast %mul3A_205 : i32 to index
      %swap3A_206 = tpu.vector_load %arg9[%swap3A] {strides = array<i32>} : memref<640xf32, #tpu.memory_space<vmem>>, vector<16xf32>,
      tpu.vector_store %arg9[%swap3A], %add3A_203 {strides = array<i32>} : memref<640xf32, #tpu.memory_space<vmem>>, vector<16xf32>,
      %scan3A_207 = arith.constant 0 : i32
      scf.yield %scan3A_207 : i32
    }
    %scan3A_46 = arith.constant 40 : i32
    %mul3A_47 = arith.constant 640 : i32
    %mul3A_48 = arith.muli %arg1, %mul3A_47 : i32
    %run_scoped3A_49 = arith.constant 2 : i32
    "tpu.region"() ({
      %run_scoped3A_194 = tpu.sem_alloc : memref<!tpu.dma_semaphore, #tpu.memory_space<semaphore_mem>>
      %dma_start3A = tpu.memref_slice %arg7[%run_scoped3A_49, %mul3A_48] : memref<16x10240xf32, #tpu.memory_space<vmem_shared>> -> memref<1x640xf32, #tpu.memory_space<vmem_shared>>
      %dma_start3A_195 = tpu.memref_squeeze %dma_start3A : memref<1x640xf32, #tpu.memory_space<vmem_shared>> -> memref<640xf32, #tpu.memory_space<vmem_shared>>
      %dma_start3A_196 = tpu.memref_slice %arg7[%run_scoped3A_49, %mul3A_48] : memref<16x10240xf32, #tpu.memory_space<vmem_shared>> -> memref<1x640xf32, #tpu.memory_space<vmem_shared>>
      %dma_start3A_197 = tpu.memref_squeeze %dma_start3A_196 : memref<1x640xf32, #tpu.memory_space<vmem_shared>> -> memref<640xf32, #tpu.memory_space<vmem_shared>>
      tpu.enqueue_dma source(%dma_start3A_197 : memref<640xf32, #tpu.memory_space<vmem_shared>>) target(%arg8 : memref<640xf32, #tpu.memory_space<vmem>>) target_semaphore(%run_scoped3A_194 : memref<!tpu.dma_semaphore, #tpu.memory_space<semaphore_mem>>)
      %dma_wait3A = tpu.memref_slice %arg7[%run_scoped3A_49, %mul3A_48] : memref<16x10240xf32, #tpu.memory_space<vmem_shared>> -> memref<1x640xf32, #tpu.memory_space<vmem_shared>>
      %dma_wait3A_198 = tpu.memref_squeeze %dma_wait3A : memref<1x640xf32, #tpu.memory_space<vmem_shared>> -> memref<640xf32, #tpu.memory_space<vmem_shared>>
      %dma_wait3A_199 = tpu.memref_slice %arg7[%run_scoped3A_49, %mul3A_48] : memref<16x10240xf32, #tpu.memory_space<vmem_shared>> -> memref<1x640xf32, #tpu.memory_space<vmem_shared>>
      %dma_wait3A_200 = tpu.memref_squeeze %dma_wait3A_199 : memref<1x640xf32, #tpu.memory_space<vmem_shared>> -> memref<640xf32, #tpu.memory_space<vmem_shared>>
      tpu.wait_dma2 semaphore(%run_scoped3A_194 : memref<!tpu.dma_semaphore, #tpu.memory_space<semaphore_mem>>) src(%dma_wait3A_200 : memref<640xf32, #tpu.memory_space<vmem_shared>>) dst(%arg8 : memref<640xf32, #tpu.memory_space<vmem>>)
      tpu.yield
    }) : () -> ()
    %scan3A_50 = arith.constant 0 : i32
    %scan3A_51 = arith.constant 0 : i32
    %scan3A_52 = arith.constant 40 : i32
    %scan3A_53 = arith.addi %scan3A_51, %scan3A_52 : i32
    %scan3A_54 = arith.constant 1 : i32
    %scan3A_55 = scf.for %scan3A_194 = %scan3A_51 to %scan3A_53 step %scan3A_54 iter_args(%scan3A_195 = %scan3A_50) -> (i32)  : i32 {
      %mul3A_196 = arith.constant 16 : i32
      %mul3A_197 = arith.muli %scan3A_194, %mul3A_196 : i32
      %get3A = arith.index_cast %mul3A_197 : i32 to index
      %get3A_198 = tpu.vector_load %arg9[%get3A] {strides = array<i32>} : memref<640xf32, #tpu.memory_space<vmem>>, vector<16xf32>,
      %mul3A_199 = arith.constant 16 : i32
      %mul3A_200 = arith.muli %scan3A_194, %mul3A_199 : i32
      %get3A_201 = arith.index_cast %mul3A_200 : i32 to index
      %get3A_202 = tpu.vector_load %arg8[%get3A_201] {strides = array<i32>} : memref<640xf32, #tpu.memory_space<vmem>>, vector<16xf32>,
      %add3A_203 = arith.addf %get3A_198, %get3A_202 : vector<16xf32>
      %mul3A_204 = arith.constant 16 : i32
      %mul3A_205 = arith.muli %scan3A_194, %mul3A_204 : i32
      %swap3A = arith.index_cast %mul3A_205 : i32 to index
      %swap3A_206 = tpu.vector_load %arg9[%swap3A] {strides = array<i32>} : memref<640xf32, #tpu.memory_space<vmem>>, vector<16xf32>,
      tpu.vector_store %arg9[%swap3A], %add3A_203 {strides = array<i32>} : memref<640xf32, #tpu.memory_space<vmem>>, vector<16xf32>,
      %scan3A_207 = arith.constant 0 : i32
      scf.yield %scan3A_207 : i32
    }
    %scan3A_56 = arith.constant 40 : i32
    %mul3A_57 = arith.constant 640 : i32
    %mul3A_58 = arith.muli %arg1, %mul3A_57 : i32
    %run_scoped3A_59 = arith.constant 3 : i32
    "tpu.region"() ({
      %run_scoped3A_194 = tpu.sem_alloc : memref<!tpu.dma_semaphore, #tpu.memory_space<semaphore_mem>>
      %dma_start3A = tpu.memref_slice %arg7[%run_scoped3A_59, %mul3A_58] : memref<16x10240xf32, #tpu.memory_space<vmem_shared>> -> memref<1x640xf32, #tpu.memory_space<vmem_shared>>
      %dma_start3A_195 = tpu.memref_squeeze %dma_start3A : memref<1x640xf32, #tpu.memory_space<vmem_shared>> -> memref<640xf32, #tpu.memory_space<vmem_shared>>
      %dma_start3A_196 = tpu.memref_slice %arg7[%run_scoped3A_59, %mul3A_58] : memref<16x10240xf32, #tpu.memory_space<vmem_shared>> -> memref<1x640xf32, #tpu.memory_space<vmem_shared>>
      %dma_start3A_197 = tpu.memref_squeeze %dma_start3A_196 : memref<1x640xf32, #tpu.memory_space<vmem_shared>> -> memref<640xf32, #tpu.memory_space<vmem_shared>>
      tpu.enqueue_dma source(%dma_start3A_197 : memref<640xf32, #tpu.memory_space<vmem_shared>>) target(%arg8 : memref<640xf32, #tpu.memory_space<vmem>>) target_semaphore(%run_scoped3A_194 : memref<!tpu.dma_semaphore, #tpu.memory_space<semaphore_mem>>)
      %dma_wait3A = tpu.memref_slice %arg7[%run_scoped3A_59, %mul3A_58] : memref<16x10240xf32, #tpu.memory_space<vmem_shared>> -> memref<1x640xf32, #tpu.memory_space<vmem_shared>>
      %dma_wait3A_198 = tpu.memref_squeeze %dma_wait3A : memref<1x640xf32, #tpu.memory_space<vmem_shared>> -> memref<640xf32, #tpu.memory_space<vmem_shared>>
      %dma_wait3A_199 = tpu.memref_slice %arg7[%run_scoped3A_59, %mul3A_58] : memref<16x10240xf32, #tpu.memory_space<vmem_shared>> -> memref<1x640xf32, #tpu.memory_space<vmem_shared>>
      %dma_wait3A_200 = tpu.memref_squeeze %dma_wait3A_199 : memref<1x640xf32, #tpu.memory_space<vmem_shared>> -> memref<640xf32, #tpu.memory_space<vmem_shared>>
      tpu.wait_dma2 semaphore(%run_scoped3A_194 : memref<!tpu.dma_semaphore, #tpu.memory_space<semaphore_mem>>) src(%dma_wait3A_200 : memref<640xf32, #tpu.memory_space<vmem_shared>>) dst(%arg8 : memref<640xf32, #tpu.memory_space<vmem>>)
      tpu.yield
    }) : () -> ()
    %scan3A_60 = arith.constant 0 : i32
    %scan3A_61 = arith.constant 0 : i32
    %scan3A_62 = arith.constant 40 : i32
    %scan3A_63 = arith.addi %scan3A_61, %scan3A_62 : i32
    %scan3A_64 = arith.constant 1 : i32
    %scan3A_65 = scf.for %scan3A_194 = %scan3A_61 to %scan3A_63 step %scan3A_64 iter_args(%scan3A_195 = %scan3A_60) -> (i32)  : i32 {
      %mul3A_196 = arith.constant 16 : i32
      %mul3A_197 = arith.muli %scan3A_194, %mul3A_196 : i32
      %get3A = arith.index_cast %mul3A_197 : i32 to index
      %get3A_198 = tpu.vector_load %arg9[%get3A] {strides = array<i32>} : memref<640xf32, #tpu.memory_space<vmem>>, vector<16xf32>,
      %mul3A_199 = arith.constant 16 : i32
      %mul3A_200 = arith.muli %scan3A_194, %mul3A_199 : i32
      %get3A_201 = arith.index_cast %mul3A_200 : i32 to index
      %get3A_202 = tpu.vector_load %arg8[%get3A_201] {strides = array<i32>} : memref<640xf32, #tpu.memory_space<vmem>>, vector<16xf32>,
      %add3A_203 = arith.addf %get3A_198, %get3A_202 : vector<16xf32>
      %mul3A_204 = arith.constant 16 : i32
      %mul3A_205 = arith.muli %scan3A_194, %mul3A_204 : i32
      %swap3A = arith.index_cast %mul3A_205 : i32 to index
      %swap3A_206 = tpu.vector_load %arg9[%swap3A] {strides = array<i32>} : memref<640xf32, #tpu.memory_space<vmem>>, vector<16xf32>,
      tpu.vector_store %arg9[%swap3A], %add3A_203 {strides = array<i32>} : memref<640xf32, #tpu.memory_space<vmem>>, vector<16xf32>,
      %scan3A_207 = arith.constant 0 : i32
      scf.yield %scan3A_207 : i32
    }
    %scan3A_66 = arith.constant 40 : i32
    %mul3A_67 = arith.constant 640 : i32
    %mul3A_68 = arith.muli %arg1, %mul3A_67 : i32
    %run_scoped3A_69 = arith.constant 4 : i32
    "tpu.region"() ({
      %run_scoped3A_194 = tpu.sem_alloc : memref<!tpu.dma_semaphore, #tpu.memory_space<semaphore_mem>>
      %dma_start3A = tpu.memref_slice %arg7[%run_scoped3A_69, %mul3A_68] : memref<16x10240xf32, #tpu.memory_space<vmem_shared>> -> memref<1x640xf32, #tpu.memory_space<vmem_shared>>
      %dma_start3A_195 = tpu.memref_squeeze %dma_start3A : memref<1x640xf32, #tpu.memory_space<vmem_shared>> -> memref<640xf32, #tpu.memory_space<vmem_shared>>
      %dma_start3A_196 = tpu.memref_slice %arg7[%run_scoped3A_69, %mul3A_68] : memref<16x10240xf32, #tpu.memory_space<vmem_shared>> -> memref<1x640xf32, #tpu.memory_space<vmem_shared>>
      %dma_start3A_197 = tpu.memref_squeeze %dma_start3A_196 : memref<1x640xf32, #tpu.memory_space<vmem_shared>> -> memref<640xf32, #tpu.memory_space<vmem_shared>>
      tpu.enqueue_dma source(%dma_start3A_197 : memref<640xf32, #tpu.memory_space<vmem_shared>>) target(%arg8 : memref<640xf32, #tpu.memory_space<vmem>>) target_semaphore(%run_scoped3A_194 : memref<!tpu.dma_semaphore, #tpu.memory_space<semaphore_mem>>)
      %dma_wait3A = tpu.memref_slice %arg7[%run_scoped3A_69, %mul3A_68] : memref<16x10240xf32, #tpu.memory_space<vmem_shared>> -> memref<1x640xf32, #tpu.memory_space<vmem_shared>>
      %dma_wait3A_198 = tpu.memref_squeeze %dma_wait3A : memref<1x640xf32, #tpu.memory_space<vmem_shared>> -> memref<640xf32, #tpu.memory_space<vmem_shared>>
      %dma_wait3A_199 = tpu.memref_slice %arg7[%run_scoped3A_69, %mul3A_68] : memref<16x10240xf32, #tpu.memory_space<vmem_shared>> -> memref<1x640xf32, #tpu.memory_space<vmem_shared>>
      %dma_wait3A_200 = tpu.memref_squeeze %dma_wait3A_199 : memref<1x640xf32, #tpu.memory_space<vmem_shared>> -> memref<640xf32, #tpu.memory_space<vmem_shared>>
      tpu.wait_dma2 semaphore(%run_scoped3A_194 : memref<!tpu.dma_semaphore, #tpu.memory_space<semaphore_mem>>) src(%dma_wait3A_200 : memref<640xf32, #tpu.memory_space<vmem_shared>>) dst(%arg8 : memref<640xf32, #tpu.memory_space<vmem>>)
      tpu.yield
    }) : () -> ()
    %scan3A_70 = arith.constant 0 : i32
    %scan3A_71 = arith.constant 0 : i32
    %scan3A_72 = arith.constant 40 : i32
    %scan3A_73 = arith.addi %scan3A_71, %scan3A_72 : i32
    %scan3A_74 = arith.constant 1 : i32
    %scan3A_75 = scf.for %scan3A_194 = %scan3A_71 to %scan3A_73 step %scan3A_74 iter_args(%scan3A_195 = %scan3A_70) -> (i32)  : i32 {
      %mul3A_196 = arith.constant 16 : i32
      %mul3A_197 = arith.muli %scan3A_194, %mul3A_196 : i32
      %get3A = arith.index_cast %mul3A_197 : i32 to index
      %get3A_198 = tpu.vector_load %arg9[%get3A] {strides = array<i32>} : memref<640xf32, #tpu.memory_space<vmem>>, vector<16xf32>,
      %mul3A_199 = arith.constant 16 : i32
      %mul3A_200 = arith.muli %scan3A_194, %mul3A_199 : i32
      %get3A_201 = arith.index_cast %mul3A_200 : i32 to index
      %get3A_202 = tpu.vector_load %arg8[%get3A_201] {strides = array<i32>} : memref<640xf32, #tpu.memory_space<vmem>>, vector<16xf32>,
      %add3A_203 = arith.addf %get3A_198, %get3A_202 : vector<16xf32>
      %mul3A_204 = arith.constant 16 : i32
      %mul3A_205 = arith.muli %scan3A_194, %mul3A_204 : i32
      %swap3A = arith.index_cast %mul3A_205 : i32 to index
      %swap3A_206 = tpu.vector_load %arg9[%swap3A] {strides = array<i32>} : memref<640xf32, #tpu.memory_space<vmem>>, vector<16xf32>,
      tpu.vector_store %arg9[%swap3A], %add3A_203 {strides = array<i32>} : memref<640xf32, #tpu.memory_space<vmem>>, vector<16xf32>,
      %scan3A_207 = arith.constant 0 : i32
      scf.yield %scan3A_207 : i32
    }
    %scan3A_76 = arith.constant 40 : i32
    %mul3A_77 = arith.constant 640 : i32
    %mul3A_78 = arith.muli %arg1, %mul3A_77 : i32
    %run_scoped3A_79 = arith.constant 5 : i32
    "tpu.region"() ({
      %run_scoped3A_194 = tpu.sem_alloc : memref<!tpu.dma_semaphore, #tpu.memory_space<semaphore_mem>>
      %dma_start3A = tpu.memref_slice %arg7[%run_scoped3A_79, %mul3A_78] : memref<16x10240xf32, #tpu.memory_space<vmem_shared>> -> memref<1x640xf32, #tpu.memory_space<vmem_shared>>
      %dma_start3A_195 = tpu.memref_squeeze %dma_start3A : memref<1x640xf32, #tpu.memory_space<vmem_shared>> -> memref<640xf32, #tpu.memory_space<vmem_shared>>
      %dma_start3A_196 = tpu.memref_slice %arg7[%run_scoped3A_79, %mul3A_78] : memref<16x10240xf32, #tpu.memory_space<vmem_shared>> -> memref<1x640xf32, #tpu.memory_space<vmem_shared>>
      %dma_start3A_197 = tpu.memref_squeeze %dma_start3A_196 : memref<1x640xf32, #tpu.memory_space<vmem_shared>> -> memref<640xf32, #tpu.memory_space<vmem_shared>>
      tpu.enqueue_dma source(%dma_start3A_197 : memref<640xf32, #tpu.memory_space<vmem_shared>>) target(%arg8 : memref<640xf32, #tpu.memory_space<vmem>>) target_semaphore(%run_scoped3A_194 : memref<!tpu.dma_semaphore, #tpu.memory_space<semaphore_mem>>)
      %dma_wait3A = tpu.memref_slice %arg7[%run_scoped3A_79, %mul3A_78] : memref<16x10240xf32, #tpu.memory_space<vmem_shared>> -> memref<1x640xf32, #tpu.memory_space<vmem_shared>>
      %dma_wait3A_198 = tpu.memref_squeeze %dma_wait3A : memref<1x640xf32, #tpu.memory_space<vmem_shared>> -> memref<640xf32, #tpu.memory_space<vmem_shared>>
      %dma_wait3A_199 = tpu.memref_slice %arg7[%run_scoped3A_79, %mul3A_78] : memref<16x10240xf32, #tpu.memory_space<vmem_shared>> -> memref<1x640xf32, #tpu.memory_space<vmem_shared>>
      %dma_wait3A_200 = tpu.memref_squeeze %dma_wait3A_199 : memref<1x640xf32, #tpu.memory_space<vmem_shared>> -> memref<640xf32, #tpu.memory_space<vmem_shared>>
      tpu.wait_dma2 semaphore(%run_scoped3A_194 : memref<!tpu.dma_semaphore, #tpu.memory_space<semaphore_mem>>) src(%dma_wait3A_200 : memref<640xf32, #tpu.memory_space<vmem_shared>>) dst(%arg8 : memref<640xf32, #tpu.memory_space<vmem>>)
      tpu.yield
    }) : () -> ()
    %scan3A_80 = arith.constant 0 : i32
    %scan3A_81 = arith.constant 0 : i32
    %scan3A_82 = arith.constant 40 : i32
    %scan3A_83 = arith.addi %scan3A_81, %scan3A_82 : i32
    %scan3A_84 = arith.constant 1 : i32
    %scan3A_85 = scf.for %scan3A_194 = %scan3A_81 to %scan3A_83 step %scan3A_84 iter_args(%scan3A_195 = %scan3A_80) -> (i32)  : i32 {
      %mul3A_196 = arith.constant 16 : i32
      %mul3A_197 = arith.muli %scan3A_194, %mul3A_196 : i32
      %get3A = arith.index_cast %mul3A_197 : i32 to index
      %get3A_198 = tpu.vector_load %arg9[%get3A] {strides = array<i32>} : memref<640xf32, #tpu.memory_space<vmem>>, vector<16xf32>,
      %mul3A_199 = arith.constant 16 : i32
      %mul3A_200 = arith.muli %scan3A_194, %mul3A_199 : i32
      %get3A_201 = arith.index_cast %mul3A_200 : i32 to index
      %get3A_202 = tpu.vector_load %arg8[%get3A_201] {strides = array<i32>} : memref<640xf32, #tpu.memory_space<vmem>>, vector<16xf32>,
      %add3A_203 = arith.addf %get3A_198, %get3A_202 : vector<16xf32>
      %mul3A_204 = arith.constant 16 : i32
      %mul3A_205 = arith.muli %scan3A_194, %mul3A_204 : i32
      %swap3A = arith.index_cast %mul3A_205 : i32 to index
      %swap3A_206 = tpu.vector_load %arg9[%swap3A] {strides = array<i32>} : memref<640xf32, #tpu.memory_space<vmem>>, vector<16xf32>,
      tpu.vector_store %arg9[%swap3A], %add3A_203 {strides = array<i32>} : memref<640xf32, #tpu.memory_space<vmem>>, vector<16xf32>,
      %scan3A_207 = arith.constant 0 : i32
      scf.yield %scan3A_207 : i32
    }
    %scan3A_86 = arith.constant 40 : i32
    %mul3A_87 = arith.constant 640 : i32
    %mul3A_88 = arith.muli %arg1, %mul3A_87 : i32
    %run_scoped3A_89 = arith.constant 6 : i32
    "tpu.region"() ({
      %run_scoped3A_194 = tpu.sem_alloc : memref<!tpu.dma_semaphore, #tpu.memory_space<semaphore_mem>>
      %dma_start3A = tpu.memref_slice %arg7[%run_scoped3A_89, %mul3A_88] : memref<16x10240xf32, #tpu.memory_space<vmem_shared>> -> memref<1x640xf32, #tpu.memory_space<vmem_shared>>
      %dma_start3A_195 = tpu.memref_squeeze %dma_start3A : memref<1x640xf32, #tpu.memory_space<vmem_shared>> -> memref<640xf32, #tpu.memory_space<vmem_shared>>
      %dma_start3A_196 = tpu.memref_slice %arg7[%run_scoped3A_89, %mul3A_88] : memref<16x10240xf32, #tpu.memory_space<vmem_shared>> -> memref<1x640xf32, #tpu.memory_space<vmem_shared>>
      %dma_start3A_197 = tpu.memref_squeeze %dma_start3A_196 : memref<1x640xf32, #tpu.memory_space<vmem_shared>> -> memref<640xf32, #tpu.memory_space<vmem_shared>>
      tpu.enqueue_dma source(%dma_start3A_197 : memref<640xf32, #tpu.memory_space<vmem_shared>>) target(%arg8 : memref<640xf32, #tpu.memory_space<vmem>>) target_semaphore(%run_scoped3A_194 : memref<!tpu.dma_semaphore, #tpu.memory_space<semaphore_mem>>)
      %dma_wait3A = tpu.memref_slice %arg7[%run_scoped3A_89, %mul3A_88] : memref<16x10240xf32, #tpu.memory_space<vmem_shared>> -> memref<1x640xf32, #tpu.memory_space<vmem_shared>>
      %dma_wait3A_198 = tpu.memref_squeeze %dma_wait3A : memref<1x640xf32, #tpu.memory_space<vmem_shared>> -> memref<640xf32, #tpu.memory_space<vmem_shared>>
      %dma_wait3A_199 = tpu.memref_slice %arg7[%run_scoped3A_89, %mul3A_88] : memref<16x10240xf32, #tpu.memory_space<vmem_shared>> -> memref<1x640xf32, #tpu.memory_space<vmem_shared>>
      %dma_wait3A_200 = tpu.memref_squeeze %dma_wait3A_199 : memref<1x640xf32, #tpu.memory_space<vmem_shared>> -> memref<640xf32, #tpu.memory_space<vmem_shared>>
      tpu.wait_dma2 semaphore(%run_scoped3A_194 : memref<!tpu.dma_semaphore, #tpu.memory_space<semaphore_mem>>) src(%dma_wait3A_200 : memref<640xf32, #tpu.memory_space<vmem_shared>>) dst(%arg8 : memref<640xf32, #tpu.memory_space<vmem>>)
      tpu.yield
    }) : () -> ()
    %scan3A_90 = arith.constant 0 : i32
    %scan3A_91 = arith.constant 0 : i32
    %scan3A_92 = arith.constant 40 : i32
    %scan3A_93 = arith.addi %scan3A_91, %scan3A_92 : i32
    %scan3A_94 = arith.constant 1 : i32
    %scan3A_95 = scf.for %scan3A_194 = %scan3A_91 to %scan3A_93 step %scan3A_94 iter_args(%scan3A_195 = %scan3A_90) -> (i32)  : i32 {
      %mul3A_196 = arith.constant 16 : i32
      %mul3A_197 = arith.muli %scan3A_194, %mul3A_196 : i32
      %get3A = arith.index_cast %mul3A_197 : i32 to index
      %get3A_198 = tpu.vector_load %arg9[%get3A] {strides = array<i32>} : memref<640xf32, #tpu.memory_space<vmem>>, vector<16xf32>,
      %mul3A_199 = arith.constant 16 : i32
      %mul3A_200 = arith.muli %scan3A_194, %mul3A_199 : i32
      %get3A_201 = arith.index_cast %mul3A_200 : i32 to index
      %get3A_202 = tpu.vector_load %arg8[%get3A_201] {strides = array<i32>} : memref<640xf32, #tpu.memory_space<vmem>>, vector<16xf32>,
      %add3A_203 = arith.addf %get3A_198, %get3A_202 : vector<16xf32>
      %mul3A_204 = arith.constant 16 : i32
      %mul3A_205 = arith.muli %scan3A_194, %mul3A_204 : i32
      %swap3A = arith.index_cast %mul3A_205 : i32 to index
      %swap3A_206 = tpu.vector_load %arg9[%swap3A] {strides = array<i32>} : memref<640xf32, #tpu.memory_space<vmem>>, vector<16xf32>,
      tpu.vector_store %arg9[%swap3A], %add3A_203 {strides = array<i32>} : memref<640xf32, #tpu.memory_space<vmem>>, vector<16xf32>,
      %scan3A_207 = arith.constant 0 : i32
      scf.yield %scan3A_207 : i32
    }
    %scan3A_96 = arith.constant 40 : i32
    %mul3A_97 = arith.constant 640 : i32
    %mul3A_98 = arith.muli %arg1, %mul3A_97 : i32
    %run_scoped3A_99 = arith.constant 7 : i32
    "tpu.region"() ({
      %run_scoped3A_194 = tpu.sem_alloc : memref<!tpu.dma_semaphore, #tpu.memory_space<semaphore_mem>>
      %dma_start3A = tpu.memref_slice %arg7[%run_scoped3A_99, %mul3A_98] : memref<16x10240xf32, #tpu.memory_space<vmem_shared>> -> memref<1x640xf32, #tpu.memory_space<vmem_shared>>
      %dma_start3A_195 = tpu.memref_squeeze %dma_start3A : memref<1x640xf32, #tpu.memory_space<vmem_shared>> -> memref<640xf32, #tpu.memory_space<vmem_shared>>
      %dma_start3A_196 = tpu.memref_slice %arg7[%run_scoped3A_99, %mul3A_98] : memref<16x10240xf32, #tpu.memory_space<vmem_shared>> -> memref<1x640xf32, #tpu.memory_space<vmem_shared>>
      %dma_start3A_197 = tpu.memref_squeeze %dma_start3A_196 : memref<1x640xf32, #tpu.memory_space<vmem_shared>> -> memref<640xf32, #tpu.memory_space<vmem_shared>>
      tpu.enqueue_dma source(%dma_start3A_197 : memref<640xf32, #tpu.memory_space<vmem_shared>>) target(%arg8 : memref<640xf32, #tpu.memory_space<vmem>>) target_semaphore(%run_scoped3A_194 : memref<!tpu.dma_semaphore, #tpu.memory_space<semaphore_mem>>)
      %dma_wait3A = tpu.memref_slice %arg7[%run_scoped3A_99, %mul3A_98] : memref<16x10240xf32, #tpu.memory_space<vmem_shared>> -> memref<1x640xf32, #tpu.memory_space<vmem_shared>>
      %dma_wait3A_198 = tpu.memref_squeeze %dma_wait3A : memref<1x640xf32, #tpu.memory_space<vmem_shared>> -> memref<640xf32, #tpu.memory_space<vmem_shared>>
      %dma_wait3A_199 = tpu.memref_slice %arg7[%run_scoped3A_99, %mul3A_98] : memref<16x10240xf32, #tpu.memory_space<vmem_shared>> -> memref<1x640xf32, #tpu.memory_space<vmem_shared>>
      %dma_wait3A_200 = tpu.memref_squeeze %dma_wait3A_199 : memref<1x640xf32, #tpu.memory_space<vmem_shared>> -> memref<640xf32, #tpu.memory_space<vmem_shared>>
      tpu.wait_dma2 semaphore(%run_scoped3A_194 : memref<!tpu.dma_semaphore, #tpu.memory_space<semaphore_mem>>) src(%dma_wait3A_200 : memref<640xf32, #tpu.memory_space<vmem_shared>>) dst(%arg8 : memref<640xf32, #tpu.memory_space<vmem>>)
      tpu.yield
    }) : () -> ()
    %scan3A_100 = arith.constant 0 : i32
    %scan3A_101 = arith.constant 0 : i32
    %scan3A_102 = arith.constant 40 : i32
    %scan3A_103 = arith.addi %scan3A_101, %scan3A_102 : i32
    %scan3A_104 = arith.constant 1 : i32
    %scan3A_105 = scf.for %scan3A_194 = %scan3A_101 to %scan3A_103 step %scan3A_104 iter_args(%scan3A_195 = %scan3A_100) -> (i32)  : i32 {
      %mul3A_196 = arith.constant 16 : i32
      %mul3A_197 = arith.muli %scan3A_194, %mul3A_196 : i32
      %get3A = arith.index_cast %mul3A_197 : i32 to index
      %get3A_198 = tpu.vector_load %arg9[%get3A] {strides = array<i32>} : memref<640xf32, #tpu.memory_space<vmem>>, vector<16xf32>,
      %mul3A_199 = arith.constant 16 : i32
      %mul3A_200 = arith.muli %scan3A_194, %mul3A_199 : i32
      %get3A_201 = arith.index_cast %mul3A_200 : i32 to index
      %get3A_202 = tpu.vector_load %arg8[%get3A_201] {strides = array<i32>} : memref<640xf32, #tpu.memory_space<vmem>>, vector<16xf32>,
      %add3A_203 = arith.addf %get3A_198, %get3A_202 : vector<16xf32>
      %mul3A_204 = arith.constant 16 : i32
      %mul3A_205 = arith.muli %scan3A_194, %mul3A_204 : i32
      %swap3A = arith.index_cast %mul3A_205 : i32 to index
      %swap3A_206 = tpu.vector_load %arg9[%swap3A] {strides = array<i32>} : memref<640xf32, #tpu.memory_space<vmem>>, vector<16xf32>,
      tpu.vector_store %arg9[%swap3A], %add3A_203 {strides = array<i32>} : memref<640xf32, #tpu.memory_space<vmem>>, vector<16xf32>,
      %scan3A_207 = arith.constant 0 : i32
      scf.yield %scan3A_207 : i32
    }
    %scan3A_106 = arith.constant 40 : i32
    %mul3A_107 = arith.constant 640 : i32
    %mul3A_108 = arith.muli %arg1, %mul3A_107 : i32
    %run_scoped3A_109 = arith.constant 8 : i32
    "tpu.region"() ({
      %run_scoped3A_194 = tpu.sem_alloc : memref<!tpu.dma_semaphore, #tpu.memory_space<semaphore_mem>>
      %dma_start3A = tpu.memref_slice %arg7[%run_scoped3A_109, %mul3A_108] : memref<16x10240xf32, #tpu.memory_space<vmem_shared>> -> memref<1x640xf32, #tpu.memory_space<vmem_shared>>
      %dma_start3A_195 = tpu.memref_squeeze %dma_start3A : memref<1x640xf32, #tpu.memory_space<vmem_shared>> -> memref<640xf32, #tpu.memory_space<vmem_shared>>
      %dma_start3A_196 = tpu.memref_slice %arg7[%run_scoped3A_109, %mul3A_108] : memref<16x10240xf32, #tpu.memory_space<vmem_shared>> -> memref<1x640xf32, #tpu.memory_space<vmem_shared>>
      %dma_start3A_197 = tpu.memref_squeeze %dma_start3A_196 : memref<1x640xf32, #tpu.memory_space<vmem_shared>> -> memref<640xf32, #tpu.memory_space<vmem_shared>>
      tpu.enqueue_dma source(%dma_start3A_197 : memref<640xf32, #tpu.memory_space<vmem_shared>>) target(%arg8 : memref<640xf32, #tpu.memory_space<vmem>>) target_semaphore(%run_scoped3A_194 : memref<!tpu.dma_semaphore, #tpu.memory_space<semaphore_mem>>)
      %dma_wait3A = tpu.memref_slice %arg7[%run_scoped3A_109, %mul3A_108] : memref<16x10240xf32, #tpu.memory_space<vmem_shared>> -> memref<1x640xf32, #tpu.memory_space<vmem_shared>>
      %dma_wait3A_198 = tpu.memref_squeeze %dma_wait3A : memref<1x640xf32, #tpu.memory_space<vmem_shared>> -> memref<640xf32, #tpu.memory_space<vmem_shared>>
      %dma_wait3A_199 = tpu.memref_slice %arg7[%run_scoped3A_109, %mul3A_108] : memref<16x10240xf32, #tpu.memory_space<vmem_shared>> -> memref<1x640xf32, #tpu.memory_space<vmem_shared>>
      %dma_wait3A_200 = tpu.memref_squeeze %dma_wait3A_199 : memref<1x640xf32, #tpu.memory_space<vmem_shared>> -> memref<640xf32, #tpu.memory_space<vmem_shared>>
      tpu.wait_dma2 semaphore(%run_scoped3A_194 : memref<!tpu.dma_semaphore, #tpu.memory_space<semaphore_mem>>) src(%dma_wait3A_200 : memref<640xf32, #tpu.memory_space<vmem_shared>>) dst(%arg8 : memref<640xf32, #tpu.memory_space<vmem>>)
      tpu.yield
    }) : () -> ()
    %scan3A_110 = arith.constant 0 : i32
    %scan3A_111 = arith.constant 0 : i32
    %scan3A_112 = arith.constant 40 : i32
    %scan3A_113 = arith.addi %scan3A_111, %scan3A_112 : i32
    %scan3A_114 = arith.constant 1 : i32
    %scan3A_115 = scf.for %scan3A_194 = %scan3A_111 to %scan3A_113 step %scan3A_114 iter_args(%scan3A_195 = %scan3A_110) -> (i32)  : i32 {
      %mul3A_196 = arith.constant 16 : i32
      %mul3A_197 = arith.muli %scan3A_194, %mul3A_196 : i32
      %get3A = arith.index_cast %mul3A_197 : i32 to index
      %get3A_198 = tpu.vector_load %arg9[%get3A] {strides = array<i32>} : memref<640xf32, #tpu.memory_space<vmem>>, vector<16xf32>,
      %mul3A_199 = arith.constant 16 : i32
      %mul3A_200 = arith.muli %scan3A_194, %mul3A_199 : i32
      %get3A_201 = arith.index_cast %mul3A_200 : i32 to index
      %get3A_202 = tpu.vector_load %arg8[%get3A_201] {strides = array<i32>} : memref<640xf32, #tpu.memory_space<vmem>>, vector<16xf32>,
      %add3A_203 = arith.addf %get3A_198, %get3A_202 : vector<16xf32>
      %mul3A_204 = arith.constant 16 : i32
      %mul3A_205 = arith.muli %scan3A_194, %mul3A_204 : i32
      %swap3A = arith.index_cast %mul3A_205 : i32 to index
      %swap3A_206 = tpu.vector_load %arg9[%swap3A] {strides = array<i32>} : memref<640xf32, #tpu.memory_space<vmem>>, vector<16xf32>,
      tpu.vector_store %arg9[%swap3A], %add3A_203 {strides = array<i32>} : memref<640xf32, #tpu.memory_space<vmem>>, vector<16xf32>,
      %scan3A_207 = arith.constant 0 : i32
      scf.yield %scan3A_207 : i32
    }
    %scan3A_116 = arith.constant 40 : i32
    %mul3A_117 = arith.constant 640 : i32
    %mul3A_118 = arith.muli %arg1, %mul3A_117 : i32
    %run_scoped3A_119 = arith.constant 9 : i32
    "tpu.region"() ({
      %run_scoped3A_194 = tpu.sem_alloc : memref<!tpu.dma_semaphore, #tpu.memory_space<semaphore_mem>>
      %dma_start3A = tpu.memref_slice %arg7[%run_scoped3A_119, %mul3A_118] : memref<16x10240xf32, #tpu.memory_space<vmem_shared>> -> memref<1x640xf32, #tpu.memory_space<vmem_shared>>
      %dma_start3A_195 = tpu.memref_squeeze %dma_start3A : memref<1x640xf32, #tpu.memory_space<vmem_shared>> -> memref<640xf32, #tpu.memory_space<vmem_shared>>
      %dma_start3A_196 = tpu.memref_slice %arg7[%run_scoped3A_119, %mul3A_118] : memref<16x10240xf32, #tpu.memory_space<vmem_shared>> -> memref<1x640xf32, #tpu.memory_space<vmem_shared>>
      %dma_start3A_197 = tpu.memref_squeeze %dma_start3A_196 : memref<1x640xf32, #tpu.memory_space<vmem_shared>> -> memref<640xf32, #tpu.memory_space<vmem_shared>>
      tpu.enqueue_dma source(%dma_start3A_197 : memref<640xf32, #tpu.memory_space<vmem_shared>>) target(%arg8 : memref<640xf32, #tpu.memory_space<vmem>>) target_semaphore(%run_scoped3A_194 : memref<!tpu.dma_semaphore, #tpu.memory_space<semaphore_mem>>)
      %dma_wait3A = tpu.memref_slice %arg7[%run_scoped3A_119, %mul3A_118] : memref<16x10240xf32, #tpu.memory_space<vmem_shared>> -> memref<1x640xf32, #tpu.memory_space<vmem_shared>>
      %dma_wait3A_198 = tpu.memref_squeeze %dma_wait3A : memref<1x640xf32, #tpu.memory_space<vmem_shared>> -> memref<640xf32, #tpu.memory_space<vmem_shared>>
      %dma_wait3A_199 = tpu.memref_slice %arg7[%run_scoped3A_119, %mul3A_118] : memref<16x10240xf32, #tpu.memory_space<vmem_shared>> -> memref<1x640xf32, #tpu.memory_space<vmem_shared>>
      %dma_wait3A_200 = tpu.memref_squeeze %dma_wait3A_199 : memref<1x640xf32, #tpu.memory_space<vmem_shared>> -> memref<640xf32, #tpu.memory_space<vmem_shared>>
      tpu.wait_dma2 semaphore(%run_scoped3A_194 : memref<!tpu.dma_semaphore, #tpu.memory_space<semaphore_mem>>) src(%dma_wait3A_200 : memref<640xf32, #tpu.memory_space<vmem_shared>>) dst(%arg8 : memref<640xf32, #tpu.memory_space<vmem>>)
      tpu.yield
    }) : () -> ()
    %scan3A_120 = arith.constant 0 : i32
    %scan3A_121 = arith.constant 0 : i32
    %scan3A_122 = arith.constant 40 : i32
    %scan3A_123 = arith.addi %scan3A_121, %scan3A_122 : i32
    %scan3A_124 = arith.constant 1 : i32
    %scan3A_125 = scf.for %scan3A_194 = %scan3A_121 to %scan3A_123 step %scan3A_124 iter_args(%scan3A_195 = %scan3A_120) -> (i32)  : i32 {
      %mul3A_196 = arith.constant 16 : i32
      %mul3A_197 = arith.muli %scan3A_194, %mul3A_196 : i32
      %get3A = arith.index_cast %mul3A_197 : i32 to index
      %get3A_198 = tpu.vector_load %arg9[%get3A] {strides = array<i32>} : memref<640xf32, #tpu.memory_space<vmem>>, vector<16xf32>,
      %mul3A_199 = arith.constant 16 : i32
      %mul3A_200 = arith.muli %scan3A_194, %mul3A_199 : i32
      %get3A_201 = arith.index_cast %mul3A_200 : i32 to index
      %get3A_202 = tpu.vector_load %arg8[%get3A_201] {strides = array<i32>} : memref<640xf32, #tpu.memory_space<vmem>>, vector<16xf32>,
      %add3A_203 = arith.addf %get3A_198, %get3A_202 : vector<16xf32>
      %mul3A_204 = arith.constant 16 : i32
      %mul3A_205 = arith.muli %scan3A_194, %mul3A_204 : i32
      %swap3A = arith.index_cast %mul3A_205 : i32 to index
      %swap3A_206 = tpu.vector_load %arg9[%swap3A] {strides = array<i32>} : memref<640xf32, #tpu.memory_space<vmem>>, vector<16xf32>,
      tpu.vector_store %arg9[%swap3A], %add3A_203 {strides = array<i32>} : memref<640xf32, #tpu.memory_space<vmem>>, vector<16xf32>,
      %scan3A_207 = arith.constant 0 : i32
      scf.yield %scan3A_207 : i32
    }
    %scan3A_126 = arith.constant 40 : i32
    %mul3A_127 = arith.constant 640 : i32
    %mul3A_128 = arith.muli %arg1, %mul3A_127 : i32
    %run_scoped3A_129 = arith.constant 10 : i32
    "tpu.region"() ({
      %run_scoped3A_194 = tpu.sem_alloc : memref<!tpu.dma_semaphore, #tpu.memory_space<semaphore_mem>>
      %dma_start3A = tpu.memref_slice %arg7[%run_scoped3A_129, %mul3A_128] : memref<16x10240xf32, #tpu.memory_space<vmem_shared>> -> memref<1x640xf32, #tpu.memory_space<vmem_shared>>
      %dma_start3A_195 = tpu.memref_squeeze %dma_start3A : memref<1x640xf32, #tpu.memory_space<vmem_shared>> -> memref<640xf32, #tpu.memory_space<vmem_shared>>
      %dma_start3A_196 = tpu.memref_slice %arg7[%run_scoped3A_129, %mul3A_128] : memref<16x10240xf32, #tpu.memory_space<vmem_shared>> -> memref<1x640xf32, #tpu.memory_space<vmem_shared>>
      %dma_start3A_197 = tpu.memref_squeeze %dma_start3A_196 : memref<1x640xf32, #tpu.memory_space<vmem_shared>> -> memref<640xf32, #tpu.memory_space<vmem_shared>>
      tpu.enqueue_dma source(%dma_start3A_197 : memref<640xf32, #tpu.memory_space<vmem_shared>>) target(%arg8 : memref<640xf32, #tpu.memory_space<vmem>>) target_semaphore(%run_scoped3A_194 : memref<!tpu.dma_semaphore, #tpu.memory_space<semaphore_mem>>)
      %dma_wait3A = tpu.memref_slice %arg7[%run_scoped3A_129, %mul3A_128] : memref<16x10240xf32, #tpu.memory_space<vmem_shared>> -> memref<1x640xf32, #tpu.memory_space<vmem_shared>>
      %dma_wait3A_198 = tpu.memref_squeeze %dma_wait3A : memref<1x640xf32, #tpu.memory_space<vmem_shared>> -> memref<640xf32, #tpu.memory_space<vmem_shared>>
      %dma_wait3A_199 = tpu.memref_slice %arg7[%run_scoped3A_129, %mul3A_128] : memref<16x10240xf32, #tpu.memory_space<vmem_shared>> -> memref<1x640xf32, #tpu.memory_space<vmem_shared>>
      %dma_wait3A_200 = tpu.memref_squeeze %dma_wait3A_199 : memref<1x640xf32, #tpu.memory_space<vmem_shared>> -> memref<640xf32, #tpu.memory_space<vmem_shared>>
      tpu.wait_dma2 semaphore(%run_scoped3A_194 : memref<!tpu.dma_semaphore, #tpu.memory_space<semaphore_mem>>) src(%dma_wait3A_200 : memref<640xf32, #tpu.memory_space<vmem_shared>>) dst(%arg8 : memref<640xf32, #tpu.memory_space<vmem>>)
      tpu.yield
    }) : () -> ()
    %scan3A_130 = arith.constant 0 : i32
    %scan3A_131 = arith.constant 0 : i32
    %scan3A_132 = arith.constant 40 : i32
    %scan3A_133 = arith.addi %scan3A_131, %scan3A_132 : i32
    %scan3A_134 = arith.constant 1 : i32
    %scan3A_135 = scf.for %scan3A_194 = %scan3A_131 to %scan3A_133 step %scan3A_134 iter_args(%scan3A_195 = %scan3A_130) -> (i32)  : i32 {
      %mul3A_196 = arith.constant 16 : i32
      %mul3A_197 = arith.muli %scan3A_194, %mul3A_196 : i32
      %get3A = arith.index_cast %mul3A_197 : i32 to index
      %get3A_198 = tpu.vector_load %arg9[%get3A] {strides = array<i32>} : memref<640xf32, #tpu.memory_space<vmem>>, vector<16xf32>,
      %mul3A_199 = arith.constant 16 : i32
      %mul3A_200 = arith.muli %scan3A_194, %mul3A_199 : i32
      %get3A_201 = arith.index_cast %mul3A_200 : i32 to index
      %get3A_202 = tpu.vector_load %arg8[%get3A_201] {strides = array<i32>} : memref<640xf32, #tpu.memory_space<vmem>>, vector<16xf32>,
      %add3A_203 = arith.addf %get3A_198, %get3A_202 : vector<16xf32>
      %mul3A_204 = arith.constant 16 : i32
      %mul3A_205 = arith.muli %scan3A_194, %mul3A_204 : i32
      %swap3A = arith.index_cast %mul3A_205 : i32 to index
      %swap3A_206 = tpu.vector_load %arg9[%swap3A] {strides = array<i32>} : memref<640xf32, #tpu.memory_space<vmem>>, vector<16xf32>,
      tpu.vector_store %arg9[%swap3A], %add3A_203 {strides = array<i32>} : memref<640xf32, #tpu.memory_space<vmem>>, vector<16xf32>,
      %scan3A_207 = arith.constant 0 : i32
      scf.yield %scan3A_207 : i32
    }
    %scan3A_136 = arith.constant 40 : i32
    %mul3A_137 = arith.constant 640 : i32
    %mul3A_138 = arith.muli %arg1, %mul3A_137 : i32
    %run_scoped3A_139 = arith.constant 11 : i32
    "tpu.region"() ({
      %run_scoped3A_194 = tpu.sem_alloc : memref<!tpu.dma_semaphore, #tpu.memory_space<semaphore_mem>>
      %dma_start3A = tpu.memref_slice %arg7[%run_scoped3A_139, %mul3A_138] : memref<16x10240xf32, #tpu.memory_space<vmem_shared>> -> memref<1x640xf32, #tpu.memory_space<vmem_shared>>
      %dma_start3A_195 = tpu.memref_squeeze %dma_start3A : memref<1x640xf32, #tpu.memory_space<vmem_shared>> -> memref<640xf32, #tpu.memory_space<vmem_shared>>
      %dma_start3A_196 = tpu.memref_slice %arg7[%run_scoped3A_139, %mul3A_138] : memref<16x10240xf32, #tpu.memory_space<vmem_shared>> -> memref<1x640xf32, #tpu.memory_space<vmem_shared>>
      %dma_start3A_197 = tpu.memref_squeeze %dma_start3A_196 : memref<1x640xf32, #tpu.memory_space<vmem_shared>> -> memref<640xf32, #tpu.memory_space<vmem_shared>>
      tpu.enqueue_dma source(%dma_start3A_197 : memref<640xf32, #tpu.memory_space<vmem_shared>>) target(%arg8 : memref<640xf32, #tpu.memory_space<vmem>>) target_semaphore(%run_scoped3A_194 : memref<!tpu.dma_semaphore, #tpu.memory_space<semaphore_mem>>)
      %dma_wait3A = tpu.memref_slice %arg7[%run_scoped3A_139, %mul3A_138] : memref<16x10240xf32, #tpu.memory_space<vmem_shared>> -> memref<1x640xf32, #tpu.memory_space<vmem_shared>>
      %dma_wait3A_198 = tpu.memref_squeeze %dma_wait3A : memref<1x640xf32, #tpu.memory_space<vmem_shared>> -> memref<640xf32, #tpu.memory_space<vmem_shared>>
      %dma_wait3A_199 = tpu.memref_slice %arg7[%run_scoped3A_139, %mul3A_138] : memref<16x10240xf32, #tpu.memory_space<vmem_shared>> -> memref<1x640xf32, #tpu.memory_space<vmem_shared>>
      %dma_wait3A_200 = tpu.memref_squeeze %dma_wait3A_199 : memref<1x640xf32, #tpu.memory_space<vmem_shared>> -> memref<640xf32, #tpu.memory_space<vmem_shared>>
      tpu.wait_dma2 semaphore(%run_scoped3A_194 : memref<!tpu.dma_semaphore, #tpu.memory_space<semaphore_mem>>) src(%dma_wait3A_200 : memref<640xf32, #tpu.memory_space<vmem_shared>>) dst(%arg8 : memref<640xf32, #tpu.memory_space<vmem>>)
      tpu.yield
    }) : () -> ()
    %scan3A_140 = arith.constant 0 : i32
    %scan3A_141 = arith.constant 0 : i32
    %scan3A_142 = arith.constant 40 : i32
    %scan3A_143 = arith.addi %scan3A_141, %scan3A_142 : i32
    %scan3A_144 = arith.constant 1 : i32
    %scan3A_145 = scf.for %scan3A_194 = %scan3A_141 to %scan3A_143 step %scan3A_144 iter_args(%scan3A_195 = %scan3A_140) -> (i32)  : i32 {
      %mul3A_196 = arith.constant 16 : i32
      %mul3A_197 = arith.muli %scan3A_194, %mul3A_196 : i32
      %get3A = arith.index_cast %mul3A_197 : i32 to index
      %get3A_198 = tpu.vector_load %arg9[%get3A] {strides = array<i32>} : memref<640xf32, #tpu.memory_space<vmem>>, vector<16xf32>,
      %mul3A_199 = arith.constant 16 : i32
      %mul3A_200 = arith.muli %scan3A_194, %mul3A_199 : i32
      %get3A_201 = arith.index_cast %mul3A_200 : i32 to index
      %get3A_202 = tpu.vector_load %arg8[%get3A_201] {strides = array<i32>} : memref<640xf32, #tpu.memory_space<vmem>>, vector<16xf32>,
      %add3A_203 = arith.addf %get3A_198, %get3A_202 : vector<16xf32>
      %mul3A_204 = arith.constant 16 : i32
      %mul3A_205 = arith.muli %scan3A_194, %mul3A_204 : i32
      %swap3A = arith.index_cast %mul3A_205 : i32 to index
      %swap3A_206 = tpu.vector_load %arg9[%swap3A] {strides = array<i32>} : memref<640xf32, #tpu.memory_space<vmem>>, vector<16xf32>,
      tpu.vector_store %arg9[%swap3A], %add3A_203 {strides = array<i32>} : memref<640xf32, #tpu.memory_space<vmem>>, vector<16xf32>,
      %scan3A_207 = arith.constant 0 : i32
      scf.yield %scan3A_207 : i32
    }
    %scan3A_146 = arith.constant 40 : i32
    %mul3A_147 = arith.constant 640 : i32
    %mul3A_148 = arith.muli %arg1, %mul3A_147 : i32
    %run_scoped3A_149 = arith.constant 12 : i32
    "tpu.region"() ({
      %run_scoped3A_194 = tpu.sem_alloc : memref<!tpu.dma_semaphore, #tpu.memory_space<semaphore_mem>>
      %dma_start3A = tpu.memref_slice %arg7[%run_scoped3A_149, %mul3A_148] : memref<16x10240xf32, #tpu.memory_space<vmem_shared>> -> memref<1x640xf32, #tpu.memory_space<vmem_shared>>
      %dma_start3A_195 = tpu.memref_squeeze %dma_start3A : memref<1x640xf32, #tpu.memory_space<vmem_shared>> -> memref<640xf32, #tpu.memory_space<vmem_shared>>
      %dma_start3A_196 = tpu.memref_slice %arg7[%run_scoped3A_149, %mul3A_148] : memref<16x10240xf32, #tpu.memory_space<vmem_shared>> -> memref<1x640xf32, #tpu.memory_space<vmem_shared>>
      %dma_start3A_197 = tpu.memref_squeeze %dma_start3A_196 : memref<1x640xf32, #tpu.memory_space<vmem_shared>> -> memref<640xf32, #tpu.memory_space<vmem_shared>>
      tpu.enqueue_dma source(%dma_start3A_197 : memref<640xf32, #tpu.memory_space<vmem_shared>>) target(%arg8 : memref<640xf32, #tpu.memory_space<vmem>>) target_semaphore(%run_scoped3A_194 : memref<!tpu.dma_semaphore, #tpu.memory_space<semaphore_mem>>)
      %dma_wait3A = tpu.memref_slice %arg7[%run_scoped3A_149, %mul3A_148] : memref<16x10240xf32, #tpu.memory_space<vmem_shared>> -> memref<1x640xf32, #tpu.memory_space<vmem_shared>>
      %dma_wait3A_198 = tpu.memref_squeeze %dma_wait3A : memref<1x640xf32, #tpu.memory_space<vmem_shared>> -> memref<640xf32, #tpu.memory_space<vmem_shared>>
      %dma_wait3A_199 = tpu.memref_slice %arg7[%run_scoped3A_149, %mul3A_148] : memref<16x10240xf32, #tpu.memory_space<vmem_shared>> -> memref<1x640xf32, #tpu.memory_space<vmem_shared>>
      %dma_wait3A_200 = tpu.memref_squeeze %dma_wait3A_199 : memref<1x640xf32, #tpu.memory_space<vmem_shared>> -> memref<640xf32, #tpu.memory_space<vmem_shared>>
      tpu.wait_dma2 semaphore(%run_scoped3A_194 : memref<!tpu.dma_semaphore, #tpu.memory_space<semaphore_mem>>) src(%dma_wait3A_200 : memref<640xf32, #tpu.memory_space<vmem_shared>>) dst(%arg8 : memref<640xf32, #tpu.memory_space<vmem>>)
      tpu.yield
    }) : () -> ()
    %scan3A_150 = arith.constant 0 : i32
    %scan3A_151 = arith.constant 0 : i32
    %scan3A_152 = arith.constant 40 : i32
    %scan3A_153 = arith.addi %scan3A_151, %scan3A_152 : i32
    %scan3A_154 = arith.constant 1 : i32
    %scan3A_155 = scf.for %scan3A_194 = %scan3A_151 to %scan3A_153 step %scan3A_154 iter_args(%scan3A_195 = %scan3A_150) -> (i32)  : i32 {
      %mul3A_196 = arith.constant 16 : i32
      %mul3A_197 = arith.muli %scan3A_194, %mul3A_196 : i32
      %get3A = arith.index_cast %mul3A_197 : i32 to index
      %get3A_198 = tpu.vector_load %arg9[%get3A] {strides = array<i32>} : memref<640xf32, #tpu.memory_space<vmem>>, vector<16xf32>,
      %mul3A_199 = arith.constant 16 : i32
      %mul3A_200 = arith.muli %scan3A_194, %mul3A_199 : i32
      %get3A_201 = arith.index_cast %mul3A_200 : i32 to index
      %get3A_202 = tpu.vector_load %arg8[%get3A_201] {strides = array<i32>} : memref<640xf32, #tpu.memory_space<vmem>>, vector<16xf32>,
      %add3A_203 = arith.addf %get3A_198, %get3A_202 : vector<16xf32>
      %mul3A_204 = arith.constant 16 : i32
      %mul3A_205 = arith.muli %scan3A_194, %mul3A_204 : i32
      %swap3A = arith.index_cast %mul3A_205 : i32 to index
      %swap3A_206 = tpu.vector_load %arg9[%swap3A] {strides = array<i32>} : memref<640xf32, #tpu.memory_space<vmem>>, vector<16xf32>,
      tpu.vector_store %arg9[%swap3A], %add3A_203 {strides = array<i32>} : memref<640xf32, #tpu.memory_space<vmem>>, vector<16xf32>,
      %scan3A_207 = arith.constant 0 : i32
      scf.yield %scan3A_207 : i32
    }
    %scan3A_156 = arith.constant 40 : i32
    %mul3A_157 = arith.constant 640 : i32
    %mul3A_158 = arith.muli %arg1, %mul3A_157 : i32
    %run_scoped3A_159 = arith.constant 13 : i32
    "tpu.region"() ({
      %run_scoped3A_194 = tpu.sem_alloc : memref<!tpu.dma_semaphore, #tpu.memory_space<semaphore_mem>>
      %dma_start3A = tpu.memref_slice %arg7[%run_scoped3A_159, %mul3A_158] : memref<16x10240xf32, #tpu.memory_space<vmem_shared>> -> memref<1x640xf32, #tpu.memory_space<vmem_shared>>
      %dma_start3A_195 = tpu.memref_squeeze %dma_start3A : memref<1x640xf32, #tpu.memory_space<vmem_shared>> -> memref<640xf32, #tpu.memory_space<vmem_shared>>
      %dma_start3A_196 = tpu.memref_slice %arg7[%run_scoped3A_159, %mul3A_158] : memref<16x10240xf32, #tpu.memory_space<vmem_shared>> -> memref<1x640xf32, #tpu.memory_space<vmem_shared>>
      %dma_start3A_197 = tpu.memref_squeeze %dma_start3A_196 : memref<1x640xf32, #tpu.memory_space<vmem_shared>> -> memref<640xf32, #tpu.memory_space<vmem_shared>>
      tpu.enqueue_dma source(%dma_start3A_197 : memref<640xf32, #tpu.memory_space<vmem_shared>>) target(%arg8 : memref<640xf32, #tpu.memory_space<vmem>>) target_semaphore(%run_scoped3A_194 : memref<!tpu.dma_semaphore, #tpu.memory_space<semaphore_mem>>)
      %dma_wait3A = tpu.memref_slice %arg7[%run_scoped3A_159, %mul3A_158] : memref<16x10240xf32, #tpu.memory_space<vmem_shared>> -> memref<1x640xf32, #tpu.memory_space<vmem_shared>>
      %dma_wait3A_198 = tpu.memref_squeeze %dma_wait3A : memref<1x640xf32, #tpu.memory_space<vmem_shared>> -> memref<640xf32, #tpu.memory_space<vmem_shared>>
      %dma_wait3A_199 = tpu.memref_slice %arg7[%run_scoped3A_159, %mul3A_158] : memref<16x10240xf32, #tpu.memory_space<vmem_shared>> -> memref<1x640xf32, #tpu.memory_space<vmem_shared>>
      %dma_wait3A_200 = tpu.memref_squeeze %dma_wait3A_199 : memref<1x640xf32, #tpu.memory_space<vmem_shared>> -> memref<640xf32, #tpu.memory_space<vmem_shared>>
      tpu.wait_dma2 semaphore(%run_scoped3A_194 : memref<!tpu.dma_semaphore, #tpu.memory_space<semaphore_mem>>) src(%dma_wait3A_200 : memref<640xf32, #tpu.memory_space<vmem_shared>>) dst(%arg8 : memref<640xf32, #tpu.memory_space<vmem>>)
      tpu.yield
    }) : () -> ()
    %scan3A_160 = arith.constant 0 : i32
    %scan3A_161 = arith.constant 0 : i32
    %scan3A_162 = arith.constant 40 : i32
    %scan3A_163 = arith.addi %scan3A_161, %scan3A_162 : i32
    %scan3A_164 = arith.constant 1 : i32
    %scan3A_165 = scf.for %scan3A_194 = %scan3A_161 to %scan3A_163 step %scan3A_164 iter_args(%scan3A_195 = %scan3A_160) -> (i32)  : i32 {
      %mul3A_196 = arith.constant 16 : i32
      %mul3A_197 = arith.muli %scan3A_194, %mul3A_196 : i32
      %get3A = arith.index_cast %mul3A_197 : i32 to index
      %get3A_198 = tpu.vector_load %arg9[%get3A] {strides = array<i32>} : memref<640xf32, #tpu.memory_space<vmem>>, vector<16xf32>,
      %mul3A_199 = arith.constant 16 : i32
      %mul3A_200 = arith.muli %scan3A_194, %mul3A_199 : i32
      %get3A_201 = arith.index_cast %mul3A_200 : i32 to index
      %get3A_202 = tpu.vector_load %arg8[%get3A_201] {strides = array<i32>} : memref<640xf32, #tpu.memory_space<vmem>>, vector<16xf32>,
      %add3A_203 = arith.addf %get3A_198, %get3A_202 : vector<16xf32>
      %mul3A_204 = arith.constant 16 : i32
      %mul3A_205 = arith.muli %scan3A_194, %mul3A_204 : i32
      %swap3A = arith.index_cast %mul3A_205 : i32 to index
      %swap3A_206 = tpu.vector_load %arg9[%swap3A] {strides = array<i32>} : memref<640xf32, #tpu.memory_space<vmem>>, vector<16xf32>,
      tpu.vector_store %arg9[%swap3A], %add3A_203 {strides = array<i32>} : memref<640xf32, #tpu.memory_space<vmem>>, vector<16xf32>,
      %scan3A_207 = arith.constant 0 : i32
      scf.yield %scan3A_207 : i32
    }
    %scan3A_166 = arith.constant 40 : i32
    %mul3A_167 = arith.constant 640 : i32
    %mul3A_168 = arith.muli %arg1, %mul3A_167 : i32
    %run_scoped3A_169 = arith.constant 14 : i32
    "tpu.region"() ({
      %run_scoped3A_194 = tpu.sem_alloc : memref<!tpu.dma_semaphore, #tpu.memory_space<semaphore_mem>>
      %dma_start3A = tpu.memref_slice %arg7[%run_scoped3A_169, %mul3A_168] : memref<16x10240xf32, #tpu.memory_space<vmem_shared>> -> memref<1x640xf32, #tpu.memory_space<vmem_shared>>
      %dma_start3A_195 = tpu.memref_squeeze %dma_start3A : memref<1x640xf32, #tpu.memory_space<vmem_shared>> -> memref<640xf32, #tpu.memory_space<vmem_shared>>
      %dma_start3A_196 = tpu.memref_slice %arg7[%run_scoped3A_169, %mul3A_168] : memref<16x10240xf32, #tpu.memory_space<vmem_shared>> -> memref<1x640xf32, #tpu.memory_space<vmem_shared>>
      %dma_start3A_197 = tpu.memref_squeeze %dma_start3A_196 : memref<1x640xf32, #tpu.memory_space<vmem_shared>> -> memref<640xf32, #tpu.memory_space<vmem_shared>>
      tpu.enqueue_dma source(%dma_start3A_197 : memref<640xf32, #tpu.memory_space<vmem_shared>>) target(%arg8 : memref<640xf32, #tpu.memory_space<vmem>>) target_semaphore(%run_scoped3A_194 : memref<!tpu.dma_semaphore, #tpu.memory_space<semaphore_mem>>)
      %dma_wait3A = tpu.memref_slice %arg7[%run_scoped3A_169, %mul3A_168] : memref<16x10240xf32, #tpu.memory_space<vmem_shared>> -> memref<1x640xf32, #tpu.memory_space<vmem_shared>>
      %dma_wait3A_198 = tpu.memref_squeeze %dma_wait3A : memref<1x640xf32, #tpu.memory_space<vmem_shared>> -> memref<640xf32, #tpu.memory_space<vmem_shared>>
      %dma_wait3A_199 = tpu.memref_slice %arg7[%run_scoped3A_169, %mul3A_168] : memref<16x10240xf32, #tpu.memory_space<vmem_shared>> -> memref<1x640xf32, #tpu.memory_space<vmem_shared>>
      %dma_wait3A_200 = tpu.memref_squeeze %dma_wait3A_199 : memref<1x640xf32, #tpu.memory_space<vmem_shared>> -> memref<640xf32, #tpu.memory_space<vmem_shared>>
      tpu.wait_dma2 semaphore(%run_scoped3A_194 : memref<!tpu.dma_semaphore, #tpu.memory_space<semaphore_mem>>) src(%dma_wait3A_200 : memref<640xf32, #tpu.memory_space<vmem_shared>>) dst(%arg8 : memref<640xf32, #tpu.memory_space<vmem>>)
      tpu.yield
    }) : () -> ()
    %scan3A_170 = arith.constant 0 : i32
    %scan3A_171 = arith.constant 0 : i32
    %scan3A_172 = arith.constant 40 : i32
    %scan3A_173 = arith.addi %scan3A_171, %scan3A_172 : i32
    %scan3A_174 = arith.constant 1 : i32
    %scan3A_175 = scf.for %scan3A_194 = %scan3A_171 to %scan3A_173 step %scan3A_174 iter_args(%scan3A_195 = %scan3A_170) -> (i32)  : i32 {
      %mul3A_196 = arith.constant 16 : i32
      %mul3A_197 = arith.muli %scan3A_194, %mul3A_196 : i32
      %get3A = arith.index_cast %mul3A_197 : i32 to index
      %get3A_198 = tpu.vector_load %arg9[%get3A] {strides = array<i32>} : memref<640xf32, #tpu.memory_space<vmem>>, vector<16xf32>,
      %mul3A_199 = arith.constant 16 : i32
      %mul3A_200 = arith.muli %scan3A_194, %mul3A_199 : i32
      %get3A_201 = arith.index_cast %mul3A_200 : i32 to index
      %get3A_202 = tpu.vector_load %arg8[%get3A_201] {strides = array<i32>} : memref<640xf32, #tpu.memory_space<vmem>>, vector<16xf32>,
      %add3A_203 = arith.addf %get3A_198, %get3A_202 : vector<16xf32>
      %mul3A_204 = arith.constant 16 : i32
      %mul3A_205 = arith.muli %scan3A_194, %mul3A_204 : i32
      %swap3A = arith.index_cast %mul3A_205 : i32 to index
      %swap3A_206 = tpu.vector_load %arg9[%swap3A] {strides = array<i32>} : memref<640xf32, #tpu.memory_space<vmem>>, vector<16xf32>,
      tpu.vector_store %arg9[%swap3A], %add3A_203 {strides = array<i32>} : memref<640xf32, #tpu.memory_space<vmem>>, vector<16xf32>,
      %scan3A_207 = arith.constant 0 : i32
      scf.yield %scan3A_207 : i32
    }
    %scan3A_176 = arith.constant 40 : i32
    %mul3A_177 = arith.constant 640 : i32
    %mul3A_178 = arith.muli %arg1, %mul3A_177 : i32
    %run_scoped3A_179 = arith.constant 15 : i32
    "tpu.region"() ({
      %run_scoped3A_194 = tpu.sem_alloc : memref<!tpu.dma_semaphore, #tpu.memory_space<semaphore_mem>>
      %dma_start3A = tpu.memref_slice %arg7[%run_scoped3A_179, %mul3A_178] : memref<16x10240xf32, #tpu.memory_space<vmem_shared>> -> memref<1x640xf32, #tpu.memory_space<vmem_shared>>
      %dma_start3A_195 = tpu.memref_squeeze %dma_start3A : memref<1x640xf32, #tpu.memory_space<vmem_shared>> -> memref<640xf32, #tpu.memory_space<vmem_shared>>
      %dma_start3A_196 = tpu.memref_slice %arg7[%run_scoped3A_179, %mul3A_178] : memref<16x10240xf32, #tpu.memory_space<vmem_shared>> -> memref<1x640xf32, #tpu.memory_space<vmem_shared>>
      %dma_start3A_197 = tpu.memref_squeeze %dma_start3A_196 : memref<1x640xf32, #tpu.memory_space<vmem_shared>> -> memref<640xf32, #tpu.memory_space<vmem_shared>>
      tpu.enqueue_dma source(%dma_start3A_197 : memref<640xf32, #tpu.memory_space<vmem_shared>>) target(%arg8 : memref<640xf32, #tpu.memory_space<vmem>>) target_semaphore(%run_scoped3A_194 : memref<!tpu.dma_semaphore, #tpu.memory_space<semaphore_mem>>)
      %dma_wait3A = tpu.memref_slice %arg7[%run_scoped3A_179, %mul3A_178] : memref<16x10240xf32, #tpu.memory_space<vmem_shared>> -> memref<1x640xf32, #tpu.memory_space<vmem_shared>>
      %dma_wait3A_198 = tpu.memref_squeeze %dma_wait3A : memref<1x640xf32, #tpu.memory_space<vmem_shared>> -> memref<640xf32, #tpu.memory_space<vmem_shared>>
      %dma_wait3A_199 = tpu.memref_slice %arg7[%run_scoped3A_179, %mul3A_178] : memref<16x10240xf32, #tpu.memory_space<vmem_shared>> -> memref<1x640xf32, #tpu.memory_space<vmem_shared>>
      %dma_wait3A_200 = tpu.memref_squeeze %dma_wait3A_199 : memref<1x640xf32, #tpu.memory_space<vmem_shared>> -> memref<640xf32, #tpu.memory_space<vmem_shared>>
      tpu.wait_dma2 semaphore(%run_scoped3A_194 : memref<!tpu.dma_semaphore, #tpu.memory_space<semaphore_mem>>) src(%dma_wait3A_200 : memref<640xf32, #tpu.memory_space<vmem_shared>>) dst(%arg8 : memref<640xf32, #tpu.memory_space<vmem>>)
      tpu.yield
    }) : () -> ()
    %scan3A_180 = arith.constant 0 : i32
    %scan3A_181 = arith.constant 0 : i32
    %scan3A_182 = arith.constant 40 : i32
    %scan3A_183 = arith.addi %scan3A_181, %scan3A_182 : i32
    %scan3A_184 = arith.constant 1 : i32
    %scan3A_185 = scf.for %scan3A_194 = %scan3A_181 to %scan3A_183 step %scan3A_184 iter_args(%scan3A_195 = %scan3A_180) -> (i32)  : i32 {
      %mul3A_196 = arith.constant 16 : i32
      %mul3A_197 = arith.muli %scan3A_194, %mul3A_196 : i32
      %get3A = arith.index_cast %mul3A_197 : i32 to index
      %get3A_198 = tpu.vector_load %arg9[%get3A] {strides = array<i32>} : memref<640xf32, #tpu.memory_space<vmem>>, vector<16xf32>,
      %mul3A_199 = arith.constant 16 : i32
      %mul3A_200 = arith.muli %scan3A_194, %mul3A_199 : i32
      %get3A_201 = arith.index_cast %mul3A_200 : i32 to index
      %get3A_202 = tpu.vector_load %arg8[%get3A_201] {strides = array<i32>} : memref<640xf32, #tpu.memory_space<vmem>>, vector<16xf32>,
      %add3A_203 = arith.addf %get3A_198, %get3A_202 : vector<16xf32>
      %mul3A_204 = arith.constant 16 : i32
      %mul3A_205 = arith.muli %scan3A_194, %mul3A_204 : i32
      %swap3A = arith.index_cast %mul3A_205 : i32 to index
      %swap3A_206 = tpu.vector_load %arg9[%swap3A] {strides = array<i32>} : memref<640xf32, #tpu.memory_space<vmem>>, vector<16xf32>,
      tpu.vector_store %arg9[%swap3A], %add3A_203 {strides = array<i32>} : memref<640xf32, #tpu.memory_space<vmem>>, vector<16xf32>,
      %scan3A_207 = arith.constant 0 : i32
      scf.yield %scan3A_207 : i32
    }
    %scan3A_186 = arith.constant 40 : i32
    %eq3A = arith.constant 0 : i32
    %eq3A_187 = arith.cmpi eq, %arg0, %eq3A : i32
    %convert_element_type3A = arith.extui %eq3A_187 : i1 to i32
    %cond3A = arith.constant 0 : i32
    %cond3A_188 = arith.cmpi ne, %convert_element_type3A, %cond3A : i32
    scf.if %cond3A_188 {
      %mul3A_194 = arith.constant 640 : i32
      %mul3A_195 = arith.muli %arg1, %mul3A_194 : i32
      "tpu.region"() ({
        %run_scoped3A_196 = tpu.sem_alloc : memref<!tpu.dma_semaphore, #tpu.memory_space<semaphore_mem>>
        %dma_start3A = tpu.memref_slice %arg3[%mul3A_195] : memref<10240xf32, #tpu.memory_space<hbm>> -> memref<640xf32, #tpu.memory_space<hbm>>
        %dma_start3A_197 = tpu.memref_slice %arg3[%mul3A_195] : memref<10240xf32, #tpu.memory_space<hbm>> -> memref<640xf32, #tpu.memory_space<hbm>>
        tpu.enqueue_dma source(%arg9 : memref<640xf32, #tpu.memory_space<vmem>>) target(%dma_start3A_197 : memref<640xf32, #tpu.memory_space<hbm>>) target_semaphore(%run_scoped3A_196 : memref<!tpu.dma_semaphore, #tpu.memory_space<semaphore_mem>>)
        %dma_wait3A = tpu.memref_slice %arg3[%mul3A_195] : memref<10240xf32, #tpu.memory_space<hbm>> -> memref<640xf32, #tpu.memory_space<hbm>>
        %dma_wait3A_198 = tpu.memref_slice %arg3[%mul3A_195] : memref<10240xf32, #tpu.memory_space<hbm>> -> memref<640xf32, #tpu.memory_space<hbm>>
        tpu.wait_dma2 semaphore(%run_scoped3A_196 : memref<!tpu.dma_semaphore, #tpu.memory_space<semaphore_mem>>) src(%arg9 : memref<640xf32, #tpu.memory_space<vmem>>) dst(%dma_wait3A_198 : memref<640xf32, #tpu.memory_space<hbm>>)
        tpu.yield
      }) : () -> ()
    } else {
    }
    %eq3A_189 = arith.constant 1 : i32
    %eq3A_190 = arith.cmpi eq, %arg0, %eq3A_189 : i32
    %convert_element_type3A_191 = arith.extui %eq3A_190 : i1 to i32
    %cond3A_192 = arith.constant 0 : i32
    %cond3A_193 = arith.cmpi ne, %convert_element_type3A_191, %cond3A_192 : i32
    scf.if %cond3A_193 {
      %mul3A_194 = arith.constant 640 : i32
      %mul3A_195 = arith.muli %arg1, %mul3A_194 : i32
      "tpu.region"() ({
        %run_scoped3A_196 = tpu.sem_alloc : memref<!tpu.dma_semaphore, #tpu.memory_space<semaphore_mem>>
        %dma_start3A = tpu.memref_slice %arg4[%mul3A_195] : memref<10240xf32, #tpu.memory_space<hbm>> -> memref<640xf32, #tpu.memory_space<hbm>>
        %dma_start3A_197 = tpu.memref_slice %arg4[%mul3A_195] : memref<10240xf32, #tpu.memory_space<hbm>> -> memref<640xf32, #tpu.memory_space<hbm>>
        tpu.enqueue_dma source(%arg9 : memref<640xf32, #tpu.memory_space<vmem>>) target(%dma_start3A_197 : memref<640xf32, #tpu.memory_space<hbm>>) target_semaphore(%run_scoped3A_196 : memref<!tpu.dma_semaphore, #tpu.memory_space<semaphore_mem>>)
        %dma_wait3A = tpu.memref_slice %arg4[%mul3A_195] : memref<10240xf32, #tpu.memory_space<hbm>> -> memref<640xf32, #tpu.memory_space<hbm>>
        %dma_wait3A_198 = tpu.memref_slice %arg4[%mul3A_195] : memref<10240xf32, #tpu.memory_space<hbm>> -> memref<640xf32, #tpu.memory_space<hbm>>
        tpu.wait_dma2 semaphore(%run_scoped3A_196 : memref<!tpu.dma_semaphore, #tpu.memory_space<semaphore_mem>>) src(%arg9 : memref<640xf32, #tpu.memory_space<vmem>>) dst(%dma_wait3A_198 : memref<640xf32, #tpu.memory_space<hbm>>)
        tpu.yield
      }) : () -> ()
    } else {
    }
    return
  }
}

#map = affine_map<(d0, d1) -> (0, 0)>
module attributes {stable_mosaic.version = 14 : i64} {
  func.func @k(%arg0: i32, %arg1: i32, %arg2: memref<10240x128xf32, #tpu.memory_space<hbm>>, %arg3: memref<2560x125xi32, #tpu.memory_space<hbm>>, %arg4: memref<2560x125xi32, #tpu.memory_space<hbm>>, %arg5: memref<10240x128xf32, #tpu.memory_space<hbm>>, %arg6: memref<10240x128xf32, #tpu.memory_space<hbm>>, %arg7: memref<40x125xi32, #tpu.memory_space<vmem>>, %arg8: memref<40x125xi32, #tpu.memory_space<vmem>>, %arg9: memref<125x128xf32, #tpu.memory_space<vmem>>, %arg10: memref<125x128xf32, #tpu.memory_space<vmem>>, %arg11: memref<32x128xf32, #tpu.memory_space<vmem>>, %arg12: memref<10240x128xf32, #tpu.memory_space<vmem_shared>>, %arg13: memref<!tpu.dma_semaphore, #tpu.memory_space<semaphore_mem>>, %arg14: memref<!tpu.dma_semaphore, #tpu.memory_space<semaphore_mem>>, %arg15: memref<!tpu.dma_semaphore, #tpu.memory_space<semaphore_mem>>, %arg16: memref<!tpu.dma_semaphore, #tpu.memory_space<semaphore_mem>>) attributes {dimension_semantics = [#tpu.dimension_semantics<core_parallel>, #tpu.dimension_semantics<subcore_parallel>], iteration_bounds = array<i64: 2, 16>, scalar_prefetch = 0 : i64, scratch_operands = 10 : i64, tpu.core_type = #tpu.core_type<sc_vector_subcore>, window_params = [{transform_indices = #map}, {transform_indices = #map}, {transform_indices = #map}, {transform_indices = #map}, {transform_indices = #map}]} {
    %mul3A = arith.constant 16 : i32
    %mul3A_0 = arith.muli %arg0, %mul3A : i32
    %add3A = arith.addi %mul3A_0, %arg1 : i32
    %scan3A = arith.constant 0 : i32
    %scan3A_1 = arith.constant 0 : i32
    %scan3A_2 = arith.constant 256 : i32
    %scan3A_3 = arith.addi %scan3A_1, %scan3A_2 : i32
    %scan3A_4 = arith.constant 1 : i32
    %scan3A_5 = scf.for %scan3A_102 = %scan3A_1 to %scan3A_3 step %scan3A_4 iter_args(%scan3A_103 = %scan3A) -> (i32)  : i32 {
      %broadcast_in_dim3A = arith.constant 0.000000e+00 : f32
      %broadcast_in_dim3A_104 = vector.broadcast %broadcast_in_dim3A : f32 to vector<16xf32>
      %jit3A = arith.constant 8 : i32
      %div3A = arith.divsi %scan3A_102, %jit3A : i32
      %sign3A = arith.constant 0 : i32
      %sign3A_105 = arith.cmpi sgt, %scan3A_102, %sign3A : i32
      %sign3A_106 = arith.extui %sign3A_105 : i1 to i32
      %sign3A_107 = arith.constant 0 : i32
      %sign3A_108 = arith.cmpi slt, %scan3A_102, %sign3A_107 : i32
      %sign3A_109 = arith.extui %sign3A_108 : i1 to i32
      %sign3A_110 = arith.subi %sign3A_106, %sign3A_109 : i32
      %sign3A_111 = arith.constant 0 : i32
      %sign3A_112 = arith.cmpi sgt, %jit3A, %sign3A_111 : i32
      %sign3A_113 = arith.extui %sign3A_112 : i1 to i32
      %sign3A_114 = arith.constant 0 : i32
      %sign3A_115 = arith.cmpi slt, %jit3A, %sign3A_114 : i32
      %sign3A_116 = arith.extui %sign3A_115 : i1 to i32
      %sign3A_117 = arith.subi %sign3A_113, %sign3A_116 : i32
      %ne3A = arith.cmpi ne, %sign3A_110, %sign3A_117 : i32
      %rem3A = arith.remsi %scan3A_102, %jit3A : i32
      %ne3A_118 = arith.constant 0 : i32
      %ne3A_119 = arith.cmpi ne, %rem3A, %ne3A_118 : i32
      %and3A = arith.andi %ne3A, %ne3A_119 : i1
      %sub3A = arith.constant 1 : i32
      %sub3A_120 = arith.subi %div3A, %sub3A : i32
      %select_n3A = arith.select %and3A, %sub3A_120, %div3A : i32
      %jit3A_121 = arith.constant 8 : i32
      %eq3A_122 = arith.constant 0 : i32
      %eq3A_123 = arith.cmpi eq, %jit3A_121, %eq3A_122 : i32
      %jit3A_124 = arith.constant 1 : i32
      %select_n3A_125 = arith.select %eq3A_123, %jit3A_124, %jit3A_121 : i32
      %rem3A_126 = arith.remsi %scan3A_102, %select_n3A_125 : i32
      %ne3A_127 = arith.constant 0 : i32
      %ne3A_128 = arith.cmpi ne, %rem3A_126, %ne3A_127 : i32
      %lt3A = arith.constant 0 : i32
      %lt3A_129 = arith.cmpi slt, %rem3A_126, %lt3A : i32
      %lt3A_130 = arith.constant 0 : i32
      %lt3A_131 = arith.cmpi slt, %select_n3A_125, %lt3A_130 : i32
      %ne3A_132 = arith.xori %lt3A_129, %lt3A_131 : i1
      %and3A_133 = arith.andi %ne3A_132, %ne3A_128 : i1
      %add3A_134 = arith.addi %rem3A_126, %select_n3A_125 : i32
      %select_n3A_135 = arith.select %and3A_133, %add3A_134, %rem3A_126 : i32
      %mul3A_136 = arith.constant 16 : i32
      %mul3A_137 = arith.muli %select_n3A_135, %mul3A_136 : i32
      %swap3A = arith.index_cast %select_n3A : i32 to index
      %swap3A_138 = arith.index_cast %mul3A_137 : i32 to index
      %swap3A_139 = tpu.vector_load %arg11[%swap3A, %swap3A_138] {strides = array<i32>} : memref<32x128xf32, #tpu.memory_space<vmem>>, vector<16xf32>,
      tpu.vector_store %arg11[%swap3A, %swap3A_138], %broadcast_in_dim3A_104 {strides = array<i32>} : memref<32x128xf32, #tpu.memory_space<vmem>>, vector<16xf32>,
      %scan3A_140 = arith.constant 0 : i32
      scf.yield %scan3A_140 : i32
    }
    %scan3A_6 = arith.constant 256 : i32
    %mul3A_7 = arith.constant 640 : i32
    %mul3A_8 = arith.muli %arg1, %mul3A_7 : i32
    %add3A_9 = arith.constant 0 : i32
    %add3A_10 = arith.addi %mul3A_8, %add3A_9 : i32
    "tpu.region"() ({
      %run_scoped3A = tpu.sem_alloc : memref<!tpu.dma_semaphore, #tpu.memory_space<semaphore_mem>>
      %dma_start3A = arith.constant 0 : i32
      %dma_start3A_102 = tpu.memref_slice %arg12[%add3A_10, %dma_start3A] : memref<10240x128xf32, #tpu.memory_space<vmem_shared>> -> memref<32x128xf32, #tpu.memory_space<vmem_shared>>
      %dma_start3A_103 = arith.constant 0 : i32
      %dma_start3A_104 = tpu.memref_slice %arg12[%add3A_10, %dma_start3A_103] : memref<10240x128xf32, #tpu.memory_space<vmem_shared>> -> memref<32x128xf32, #tpu.memory_space<vmem_shared>>
      tpu.enqueue_dma source(%arg11 : memref<32x128xf32, #tpu.memory_space<vmem>>) target(%dma_start3A_104 : memref<32x128xf32, #tpu.memory_space<vmem_shared>>) target_semaphore(%run_scoped3A : memref<!tpu.dma_semaphore, #tpu.memory_space<semaphore_mem>>)
      %dma_wait3A = arith.constant 0 : i32
      %dma_wait3A_105 = tpu.memref_slice %arg12[%add3A_10, %dma_wait3A] : memref<10240x128xf32, #tpu.memory_space<vmem_shared>> -> memref<32x128xf32, #tpu.memory_space<vmem_shared>>
      %dma_wait3A_106 = arith.constant 0 : i32
      %dma_wait3A_107 = tpu.memref_slice %arg12[%add3A_10, %dma_wait3A_106] : memref<10240x128xf32, #tpu.memory_space<vmem_shared>> -> memref<32x128xf32, #tpu.memory_space<vmem_shared>>
      tpu.wait_dma2 semaphore(%run_scoped3A : memref<!tpu.dma_semaphore, #tpu.memory_space<semaphore_mem>>) src(%arg11 : memref<32x128xf32, #tpu.memory_space<vmem>>) dst(%dma_wait3A_107 : memref<32x128xf32, #tpu.memory_space<vmem_shared>>)
      tpu.yield
    }) : () -> ()
    %mul3A_11 = arith.constant 640 : i32
    %mul3A_12 = arith.muli %arg1, %mul3A_11 : i32
    %add3A_13 = arith.constant 32 : i32
    %add3A_14 = arith.addi %mul3A_12, %add3A_13 : i32
    "tpu.region"() ({
      %run_scoped3A = tpu.sem_alloc : memref<!tpu.dma_semaphore, #tpu.memory_space<semaphore_mem>>
      %dma_start3A = arith.constant 0 : i32
      %dma_start3A_102 = tpu.memref_slice %arg12[%add3A_14, %dma_start3A] : memref<10240x128xf32, #tpu.memory_space<vmem_shared>> -> memref<32x128xf32, #tpu.memory_space<vmem_shared>>
      %dma_start3A_103 = arith.constant 0 : i32
      %dma_start3A_104 = tpu.memref_slice %arg12[%add3A_14, %dma_start3A_103] : memref<10240x128xf32, #tpu.memory_space<vmem_shared>> -> memref<32x128xf32, #tpu.memory_space<vmem_shared>>
      tpu.enqueue_dma source(%arg11 : memref<32x128xf32, #tpu.memory_space<vmem>>) target(%dma_start3A_104 : memref<32x128xf32, #tpu.memory_space<vmem_shared>>) target_semaphore(%run_scoped3A : memref<!tpu.dma_semaphore, #tpu.memory_space<semaphore_mem>>)
      %dma_wait3A = arith.constant 0 : i32
      %dma_wait3A_105 = tpu.memref_slice %arg12[%add3A_14, %dma_wait3A] : memref<10240x128xf32, #tpu.memory_space<vmem_shared>> -> memref<32x128xf32, #tpu.memory_space<vmem_shared>>
      %dma_wait3A_106 = arith.constant 0 : i32
      %dma_wait3A_107 = tpu.memref_slice %arg12[%add3A_14, %dma_wait3A_106] : memref<10240x128xf32, #tpu.memory_space<vmem_shared>> -> memref<32x128xf32, #tpu.memory_space<vmem_shared>>
      tpu.wait_dma2 semaphore(%run_scoped3A : memref<!tpu.dma_semaphore, #tpu.memory_space<semaphore_mem>>) src(%arg11 : memref<32x128xf32, #tpu.memory_space<vmem>>) dst(%dma_wait3A_107 : memref<32x128xf32, #tpu.memory_space<vmem_shared>>)
      tpu.yield
    }) : () -> ()
    %mul3A_15 = arith.constant 640 : i32
    %mul3A_16 = arith.muli %arg1, %mul3A_15 : i32
    %add3A_17 = arith.constant 64 : i32
    %add3A_18 = arith.addi %mul3A_16, %add3A_17 : i32
    "tpu.region"() ({
      %run_scoped3A = tpu.sem_alloc : memref<!tpu.dma_semaphore, #tpu.memory_space<semaphore_mem>>
      %dma_start3A = arith.constant 0 : i32
      %dma_start3A_102 = tpu.memref_slice %arg12[%add3A_18, %dma_start3A] : memref<10240x128xf32, #tpu.memory_space<vmem_shared>> -> memref<32x128xf32, #tpu.memory_space<vmem_shared>>
      %dma_start3A_103 = arith.constant 0 : i32
      %dma_start3A_104 = tpu.memref_slice %arg12[%add3A_18, %dma_start3A_103] : memref<10240x128xf32, #tpu.memory_space<vmem_shared>> -> memref<32x128xf32, #tpu.memory_space<vmem_shared>>
      tpu.enqueue_dma source(%arg11 : memref<32x128xf32, #tpu.memory_space<vmem>>) target(%dma_start3A_104 : memref<32x128xf32, #tpu.memory_space<vmem_shared>>) target_semaphore(%run_scoped3A : memref<!tpu.dma_semaphore, #tpu.memory_space<semaphore_mem>>)
      %dma_wait3A = arith.constant 0 : i32
      %dma_wait3A_105 = tpu.memref_slice %arg12[%add3A_18, %dma_wait3A] : memref<10240x128xf32, #tpu.memory_space<vmem_shared>> -> memref<32x128xf32, #tpu.memory_space<vmem_shared>>
      %dma_wait3A_106 = arith.constant 0 : i32
      %dma_wait3A_107 = tpu.memref_slice %arg12[%add3A_18, %dma_wait3A_106] : memref<10240x128xf32, #tpu.memory_space<vmem_shared>> -> memref<32x128xf32, #tpu.memory_space<vmem_shared>>
      tpu.wait_dma2 semaphore(%run_scoped3A : memref<!tpu.dma_semaphore, #tpu.memory_space<semaphore_mem>>) src(%arg11 : memref<32x128xf32, #tpu.memory_space<vmem>>) dst(%dma_wait3A_107 : memref<32x128xf32, #tpu.memory_space<vmem_shared>>)
      tpu.yield
    }) : () -> ()
    %mul3A_19 = arith.constant 640 : i32
    %mul3A_20 = arith.muli %arg1, %mul3A_19 : i32
    %add3A_21 = arith.constant 96 : i32
    %add3A_22 = arith.addi %mul3A_20, %add3A_21 : i32
    "tpu.region"() ({
      %run_scoped3A = tpu.sem_alloc : memref<!tpu.dma_semaphore, #tpu.memory_space<semaphore_mem>>
      %dma_start3A = arith.constant 0 : i32
      %dma_start3A_102 = tpu.memref_slice %arg12[%add3A_22, %dma_start3A] : memref<10240x128xf32, #tpu.memory_space<vmem_shared>> -> memref<32x128xf32, #tpu.memory_space<vmem_shared>>
      %dma_start3A_103 = arith.constant 0 : i32
      %dma_start3A_104 = tpu.memref_slice %arg12[%add3A_22, %dma_start3A_103] : memref<10240x128xf32, #tpu.memory_space<vmem_shared>> -> memref<32x128xf32, #tpu.memory_space<vmem_shared>>
      tpu.enqueue_dma source(%arg11 : memref<32x128xf32, #tpu.memory_space<vmem>>) target(%dma_start3A_104 : memref<32x128xf32, #tpu.memory_space<vmem_shared>>) target_semaphore(%run_scoped3A : memref<!tpu.dma_semaphore, #tpu.memory_space<semaphore_mem>>)
      %dma_wait3A = arith.constant 0 : i32
      %dma_wait3A_105 = tpu.memref_slice %arg12[%add3A_22, %dma_wait3A] : memref<10240x128xf32, #tpu.memory_space<vmem_shared>> -> memref<32x128xf32, #tpu.memory_space<vmem_shared>>
      %dma_wait3A_106 = arith.constant 0 : i32
      %dma_wait3A_107 = tpu.memref_slice %arg12[%add3A_22, %dma_wait3A_106] : memref<10240x128xf32, #tpu.memory_space<vmem_shared>> -> memref<32x128xf32, #tpu.memory_space<vmem_shared>>
      tpu.wait_dma2 semaphore(%run_scoped3A : memref<!tpu.dma_semaphore, #tpu.memory_space<semaphore_mem>>) src(%arg11 : memref<32x128xf32, #tpu.memory_space<vmem>>) dst(%dma_wait3A_107 : memref<32x128xf32, #tpu.memory_space<vmem_shared>>)
      tpu.yield
    }) : () -> ()
    %mul3A_23 = arith.constant 640 : i32
    %mul3A_24 = arith.muli %arg1, %mul3A_23 : i32
    %add3A_25 = arith.constant 128 : i32
    %add3A_26 = arith.addi %mul3A_24, %add3A_25 : i32
    "tpu.region"() ({
      %run_scoped3A = tpu.sem_alloc : memref<!tpu.dma_semaphore, #tpu.memory_space<semaphore_mem>>
      %dma_start3A = arith.constant 0 : i32
      %dma_start3A_102 = tpu.memref_slice %arg12[%add3A_26, %dma_start3A] : memref<10240x128xf32, #tpu.memory_space<vmem_shared>> -> memref<32x128xf32, #tpu.memory_space<vmem_shared>>
      %dma_start3A_103 = arith.constant 0 : i32
      %dma_start3A_104 = tpu.memref_slice %arg12[%add3A_26, %dma_start3A_103] : memref<10240x128xf32, #tpu.memory_space<vmem_shared>> -> memref<32x128xf32, #tpu.memory_space<vmem_shared>>
      tpu.enqueue_dma source(%arg11 : memref<32x128xf32, #tpu.memory_space<vmem>>) target(%dma_start3A_104 : memref<32x128xf32, #tpu.memory_space<vmem_shared>>) target_semaphore(%run_scoped3A : memref<!tpu.dma_semaphore, #tpu.memory_space<semaphore_mem>>)
      %dma_wait3A = arith.constant 0 : i32
      %dma_wait3A_105 = tpu.memref_slice %arg12[%add3A_26, %dma_wait3A] : memref<10240x128xf32, #tpu.memory_space<vmem_shared>> -> memref<32x128xf32, #tpu.memory_space<vmem_shared>>
      %dma_wait3A_106 = arith.constant 0 : i32
      %dma_wait3A_107 = tpu.memref_slice %arg12[%add3A_26, %dma_wait3A_106] : memref<10240x128xf32, #tpu.memory_space<vmem_shared>> -> memref<32x128xf32, #tpu.memory_space<vmem_shared>>
      tpu.wait_dma2 semaphore(%run_scoped3A : memref<!tpu.dma_semaphore, #tpu.memory_space<semaphore_mem>>) src(%arg11 : memref<32x128xf32, #tpu.memory_space<vmem>>) dst(%dma_wait3A_107 : memref<32x128xf32, #tpu.memory_space<vmem_shared>>)
      tpu.yield
    }) : () -> ()
    %mul3A_27 = arith.constant 640 : i32
    %mul3A_28 = arith.muli %arg1, %mul3A_27 : i32
    %add3A_29 = arith.constant 160 : i32
    %add3A_30 = arith.addi %mul3A_28, %add3A_29 : i32
    "tpu.region"() ({
      %run_scoped3A = tpu.sem_alloc : memref<!tpu.dma_semaphore, #tpu.memory_space<semaphore_mem>>
      %dma_start3A = arith.constant 0 : i32
      %dma_start3A_102 = tpu.memref_slice %arg12[%add3A_30, %dma_start3A] : memref<10240x128xf32, #tpu.memory_space<vmem_shared>> -> memref<32x128xf32, #tpu.memory_space<vmem_shared>>
      %dma_start3A_103 = arith.constant 0 : i32
      %dma_start3A_104 = tpu.memref_slice %arg12[%add3A_30, %dma_start3A_103] : memref<10240x128xf32, #tpu.memory_space<vmem_shared>> -> memref<32x128xf32, #tpu.memory_space<vmem_shared>>
      tpu.enqueue_dma source(%arg11 : memref<32x128xf32, #tpu.memory_space<vmem>>) target(%dma_start3A_104 : memref<32x128xf32, #tpu.memory_space<vmem_shared>>) target_semaphore(%run_scoped3A : memref<!tpu.dma_semaphore, #tpu.memory_space<semaphore_mem>>)
      %dma_wait3A = arith.constant 0 : i32
      %dma_wait3A_105 = tpu.memref_slice %arg12[%add3A_30, %dma_wait3A] : memref<10240x128xf32, #tpu.memory_space<vmem_shared>> -> memref<32x128xf32, #tpu.memory_space<vmem_shared>>
      %dma_wait3A_106 = arith.constant 0 : i32
      %dma_wait3A_107 = tpu.memref_slice %arg12[%add3A_30, %dma_wait3A_106] : memref<10240x128xf32, #tpu.memory_space<vmem_shared>> -> memref<32x128xf32, #tpu.memory_space<vmem_shared>>
      tpu.wait_dma2 semaphore(%run_scoped3A : memref<!tpu.dma_semaphore, #tpu.memory_space<semaphore_mem>>) src(%arg11 : memref<32x128xf32, #tpu.memory_space<vmem>>) dst(%dma_wait3A_107 : memref<32x128xf32, #tpu.memory_space<vmem_shared>>)
      tpu.yield
    }) : () -> ()
    %mul3A_31 = arith.constant 640 : i32
    %mul3A_32 = arith.muli %arg1, %mul3A_31 : i32
    %add3A_33 = arith.constant 192 : i32
    %add3A_34 = arith.addi %mul3A_32, %add3A_33 : i32
    "tpu.region"() ({
      %run_scoped3A = tpu.sem_alloc : memref<!tpu.dma_semaphore, #tpu.memory_space<semaphore_mem>>
      %dma_start3A = arith.constant 0 : i32
      %dma_start3A_102 = tpu.memref_slice %arg12[%add3A_34, %dma_start3A] : memref<10240x128xf32, #tpu.memory_space<vmem_shared>> -> memref<32x128xf32, #tpu.memory_space<vmem_shared>>
      %dma_start3A_103 = arith.constant 0 : i32
      %dma_start3A_104 = tpu.memref_slice %arg12[%add3A_34, %dma_start3A_103] : memref<10240x128xf32, #tpu.memory_space<vmem_shared>> -> memref<32x128xf32, #tpu.memory_space<vmem_shared>>
      tpu.enqueue_dma source(%arg11 : memref<32x128xf32, #tpu.memory_space<vmem>>) target(%dma_start3A_104 : memref<32x128xf32, #tpu.memory_space<vmem_shared>>) target_semaphore(%run_scoped3A : memref<!tpu.dma_semaphore, #tpu.memory_space<semaphore_mem>>)
      %dma_wait3A = arith.constant 0 : i32
      %dma_wait3A_105 = tpu.memref_slice %arg12[%add3A_34, %dma_wait3A] : memref<10240x128xf32, #tpu.memory_space<vmem_shared>> -> memref<32x128xf32, #tpu.memory_space<vmem_shared>>
      %dma_wait3A_106 = arith.constant 0 : i32
      %dma_wait3A_107 = tpu.memref_slice %arg12[%add3A_34, %dma_wait3A_106] : memref<10240x128xf32, #tpu.memory_space<vmem_shared>> -> memref<32x128xf32, #tpu.memory_space<vmem_shared>>
      tpu.wait_dma2 semaphore(%run_scoped3A : memref<!tpu.dma_semaphore, #tpu.memory_space<semaphore_mem>>) src(%arg11 : memref<32x128xf32, #tpu.memory_space<vmem>>) dst(%dma_wait3A_107 : memref<32x128xf32, #tpu.memory_space<vmem_shared>>)
      tpu.yield
    }) : () -> ()
    %mul3A_35 = arith.constant 640 : i32
    %mul3A_36 = arith.muli %arg1, %mul3A_35 : i32
    %add3A_37 = arith.constant 224 : i32
    %add3A_38 = arith.addi %mul3A_36, %add3A_37 : i32
    "tpu.region"() ({
      %run_scoped3A = tpu.sem_alloc : memref<!tpu.dma_semaphore, #tpu.memory_space<semaphore_mem>>
      %dma_start3A = arith.constant 0 : i32
      %dma_start3A_102 = tpu.memref_slice %arg12[%add3A_38, %dma_start3A] : memref<10240x128xf32, #tpu.memory_space<vmem_shared>> -> memref<32x128xf32, #tpu.memory_space<vmem_shared>>
      %dma_start3A_103 = arith.constant 0 : i32
      %dma_start3A_104 = tpu.memref_slice %arg12[%add3A_38, %dma_start3A_103] : memref<10240x128xf32, #tpu.memory_space<vmem_shared>> -> memref<32x128xf32, #tpu.memory_space<vmem_shared>>
      tpu.enqueue_dma source(%arg11 : memref<32x128xf32, #tpu.memory_space<vmem>>) target(%dma_start3A_104 : memref<32x128xf32, #tpu.memory_space<vmem_shared>>) target_semaphore(%run_scoped3A : memref<!tpu.dma_semaphore, #tpu.memory_space<semaphore_mem>>)
      %dma_wait3A = arith.constant 0 : i32
      %dma_wait3A_105 = tpu.memref_slice %arg12[%add3A_38, %dma_wait3A] : memref<10240x128xf32, #tpu.memory_space<vmem_shared>> -> memref<32x128xf32, #tpu.memory_space<vmem_shared>>
      %dma_wait3A_106 = arith.constant 0 : i32
      %dma_wait3A_107 = tpu.memref_slice %arg12[%add3A_38, %dma_wait3A_106] : memref<10240x128xf32, #tpu.memory_space<vmem_shared>> -> memref<32x128xf32, #tpu.memory_space<vmem_shared>>
      tpu.wait_dma2 semaphore(%run_scoped3A : memref<!tpu.dma_semaphore, #tpu.memory_space<semaphore_mem>>) src(%arg11 : memref<32x128xf32, #tpu.memory_space<vmem>>) dst(%dma_wait3A_107 : memref<32x128xf32, #tpu.memory_space<vmem_shared>>)
      tpu.yield
    }) : () -> ()
    %mul3A_39 = arith.constant 640 : i32
    %mul3A_40 = arith.muli %arg1, %mul3A_39 : i32
    %add3A_41 = arith.constant 256 : i32
    %add3A_42 = arith.addi %mul3A_40, %add3A_41 : i32
    "tpu.region"() ({
      %run_scoped3A = tpu.sem_alloc : memref<!tpu.dma_semaphore, #tpu.memory_space<semaphore_mem>>
      %dma_start3A = arith.constant 0 : i32
      %dma_start3A_102 = tpu.memref_slice %arg12[%add3A_42, %dma_start3A] : memref<10240x128xf32, #tpu.memory_space<vmem_shared>> -> memref<32x128xf32, #tpu.memory_space<vmem_shared>>
      %dma_start3A_103 = arith.constant 0 : i32
      %dma_start3A_104 = tpu.memref_slice %arg12[%add3A_42, %dma_start3A_103] : memref<10240x128xf32, #tpu.memory_space<vmem_shared>> -> memref<32x128xf32, #tpu.memory_space<vmem_shared>>
      tpu.enqueue_dma source(%arg11 : memref<32x128xf32, #tpu.memory_space<vmem>>) target(%dma_start3A_104 : memref<32x128xf32, #tpu.memory_space<vmem_shared>>) target_semaphore(%run_scoped3A : memref<!tpu.dma_semaphore, #tpu.memory_space<semaphore_mem>>)
      %dma_wait3A = arith.constant 0 : i32
      %dma_wait3A_105 = tpu.memref_slice %arg12[%add3A_42, %dma_wait3A] : memref<10240x128xf32, #tpu.memory_space<vmem_shared>> -> memref<32x128xf32, #tpu.memory_space<vmem_shared>>
      %dma_wait3A_106 = arith.constant 0 : i32
      %dma_wait3A_107 = tpu.memref_slice %arg12[%add3A_42, %dma_wait3A_106] : memref<10240x128xf32, #tpu.memory_space<vmem_shared>> -> memref<32x128xf32, #tpu.memory_space<vmem_shared>>
      tpu.wait_dma2 semaphore(%run_scoped3A : memref<!tpu.dma_semaphore, #tpu.memory_space<semaphore_mem>>) src(%arg11 : memref<32x128xf32, #tpu.memory_space<vmem>>) dst(%dma_wait3A_107 : memref<32x128xf32, #tpu.memory_space<vmem_shared>>)
      tpu.yield
    }) : () -> ()
    %mul3A_43 = arith.constant 640 : i32
    %mul3A_44 = arith.muli %arg1, %mul3A_43 : i32
    %add3A_45 = arith.constant 288 : i32
    %add3A_46 = arith.addi %mul3A_44, %add3A_45 : i32
    "tpu.region"() ({
      %run_scoped3A = tpu.sem_alloc : memref<!tpu.dma_semaphore, #tpu.memory_space<semaphore_mem>>
      %dma_start3A = arith.constant 0 : i32
      %dma_start3A_102 = tpu.memref_slice %arg12[%add3A_46, %dma_start3A] : memref<10240x128xf32, #tpu.memory_space<vmem_shared>> -> memref<32x128xf32, #tpu.memory_space<vmem_shared>>
      %dma_start3A_103 = arith.constant 0 : i32
      %dma_start3A_104 = tpu.memref_slice %arg12[%add3A_46, %dma_start3A_103] : memref<10240x128xf32, #tpu.memory_space<vmem_shared>> -> memref<32x128xf32, #tpu.memory_space<vmem_shared>>
      tpu.enqueue_dma source(%arg11 : memref<32x128xf32, #tpu.memory_space<vmem>>) target(%dma_start3A_104 : memref<32x128xf32, #tpu.memory_space<vmem_shared>>) target_semaphore(%run_scoped3A : memref<!tpu.dma_semaphore, #tpu.memory_space<semaphore_mem>>)
      %dma_wait3A = arith.constant 0 : i32
      %dma_wait3A_105 = tpu.memref_slice %arg12[%add3A_46, %dma_wait3A] : memref<10240x128xf32, #tpu.memory_space<vmem_shared>> -> memref<32x128xf32, #tpu.memory_space<vmem_shared>>
      %dma_wait3A_106 = arith.constant 0 : i32
      %dma_wait3A_107 = tpu.memref_slice %arg12[%add3A_46, %dma_wait3A_106] : memref<10240x128xf32, #tpu.memory_space<vmem_shared>> -> memref<32x128xf32, #tpu.memory_space<vmem_shared>>
      tpu.wait_dma2 semaphore(%run_scoped3A : memref<!tpu.dma_semaphore, #tpu.memory_space<semaphore_mem>>) src(%arg11 : memref<32x128xf32, #tpu.memory_space<vmem>>) dst(%dma_wait3A_107 : memref<32x128xf32, #tpu.memory_space<vmem_shared>>)
      tpu.yield
    }) : () -> ()
    %mul3A_47 = arith.constant 640 : i32
    %mul3A_48 = arith.muli %arg1, %mul3A_47 : i32
    %add3A_49 = arith.constant 320 : i32
    %add3A_50 = arith.addi %mul3A_48, %add3A_49 : i32
    "tpu.region"() ({
      %run_scoped3A = tpu.sem_alloc : memref<!tpu.dma_semaphore, #tpu.memory_space<semaphore_mem>>
      %dma_start3A = arith.constant 0 : i32
      %dma_start3A_102 = tpu.memref_slice %arg12[%add3A_50, %dma_start3A] : memref<10240x128xf32, #tpu.memory_space<vmem_shared>> -> memref<32x128xf32, #tpu.memory_space<vmem_shared>>
      %dma_start3A_103 = arith.constant 0 : i32
      %dma_start3A_104 = tpu.memref_slice %arg12[%add3A_50, %dma_start3A_103] : memref<10240x128xf32, #tpu.memory_space<vmem_shared>> -> memref<32x128xf32, #tpu.memory_space<vmem_shared>>
      tpu.enqueue_dma source(%arg11 : memref<32x128xf32, #tpu.memory_space<vmem>>) target(%dma_start3A_104 : memref<32x128xf32, #tpu.memory_space<vmem_shared>>) target_semaphore(%run_scoped3A : memref<!tpu.dma_semaphore, #tpu.memory_space<semaphore_mem>>)
      %dma_wait3A = arith.constant 0 : i32
      %dma_wait3A_105 = tpu.memref_slice %arg12[%add3A_50, %dma_wait3A] : memref<10240x128xf32, #tpu.memory_space<vmem_shared>> -> memref<32x128xf32, #tpu.memory_space<vmem_shared>>
      %dma_wait3A_106 = arith.constant 0 : i32
      %dma_wait3A_107 = tpu.memref_slice %arg12[%add3A_50, %dma_wait3A_106] : memref<10240x128xf32, #tpu.memory_space<vmem_shared>> -> memref<32x128xf32, #tpu.memory_space<vmem_shared>>
      tpu.wait_dma2 semaphore(%run_scoped3A : memref<!tpu.dma_semaphore, #tpu.memory_space<semaphore_mem>>) src(%arg11 : memref<32x128xf32, #tpu.memory_space<vmem>>) dst(%dma_wait3A_107 : memref<32x128xf32, #tpu.memory_space<vmem_shared>>)
      tpu.yield
    }) : () -> ()
    %mul3A_51 = arith.constant 640 : i32
    %mul3A_52 = arith.muli %arg1, %mul3A_51 : i32
    %add3A_53 = arith.constant 352 : i32
    %add3A_54 = arith.addi %mul3A_52, %add3A_53 : i32
    "tpu.region"() ({
      %run_scoped3A = tpu.sem_alloc : memref<!tpu.dma_semaphore, #tpu.memory_space<semaphore_mem>>
      %dma_start3A = arith.constant 0 : i32
      %dma_start3A_102 = tpu.memref_slice %arg12[%add3A_54, %dma_start3A] : memref<10240x128xf32, #tpu.memory_space<vmem_shared>> -> memref<32x128xf32, #tpu.memory_space<vmem_shared>>
      %dma_start3A_103 = arith.constant 0 : i32
      %dma_start3A_104 = tpu.memref_slice %arg12[%add3A_54, %dma_start3A_103] : memref<10240x128xf32, #tpu.memory_space<vmem_shared>> -> memref<32x128xf32, #tpu.memory_space<vmem_shared>>
      tpu.enqueue_dma source(%arg11 : memref<32x128xf32, #tpu.memory_space<vmem>>) target(%dma_start3A_104 : memref<32x128xf32, #tpu.memory_space<vmem_shared>>) target_semaphore(%run_scoped3A : memref<!tpu.dma_semaphore, #tpu.memory_space<semaphore_mem>>)
      %dma_wait3A = arith.constant 0 : i32
      %dma_wait3A_105 = tpu.memref_slice %arg12[%add3A_54, %dma_wait3A] : memref<10240x128xf32, #tpu.memory_space<vmem_shared>> -> memref<32x128xf32, #tpu.memory_space<vmem_shared>>
      %dma_wait3A_106 = arith.constant 0 : i32
      %dma_wait3A_107 = tpu.memref_slice %arg12[%add3A_54, %dma_wait3A_106] : memref<10240x128xf32, #tpu.memory_space<vmem_shared>> -> memref<32x128xf32, #tpu.memory_space<vmem_shared>>
      tpu.wait_dma2 semaphore(%run_scoped3A : memref<!tpu.dma_semaphore, #tpu.memory_space<semaphore_mem>>) src(%arg11 : memref<32x128xf32, #tpu.memory_space<vmem>>) dst(%dma_wait3A_107 : memref<32x128xf32, #tpu.memory_space<vmem_shared>>)
      tpu.yield
    }) : () -> ()
    %mul3A_55 = arith.constant 640 : i32
    %mul3A_56 = arith.muli %arg1, %mul3A_55 : i32
    %add3A_57 = arith.constant 384 : i32
    %add3A_58 = arith.addi %mul3A_56, %add3A_57 : i32
    "tpu.region"() ({
      %run_scoped3A = tpu.sem_alloc : memref<!tpu.dma_semaphore, #tpu.memory_space<semaphore_mem>>
      %dma_start3A = arith.constant 0 : i32
      %dma_start3A_102 = tpu.memref_slice %arg12[%add3A_58, %dma_start3A] : memref<10240x128xf32, #tpu.memory_space<vmem_shared>> -> memref<32x128xf32, #tpu.memory_space<vmem_shared>>
      %dma_start3A_103 = arith.constant 0 : i32
      %dma_start3A_104 = tpu.memref_slice %arg12[%add3A_58, %dma_start3A_103] : memref<10240x128xf32, #tpu.memory_space<vmem_shared>> -> memref<32x128xf32, #tpu.memory_space<vmem_shared>>
      tpu.enqueue_dma source(%arg11 : memref<32x128xf32, #tpu.memory_space<vmem>>) target(%dma_start3A_104 : memref<32x128xf32, #tpu.memory_space<vmem_shared>>) target_semaphore(%run_scoped3A : memref<!tpu.dma_semaphore, #tpu.memory_space<semaphore_mem>>)
      %dma_wait3A = arith.constant 0 : i32
      %dma_wait3A_105 = tpu.memref_slice %arg12[%add3A_58, %dma_wait3A] : memref<10240x128xf32, #tpu.memory_space<vmem_shared>> -> memref<32x128xf32, #tpu.memory_space<vmem_shared>>
      %dma_wait3A_106 = arith.constant 0 : i32
      %dma_wait3A_107 = tpu.memref_slice %arg12[%add3A_58, %dma_wait3A_106] : memref<10240x128xf32, #tpu.memory_space<vmem_shared>> -> memref<32x128xf32, #tpu.memory_space<vmem_shared>>
      tpu.wait_dma2 semaphore(%run_scoped3A : memref<!tpu.dma_semaphore, #tpu.memory_space<semaphore_mem>>) src(%arg11 : memref<32x128xf32, #tpu.memory_space<vmem>>) dst(%dma_wait3A_107 : memref<32x128xf32, #tpu.memory_space<vmem_shared>>)
      tpu.yield
    }) : () -> ()
    %mul3A_59 = arith.constant 640 : i32
    %mul3A_60 = arith.muli %arg1, %mul3A_59 : i32
    %add3A_61 = arith.constant 416 : i32
    %add3A_62 = arith.addi %mul3A_60, %add3A_61 : i32
    "tpu.region"() ({
      %run_scoped3A = tpu.sem_alloc : memref<!tpu.dma_semaphore, #tpu.memory_space<semaphore_mem>>
      %dma_start3A = arith.constant 0 : i32
      %dma_start3A_102 = tpu.memref_slice %arg12[%add3A_62, %dma_start3A] : memref<10240x128xf32, #tpu.memory_space<vmem_shared>> -> memref<32x128xf32, #tpu.memory_space<vmem_shared>>
      %dma_start3A_103 = arith.constant 0 : i32
      %dma_start3A_104 = tpu.memref_slice %arg12[%add3A_62, %dma_start3A_103] : memref<10240x128xf32, #tpu.memory_space<vmem_shared>> -> memref<32x128xf32, #tpu.memory_space<vmem_shared>>
      tpu.enqueue_dma source(%arg11 : memref<32x128xf32, #tpu.memory_space<vmem>>) target(%dma_start3A_104 : memref<32x128xf32, #tpu.memory_space<vmem_shared>>) target_semaphore(%run_scoped3A : memref<!tpu.dma_semaphore, #tpu.memory_space<semaphore_mem>>)
      %dma_wait3A = arith.constant 0 : i32
      %dma_wait3A_105 = tpu.memref_slice %arg12[%add3A_62, %dma_wait3A] : memref<10240x128xf32, #tpu.memory_space<vmem_shared>> -> memref<32x128xf32, #tpu.memory_space<vmem_shared>>
      %dma_wait3A_106 = arith.constant 0 : i32
      %dma_wait3A_107 = tpu.memref_slice %arg12[%add3A_62, %dma_wait3A_106] : memref<10240x128xf32, #tpu.memory_space<vmem_shared>> -> memref<32x128xf32, #tpu.memory_space<vmem_shared>>
      tpu.wait_dma2 semaphore(%run_scoped3A : memref<!tpu.dma_semaphore, #tpu.memory_space<semaphore_mem>>) src(%arg11 : memref<32x128xf32, #tpu.memory_space<vmem>>) dst(%dma_wait3A_107 : memref<32x128xf32, #tpu.memory_space<vmem_shared>>)
      tpu.yield
    }) : () -> ()
    %mul3A_63 = arith.constant 640 : i32
    %mul3A_64 = arith.muli %arg1, %mul3A_63 : i32
    %add3A_65 = arith.constant 448 : i32
    %add3A_66 = arith.addi %mul3A_64, %add3A_65 : i32
    "tpu.region"() ({
      %run_scoped3A = tpu.sem_alloc : memref<!tpu.dma_semaphore, #tpu.memory_space<semaphore_mem>>
      %dma_start3A = arith.constant 0 : i32
      %dma_start3A_102 = tpu.memref_slice %arg12[%add3A_66, %dma_start3A] : memref<10240x128xf32, #tpu.memory_space<vmem_shared>> -> memref<32x128xf32, #tpu.memory_space<vmem_shared>>
      %dma_start3A_103 = arith.constant 0 : i32
      %dma_start3A_104 = tpu.memref_slice %arg12[%add3A_66, %dma_start3A_103] : memref<10240x128xf32, #tpu.memory_space<vmem_shared>> -> memref<32x128xf32, #tpu.memory_space<vmem_shared>>
      tpu.enqueue_dma source(%arg11 : memref<32x128xf32, #tpu.memory_space<vmem>>) target(%dma_start3A_104 : memref<32x128xf32, #tpu.memory_space<vmem_shared>>) target_semaphore(%run_scoped3A : memref<!tpu.dma_semaphore, #tpu.memory_space<semaphore_mem>>)
      %dma_wait3A = arith.constant 0 : i32
      %dma_wait3A_105 = tpu.memref_slice %arg12[%add3A_66, %dma_wait3A] : memref<10240x128xf32, #tpu.memory_space<vmem_shared>> -> memref<32x128xf32, #tpu.memory_space<vmem_shared>>
      %dma_wait3A_106 = arith.constant 0 : i32
      %dma_wait3A_107 = tpu.memref_slice %arg12[%add3A_66, %dma_wait3A_106] : memref<10240x128xf32, #tpu.memory_space<vmem_shared>> -> memref<32x128xf32, #tpu.memory_space<vmem_shared>>
      tpu.wait_dma2 semaphore(%run_scoped3A : memref<!tpu.dma_semaphore, #tpu.memory_space<semaphore_mem>>) src(%arg11 : memref<32x128xf32, #tpu.memory_space<vmem>>) dst(%dma_wait3A_107 : memref<32x128xf32, #tpu.memory_space<vmem_shared>>)
      tpu.yield
    }) : () -> ()
    %mul3A_67 = arith.constant 640 : i32
    %mul3A_68 = arith.muli %arg1, %mul3A_67 : i32
    %add3A_69 = arith.constant 480 : i32
    %add3A_70 = arith.addi %mul3A_68, %add3A_69 : i32
    "tpu.region"() ({
      %run_scoped3A = tpu.sem_alloc : memref<!tpu.dma_semaphore, #tpu.memory_space<semaphore_mem>>
      %dma_start3A = arith.constant 0 : i32
      %dma_start3A_102 = tpu.memref_slice %arg12[%add3A_70, %dma_start3A] : memref<10240x128xf32, #tpu.memory_space<vmem_shared>> -> memref<32x128xf32, #tpu.memory_space<vmem_shared>>
      %dma_start3A_103 = arith.constant 0 : i32
      %dma_start3A_104 = tpu.memref_slice %arg12[%add3A_70, %dma_start3A_103] : memref<10240x128xf32, #tpu.memory_space<vmem_shared>> -> memref<32x128xf32, #tpu.memory_space<vmem_shared>>
      tpu.enqueue_dma source(%arg11 : memref<32x128xf32, #tpu.memory_space<vmem>>) target(%dma_start3A_104 : memref<32x128xf32, #tpu.memory_space<vmem_shared>>) target_semaphore(%run_scoped3A : memref<!tpu.dma_semaphore, #tpu.memory_space<semaphore_mem>>)
      %dma_wait3A = arith.constant 0 : i32
      %dma_wait3A_105 = tpu.memref_slice %arg12[%add3A_70, %dma_wait3A] : memref<10240x128xf32, #tpu.memory_space<vmem_shared>> -> memref<32x128xf32, #tpu.memory_space<vmem_shared>>
      %dma_wait3A_106 = arith.constant 0 : i32
      %dma_wait3A_107 = tpu.memref_slice %arg12[%add3A_70, %dma_wait3A_106] : memref<10240x128xf32, #tpu.memory_space<vmem_shared>> -> memref<32x128xf32, #tpu.memory_space<vmem_shared>>
      tpu.wait_dma2 semaphore(%run_scoped3A : memref<!tpu.dma_semaphore, #tpu.memory_space<semaphore_mem>>) src(%arg11 : memref<32x128xf32, #tpu.memory_space<vmem>>) dst(%dma_wait3A_107 : memref<32x128xf32, #tpu.memory_space<vmem_shared>>)
      tpu.yield
    }) : () -> ()
    %mul3A_71 = arith.constant 640 : i32
    %mul3A_72 = arith.muli %arg1, %mul3A_71 : i32
    %add3A_73 = arith.constant 512 : i32
    %add3A_74 = arith.addi %mul3A_72, %add3A_73 : i32
    "tpu.region"() ({
      %run_scoped3A = tpu.sem_alloc : memref<!tpu.dma_semaphore, #tpu.memory_space<semaphore_mem>>
      %dma_start3A = arith.constant 0 : i32
      %dma_start3A_102 = tpu.memref_slice %arg12[%add3A_74, %dma_start3A] : memref<10240x128xf32, #tpu.memory_space<vmem_shared>> -> memref<32x128xf32, #tpu.memory_space<vmem_shared>>
      %dma_start3A_103 = arith.constant 0 : i32
      %dma_start3A_104 = tpu.memref_slice %arg12[%add3A_74, %dma_start3A_103] : memref<10240x128xf32, #tpu.memory_space<vmem_shared>> -> memref<32x128xf32, #tpu.memory_space<vmem_shared>>
      tpu.enqueue_dma source(%arg11 : memref<32x128xf32, #tpu.memory_space<vmem>>) target(%dma_start3A_104 : memref<32x128xf32, #tpu.memory_space<vmem_shared>>) target_semaphore(%run_scoped3A : memref<!tpu.dma_semaphore, #tpu.memory_space<semaphore_mem>>)
      %dma_wait3A = arith.constant 0 : i32
      %dma_wait3A_105 = tpu.memref_slice %arg12[%add3A_74, %dma_wait3A] : memref<10240x128xf32, #tpu.memory_space<vmem_shared>> -> memref<32x128xf32, #tpu.memory_space<vmem_shared>>
      %dma_wait3A_106 = arith.constant 0 : i32
      %dma_wait3A_107 = tpu.memref_slice %arg12[%add3A_74, %dma_wait3A_106] : memref<10240x128xf32, #tpu.memory_space<vmem_shared>> -> memref<32x128xf32, #tpu.memory_space<vmem_shared>>
      tpu.wait_dma2 semaphore(%run_scoped3A : memref<!tpu.dma_semaphore, #tpu.memory_space<semaphore_mem>>) src(%arg11 : memref<32x128xf32, #tpu.memory_space<vmem>>) dst(%dma_wait3A_107 : memref<32x128xf32, #tpu.memory_space<vmem_shared>>)
      tpu.yield
    }) : () -> ()
    %mul3A_75 = arith.constant 640 : i32
    %mul3A_76 = arith.muli %arg1, %mul3A_75 : i32
    %add3A_77 = arith.constant 544 : i32
    %add3A_78 = arith.addi %mul3A_76, %add3A_77 : i32
    "tpu.region"() ({
      %run_scoped3A = tpu.sem_alloc : memref<!tpu.dma_semaphore, #tpu.memory_space<semaphore_mem>>
      %dma_start3A = arith.constant 0 : i32
      %dma_start3A_102 = tpu.memref_slice %arg12[%add3A_78, %dma_start3A] : memref<10240x128xf32, #tpu.memory_space<vmem_shared>> -> memref<32x128xf32, #tpu.memory_space<vmem_shared>>
      %dma_start3A_103 = arith.constant 0 : i32
      %dma_start3A_104 = tpu.memref_slice %arg12[%add3A_78, %dma_start3A_103] : memref<10240x128xf32, #tpu.memory_space<vmem_shared>> -> memref<32x128xf32, #tpu.memory_space<vmem_shared>>
      tpu.enqueue_dma source(%arg11 : memref<32x128xf32, #tpu.memory_space<vmem>>) target(%dma_start3A_104 : memref<32x128xf32, #tpu.memory_space<vmem_shared>>) target_semaphore(%run_scoped3A : memref<!tpu.dma_semaphore, #tpu.memory_space<semaphore_mem>>)
      %dma_wait3A = arith.constant 0 : i32
      %dma_wait3A_105 = tpu.memref_slice %arg12[%add3A_78, %dma_wait3A] : memref<10240x128xf32, #tpu.memory_space<vmem_shared>> -> memref<32x128xf32, #tpu.memory_space<vmem_shared>>
      %dma_wait3A_106 = arith.constant 0 : i32
      %dma_wait3A_107 = tpu.memref_slice %arg12[%add3A_78, %dma_wait3A_106] : memref<10240x128xf32, #tpu.memory_space<vmem_shared>> -> memref<32x128xf32, #tpu.memory_space<vmem_shared>>
      tpu.wait_dma2 semaphore(%run_scoped3A : memref<!tpu.dma_semaphore, #tpu.memory_space<semaphore_mem>>) src(%arg11 : memref<32x128xf32, #tpu.memory_space<vmem>>) dst(%dma_wait3A_107 : memref<32x128xf32, #tpu.memory_space<vmem_shared>>)
      tpu.yield
    }) : () -> ()
    %mul3A_79 = arith.constant 640 : i32
    %mul3A_80 = arith.muli %arg1, %mul3A_79 : i32
    %add3A_81 = arith.constant 576 : i32
    %add3A_82 = arith.addi %mul3A_80, %add3A_81 : i32
    "tpu.region"() ({
      %run_scoped3A = tpu.sem_alloc : memref<!tpu.dma_semaphore, #tpu.memory_space<semaphore_mem>>
      %dma_start3A = arith.constant 0 : i32
      %dma_start3A_102 = tpu.memref_slice %arg12[%add3A_82, %dma_start3A] : memref<10240x128xf32, #tpu.memory_space<vmem_shared>> -> memref<32x128xf32, #tpu.memory_space<vmem_shared>>
      %dma_start3A_103 = arith.constant 0 : i32
      %dma_start3A_104 = tpu.memref_slice %arg12[%add3A_82, %dma_start3A_103] : memref<10240x128xf32, #tpu.memory_space<vmem_shared>> -> memref<32x128xf32, #tpu.memory_space<vmem_shared>>
      tpu.enqueue_dma source(%arg11 : memref<32x128xf32, #tpu.memory_space<vmem>>) target(%dma_start3A_104 : memref<32x128xf32, #tpu.memory_space<vmem_shared>>) target_semaphore(%run_scoped3A : memref<!tpu.dma_semaphore, #tpu.memory_space<semaphore_mem>>)
      %dma_wait3A = arith.constant 0 : i32
      %dma_wait3A_105 = tpu.memref_slice %arg12[%add3A_82, %dma_wait3A] : memref<10240x128xf32, #tpu.memory_space<vmem_shared>> -> memref<32x128xf32, #tpu.memory_space<vmem_shared>>
      %dma_wait3A_106 = arith.constant 0 : i32
      %dma_wait3A_107 = tpu.memref_slice %arg12[%add3A_82, %dma_wait3A_106] : memref<10240x128xf32, #tpu.memory_space<vmem_shared>> -> memref<32x128xf32, #tpu.memory_space<vmem_shared>>
      tpu.wait_dma2 semaphore(%run_scoped3A : memref<!tpu.dma_semaphore, #tpu.memory_space<semaphore_mem>>) src(%arg11 : memref<32x128xf32, #tpu.memory_space<vmem>>) dst(%dma_wait3A_107 : memref<32x128xf32, #tpu.memory_space<vmem_shared>>)
      tpu.yield
    }) : () -> ()
    %mul3A_83 = arith.constant 640 : i32
    %mul3A_84 = arith.muli %arg1, %mul3A_83 : i32
    %add3A_85 = arith.constant 608 : i32
    %add3A_86 = arith.addi %mul3A_84, %add3A_85 : i32
    "tpu.region"() ({
      %run_scoped3A = tpu.sem_alloc : memref<!tpu.dma_semaphore, #tpu.memory_space<semaphore_mem>>
      %dma_start3A = arith.constant 0 : i32
      %dma_start3A_102 = tpu.memref_slice %arg12[%add3A_86, %dma_start3A] : memref<10240x128xf32, #tpu.memory_space<vmem_shared>> -> memref<32x128xf32, #tpu.memory_space<vmem_shared>>
      %dma_start3A_103 = arith.constant 0 : i32
      %dma_start3A_104 = tpu.memref_slice %arg12[%add3A_86, %dma_start3A_103] : memref<10240x128xf32, #tpu.memory_space<vmem_shared>> -> memref<32x128xf32, #tpu.memory_space<vmem_shared>>
      tpu.enqueue_dma source(%arg11 : memref<32x128xf32, #tpu.memory_space<vmem>>) target(%dma_start3A_104 : memref<32x128xf32, #tpu.memory_space<vmem_shared>>) target_semaphore(%run_scoped3A : memref<!tpu.dma_semaphore, #tpu.memory_space<semaphore_mem>>)
      %dma_wait3A = arith.constant 0 : i32
      %dma_wait3A_105 = tpu.memref_slice %arg12[%add3A_86, %dma_wait3A] : memref<10240x128xf32, #tpu.memory_space<vmem_shared>> -> memref<32x128xf32, #tpu.memory_space<vmem_shared>>
      %dma_wait3A_106 = arith.constant 0 : i32
      %dma_wait3A_107 = tpu.memref_slice %arg12[%add3A_86, %dma_wait3A_106] : memref<10240x128xf32, #tpu.memory_space<vmem_shared>> -> memref<32x128xf32, #tpu.memory_space<vmem_shared>>
      tpu.wait_dma2 semaphore(%run_scoped3A : memref<!tpu.dma_semaphore, #tpu.memory_space<semaphore_mem>>) src(%arg11 : memref<32x128xf32, #tpu.memory_space<vmem>>) dst(%dma_wait3A_107 : memref<32x128xf32, #tpu.memory_space<vmem_shared>>)
      tpu.yield
    }) : () -> ()
    %barrier3A = arith.constant 0 : index
    tpu.barrier barrier_id(%barrier3A)
    %scan3A_87 = arith.constant 0 : i32
    %scan3A_88 = arith.constant 0 : i32
    %scan3A_89 = arith.constant 2 : i32
    %scan3A_90 = arith.addi %scan3A_88, %scan3A_89 : i32
    %scan3A_91 = arith.constant 1 : i32
    %scan3A_92 = scf.for %scan3A_102 = %scan3A_88 to %scan3A_90 step %scan3A_91 iter_args(%scan3A_103 = %scan3A_87) -> (i32)  : i32 {
      %mul3A_104 = arith.constant 80 : i32
      %mul3A_105 = arith.muli %add3A, %mul3A_104 : i32
      %mul3A_106 = arith.constant 40 : i32
      %mul3A_107 = arith.muli %scan3A_102, %mul3A_106 : i32
      %add3A_108 = arith.addi %mul3A_105, %mul3A_107 : i32
      "tpu.region"() ({
        %run_scoped3A = tpu.sem_alloc : memref<!tpu.dma_semaphore, #tpu.memory_space<semaphore_mem>>
        %dma_start3A_136 = arith.constant 0 : i32
        %dma_start3A_137 = tpu.memref_slice %arg3[%add3A_108, %dma_start3A_136] : memref<2560x125xi32, #tpu.memory_space<hbm>> -> memref<40x125xi32, #tpu.memory_space<hbm>>
        %dma_start3A_138 = arith.constant 0 : i32
        %dma_start3A_139 = tpu.memref_slice %arg3[%add3A_108, %dma_start3A_138] : memref<2560x125xi32, #tpu.memory_space<hbm>> -> memref<40x125xi32, #tpu.memory_space<hbm>>
        tpu.enqueue_dma source(%dma_start3A_139 : memref<40x125xi32, #tpu.memory_space<hbm>>) target(%arg7 : memref<40x125xi32, #tpu.memory_space<vmem>>) target_semaphore(%run_scoped3A : memref<!tpu.dma_semaphore, #tpu.memory_space<semaphore_mem>>)
        %dma_wait3A_140 = arith.constant 0 : i32
        %dma_wait3A_141 = tpu.memref_slice %arg3[%add3A_108, %dma_wait3A_140] : memref<2560x125xi32, #tpu.memory_space<hbm>> -> memref<40x125xi32, #tpu.memory_space<hbm>>
        %dma_wait3A_142 = arith.constant 0 : i32
        %dma_wait3A_143 = tpu.memref_slice %arg3[%add3A_108, %dma_wait3A_142] : memref<2560x125xi32, #tpu.memory_space<hbm>> -> memref<40x125xi32, #tpu.memory_space<hbm>>
        tpu.wait_dma2 semaphore(%run_scoped3A : memref<!tpu.dma_semaphore, #tpu.memory_space<semaphore_mem>>) src(%dma_wait3A_143 : memref<40x125xi32, #tpu.memory_space<hbm>>) dst(%arg7 : memref<40x125xi32, #tpu.memory_space<vmem>>)
        tpu.yield
      }) : () -> ()
      "tpu.region"() ({
        %run_scoped3A = tpu.sem_alloc : memref<!tpu.dma_semaphore, #tpu.memory_space<semaphore_mem>>
        %dma_start3A_136 = arith.constant 0 : i32
        %dma_start3A_137 = tpu.memref_slice %arg4[%add3A_108, %dma_start3A_136] : memref<2560x125xi32, #tpu.memory_space<hbm>> -> memref<40x125xi32, #tpu.memory_space<hbm>>
        %dma_start3A_138 = arith.constant 0 : i32
        %dma_start3A_139 = tpu.memref_slice %arg4[%add3A_108, %dma_start3A_138] : memref<2560x125xi32, #tpu.memory_space<hbm>> -> memref<40x125xi32, #tpu.memory_space<hbm>>
        tpu.enqueue_dma source(%dma_start3A_139 : memref<40x125xi32, #tpu.memory_space<hbm>>) target(%arg8 : memref<40x125xi32, #tpu.memory_space<vmem>>) target_semaphore(%run_scoped3A : memref<!tpu.dma_semaphore, #tpu.memory_space<semaphore_mem>>)
        %dma_wait3A_140 = arith.constant 0 : i32
        %dma_wait3A_141 = tpu.memref_slice %arg4[%add3A_108, %dma_wait3A_140] : memref<2560x125xi32, #tpu.memory_space<hbm>> -> memref<40x125xi32, #tpu.memory_space<hbm>>
        %dma_wait3A_142 = arith.constant 0 : i32
        %dma_wait3A_143 = tpu.memref_slice %arg4[%add3A_108, %dma_wait3A_142] : memref<2560x125xi32, #tpu.memory_space<hbm>> -> memref<40x125xi32, #tpu.memory_space<hbm>>
        tpu.wait_dma2 semaphore(%run_scoped3A : memref<!tpu.dma_semaphore, #tpu.memory_space<semaphore_mem>>) src(%dma_wait3A_143 : memref<40x125xi32, #tpu.memory_space<hbm>>) dst(%arg8 : memref<40x125xi32, #tpu.memory_space<vmem>>)
        tpu.yield
      }) : () -> ()
      %dma_start3A = arith.constant 0 : i32
      %dma_start3A_109 = arith.constant 0 : i32
      %dma_start3A_110 = tpu.memref_slice %arg7[%dma_start3A, %dma_start3A_109] : memref<40x125xi32, #tpu.memory_space<vmem>> -> memref<1x125xi32, #tpu.memory_space<vmem>>
      %dma_start3A_111 = tpu.memref_squeeze %dma_start3A_110 : memref<1x125xi32, #tpu.memory_space<vmem>> -> memref<125xi32, #tpu.memory_space<vmem>>
      %dma_start3A_112 = arith.constant 0 : i32
      %dma_start3A_113 = arith.constant 0 : i32
      %dma_start3A_114 = tpu.memref_slice %arg2[%dma_start3A_112, %dma_start3A_113] : memref<10240x128xf32, #tpu.memory_space<hbm>> -> memref<10240x128xf32, #tpu.memory_space<hbm>>
      tpu.enqueue_indirect_dma source(%dma_start3A_114 : memref<10240x128xf32, #tpu.memory_space<hbm>>) target(%arg9 : memref<125x128xf32, #tpu.memory_space<vmem>>) offsets(%dma_start3A_111 : memref<125xi32, #tpu.memory_space<vmem>>) semaphore(%arg13 : memref<!tpu.dma_semaphore, #tpu.memory_space<semaphore_mem>>)
      %scan3A_115 = arith.constant 0 : i32
      %scan3A_116 = arith.constant 0 : i32
      %scan3A_117 = arith.constant 40 : i32
      %scan3A_118 = arith.addi %scan3A_116, %scan3A_117 : i32
      %scan3A_119 = arith.constant 1 : i32
      %scan3A_120 = scf.for %scan3A_136 = %scan3A_116 to %scan3A_118 step %scan3A_119 iter_args(%scan3A_137 = %scan3A_115) -> (i32)  : i32 {
        %lt3A = arith.constant 39 : i32
        %lt3A_138 = arith.cmpi slt, %scan3A_136, %lt3A : i32
        %convert_element_type3A_139 = arith.extui %lt3A_138 : i1 to i32
        %cond3A_140 = arith.constant 0 : i32
        %cond3A_141 = arith.cmpi ne, %convert_element_type3A_139, %cond3A_140 : i32
        scf.if %cond3A_141 {
          %jit3A_180 = arith.constant 2 : i32
          %eq3A_181 = arith.constant 0 : i32
          %eq3A_182 = arith.cmpi eq, %jit3A_180, %eq3A_181 : i32
          %jit3A_183 = arith.constant 1 : i32
          %select_n3A_184 = arith.select %eq3A_182, %jit3A_183, %jit3A_180 : i32
          %rem3A_185 = arith.remsi %scan3A_136, %select_n3A_184 : i32
          %ne3A_186 = arith.constant 0 : i32
          %ne3A_187 = arith.cmpi ne, %rem3A_185, %ne3A_186 : i32
          %lt3A_188 = arith.constant 0 : i32
          %lt3A_189 = arith.cmpi slt, %rem3A_185, %lt3A_188 : i32
          %lt3A_190 = arith.constant 0 : i32
          %lt3A_191 = arith.cmpi slt, %select_n3A_184, %lt3A_190 : i32
          %ne3A_192 = arith.xori %lt3A_189, %lt3A_191 : i1
          %and3A_193 = arith.andi %ne3A_192, %ne3A_187 : i1
          %add3A_194 = arith.addi %rem3A_185, %select_n3A_184 : i32
          %select_n3A_195 = arith.select %and3A_193, %add3A_194, %rem3A_185 : i32
          %eq3A_196 = arith.constant 0 : i32
          %eq3A_197 = arith.cmpi eq, %select_n3A_195, %eq3A_196 : i32
          %convert_element_type3A_198 = arith.extui %eq3A_197 : i1 to i32
          %cond3A_199 = arith.constant 0 : i32
          %cond3A_200 = arith.cmpi ne, %convert_element_type3A_198, %cond3A_199 : i32
          scf.if %cond3A_200 {
            %gt3A = arith.constant 0 : i32
            %gt3A_222 = arith.cmpi sgt, %scan3A_136, %gt3A : i32
            %convert_element_type3A_223 = arith.extui %gt3A_222 : i1 to i32
            %cond3A_224 = arith.constant 0 : i32
            %cond3A_225 = arith.cmpi ne, %convert_element_type3A_223, %cond3A_224 : i32
            scf.if %cond3A_225 {
              %dma_wait3A_234 = arith.constant 0 : i32
              %dma_wait3A_235 = arith.constant 0 : i32
              %dma_wait3A_236 = tpu.memref_slice %arg8[%dma_wait3A_234, %dma_wait3A_235] : memref<40x125xi32, #tpu.memory_space<vmem>> -> memref<1x125xi32, #tpu.memory_space<vmem>>
              %dma_wait3A_237 = tpu.memref_squeeze %dma_wait3A_236 : memref<1x125xi32, #tpu.memory_space<vmem>> -> memref<125xi32, #tpu.memory_space<vmem>>
              %dma_wait3A_238 = arith.constant 0 : i32
              %dma_wait3A_239 = arith.constant 0 : i32
              %dma_wait3A_240 = tpu.memref_slice %arg12[%dma_wait3A_238, %dma_wait3A_239] : memref<10240x128xf32, #tpu.memory_space<vmem_shared>> -> memref<10240x128xf32, #tpu.memory_space<vmem_shared>>
              tpu.wait_indirect_dma semaphore(%arg16 : memref<!tpu.dma_semaphore, #tpu.memory_space<semaphore_mem>>) src(%arg10 : memref<125x128xf32, #tpu.memory_space<vmem>>) dst(%dma_wait3A_240 : memref<10240x128xf32, #tpu.memory_space<vmem_shared>>)
            } else {
            }
            %add3A_226 = arith.constant 1 : i32
            %add3A_227 = arith.addi %scan3A_136, %add3A_226 : i32
            %dma_start3A_228 = arith.constant 0 : i32
            %dma_start3A_229 = tpu.memref_slice %arg7[%add3A_227, %dma_start3A_228] : memref<40x125xi32, #tpu.memory_space<vmem>> -> memref<1x125xi32, #tpu.memory_space<vmem>>
            %dma_start3A_230 = tpu.memref_squeeze %dma_start3A_229 : memref<1x125xi32, #tpu.memory_space<vmem>> -> memref<125xi32, #tpu.memory_space<vmem>>
            %dma_start3A_231 = arith.constant 0 : i32
            %dma_start3A_232 = arith.constant 0 : i32
            %dma_start3A_233 = tpu.memref_slice %arg2[%dma_start3A_231, %dma_start3A_232] : memref<10240x128xf32, #tpu.memory_space<hbm>> -> memref<10240x128xf32, #tpu.memory_space<hbm>>
            tpu.enqueue_indirect_dma source(%dma_start3A_233 : memref<10240x128xf32, #tpu.memory_space<hbm>>) target(%arg10 : memref<125x128xf32, #tpu.memory_space<vmem>>) offsets(%dma_start3A_230 : memref<125xi32, #tpu.memory_space<vmem>>) semaphore(%arg14 : memref<!tpu.dma_semaphore, #tpu.memory_space<semaphore_mem>>)
          } else {
          }
          %jit3A_201 = arith.constant 2 : i32
          %eq3A_202 = arith.constant 0 : i32
          %eq3A_203 = arith.cmpi eq, %jit3A_201, %eq3A_202 : i32
          %jit3A_204 = arith.constant 1 : i32
          %select_n3A_205 = arith.select %eq3A_203, %jit3A_204, %jit3A_201 : i32
          %rem3A_206 = arith.remsi %scan3A_136, %select_n3A_205 : i32
          %ne3A_207 = arith.constant 0 : i32
          %ne3A_208 = arith.cmpi ne, %rem3A_206, %ne3A_207 : i32
          %lt3A_209 = arith.constant 0 : i32
          %lt3A_210 = arith.cmpi slt, %rem3A_206, %lt3A_209 : i32
          %lt3A_211 = arith.constant 0 : i32
          %lt3A_212 = arith.cmpi slt, %select_n3A_205, %lt3A_211 : i32
          %ne3A_213 = arith.xori %lt3A_210, %lt3A_212 : i1
          %and3A_214 = arith.andi %ne3A_213, %ne3A_208 : i1
          %add3A_215 = arith.addi %rem3A_206, %select_n3A_205 : i32
          %select_n3A_216 = arith.select %and3A_214, %add3A_215, %rem3A_206 : i32
          %eq3A_217 = arith.constant 1 : i32
          %eq3A_218 = arith.cmpi eq, %select_n3A_216, %eq3A_217 : i32
          %convert_element_type3A_219 = arith.extui %eq3A_218 : i1 to i32
          %cond3A_220 = arith.constant 0 : i32
          %cond3A_221 = arith.cmpi ne, %convert_element_type3A_219, %cond3A_220 : i32
          scf.if %cond3A_221 {
            %dma_wait3A_222 = arith.constant 0 : i32
            %dma_wait3A_223 = arith.constant 0 : i32
            %dma_wait3A_224 = tpu.memref_slice %arg8[%dma_wait3A_222, %dma_wait3A_223] : memref<40x125xi32, #tpu.memory_space<vmem>> -> memref<1x125xi32, #tpu.memory_space<vmem>>
            %dma_wait3A_225 = tpu.memref_squeeze %dma_wait3A_224 : memref<1x125xi32, #tpu.memory_space<vmem>> -> memref<125xi32, #tpu.memory_space<vmem>>
            %dma_wait3A_226 = arith.constant 0 : i32
            %dma_wait3A_227 = arith.constant 0 : i32
            %dma_wait3A_228 = tpu.memref_slice %arg12[%dma_wait3A_226, %dma_wait3A_227] : memref<10240x128xf32, #tpu.memory_space<vmem_shared>> -> memref<10240x128xf32, #tpu.memory_space<vmem_shared>>
            tpu.wait_indirect_dma semaphore(%arg15 : memref<!tpu.dma_semaphore, #tpu.memory_space<semaphore_mem>>) src(%arg9 : memref<125x128xf32, #tpu.memory_space<vmem>>) dst(%dma_wait3A_228 : memref<10240x128xf32, #tpu.memory_space<vmem_shared>>)
            %add3A_229 = arith.constant 1 : i32
            %add3A_230 = arith.addi %scan3A_136, %add3A_229 : i32
            %dma_start3A_231 = arith.constant 0 : i32
            %dma_start3A_232 = tpu.memref_slice %arg7[%add3A_230, %dma_start3A_231] : memref<40x125xi32, #tpu.memory_space<vmem>> -> memref<1x125xi32, #tpu.memory_space<vmem>>
            %dma_start3A_233 = tpu.memref_squeeze %dma_start3A_232 : memref<1x125xi32, #tpu.memory_space<vmem>> -> memref<125xi32, #tpu.memory_space<vmem>>
            %dma_start3A_234 = arith.constant 0 : i32
            %dma_start3A_235 = arith.constant 0 : i32
            %dma_start3A_236 = tpu.memref_slice %arg2[%dma_start3A_234, %dma_start3A_235] : memref<10240x128xf32, #tpu.memory_space<hbm>> -> memref<10240x128xf32, #tpu.memory_space<hbm>>
            tpu.enqueue_indirect_dma source(%dma_start3A_236 : memref<10240x128xf32, #tpu.memory_space<hbm>>) target(%arg9 : memref<125x128xf32, #tpu.memory_space<vmem>>) offsets(%dma_start3A_233 : memref<125xi32, #tpu.memory_space<vmem>>) semaphore(%arg13 : memref<!tpu.dma_semaphore, #tpu.memory_space<semaphore_mem>>)
          } else {
          }
        } else {
        }
        %jit3A = arith.constant 2 : i32
        %eq3A_142 = arith.constant 0 : i32
        %eq3A_143 = arith.cmpi eq, %jit3A, %eq3A_142 : i32
        %jit3A_144 = arith.constant 1 : i32
        %select_n3A = arith.select %eq3A_143, %jit3A_144, %jit3A : i32
        %rem3A = arith.remsi %scan3A_136, %select_n3A : i32
        %ne3A = arith.constant 0 : i32
        %ne3A_145 = arith.cmpi ne, %rem3A, %ne3A : i32
        %lt3A_146 = arith.constant 0 : i32
        %lt3A_147 = arith.cmpi slt, %rem3A, %lt3A_146 : i32
        %lt3A_148 = arith.constant 0 : i32
        %lt3A_149 = arith.cmpi slt, %select_n3A, %lt3A_148 : i32
        %ne3A_150 = arith.xori %lt3A_147, %lt3A_149 : i1
        %and3A = arith.andi %ne3A_150, %ne3A_145 : i1
        %add3A_151 = arith.addi %rem3A, %select_n3A : i32
        %select_n3A_152 = arith.select %and3A, %add3A_151, %rem3A : i32
        %eq3A_153 = arith.constant 0 : i32
        %eq3A_154 = arith.cmpi eq, %select_n3A_152, %eq3A_153 : i32
        %convert_element_type3A_155 = arith.extui %eq3A_154 : i1 to i32
        %cond3A_156 = arith.constant 0 : i32
        %cond3A_157 = arith.cmpi ne, %convert_element_type3A_155, %cond3A_156 : i32
        scf.if %cond3A_157 {
          %dma_wait3A_180 = arith.constant 0 : i32
          %dma_wait3A_181 = tpu.memref_slice %arg7[%scan3A_136, %dma_wait3A_180] : memref<40x125xi32, #tpu.memory_space<vmem>> -> memref<1x125xi32, #tpu.memory_space<vmem>>
          %dma_wait3A_182 = tpu.memref_squeeze %dma_wait3A_181 : memref<1x125xi32, #tpu.memory_space<vmem>> -> memref<125xi32, #tpu.memory_space<vmem>>
          %dma_wait3A_183 = arith.constant 0 : i32
          %dma_wait3A_184 = arith.constant 0 : i32
          %dma_wait3A_185 = tpu.memref_slice %arg2[%dma_wait3A_183, %dma_wait3A_184] : memref<10240x128xf32, #tpu.memory_space<hbm>> -> memref<10240x128xf32, #tpu.memory_space<hbm>>
          tpu.wait_indirect_dma semaphore(%arg13 : memref<!tpu.dma_semaphore, #tpu.memory_space<semaphore_mem>>) src(%dma_wait3A_185 : memref<10240x128xf32, #tpu.memory_space<hbm>>) dst(%arg9 : memref<125x128xf32, #tpu.memory_space<vmem>>)
          %dma_start3A_186 = arith.constant 0 : i32
          %dma_start3A_187 = tpu.memref_slice %arg8[%scan3A_136, %dma_start3A_186] : memref<40x125xi32, #tpu.memory_space<vmem>> -> memref<1x125xi32, #tpu.memory_space<vmem>>
          %dma_start3A_188 = tpu.memref_squeeze %dma_start3A_187 : memref<1x125xi32, #tpu.memory_space<vmem>> -> memref<125xi32, #tpu.memory_space<vmem>>
          %dma_start3A_189 = arith.constant 0 : i32
          %dma_start3A_190 = arith.constant 0 : i32
          %dma_start3A_191 = tpu.memref_slice %arg12[%dma_start3A_189, %dma_start3A_190] : memref<10240x128xf32, #tpu.memory_space<vmem_shared>> -> memref<10240x128xf32, #tpu.memory_space<vmem_shared>>
          tpu.enqueue_indirect_dma source(%arg9 : memref<125x128xf32, #tpu.memory_space<vmem>>) target(%dma_start3A_191 : memref<10240x128xf32, #tpu.memory_space<vmem_shared>>) offsets(%dma_start3A_188 : memref<125xi32, #tpu.memory_space<vmem>>) semaphore(%arg15 : memref<!tpu.dma_semaphore, #tpu.memory_space<semaphore_mem>>) {add = true}
        } else {
        }
        %jit3A_158 = arith.constant 2 : i32
        %eq3A_159 = arith.constant 0 : i32
        %eq3A_160 = arith.cmpi eq, %jit3A_158, %eq3A_159 : i32
        %jit3A_161 = arith.constant 1 : i32
        %select_n3A_162 = arith.select %eq3A_160, %jit3A_161, %jit3A_158 : i32
        %rem3A_163 = arith.remsi %scan3A_136, %select_n3A_162 : i32
        %ne3A_164 = arith.constant 0 : i32
        %ne3A_165 = arith.cmpi ne, %rem3A_163, %ne3A_164 : i32
        %lt3A_166 = arith.constant 0 : i32
        %lt3A_167 = arith.cmpi slt, %rem3A_163, %lt3A_166 : i32
        %lt3A_168 = arith.constant 0 : i32
        %lt3A_169 = arith.cmpi slt, %select_n3A_162, %lt3A_168 : i32
        %ne3A_170 = arith.xori %lt3A_167, %lt3A_169 : i1
        %and3A_171 = arith.andi %ne3A_170, %ne3A_165 : i1
        %add3A_172 = arith.addi %rem3A_163, %select_n3A_162 : i32
        %select_n3A_173 = arith.select %and3A_171, %add3A_172, %rem3A_163 : i32
        %eq3A_174 = arith.constant 1 : i32
        %eq3A_175 = arith.cmpi eq, %select_n3A_173, %eq3A_174 : i32
        %convert_element_type3A_176 = arith.extui %eq3A_175 : i1 to i32
        %cond3A_177 = arith.constant 0 : i32
        %cond3A_178 = arith.cmpi ne, %convert_element_type3A_176, %cond3A_177 : i32
        scf.if %cond3A_178 {
          %dma_wait3A_180 = arith.constant 0 : i32
          %dma_wait3A_181 = tpu.memref_slice %arg7[%scan3A_136, %dma_wait3A_180] : memref<40x125xi32, #tpu.memory_space<vmem>> -> memref<1x125xi32, #tpu.memory_space<vmem>>
          %dma_wait3A_182 = tpu.memref_squeeze %dma_wait3A_181 : memref<1x125xi32, #tpu.memory_space<vmem>> -> memref<125xi32, #tpu.memory_space<vmem>>
          %dma_wait3A_183 = arith.constant 0 : i32
          %dma_wait3A_184 = arith.constant 0 : i32
          %dma_wait3A_185 = tpu.memref_slice %arg2[%dma_wait3A_183, %dma_wait3A_184] : memref<10240x128xf32, #tpu.memory_space<hbm>> -> memref<10240x128xf32, #tpu.memory_space<hbm>>
          tpu.wait_indirect_dma semaphore(%arg14 : memref<!tpu.dma_semaphore, #tpu.memory_space<semaphore_mem>>) src(%dma_wait3A_185 : memref<10240x128xf32, #tpu.memory_space<hbm>>) dst(%arg10 : memref<125x128xf32, #tpu.memory_space<vmem>>)
          %dma_start3A_186 = arith.constant 0 : i32
          %dma_start3A_187 = tpu.memref_slice %arg8[%scan3A_136, %dma_start3A_186] : memref<40x125xi32, #tpu.memory_space<vmem>> -> memref<1x125xi32, #tpu.memory_space<vmem>>
          %dma_start3A_188 = tpu.memref_squeeze %dma_start3A_187 : memref<1x125xi32, #tpu.memory_space<vmem>> -> memref<125xi32, #tpu.memory_space<vmem>>
          %dma_start3A_189 = arith.constant 0 : i32
          %dma_start3A_190 = arith.constant 0 : i32
          %dma_start3A_191 = tpu.memref_slice %arg12[%dma_start3A_189, %dma_start3A_190] : memref<10240x128xf32, #tpu.memory_space<vmem_shared>> -> memref<10240x128xf32, #tpu.memory_space<vmem_shared>>
          tpu.enqueue_indirect_dma source(%arg10 : memref<125x128xf32, #tpu.memory_space<vmem>>) target(%dma_start3A_191 : memref<10240x128xf32, #tpu.memory_space<vmem_shared>>) offsets(%dma_start3A_188 : memref<125xi32, #tpu.memory_space<vmem>>) semaphore(%arg16 : memref<!tpu.dma_semaphore, #tpu.memory_space<semaphore_mem>>) {add = true}
        } else {
        }
        %scan3A_179 = arith.constant 0 : i32
        scf.yield %scan3A_179 : i32
      }
      %scan3A_121 = arith.constant 40 : i32
      %dma_wait3A = arith.constant 0 : i32
      %dma_wait3A_122 = arith.constant 0 : i32
      %dma_wait3A_123 = tpu.memref_slice %arg8[%dma_wait3A, %dma_wait3A_122] : memref<40x125xi32, #tpu.memory_space<vmem>> -> memref<1x125xi32, #tpu.memory_space<vmem>>
      %dma_wait3A_124 = tpu.memref_squeeze %dma_wait3A_123 : memref<1x125xi32, #tpu.memory_space<vmem>> -> memref<125xi32, #tpu.memory_space<vmem>>
      %dma_wait3A_125 = arith.constant 0 : i32
      %dma_wait3A_126 = arith.constant 0 : i32
      %dma_wait3A_127 = tpu.memref_slice %arg12[%dma_wait3A_125, %dma_wait3A_126] : memref<10240x128xf32, #tpu.memory_space<vmem_shared>> -> memref<10240x128xf32, #tpu.memory_space<vmem_shared>>
      tpu.wait_indirect_dma semaphore(%arg15 : memref<!tpu.dma_semaphore, #tpu.memory_space<semaphore_mem>>) src(%arg9 : memref<125x128xf32, #tpu.memory_space<vmem>>) dst(%dma_wait3A_127 : memref<10240x128xf32, #tpu.memory_space<vmem_shared>>)
      %dma_wait3A_128 = arith.constant 0 : i32
      %dma_wait3A_129 = arith.constant 0 : i32
      %dma_wait3A_130 = tpu.memref_slice %arg8[%dma_wait3A_128, %dma_wait3A_129] : memref<40x125xi32, #tpu.memory_space<vmem>> -> memref<1x125xi32, #tpu.memory_space<vmem>>
      %dma_wait3A_131 = tpu.memref_squeeze %dma_wait3A_130 : memref<1x125xi32, #tpu.memory_space<vmem>> -> memref<125xi32, #tpu.memory_space<vmem>>
      %dma_wait3A_132 = arith.constant 0 : i32
      %dma_wait3A_133 = arith.constant 0 : i32
      %dma_wait3A_134 = tpu.memref_slice %arg12[%dma_wait3A_132, %dma_wait3A_133] : memref<10240x128xf32, #tpu.memory_space<vmem_shared>> -> memref<10240x128xf32, #tpu.memory_space<vmem_shared>>
      tpu.wait_indirect_dma semaphore(%arg16 : memref<!tpu.dma_semaphore, #tpu.memory_space<semaphore_mem>>) src(%arg10 : memref<125x128xf32, #tpu.memory_space<vmem>>) dst(%dma_wait3A_134 : memref<10240x128xf32, #tpu.memory_space<vmem_shared>>)
      %scan3A_135 = arith.constant 0 : i32
      scf.yield %scan3A_135 : i32
    }
    %scan3A_93 = arith.constant 2 : i32
    %barrier3A_94 = arith.constant 0 : index
    tpu.barrier barrier_id(%barrier3A_94)
    %eq3A = arith.constant 0 : i32
    %eq3A_95 = arith.cmpi eq, %arg0, %eq3A : i32
    %convert_element_type3A = arith.extui %eq3A_95 : i1 to i32
    %cond3A = arith.constant 0 : i32
    %cond3A_96 = arith.cmpi ne, %convert_element_type3A, %cond3A : i32
    scf.if %cond3A_96 {
      %mul3A_102 = arith.constant 640 : i32
      %mul3A_103 = arith.muli %arg1, %mul3A_102 : i32
      %mul3A_104 = arith.constant 640 : i32
      %mul3A_105 = arith.muli %arg1, %mul3A_104 : i32
      "tpu.region"() ({
        %run_scoped3A = tpu.sem_alloc : memref<!tpu.dma_semaphore, #tpu.memory_space<semaphore_mem>>
        %dma_start3A = arith.constant 0 : i32
        %dma_start3A_106 = tpu.memref_slice %arg5[%mul3A_105, %dma_start3A] : memref<10240x128xf32, #tpu.memory_space<hbm>> -> memref<640x128xf32, #tpu.memory_space<hbm>>
        %dma_start3A_107 = arith.constant 0 : i32
        %dma_start3A_108 = tpu.memref_slice %arg12[%mul3A_103, %dma_start3A_107] : memref<10240x128xf32, #tpu.memory_space<vmem_shared>> -> memref<640x128xf32, #tpu.memory_space<vmem_shared>>
        tpu.enqueue_dma source(%dma_start3A_108 : memref<640x128xf32, #tpu.memory_space<vmem_shared>>) target(%dma_start3A_106 : memref<640x128xf32, #tpu.memory_space<hbm>>) target_semaphore(%run_scoped3A : memref<!tpu.dma_semaphore, #tpu.memory_space<semaphore_mem>>)
        %dma_wait3A = arith.constant 0 : i32
        %dma_wait3A_109 = tpu.memref_slice %arg5[%mul3A_105, %dma_wait3A] : memref<10240x128xf32, #tpu.memory_space<hbm>> -> memref<640x128xf32, #tpu.memory_space<hbm>>
        %dma_wait3A_110 = arith.constant 0 : i32
        %dma_wait3A_111 = tpu.memref_slice %arg12[%mul3A_103, %dma_wait3A_110] : memref<10240x128xf32, #tpu.memory_space<vmem_shared>> -> memref<640x128xf32, #tpu.memory_space<vmem_shared>>
        tpu.wait_dma2 semaphore(%run_scoped3A : memref<!tpu.dma_semaphore, #tpu.memory_space<semaphore_mem>>) src(%dma_wait3A_111 : memref<640x128xf32, #tpu.memory_space<vmem_shared>>) dst(%dma_wait3A_109 : memref<640x128xf32, #tpu.memory_space<hbm>>)
        tpu.yield
      }) : () -> ()
    } else {
    }
    %eq3A_97 = arith.constant 1 : i32
    %eq3A_98 = arith.cmpi eq, %arg0, %eq3A_97 : i32
    %convert_element_type3A_99 = arith.extui %eq3A_98 : i1 to i32
    %cond3A_100 = arith.constant 0 : i32
    %cond3A_101 = arith.cmpi ne, %convert_element_type3A_99, %cond3A_100 : i32
    scf.if %cond3A_101 {
      %mul3A_102 = arith.constant 640 : i32
      %mul3A_103 = arith.muli %arg1, %mul3A_102 : i32
      %mul3A_104 = arith.constant 640 : i32
      %mul3A_105 = arith.muli %arg1, %mul3A_104 : i32
      "tpu.region"() ({
        %run_scoped3A = tpu.sem_alloc : memref<!tpu.dma_semaphore, #tpu.memory_space<semaphore_mem>>
        %dma_start3A = arith.constant 0 : i32
        %dma_start3A_106 = tpu.memref_slice %arg6[%mul3A_105, %dma_start3A] : memref<10240x128xf32, #tpu.memory_space<hbm>> -> memref<640x128xf32, #tpu.memory_space<hbm>>
        %dma_start3A_107 = arith.constant 0 : i32
        %dma_start3A_108 = tpu.memref_slice %arg12[%mul3A_103, %dma_start3A_107] : memref<10240x128xf32, #tpu.memory_space<vmem_shared>> -> memref<640x128xf32, #tpu.memory_space<vmem_shared>>
        tpu.enqueue_dma source(%dma_start3A_108 : memref<640x128xf32, #tpu.memory_space<vmem_shared>>) target(%dma_start3A_106 : memref<640x128xf32, #tpu.memory_space<hbm>>) target_semaphore(%run_scoped3A : memref<!tpu.dma_semaphore, #tpu.memory_space<semaphore_mem>>)
        %dma_wait3A = arith.constant 0 : i32
        %dma_wait3A_109 = tpu.memref_slice %arg6[%mul3A_105, %dma_wait3A] : memref<10240x128xf32, #tpu.memory_space<hbm>> -> memref<640x128xf32, #tpu.memory_space<hbm>>
        %dma_wait3A_110 = arith.constant 0 : i32
        %dma_wait3A_111 = tpu.memref_slice %arg12[%mul3A_103, %dma_wait3A_110] : memref<10240x128xf32, #tpu.memory_space<vmem_shared>> -> memref<640x128xf32, #tpu.memory_space<vmem_shared>>
        tpu.wait_dma2 semaphore(%run_scoped3A : memref<!tpu.dma_semaphore, #tpu.memory_space<semaphore_mem>>) src(%dma_wait3A_111 : memref<640x128xf32, #tpu.memory_space<vmem_shared>>) dst(%dma_wait3A_109 : memref<640x128xf32, #tpu.memory_space<hbm>>)
        tpu.yield
      }) : () -> ()
    } else {
    }
    return
  }
}

#map = affine_map<(d0, d1) -> (0)>
#map1 = affine_map<(d0, d1) -> (0, 0)>
module attributes {stable_mosaic.version = 14 : i64} {
  func.func @k(%arg0: i32, %arg1: i32, %arg2: memref<320000xi32, #tpu.memory_space<hbm>>, %arg3: memref<320000xi32, #tpu.memory_space<hbm>>, %arg4: memref<10240xf32, #tpu.memory_space<hbm>>, %arg5: memref<10240xf32, #tpu.memory_space<hbm>>, %arg6: memref<320000xf32, #tpu.memory_space<hbm>>, %arg7: memref<320000xf32, #tpu.memory_space<hbm>>, %arg8: memref<320000xf32, #tpu.memory_space<hbm>>, %arg9: memref<320000xf32, #tpu.memory_space<hbm>>, %arg10: memref<4x128xf32, #tpu.memory_space<hbm>>, %arg11: memref<256xf32, #tpu.memory_space<hbm>>, %arg12: memref<128xf32, #tpu.memory_space<hbm>>, %arg13: memref<128xf32, #tpu.memory_space<hbm>>, %arg14: memref<16xf32, #tpu.memory_space<hbm>>, %arg15: memref<320000xf32, #tpu.memory_space<hbm>>, %arg16: memref<!tpu.dma_semaphore, #tpu.memory_space<semaphore_mem>>, %arg17: memref<10240xf32, #tpu.memory_space<vmem>>, %arg18: memref<10240xf32, #tpu.memory_space<vmem>>, %arg19: memref<10240xf32, #tpu.memory_space<vmem>>, %arg20: memref<2000xi32, #tpu.memory_space<vmem>>, %arg21: memref<2000xi32, #tpu.memory_space<vmem>>, %arg22: memref<10000xi32, #tpu.memory_space<vmem>>, %arg23: memref<10000xf32, #tpu.memory_space<vmem>>, %arg24: memref<10000xf32, #tpu.memory_space<vmem>>, %arg25: memref<10000xf32, #tpu.memory_space<vmem>>, %arg26: memref<10000xf32, #tpu.memory_space<vmem>>, %arg27: memref<10000xf32, #tpu.memory_space<vmem>>, %arg28: memref<640xf32, #tpu.memory_space<vmem>>, %arg29: memref<640xf32, #tpu.memory_space<vmem>>, %arg30: memref<256xf32, #tpu.memory_space<vmem>>, %arg31: memref<4x128xf32, #tpu.memory_space<vmem>>, %arg32: memref<128xf32, #tpu.memory_space<vmem>>, %arg33: memref<128xf32, #tpu.memory_space<vmem>>, %arg34: memref<16xf32, #tpu.memory_space<vmem>>, %arg35: memref<16x10240xf32, #tpu.memory_space<vmem_shared>>, %arg36: memref<10240xf32, #tpu.memory_space<vmem_shared>>) attributes {dimension_semantics = [#tpu.dimension_semantics<core_parallel>, #tpu.dimension_semantics<subcore_parallel>], iteration_bounds = array<i64: 2, 16>, scalar_prefetch = 0 : i64, scratch_operands = 21 : i64, tpu.core_type = #tpu.core_type<sc_vector_subcore>, window_params = [{transform_indices = #map}, {transform_indices = #map}, {transform_indices = #map}, {transform_indices = #map}, {transform_indices = #map}, {transform_indices = #map}, {transform_indices = #map}, {transform_indices = #map}, {transform_indices = #map1}, {transform_indices = #map}, {transform_indices = #map}, {transform_indices = #map}, {transform_indices = #map}, {transform_indices = #map}]} {
    %mul3A = arith.constant 16 : i32
    %mul3A_0 = arith.muli %arg0, %mul3A : i32
    %add3A = arith.addi %mul3A_0, %arg1 : i32
    %mul3A_1 = arith.constant 10000 : i32
    %mul3A_2 = arith.muli %add3A, %mul3A_1 : i32
    %dma_start3A = tpu.memref_slice %arg2[%mul3A_2] : memref<320000xi32, #tpu.memory_space<hbm>> -> memref<10000xi32, #tpu.memory_space<hbm>>
    %dma_start3A_3 = tpu.memref_slice %arg2[%mul3A_2] : memref<320000xi32, #tpu.memory_space<hbm>> -> memref<10000xi32, #tpu.memory_space<hbm>>
    tpu.enqueue_dma source(%dma_start3A_3 : memref<10000xi32, #tpu.memory_space<hbm>>) target(%arg22 : memref<10000xi32, #tpu.memory_space<vmem>>) target_semaphore(%arg16 : memref<!tpu.dma_semaphore, #tpu.memory_space<semaphore_mem>>)
    %dma_start3A_4 = tpu.memref_slice %arg6[%mul3A_2] : memref<320000xf32, #tpu.memory_space<hbm>> -> memref<10000xf32, #tpu.memory_space<hbm>>
    %dma_start3A_5 = tpu.memref_slice %arg6[%mul3A_2] : memref<320000xf32, #tpu.memory_space<hbm>> -> memref<10000xf32, #tpu.memory_space<hbm>>
    tpu.enqueue_dma source(%dma_start3A_5 : memref<10000xf32, #tpu.memory_space<hbm>>) target(%arg23 : memref<10000xf32, #tpu.memory_space<vmem>>) target_semaphore(%arg16 : memref<!tpu.dma_semaphore, #tpu.memory_space<semaphore_mem>>)
    %dma_start3A_6 = tpu.memref_slice %arg7[%mul3A_2] : memref<320000xf32, #tpu.memory_space<hbm>> -> memref<10000xf32, #tpu.memory_space<hbm>>
    %dma_start3A_7 = tpu.memref_slice %arg7[%mul3A_2] : memref<320000xf32, #tpu.memory_space<hbm>> -> memref<10000xf32, #tpu.memory_space<hbm>>
    tpu.enqueue_dma source(%dma_start3A_7 : memref<10000xf32, #tpu.memory_space<hbm>>) target(%arg24 : memref<10000xf32, #tpu.memory_space<vmem>>) target_semaphore(%arg16 : memref<!tpu.dma_semaphore, #tpu.memory_space<semaphore_mem>>)
    %dma_start3A_8 = tpu.memref_slice %arg8[%mul3A_2] : memref<320000xf32, #tpu.memory_space<hbm>> -> memref<10000xf32, #tpu.memory_space<hbm>>
    %dma_start3A_9 = tpu.memref_slice %arg8[%mul3A_2] : memref<320000xf32, #tpu.memory_space<hbm>> -> memref<10000xf32, #tpu.memory_space<hbm>>
    tpu.enqueue_dma source(%dma_start3A_9 : memref<10000xf32, #tpu.memory_space<hbm>>) target(%arg25 : memref<10000xf32, #tpu.memory_space<vmem>>) target_semaphore(%arg16 : memref<!tpu.dma_semaphore, #tpu.memory_space<semaphore_mem>>)
    %dma_start3A_10 = tpu.memref_slice %arg9[%mul3A_2] : memref<320000xf32, #tpu.memory_space<hbm>> -> memref<10000xf32, #tpu.memory_space<hbm>>
    %dma_start3A_11 = tpu.memref_slice %arg9[%mul3A_2] : memref<320000xf32, #tpu.memory_space<hbm>> -> memref<10000xf32, #tpu.memory_space<hbm>>
    tpu.enqueue_dma source(%dma_start3A_11 : memref<10000xf32, #tpu.memory_space<hbm>>) target(%arg26 : memref<10000xf32, #tpu.memory_space<vmem>>) target_semaphore(%arg16 : memref<!tpu.dma_semaphore, #tpu.memory_space<semaphore_mem>>)
    "tpu.region"() ({
      %run_scoped3A_615 = tpu.sem_alloc : memref<!tpu.dma_semaphore, #tpu.memory_space<semaphore_mem>>
      tpu.enqueue_dma source(%arg4 : memref<10240xf32, #tpu.memory_space<hbm>>) target(%arg17 : memref<10240xf32, #tpu.memory_space<vmem>>) target_semaphore(%run_scoped3A_615 : memref<!tpu.dma_semaphore, #tpu.memory_space<semaphore_mem>>)
      tpu.wait_dma2 semaphore(%run_scoped3A_615 : memref<!tpu.dma_semaphore, #tpu.memory_space<semaphore_mem>>) src(%arg4 : memref<10240xf32, #tpu.memory_space<hbm>>) dst(%arg17 : memref<10240xf32, #tpu.memory_space<vmem>>)
      tpu.yield
    }) : () -> ()
    "tpu.region"() ({
      %run_scoped3A_615 = tpu.sem_alloc : memref<!tpu.dma_semaphore, #tpu.memory_space<semaphore_mem>>
      tpu.enqueue_dma source(%arg11 : memref<256xf32, #tpu.memory_space<hbm>>) target(%arg30 : memref<256xf32, #tpu.memory_space<vmem>>) target_semaphore(%run_scoped3A_615 : memref<!tpu.dma_semaphore, #tpu.memory_space<semaphore_mem>>)
      tpu.wait_dma2 semaphore(%run_scoped3A_615 : memref<!tpu.dma_semaphore, #tpu.memory_space<semaphore_mem>>) src(%arg11 : memref<256xf32, #tpu.memory_space<hbm>>) dst(%arg30 : memref<256xf32, #tpu.memory_space<vmem>>)
      tpu.yield
    }) : () -> ()
    "tpu.region"() ({
      %run_scoped3A_615 = tpu.sem_alloc : memref<!tpu.dma_semaphore, #tpu.memory_space<semaphore_mem>>
      tpu.enqueue_dma source(%arg10 : memref<4x128xf32, #tpu.memory_space<hbm>>) target(%arg31 : memref<4x128xf32, #tpu.memory_space<vmem>>) target_semaphore(%run_scoped3A_615 : memref<!tpu.dma_semaphore, #tpu.memory_space<semaphore_mem>>)
      tpu.wait_dma2 semaphore(%run_scoped3A_615 : memref<!tpu.dma_semaphore, #tpu.memory_space<semaphore_mem>>) src(%arg10 : memref<4x128xf32, #tpu.memory_space<hbm>>) dst(%arg31 : memref<4x128xf32, #tpu.memory_space<vmem>>)
      tpu.yield
    }) : () -> ()
    "tpu.region"() ({
      %run_scoped3A_615 = tpu.sem_alloc : memref<!tpu.dma_semaphore, #tpu.memory_space<semaphore_mem>>
      tpu.enqueue_dma source(%arg12 : memref<128xf32, #tpu.memory_space<hbm>>) target(%arg32 : memref<128xf32, #tpu.memory_space<vmem>>) target_semaphore(%run_scoped3A_615 : memref<!tpu.dma_semaphore, #tpu.memory_space<semaphore_mem>>)
      tpu.wait_dma2 semaphore(%run_scoped3A_615 : memref<!tpu.dma_semaphore, #tpu.memory_space<semaphore_mem>>) src(%arg12 : memref<128xf32, #tpu.memory_space<hbm>>) dst(%arg32 : memref<128xf32, #tpu.memory_space<vmem>>)
      tpu.yield
    }) : () -> ()
    "tpu.region"() ({
      %run_scoped3A_615 = tpu.sem_alloc : memref<!tpu.dma_semaphore, #tpu.memory_space<semaphore_mem>>
      tpu.enqueue_dma source(%arg13 : memref<128xf32, #tpu.memory_space<hbm>>) target(%arg33 : memref<128xf32, #tpu.memory_space<vmem>>) target_semaphore(%run_scoped3A_615 : memref<!tpu.dma_semaphore, #tpu.memory_space<semaphore_mem>>)
      tpu.wait_dma2 semaphore(%run_scoped3A_615 : memref<!tpu.dma_semaphore, #tpu.memory_space<semaphore_mem>>) src(%arg13 : memref<128xf32, #tpu.memory_space<hbm>>) dst(%arg33 : memref<128xf32, #tpu.memory_space<vmem>>)
      tpu.yield
    }) : () -> ()
    "tpu.region"() ({
      %run_scoped3A_615 = tpu.sem_alloc : memref<!tpu.dma_semaphore, #tpu.memory_space<semaphore_mem>>
      tpu.enqueue_dma source(%arg14 : memref<16xf32, #tpu.memory_space<hbm>>) target(%arg34 : memref<16xf32, #tpu.memory_space<vmem>>) target_semaphore(%run_scoped3A_615 : memref<!tpu.dma_semaphore, #tpu.memory_space<semaphore_mem>>)
      tpu.wait_dma2 semaphore(%run_scoped3A_615 : memref<!tpu.dma_semaphore, #tpu.memory_space<semaphore_mem>>) src(%arg14 : memref<16xf32, #tpu.memory_space<hbm>>) dst(%arg34 : memref<16xf32, #tpu.memory_space<vmem>>)
      tpu.yield
    }) : () -> ()
    %broadcast_in_dim3A = arith.constant 0.000000e+00 : f32
    %broadcast_in_dim3A_12 = vector.broadcast %broadcast_in_dim3A : f32 to vector<16xf32>
    %scan3A = arith.constant 0 : i32
    %scan3A_13 = arith.constant 0 : i32
    %scan3A_14 = arith.constant 640 : i32
    %scan3A_15 = arith.addi %scan3A_13, %scan3A_14 : i32
    %scan3A_16 = arith.constant 1 : i32
    %scan3A_17 = scf.for %scan3A_615 = %scan3A_13 to %scan3A_15 step %scan3A_16 iter_args(%scan3A_616 = %scan3A) -> (i32)  : i32 {
      %mul3A_617 = arith.constant 16 : i32
      %mul3A_618 = arith.muli %scan3A_615, %mul3A_617 : i32
      %swap3A = arith.index_cast %mul3A_618 : i32 to index
      %swap3A_619 = tpu.vector_load %arg19[%swap3A] {strides = array<i32>} : memref<10240xf32, #tpu.memory_space<vmem>>, vector<16xf32>,
      tpu.vector_store %arg19[%swap3A], %broadcast_in_dim3A_12 {strides = array<i32>} : memref<10240xf32, #tpu.memory_space<vmem>>, vector<16xf32>,
      %scan3A_620 = arith.constant 0 : i32
      scf.yield %scan3A_620 : i32
    }
    %scan3A_18 = arith.constant 640 : i32
    %scan3A_19 = arith.constant 0 : i32
    %scan3A_20 = arith.constant 0 : i32
    %scan3A_21 = arith.constant 10 : i32
    %scan3A_22 = arith.addi %scan3A_20, %scan3A_21 : i32
    %scan3A_23 = arith.constant 1 : i32
    %scan3A_24 = scf.for %scan3A_615 = %scan3A_20 to %scan3A_22 step %scan3A_23 iter_args(%scan3A_616 = %scan3A_19) -> (i32)  : i32 {
      %mul3A_617 = arith.constant 20000 : i32
      %mul3A_618 = arith.muli %arg1, %mul3A_617 : i32
      %mul3A_619 = arith.constant 2000 : i32
      %mul3A_620 = arith.muli %scan3A_615, %mul3A_619 : i32
      %add3A_621 = arith.addi %mul3A_618, %mul3A_620 : i32
      "tpu.region"() ({
        %run_scoped3A_630 = tpu.sem_alloc : memref<!tpu.dma_semaphore, #tpu.memory_space<semaphore_mem>>
        %dma_start3A_631 = tpu.memref_slice %arg2[%add3A_621] : memref<320000xi32, #tpu.memory_space<hbm>> -> memref<2000xi32, #tpu.memory_space<hbm>>
        %dma_start3A_632 = tpu.memref_slice %arg2[%add3A_621] : memref<320000xi32, #tpu.memory_space<hbm>> -> memref<2000xi32, #tpu.memory_space<hbm>>
        tpu.enqueue_dma source(%dma_start3A_632 : memref<2000xi32, #tpu.memory_space<hbm>>) target(%arg20 : memref<2000xi32, #tpu.memory_space<vmem>>) target_semaphore(%run_scoped3A_630 : memref<!tpu.dma_semaphore, #tpu.memory_space<semaphore_mem>>)
        %dma_wait3A_633 = tpu.memref_slice %arg2[%add3A_621] : memref<320000xi32, #tpu.memory_space<hbm>> -> memref<2000xi32, #tpu.memory_space<hbm>>
        %dma_wait3A_634 = tpu.memref_slice %arg2[%add3A_621] : memref<320000xi32, #tpu.memory_space<hbm>> -> memref<2000xi32, #tpu.memory_space<hbm>>
        tpu.wait_dma2 semaphore(%run_scoped3A_630 : memref<!tpu.dma_semaphore, #tpu.memory_space<semaphore_mem>>) src(%dma_wait3A_634 : memref<2000xi32, #tpu.memory_space<hbm>>) dst(%arg20 : memref<2000xi32, #tpu.memory_space<vmem>>)
        tpu.yield
      }) : () -> ()
      "tpu.region"() ({
        %run_scoped3A_630 = tpu.sem_alloc : memref<!tpu.dma_semaphore, #tpu.memory_space<semaphore_mem>>
        %dma_start3A_631 = tpu.memref_slice %arg3[%add3A_621] : memref<320000xi32, #tpu.memory_space<hbm>> -> memref<2000xi32, #tpu.memory_space<hbm>>
        %dma_start3A_632 = tpu.memref_slice %arg3[%add3A_621] : memref<320000xi32, #tpu.memory_space<hbm>> -> memref<2000xi32, #tpu.memory_space<hbm>>
        tpu.enqueue_dma source(%dma_start3A_632 : memref<2000xi32, #tpu.memory_space<hbm>>) target(%arg21 : memref<2000xi32, #tpu.memory_space<vmem>>) target_semaphore(%run_scoped3A_630 : memref<!tpu.dma_semaphore, #tpu.memory_space<semaphore_mem>>)
        %dma_wait3A_633 = tpu.memref_slice %arg3[%add3A_621] : memref<320000xi32, #tpu.memory_space<hbm>> -> memref<2000xi32, #tpu.memory_space<hbm>>
        %dma_wait3A_634 = tpu.memref_slice %arg3[%add3A_621] : memref<320000xi32, #tpu.memory_space<hbm>> -> memref<2000xi32, #tpu.memory_space<hbm>>
        tpu.wait_dma2 semaphore(%run_scoped3A_630 : memref<!tpu.dma_semaphore, #tpu.memory_space<semaphore_mem>>) src(%dma_wait3A_634 : memref<2000xi32, #tpu.memory_space<hbm>>) dst(%arg21 : memref<2000xi32, #tpu.memory_space<vmem>>)
        tpu.yield
      }) : () -> ()
      %scan3A_622 = arith.constant 0 : i32
      %scan3A_623 = arith.constant 0 : i32
      %scan3A_624 = arith.constant 25 : i32
      %scan3A_625 = arith.addi %scan3A_623, %scan3A_624 : i32
      %scan3A_626 = arith.constant 1 : i32
      %scan3A_627 = scf.for %scan3A_630 = %scan3A_623 to %scan3A_625 step %scan3A_626 iter_args(%scan3A_631 = %scan3A_622) -> (i32)  : i32 {
        %mul3A_632 = arith.constant 5 : i32
        %mul3A_633 = arith.muli %scan3A_630, %mul3A_632 : i32
        %mul3A_634 = arith.constant 16 : i32
        %mul3A_635 = arith.muli %mul3A_633, %mul3A_634 : i32
        %add3A_636 = arith.constant 0 : i32
        %add3A_637 = arith.addi %mul3A_635, %add3A_636 : i32
        %get3A_638 = arith.index_cast %add3A_637 : i32 to index
        %get3A_639 = tpu.vector_load %arg20[%get3A_638] {strides = array<i32>} : memref<2000xi32, #tpu.memory_space<vmem>>, vector<16xi32>,
        %gather3A = tpu.vector_load_idx %arg17[%get3A_639] : memref<10240xf32, #tpu.memory_space<vmem>>[vector<16xi32>], vector<16xf32>,
        %get3A_640 = arith.index_cast %add3A_637 : i32 to index
        %get3A_641 = tpu.vector_load %arg21[%get3A_640] {strides = array<i32>} : memref<2000xi32, #tpu.memory_space<vmem>>, vector<16xi32>,
        tpu.vector_store_idx %arg19[%get3A_641], %gather3A {add = true} : memref<10240xf32, #tpu.memory_space<vmem>>[vector<16xi32>], vector<16xf32>,
        %mul3A_642 = arith.constant 5 : i32
        %mul3A_643 = arith.muli %scan3A_630, %mul3A_642 : i32
        %mul3A_644 = arith.constant 16 : i32
        %mul3A_645 = arith.muli %mul3A_643, %mul3A_644 : i32
        %add3A_646 = arith.constant 16 : i32
        %add3A_647 = arith.addi %mul3A_645, %add3A_646 : i32
        %get3A_648 = arith.index_cast %add3A_647 : i32 to index
        %get3A_649 = tpu.vector_load %arg20[%get3A_648] {strides = array<i32>} : memref<2000xi32, #tpu.memory_space<vmem>>, vector<16xi32>,
        %gather3A_650 = tpu.vector_load_idx %arg17[%get3A_649] : memref<10240xf32, #tpu.memory_space<vmem>>[vector<16xi32>], vector<16xf32>,
        %get3A_651 = arith.index_cast %add3A_647 : i32 to index
        %get3A_652 = tpu.vector_load %arg21[%get3A_651] {strides = array<i32>} : memref<2000xi32, #tpu.memory_space<vmem>>, vector<16xi32>,
        tpu.vector_store_idx %arg19[%get3A_652], %gather3A_650 {add = true} : memref<10240xf32, #tpu.memory_space<vmem>>[vector<16xi32>], vector<16xf32>,
        %mul3A_653 = arith.constant 5 : i32
        %mul3A_654 = arith.muli %scan3A_630, %mul3A_653 : i32
        %mul3A_655 = arith.constant 16 : i32
        %mul3A_656 = arith.muli %mul3A_654, %mul3A_655 : i32
        %add3A_657 = arith.constant 32 : i32
        %add3A_658 = arith.addi %mul3A_656, %add3A_657 : i32
        %get3A_659 = arith.index_cast %add3A_658 : i32 to index
        %get3A_660 = tpu.vector_load %arg20[%get3A_659] {strides = array<i32>} : memref<2000xi32, #tpu.memory_space<vmem>>, vector<16xi32>,
        %gather3A_661 = tpu.vector_load_idx %arg17[%get3A_660] : memref<10240xf32, #tpu.memory_space<vmem>>[vector<16xi32>], vector<16xf32>,
        %get3A_662 = arith.index_cast %add3A_658 : i32 to index
        %get3A_663 = tpu.vector_load %arg21[%get3A_662] {strides = array<i32>} : memref<2000xi32, #tpu.memory_space<vmem>>, vector<16xi32>,
        tpu.vector_store_idx %arg19[%get3A_663], %gather3A_661 {add = true} : memref<10240xf32, #tpu.memory_space<vmem>>[vector<16xi32>], vector<16xf32>,
        %mul3A_664 = arith.constant 5 : i32
        %mul3A_665 = arith.muli %scan3A_630, %mul3A_664 : i32
        %mul3A_666 = arith.constant 16 : i32
        %mul3A_667 = arith.muli %mul3A_665, %mul3A_666 : i32
        %add3A_668 = arith.constant 48 : i32
        %add3A_669 = arith.addi %mul3A_667, %add3A_668 : i32
        %get3A_670 = arith.index_cast %add3A_669 : i32 to index
        %get3A_671 = tpu.vector_load %arg20[%get3A_670] {strides = array<i32>} : memref<2000xi32, #tpu.memory_space<vmem>>, vector<16xi32>,
        %gather3A_672 = tpu.vector_load_idx %arg17[%get3A_671] : memref<10240xf32, #tpu.memory_space<vmem>>[vector<16xi32>], vector<16xf32>,
        %get3A_673 = arith.index_cast %add3A_669 : i32 to index
        %get3A_674 = tpu.vector_load %arg21[%get3A_673] {strides = array<i32>} : memref<2000xi32, #tpu.memory_space<vmem>>, vector<16xi32>,
        tpu.vector_store_idx %arg19[%get3A_674], %gather3A_672 {add = true} : memref<10240xf32, #tpu.memory_space<vmem>>[vector<16xi32>], vector<16xf32>,
        %mul3A_675 = arith.constant 5 : i32
        %mul3A_676 = arith.muli %scan3A_630, %mul3A_675 : i32
        %mul3A_677 = arith.constant 16 : i32
        %mul3A_678 = arith.muli %mul3A_676, %mul3A_677 : i32
        %add3A_679 = arith.constant 64 : i32
        %add3A_680 = arith.addi %mul3A_678, %add3A_679 : i32
        %get3A_681 = arith.index_cast %add3A_680 : i32 to index
        %get3A_682 = tpu.vector_load %arg20[%get3A_681] {strides = array<i32>} : memref<2000xi32, #tpu.memory_space<vmem>>, vector<16xi32>,
        %gather3A_683 = tpu.vector_load_idx %arg17[%get3A_682] : memref<10240xf32, #tpu.memory_space<vmem>>[vector<16xi32>], vector<16xf32>,
        %get3A_684 = arith.index_cast %add3A_680 : i32 to index
        %get3A_685 = tpu.vector_load %arg21[%get3A_684] {strides = array<i32>} : memref<2000xi32, #tpu.memory_space<vmem>>, vector<16xi32>,
        tpu.vector_store_idx %arg19[%get3A_685], %gather3A_683 {add = true} : memref<10240xf32, #tpu.memory_space<vmem>>[vector<16xi32>], vector<16xf32>,
        %scan3A_686 = arith.constant 0 : i32
        scf.yield %scan3A_686 : i32
      }
      %scan3A_628 = arith.constant 25 : i32
      %scan3A_629 = arith.constant 0 : i32
      scf.yield %scan3A_629 : i32
    }
    %scan3A_25 = arith.constant 10 : i32
    "tpu.region"() ({
      %run_scoped3A_615 = tpu.sem_alloc : memref<!tpu.dma_semaphore, #tpu.memory_space<semaphore_mem>>
      %dma_start3A_616 = arith.constant 0 : i32
      %dma_start3A_617 = tpu.memref_slice %arg35[%arg1, %dma_start3A_616] : memref<16x10240xf32, #tpu.memory_space<vmem_shared>> -> memref<1x10240xf32, #tpu.memory_space<vmem_shared>>
      %dma_start3A_618 = tpu.memref_squeeze %dma_start3A_617 : memref<1x10240xf32, #tpu.memory_space<vmem_shared>> -> memref<10240xf32, #tpu.memory_space<vmem_shared>>
      %dma_start3A_619 = arith.constant 0 : i32
      %dma_start3A_620 = tpu.memref_slice %arg35[%arg1, %dma_start3A_619] : memref<16x10240xf32, #tpu.memory_space<vmem_shared>> -> memref<1x10240xf32, #tpu.memory_space<vmem_shared>>
      %dma_start3A_621 = tpu.memref_squeeze %dma_start3A_620 : memref<1x10240xf32, #tpu.memory_space<vmem_shared>> -> memref<10240xf32, #tpu.memory_space<vmem_shared>>
      tpu.enqueue_dma source(%arg19 : memref<10240xf32, #tpu.memory_space<vmem>>) target(%dma_start3A_621 : memref<10240xf32, #tpu.memory_space<vmem_shared>>) target_semaphore(%run_scoped3A_615 : memref<!tpu.dma_semaphore, #tpu.memory_space<semaphore_mem>>)
      %dma_wait3A_622 = arith.constant 0 : i32
      %dma_wait3A_623 = tpu.memref_slice %arg35[%arg1, %dma_wait3A_622] : memref<16x10240xf32, #tpu.memory_space<vmem_shared>> -> memref<1x10240xf32, #tpu.memory_space<vmem_shared>>
      %dma_wait3A_624 = tpu.memref_squeeze %dma_wait3A_623 : memref<1x10240xf32, #tpu.memory_space<vmem_shared>> -> memref<10240xf32, #tpu.memory_space<vmem_shared>>
      %dma_wait3A_625 = arith.constant 0 : i32
      %dma_wait3A_626 = tpu.memref_slice %arg35[%arg1, %dma_wait3A_625] : memref<16x10240xf32, #tpu.memory_space<vmem_shared>> -> memref<1x10240xf32, #tpu.memory_space<vmem_shared>>
      %dma_wait3A_627 = tpu.memref_squeeze %dma_wait3A_626 : memref<1x10240xf32, #tpu.memory_space<vmem_shared>> -> memref<10240xf32, #tpu.memory_space<vmem_shared>>
      tpu.wait_dma2 semaphore(%run_scoped3A_615 : memref<!tpu.dma_semaphore, #tpu.memory_space<semaphore_mem>>) src(%arg19 : memref<10240xf32, #tpu.memory_space<vmem>>) dst(%dma_wait3A_627 : memref<10240xf32, #tpu.memory_space<vmem_shared>>)
      tpu.yield
    }) : () -> ()
    %barrier3A = arith.constant 0 : index
    tpu.barrier barrier_id(%barrier3A)
    %broadcast_in_dim3A_26 = arith.constant 0.000000e+00 : f32
    %broadcast_in_dim3A_27 = vector.broadcast %broadcast_in_dim3A_26 : f32 to vector<16xf32>
    %scan3A_28 = arith.constant 0 : i32
    %scan3A_29 = arith.constant 0 : i32
    %scan3A_30 = arith.constant 40 : i32
    %scan3A_31 = arith.addi %scan3A_29, %scan3A_30 : i32
    %scan3A_32 = arith.constant 1 : i32
    %scan3A_33 = scf.for %scan3A_615 = %scan3A_29 to %scan3A_31 step %scan3A_32 iter_args(%scan3A_616 = %scan3A_28) -> (i32)  : i32 {
      %mul3A_617 = arith.constant 16 : i32
      %mul3A_618 = arith.muli %scan3A_615, %mul3A_617 : i32
      %swap3A = arith.index_cast %mul3A_618 : i32 to index
      %swap3A_619 = tpu.vector_load %arg29[%swap3A] {strides = array<i32>} : memref<640xf32, #tpu.memory_space<vmem>>, vector<16xf32>,
      tpu.vector_store %arg29[%swap3A], %broadcast_in_dim3A_27 {strides = array<i32>} : memref<640xf32, #tpu.memory_space<vmem>>, vector<16xf32>,
      %scan3A_620 = arith.constant 0 : i32
      scf.yield %scan3A_620 : i32
    }
    %scan3A_34 = arith.constant 40 : i32
    %mul3A_35 = arith.constant 640 : i32
    %mul3A_36 = arith.muli %arg1, %mul3A_35 : i32
    %run_scoped3A = arith.constant 0 : i32
    "tpu.region"() ({
      %run_scoped3A_615 = tpu.sem_alloc : memref<!tpu.dma_semaphore, #tpu.memory_space<semaphore_mem>>
      %dma_start3A_616 = tpu.memref_slice %arg35[%run_scoped3A, %mul3A_36] : memref<16x10240xf32, #tpu.memory_space<vmem_shared>> -> memref<1x640xf32, #tpu.memory_space<vmem_shared>>
      %dma_start3A_617 = tpu.memref_squeeze %dma_start3A_616 : memref<1x640xf32, #tpu.memory_space<vmem_shared>> -> memref<640xf32, #tpu.memory_space<vmem_shared>>
      %dma_start3A_618 = tpu.memref_slice %arg35[%run_scoped3A, %mul3A_36] : memref<16x10240xf32, #tpu.memory_space<vmem_shared>> -> memref<1x640xf32, #tpu.memory_space<vmem_shared>>
      %dma_start3A_619 = tpu.memref_squeeze %dma_start3A_618 : memref<1x640xf32, #tpu.memory_space<vmem_shared>> -> memref<640xf32, #tpu.memory_space<vmem_shared>>
      tpu.enqueue_dma source(%dma_start3A_619 : memref<640xf32, #tpu.memory_space<vmem_shared>>) target(%arg28 : memref<640xf32, #tpu.memory_space<vmem>>) target_semaphore(%run_scoped3A_615 : memref<!tpu.dma_semaphore, #tpu.memory_space<semaphore_mem>>)
      %dma_wait3A_620 = tpu.memref_slice %arg35[%run_scoped3A, %mul3A_36] : memref<16x10240xf32, #tpu.memory_space<vmem_shared>> -> memref<1x640xf32, #tpu.memory_space<vmem_shared>>
      %dma_wait3A_621 = tpu.memref_squeeze %dma_wait3A_620 : memref<1x640xf32, #tpu.memory_space<vmem_shared>> -> memref<640xf32, #tpu.memory_space<vmem_shared>>
      %dma_wait3A_622 = tpu.memref_slice %arg35[%run_scoped3A, %mul3A_36] : memref<16x10240xf32, #tpu.memory_space<vmem_shared>> -> memref<1x640xf32, #tpu.memory_space<vmem_shared>>
      %dma_wait3A_623 = tpu.memref_squeeze %dma_wait3A_622 : memref<1x640xf32, #tpu.memory_space<vmem_shared>> -> memref<640xf32, #tpu.memory_space<vmem_shared>>
      tpu.wait_dma2 semaphore(%run_scoped3A_615 : memref<!tpu.dma_semaphore, #tpu.memory_space<semaphore_mem>>) src(%dma_wait3A_623 : memref<640xf32, #tpu.memory_space<vmem_shared>>) dst(%arg28 : memref<640xf32, #tpu.memory_space<vmem>>)
      tpu.yield
    }) : () -> ()
    %scan3A_37 = arith.constant 0 : i32
    %scan3A_38 = arith.constant 0 : i32
    %scan3A_39 = arith.constant 40 : i32
    %scan3A_40 = arith.addi %scan3A_38, %scan3A_39 : i32
    %scan3A_41 = arith.constant 1 : i32
    %scan3A_42 = scf.for %scan3A_615 = %scan3A_38 to %scan3A_40 step %scan3A_41 iter_args(%scan3A_616 = %scan3A_37) -> (i32)  : i32 {
      %mul3A_617 = arith.constant 16 : i32
      %mul3A_618 = arith.muli %scan3A_615, %mul3A_617 : i32
      %get3A_619 = arith.index_cast %mul3A_618 : i32 to index
      %get3A_620 = tpu.vector_load %arg29[%get3A_619] {strides = array<i32>} : memref<640xf32, #tpu.memory_space<vmem>>, vector<16xf32>,
      %mul3A_621 = arith.constant 16 : i32
      %mul3A_622 = arith.muli %scan3A_615, %mul3A_621 : i32
      %get3A_623 = arith.index_cast %mul3A_622 : i32 to index
      %get3A_624 = tpu.vector_load %arg28[%get3A_623] {strides = array<i32>} : memref<640xf32, #tpu.memory_space<vmem>>, vector<16xf32>,
      %add3A_625 = arith.addf %get3A_620, %get3A_624 : vector<16xf32>
      %mul3A_626 = arith.constant 16 : i32
      %mul3A_627 = arith.muli %scan3A_615, %mul3A_626 : i32
      %swap3A = arith.index_cast %mul3A_627 : i32 to index
      %swap3A_628 = tpu.vector_load %arg29[%swap3A] {strides = array<i32>} : memref<640xf32, #tpu.memory_space<vmem>>, vector<16xf32>,
      tpu.vector_store %arg29[%swap3A], %add3A_625 {strides = array<i32>} : memref<640xf32, #tpu.memory_space<vmem>>, vector<16xf32>,
      %scan3A_629 = arith.constant 0 : i32
      scf.yield %scan3A_629 : i32
    }
    %scan3A_43 = arith.constant 40 : i32
    %mul3A_44 = arith.constant 640 : i32
    %mul3A_45 = arith.muli %arg1, %mul3A_44 : i32
    %run_scoped3A_46 = arith.constant 1 : i32
    "tpu.region"() ({
      %run_scoped3A_615 = tpu.sem_alloc : memref<!tpu.dma_semaphore, #tpu.memory_space<semaphore_mem>>
      %dma_start3A_616 = tpu.memref_slice %arg35[%run_scoped3A_46, %mul3A_45] : memref<16x10240xf32, #tpu.memory_space<vmem_shared>> -> memref<1x640xf32, #tpu.memory_space<vmem_shared>>
      %dma_start3A_617 = tpu.memref_squeeze %dma_start3A_616 : memref<1x640xf32, #tpu.memory_space<vmem_shared>> -> memref<640xf32, #tpu.memory_space<vmem_shared>>
      %dma_start3A_618 = tpu.memref_slice %arg35[%run_scoped3A_46, %mul3A_45] : memref<16x10240xf32, #tpu.memory_space<vmem_shared>> -> memref<1x640xf32, #tpu.memory_space<vmem_shared>>
      %dma_start3A_619 = tpu.memref_squeeze %dma_start3A_618 : memref<1x640xf32, #tpu.memory_space<vmem_shared>> -> memref<640xf32, #tpu.memory_space<vmem_shared>>
      tpu.enqueue_dma source(%dma_start3A_619 : memref<640xf32, #tpu.memory_space<vmem_shared>>) target(%arg28 : memref<640xf32, #tpu.memory_space<vmem>>) target_semaphore(%run_scoped3A_615 : memref<!tpu.dma_semaphore, #tpu.memory_space<semaphore_mem>>)
      %dma_wait3A_620 = tpu.memref_slice %arg35[%run_scoped3A_46, %mul3A_45] : memref<16x10240xf32, #tpu.memory_space<vmem_shared>> -> memref<1x640xf32, #tpu.memory_space<vmem_shared>>
      %dma_wait3A_621 = tpu.memref_squeeze %dma_wait3A_620 : memref<1x640xf32, #tpu.memory_space<vmem_shared>> -> memref<640xf32, #tpu.memory_space<vmem_shared>>
      %dma_wait3A_622 = tpu.memref_slice %arg35[%run_scoped3A_46, %mul3A_45] : memref<16x10240xf32, #tpu.memory_space<vmem_shared>> -> memref<1x640xf32, #tpu.memory_space<vmem_shared>>
      %dma_wait3A_623 = tpu.memref_squeeze %dma_wait3A_622 : memref<1x640xf32, #tpu.memory_space<vmem_shared>> -> memref<640xf32, #tpu.memory_space<vmem_shared>>
      tpu.wait_dma2 semaphore(%run_scoped3A_615 : memref<!tpu.dma_semaphore, #tpu.memory_space<semaphore_mem>>) src(%dma_wait3A_623 : memref<640xf32, #tpu.memory_space<vmem_shared>>) dst(%arg28 : memref<640xf32, #tpu.memory_space<vmem>>)
      tpu.yield
    }) : () -> ()
    %scan3A_47 = arith.constant 0 : i32
    %scan3A_48 = arith.constant 0 : i32
    %scan3A_49 = arith.constant 40 : i32
    %scan3A_50 = arith.addi %scan3A_48, %scan3A_49 : i32
    %scan3A_51 = arith.constant 1 : i32
    %scan3A_52 = scf.for %scan3A_615 = %scan3A_48 to %scan3A_50 step %scan3A_51 iter_args(%scan3A_616 = %scan3A_47) -> (i32)  : i32 {
      %mul3A_617 = arith.constant 16 : i32
      %mul3A_618 = arith.muli %scan3A_615, %mul3A_617 : i32
      %get3A_619 = arith.index_cast %mul3A_618 : i32 to index
      %get3A_620 = tpu.vector_load %arg29[%get3A_619] {strides = array<i32>} : memref<640xf32, #tpu.memory_space<vmem>>, vector<16xf32>,
      %mul3A_621 = arith.constant 16 : i32
      %mul3A_622 = arith.muli %scan3A_615, %mul3A_621 : i32
      %get3A_623 = arith.index_cast %mul3A_622 : i32 to index
      %get3A_624 = tpu.vector_load %arg28[%get3A_623] {strides = array<i32>} : memref<640xf32, #tpu.memory_space<vmem>>, vector<16xf32>,
      %add3A_625 = arith.addf %get3A_620, %get3A_624 : vector<16xf32>
      %mul3A_626 = arith.constant 16 : i32
      %mul3A_627 = arith.muli %scan3A_615, %mul3A_626 : i32
      %swap3A = arith.index_cast %mul3A_627 : i32 to index
      %swap3A_628 = tpu.vector_load %arg29[%swap3A] {strides = array<i32>} : memref<640xf32, #tpu.memory_space<vmem>>, vector<16xf32>,
      tpu.vector_store %arg29[%swap3A], %add3A_625 {strides = array<i32>} : memref<640xf32, #tpu.memory_space<vmem>>, vector<16xf32>,
      %scan3A_629 = arith.constant 0 : i32
      scf.yield %scan3A_629 : i32
    }
    %scan3A_53 = arith.constant 40 : i32
    %mul3A_54 = arith.constant 640 : i32
    %mul3A_55 = arith.muli %arg1, %mul3A_54 : i32
    %run_scoped3A_56 = arith.constant 2 : i32
    "tpu.region"() ({
      %run_scoped3A_615 = tpu.sem_alloc : memref<!tpu.dma_semaphore, #tpu.memory_space<semaphore_mem>>
      %dma_start3A_616 = tpu.memref_slice %arg35[%run_scoped3A_56, %mul3A_55] : memref<16x10240xf32, #tpu.memory_space<vmem_shared>> -> memref<1x640xf32, #tpu.memory_space<vmem_shared>>
      %dma_start3A_617 = tpu.memref_squeeze %dma_start3A_616 : memref<1x640xf32, #tpu.memory_space<vmem_shared>> -> memref<640xf32, #tpu.memory_space<vmem_shared>>
      %dma_start3A_618 = tpu.memref_slice %arg35[%run_scoped3A_56, %mul3A_55] : memref<16x10240xf32, #tpu.memory_space<vmem_shared>> -> memref<1x640xf32, #tpu.memory_space<vmem_shared>>
      %dma_start3A_619 = tpu.memref_squeeze %dma_start3A_618 : memref<1x640xf32, #tpu.memory_space<vmem_shared>> -> memref<640xf32, #tpu.memory_space<vmem_shared>>
      tpu.enqueue_dma source(%dma_start3A_619 : memref<640xf32, #tpu.memory_space<vmem_shared>>) target(%arg28 : memref<640xf32, #tpu.memory_space<vmem>>) target_semaphore(%run_scoped3A_615 : memref<!tpu.dma_semaphore, #tpu.memory_space<semaphore_mem>>)
      %dma_wait3A_620 = tpu.memref_slice %arg35[%run_scoped3A_56, %mul3A_55] : memref<16x10240xf32, #tpu.memory_space<vmem_shared>> -> memref<1x640xf32, #tpu.memory_space<vmem_shared>>
      %dma_wait3A_621 = tpu.memref_squeeze %dma_wait3A_620 : memref<1x640xf32, #tpu.memory_space<vmem_shared>> -> memref<640xf32, #tpu.memory_space<vmem_shared>>
      %dma_wait3A_622 = tpu.memref_slice %arg35[%run_scoped3A_56, %mul3A_55] : memref<16x10240xf32, #tpu.memory_space<vmem_shared>> -> memref<1x640xf32, #tpu.memory_space<vmem_shared>>
      %dma_wait3A_623 = tpu.memref_squeeze %dma_wait3A_622 : memref<1x640xf32, #tpu.memory_space<vmem_shared>> -> memref<640xf32, #tpu.memory_space<vmem_shared>>
      tpu.wait_dma2 semaphore(%run_scoped3A_615 : memref<!tpu.dma_semaphore, #tpu.memory_space<semaphore_mem>>) src(%dma_wait3A_623 : memref<640xf32, #tpu.memory_space<vmem_shared>>) dst(%arg28 : memref<640xf32, #tpu.memory_space<vmem>>)
      tpu.yield
    }) : () -> ()
    %scan3A_57 = arith.constant 0 : i32
    %scan3A_58 = arith.constant 0 : i32
    %scan3A_59 = arith.constant 40 : i32
    %scan3A_60 = arith.addi %scan3A_58, %scan3A_59 : i32
    %scan3A_61 = arith.constant 1 : i32
    %scan3A_62 = scf.for %scan3A_615 = %scan3A_58 to %scan3A_60 step %scan3A_61 iter_args(%scan3A_616 = %scan3A_57) -> (i32)  : i32 {
      %mul3A_617 = arith.constant 16 : i32
      %mul3A_618 = arith.muli %scan3A_615, %mul3A_617 : i32
      %get3A_619 = arith.index_cast %mul3A_618 : i32 to index
      %get3A_620 = tpu.vector_load %arg29[%get3A_619] {strides = array<i32>} : memref<640xf32, #tpu.memory_space<vmem>>, vector<16xf32>,
      %mul3A_621 = arith.constant 16 : i32
      %mul3A_622 = arith.muli %scan3A_615, %mul3A_621 : i32
      %get3A_623 = arith.index_cast %mul3A_622 : i32 to index
      %get3A_624 = tpu.vector_load %arg28[%get3A_623] {strides = array<i32>} : memref<640xf32, #tpu.memory_space<vmem>>, vector<16xf32>,
      %add3A_625 = arith.addf %get3A_620, %get3A_624 : vector<16xf32>
      %mul3A_626 = arith.constant 16 : i32
      %mul3A_627 = arith.muli %scan3A_615, %mul3A_626 : i32
      %swap3A = arith.index_cast %mul3A_627 : i32 to index
      %swap3A_628 = tpu.vector_load %arg29[%swap3A] {strides = array<i32>} : memref<640xf32, #tpu.memory_space<vmem>>, vector<16xf32>,
      tpu.vector_store %arg29[%swap3A], %add3A_625 {strides = array<i32>} : memref<640xf32, #tpu.memory_space<vmem>>, vector<16xf32>,
      %scan3A_629 = arith.constant 0 : i32
      scf.yield %scan3A_629 : i32
    }
    %scan3A_63 = arith.constant 40 : i32
    %mul3A_64 = arith.constant 640 : i32
    %mul3A_65 = arith.muli %arg1, %mul3A_64 : i32
    %run_scoped3A_66 = arith.constant 3 : i32
    "tpu.region"() ({
      %run_scoped3A_615 = tpu.sem_alloc : memref<!tpu.dma_semaphore, #tpu.memory_space<semaphore_mem>>
      %dma_start3A_616 = tpu.memref_slice %arg35[%run_scoped3A_66, %mul3A_65] : memref<16x10240xf32, #tpu.memory_space<vmem_shared>> -> memref<1x640xf32, #tpu.memory_space<vmem_shared>>
      %dma_start3A_617 = tpu.memref_squeeze %dma_start3A_616 : memref<1x640xf32, #tpu.memory_space<vmem_shared>> -> memref<640xf32, #tpu.memory_space<vmem_shared>>
      %dma_start3A_618 = tpu.memref_slice %arg35[%run_scoped3A_66, %mul3A_65] : memref<16x10240xf32, #tpu.memory_space<vmem_shared>> -> memref<1x640xf32, #tpu.memory_space<vmem_shared>>
      %dma_start3A_619 = tpu.memref_squeeze %dma_start3A_618 : memref<1x640xf32, #tpu.memory_space<vmem_shared>> -> memref<640xf32, #tpu.memory_space<vmem_shared>>
      tpu.enqueue_dma source(%dma_start3A_619 : memref<640xf32, #tpu.memory_space<vmem_shared>>) target(%arg28 : memref<640xf32, #tpu.memory_space<vmem>>) target_semaphore(%run_scoped3A_615 : memref<!tpu.dma_semaphore, #tpu.memory_space<semaphore_mem>>)
      %dma_wait3A_620 = tpu.memref_slice %arg35[%run_scoped3A_66, %mul3A_65] : memref<16x10240xf32, #tpu.memory_space<vmem_shared>> -> memref<1x640xf32, #tpu.memory_space<vmem_shared>>
      %dma_wait3A_621 = tpu.memref_squeeze %dma_wait3A_620 : memref<1x640xf32, #tpu.memory_space<vmem_shared>> -> memref<640xf32, #tpu.memory_space<vmem_shared>>
      %dma_wait3A_622 = tpu.memref_slice %arg35[%run_scoped3A_66, %mul3A_65] : memref<16x10240xf32, #tpu.memory_space<vmem_shared>> -> memref<1x640xf32, #tpu.memory_space<vmem_shared>>
      %dma_wait3A_623 = tpu.memref_squeeze %dma_wait3A_622 : memref<1x640xf32, #tpu.memory_space<vmem_shared>> -> memref<640xf32, #tpu.memory_space<vmem_shared>>
      tpu.wait_dma2 semaphore(%run_scoped3A_615 : memref<!tpu.dma_semaphore, #tpu.memory_space<semaphore_mem>>) src(%dma_wait3A_623 : memref<640xf32, #tpu.memory_space<vmem_shared>>) dst(%arg28 : memref<640xf32, #tpu.memory_space<vmem>>)
      tpu.yield
    }) : () -> ()
    %scan3A_67 = arith.constant 0 : i32
    %scan3A_68 = arith.constant 0 : i32
    %scan3A_69 = arith.constant 40 : i32
    %scan3A_70 = arith.addi %scan3A_68, %scan3A_69 : i32
    %scan3A_71 = arith.constant 1 : i32
    %scan3A_72 = scf.for %scan3A_615 = %scan3A_68 to %scan3A_70 step %scan3A_71 iter_args(%scan3A_616 = %scan3A_67) -> (i32)  : i32 {
      %mul3A_617 = arith.constant 16 : i32
      %mul3A_618 = arith.muli %scan3A_615, %mul3A_617 : i32
      %get3A_619 = arith.index_cast %mul3A_618 : i32 to index
      %get3A_620 = tpu.vector_load %arg29[%get3A_619] {strides = array<i32>} : memref<640xf32, #tpu.memory_space<vmem>>, vector<16xf32>,
      %mul3A_621 = arith.constant 16 : i32
      %mul3A_622 = arith.muli %scan3A_615, %mul3A_621 : i32
      %get3A_623 = arith.index_cast %mul3A_622 : i32 to index
      %get3A_624 = tpu.vector_load %arg28[%get3A_623] {strides = array<i32>} : memref<640xf32, #tpu.memory_space<vmem>>, vector<16xf32>,
      %add3A_625 = arith.addf %get3A_620, %get3A_624 : vector<16xf32>
      %mul3A_626 = arith.constant 16 : i32
      %mul3A_627 = arith.muli %scan3A_615, %mul3A_626 : i32
      %swap3A = arith.index_cast %mul3A_627 : i32 to index
      %swap3A_628 = tpu.vector_load %arg29[%swap3A] {strides = array<i32>} : memref<640xf32, #tpu.memory_space<vmem>>, vector<16xf32>,
      tpu.vector_store %arg29[%swap3A], %add3A_625 {strides = array<i32>} : memref<640xf32, #tpu.memory_space<vmem>>, vector<16xf32>,
      %scan3A_629 = arith.constant 0 : i32
      scf.yield %scan3A_629 : i32
    }
    %scan3A_73 = arith.constant 40 : i32
    %mul3A_74 = arith.constant 640 : i32
    %mul3A_75 = arith.muli %arg1, %mul3A_74 : i32
    %run_scoped3A_76 = arith.constant 4 : i32
    "tpu.region"() ({
      %run_scoped3A_615 = tpu.sem_alloc : memref<!tpu.dma_semaphore, #tpu.memory_space<semaphore_mem>>
      %dma_start3A_616 = tpu.memref_slice %arg35[%run_scoped3A_76, %mul3A_75] : memref<16x10240xf32, #tpu.memory_space<vmem_shared>> -> memref<1x640xf32, #tpu.memory_space<vmem_shared>>
      %dma_start3A_617 = tpu.memref_squeeze %dma_start3A_616 : memref<1x640xf32, #tpu.memory_space<vmem_shared>> -> memref<640xf32, #tpu.memory_space<vmem_shared>>
      %dma_start3A_618 = tpu.memref_slice %arg35[%run_scoped3A_76, %mul3A_75] : memref<16x10240xf32, #tpu.memory_space<vmem_shared>> -> memref<1x640xf32, #tpu.memory_space<vmem_shared>>
      %dma_start3A_619 = tpu.memref_squeeze %dma_start3A_618 : memref<1x640xf32, #tpu.memory_space<vmem_shared>> -> memref<640xf32, #tpu.memory_space<vmem_shared>>
      tpu.enqueue_dma source(%dma_start3A_619 : memref<640xf32, #tpu.memory_space<vmem_shared>>) target(%arg28 : memref<640xf32, #tpu.memory_space<vmem>>) target_semaphore(%run_scoped3A_615 : memref<!tpu.dma_semaphore, #tpu.memory_space<semaphore_mem>>)
      %dma_wait3A_620 = tpu.memref_slice %arg35[%run_scoped3A_76, %mul3A_75] : memref<16x10240xf32, #tpu.memory_space<vmem_shared>> -> memref<1x640xf32, #tpu.memory_space<vmem_shared>>
      %dma_wait3A_621 = tpu.memref_squeeze %dma_wait3A_620 : memref<1x640xf32, #tpu.memory_space<vmem_shared>> -> memref<640xf32, #tpu.memory_space<vmem_shared>>
      %dma_wait3A_622 = tpu.memref_slice %arg35[%run_scoped3A_76, %mul3A_75] : memref<16x10240xf32, #tpu.memory_space<vmem_shared>> -> memref<1x640xf32, #tpu.memory_space<vmem_shared>>
      %dma_wait3A_623 = tpu.memref_squeeze %dma_wait3A_622 : memref<1x640xf32, #tpu.memory_space<vmem_shared>> -> memref<640xf32, #tpu.memory_space<vmem_shared>>
      tpu.wait_dma2 semaphore(%run_scoped3A_615 : memref<!tpu.dma_semaphore, #tpu.memory_space<semaphore_mem>>) src(%dma_wait3A_623 : memref<640xf32, #tpu.memory_space<vmem_shared>>) dst(%arg28 : memref<640xf32, #tpu.memory_space<vmem>>)
      tpu.yield
    }) : () -> ()
    %scan3A_77 = arith.constant 0 : i32
    %scan3A_78 = arith.constant 0 : i32
    %scan3A_79 = arith.constant 40 : i32
    %scan3A_80 = arith.addi %scan3A_78, %scan3A_79 : i32
    %scan3A_81 = arith.constant 1 : i32
    %scan3A_82 = scf.for %scan3A_615 = %scan3A_78 to %scan3A_80 step %scan3A_81 iter_args(%scan3A_616 = %scan3A_77) -> (i32)  : i32 {
      %mul3A_617 = arith.constant 16 : i32
      %mul3A_618 = arith.muli %scan3A_615, %mul3A_617 : i32
      %get3A_619 = arith.index_cast %mul3A_618 : i32 to index
      %get3A_620 = tpu.vector_load %arg29[%get3A_619] {strides = array<i32>} : memref<640xf32, #tpu.memory_space<vmem>>, vector<16xf32>,
      %mul3A_621 = arith.constant 16 : i32
      %mul3A_622 = arith.muli %scan3A_615, %mul3A_621 : i32
      %get3A_623 = arith.index_cast %mul3A_622 : i32 to index
      %get3A_624 = tpu.vector_load %arg28[%get3A_623] {strides = array<i32>} : memref<640xf32, #tpu.memory_space<vmem>>, vector<16xf32>,
      %add3A_625 = arith.addf %get3A_620, %get3A_624 : vector<16xf32>
      %mul3A_626 = arith.constant 16 : i32
      %mul3A_627 = arith.muli %scan3A_615, %mul3A_626 : i32
      %swap3A = arith.index_cast %mul3A_627 : i32 to index
      %swap3A_628 = tpu.vector_load %arg29[%swap3A] {strides = array<i32>} : memref<640xf32, #tpu.memory_space<vmem>>, vector<16xf32>,
      tpu.vector_store %arg29[%swap3A], %add3A_625 {strides = array<i32>} : memref<640xf32, #tpu.memory_space<vmem>>, vector<16xf32>,
      %scan3A_629 = arith.constant 0 : i32
      scf.yield %scan3A_629 : i32
    }
    %scan3A_83 = arith.constant 40 : i32
    %mul3A_84 = arith.constant 640 : i32
    %mul3A_85 = arith.muli %arg1, %mul3A_84 : i32
    %run_scoped3A_86 = arith.constant 5 : i32
    "tpu.region"() ({
      %run_scoped3A_615 = tpu.sem_alloc : memref<!tpu.dma_semaphore, #tpu.memory_space<semaphore_mem>>
      %dma_start3A_616 = tpu.memref_slice %arg35[%run_scoped3A_86, %mul3A_85] : memref<16x10240xf32, #tpu.memory_space<vmem_shared>> -> memref<1x640xf32, #tpu.memory_space<vmem_shared>>
      %dma_start3A_617 = tpu.memref_squeeze %dma_start3A_616 : memref<1x640xf32, #tpu.memory_space<vmem_shared>> -> memref<640xf32, #tpu.memory_space<vmem_shared>>
      %dma_start3A_618 = tpu.memref_slice %arg35[%run_scoped3A_86, %mul3A_85] : memref<16x10240xf32, #tpu.memory_space<vmem_shared>> -> memref<1x640xf32, #tpu.memory_space<vmem_shared>>
      %dma_start3A_619 = tpu.memref_squeeze %dma_start3A_618 : memref<1x640xf32, #tpu.memory_space<vmem_shared>> -> memref<640xf32, #tpu.memory_space<vmem_shared>>
      tpu.enqueue_dma source(%dma_start3A_619 : memref<640xf32, #tpu.memory_space<vmem_shared>>) target(%arg28 : memref<640xf32, #tpu.memory_space<vmem>>) target_semaphore(%run_scoped3A_615 : memref<!tpu.dma_semaphore, #tpu.memory_space<semaphore_mem>>)
      %dma_wait3A_620 = tpu.memref_slice %arg35[%run_scoped3A_86, %mul3A_85] : memref<16x10240xf32, #tpu.memory_space<vmem_shared>> -> memref<1x640xf32, #tpu.memory_space<vmem_shared>>
      %dma_wait3A_621 = tpu.memref_squeeze %dma_wait3A_620 : memref<1x640xf32, #tpu.memory_space<vmem_shared>> -> memref<640xf32, #tpu.memory_space<vmem_shared>>
      %dma_wait3A_622 = tpu.memref_slice %arg35[%run_scoped3A_86, %mul3A_85] : memref<16x10240xf32, #tpu.memory_space<vmem_shared>> -> memref<1x640xf32, #tpu.memory_space<vmem_shared>>
      %dma_wait3A_623 = tpu.memref_squeeze %dma_wait3A_622 : memref<1x640xf32, #tpu.memory_space<vmem_shared>> -> memref<640xf32, #tpu.memory_space<vmem_shared>>
      tpu.wait_dma2 semaphore(%run_scoped3A_615 : memref<!tpu.dma_semaphore, #tpu.memory_space<semaphore_mem>>) src(%dma_wait3A_623 : memref<640xf32, #tpu.memory_space<vmem_shared>>) dst(%arg28 : memref<640xf32, #tpu.memory_space<vmem>>)
      tpu.yield
    }) : () -> ()
    %scan3A_87 = arith.constant 0 : i32
    %scan3A_88 = arith.constant 0 : i32
    %scan3A_89 = arith.constant 40 : i32
    %scan3A_90 = arith.addi %scan3A_88, %scan3A_89 : i32
    %scan3A_91 = arith.constant 1 : i32
    %scan3A_92 = scf.for %scan3A_615 = %scan3A_88 to %scan3A_90 step %scan3A_91 iter_args(%scan3A_616 = %scan3A_87) -> (i32)  : i32 {
      %mul3A_617 = arith.constant 16 : i32
      %mul3A_618 = arith.muli %scan3A_615, %mul3A_617 : i32
      %get3A_619 = arith.index_cast %mul3A_618 : i32 to index
      %get3A_620 = tpu.vector_load %arg29[%get3A_619] {strides = array<i32>} : memref<640xf32, #tpu.memory_space<vmem>>, vector<16xf32>,
      %mul3A_621 = arith.constant 16 : i32
      %mul3A_622 = arith.muli %scan3A_615, %mul3A_621 : i32
      %get3A_623 = arith.index_cast %mul3A_622 : i32 to index
      %get3A_624 = tpu.vector_load %arg28[%get3A_623] {strides = array<i32>} : memref<640xf32, #tpu.memory_space<vmem>>, vector<16xf32>,
      %add3A_625 = arith.addf %get3A_620, %get3A_624 : vector<16xf32>
      %mul3A_626 = arith.constant 16 : i32
      %mul3A_627 = arith.muli %scan3A_615, %mul3A_626 : i32
      %swap3A = arith.index_cast %mul3A_627 : i32 to index
      %swap3A_628 = tpu.vector_load %arg29[%swap3A] {strides = array<i32>} : memref<640xf32, #tpu.memory_space<vmem>>, vector<16xf32>,
      tpu.vector_store %arg29[%swap3A], %add3A_625 {strides = array<i32>} : memref<640xf32, #tpu.memory_space<vmem>>, vector<16xf32>,
      %scan3A_629 = arith.constant 0 : i32
      scf.yield %scan3A_629 : i32
    }
    %scan3A_93 = arith.constant 40 : i32
    %mul3A_94 = arith.constant 640 : i32
    %mul3A_95 = arith.muli %arg1, %mul3A_94 : i32
    %run_scoped3A_96 = arith.constant 6 : i32
    "tpu.region"() ({
      %run_scoped3A_615 = tpu.sem_alloc : memref<!tpu.dma_semaphore, #tpu.memory_space<semaphore_mem>>
      %dma_start3A_616 = tpu.memref_slice %arg35[%run_scoped3A_96, %mul3A_95] : memref<16x10240xf32, #tpu.memory_space<vmem_shared>> -> memref<1x640xf32, #tpu.memory_space<vmem_shared>>
      %dma_start3A_617 = tpu.memref_squeeze %dma_start3A_616 : memref<1x640xf32, #tpu.memory_space<vmem_shared>> -> memref<640xf32, #tpu.memory_space<vmem_shared>>
      %dma_start3A_618 = tpu.memref_slice %arg35[%run_scoped3A_96, %mul3A_95] : memref<16x10240xf32, #tpu.memory_space<vmem_shared>> -> memref<1x640xf32, #tpu.memory_space<vmem_shared>>
      %dma_start3A_619 = tpu.memref_squeeze %dma_start3A_618 : memref<1x640xf32, #tpu.memory_space<vmem_shared>> -> memref<640xf32, #tpu.memory_space<vmem_shared>>
      tpu.enqueue_dma source(%dma_start3A_619 : memref<640xf32, #tpu.memory_space<vmem_shared>>) target(%arg28 : memref<640xf32, #tpu.memory_space<vmem>>) target_semaphore(%run_scoped3A_615 : memref<!tpu.dma_semaphore, #tpu.memory_space<semaphore_mem>>)
      %dma_wait3A_620 = tpu.memref_slice %arg35[%run_scoped3A_96, %mul3A_95] : memref<16x10240xf32, #tpu.memory_space<vmem_shared>> -> memref<1x640xf32, #tpu.memory_space<vmem_shared>>
      %dma_wait3A_621 = tpu.memref_squeeze %dma_wait3A_620 : memref<1x640xf32, #tpu.memory_space<vmem_shared>> -> memref<640xf32, #tpu.memory_space<vmem_shared>>
      %dma_wait3A_622 = tpu.memref_slice %arg35[%run_scoped3A_96, %mul3A_95] : memref<16x10240xf32, #tpu.memory_space<vmem_shared>> -> memref<1x640xf32, #tpu.memory_space<vmem_shared>>
      %dma_wait3A_623 = tpu.memref_squeeze %dma_wait3A_622 : memref<1x640xf32, #tpu.memory_space<vmem_shared>> -> memref<640xf32, #tpu.memory_space<vmem_shared>>
      tpu.wait_dma2 semaphore(%run_scoped3A_615 : memref<!tpu.dma_semaphore, #tpu.memory_space<semaphore_mem>>) src(%dma_wait3A_623 : memref<640xf32, #tpu.memory_space<vmem_shared>>) dst(%arg28 : memref<640xf32, #tpu.memory_space<vmem>>)
      tpu.yield
    }) : () -> ()
    %scan3A_97 = arith.constant 0 : i32
    %scan3A_98 = arith.constant 0 : i32
    %scan3A_99 = arith.constant 40 : i32
    %scan3A_100 = arith.addi %scan3A_98, %scan3A_99 : i32
    %scan3A_101 = arith.constant 1 : i32
    %scan3A_102 = scf.for %scan3A_615 = %scan3A_98 to %scan3A_100 step %scan3A_101 iter_args(%scan3A_616 = %scan3A_97) -> (i32)  : i32 {
      %mul3A_617 = arith.constant 16 : i32
      %mul3A_618 = arith.muli %scan3A_615, %mul3A_617 : i32
      %get3A_619 = arith.index_cast %mul3A_618 : i32 to index
      %get3A_620 = tpu.vector_load %arg29[%get3A_619] {strides = array<i32>} : memref<640xf32, #tpu.memory_space<vmem>>, vector<16xf32>,
      %mul3A_621 = arith.constant 16 : i32
      %mul3A_622 = arith.muli %scan3A_615, %mul3A_621 : i32
      %get3A_623 = arith.index_cast %mul3A_622 : i32 to index
      %get3A_624 = tpu.vector_load %arg28[%get3A_623] {strides = array<i32>} : memref<640xf32, #tpu.memory_space<vmem>>, vector<16xf32>,
      %add3A_625 = arith.addf %get3A_620, %get3A_624 : vector<16xf32>
      %mul3A_626 = arith.constant 16 : i32
      %mul3A_627 = arith.muli %scan3A_615, %mul3A_626 : i32
      %swap3A = arith.index_cast %mul3A_627 : i32 to index
      %swap3A_628 = tpu.vector_load %arg29[%swap3A] {strides = array<i32>} : memref<640xf32, #tpu.memory_space<vmem>>, vector<16xf32>,
      tpu.vector_store %arg29[%swap3A], %add3A_625 {strides = array<i32>} : memref<640xf32, #tpu.memory_space<vmem>>, vector<16xf32>,
      %scan3A_629 = arith.constant 0 : i32
      scf.yield %scan3A_629 : i32
    }
    %scan3A_103 = arith.constant 40 : i32
    %mul3A_104 = arith.constant 640 : i32
    %mul3A_105 = arith.muli %arg1, %mul3A_104 : i32
    %run_scoped3A_106 = arith.constant 7 : i32
    "tpu.region"() ({
      %run_scoped3A_615 = tpu.sem_alloc : memref<!tpu.dma_semaphore, #tpu.memory_space<semaphore_mem>>
      %dma_start3A_616 = tpu.memref_slice %arg35[%run_scoped3A_106, %mul3A_105] : memref<16x10240xf32, #tpu.memory_space<vmem_shared>> -> memref<1x640xf32, #tpu.memory_space<vmem_shared>>
      %dma_start3A_617 = tpu.memref_squeeze %dma_start3A_616 : memref<1x640xf32, #tpu.memory_space<vmem_shared>> -> memref<640xf32, #tpu.memory_space<vmem_shared>>
      %dma_start3A_618 = tpu.memref_slice %arg35[%run_scoped3A_106, %mul3A_105] : memref<16x10240xf32, #tpu.memory_space<vmem_shared>> -> memref<1x640xf32, #tpu.memory_space<vmem_shared>>
      %dma_start3A_619 = tpu.memref_squeeze %dma_start3A_618 : memref<1x640xf32, #tpu.memory_space<vmem_shared>> -> memref<640xf32, #tpu.memory_space<vmem_shared>>
      tpu.enqueue_dma source(%dma_start3A_619 : memref<640xf32, #tpu.memory_space<vmem_shared>>) target(%arg28 : memref<640xf32, #tpu.memory_space<vmem>>) target_semaphore(%run_scoped3A_615 : memref<!tpu.dma_semaphore, #tpu.memory_space<semaphore_mem>>)
      %dma_wait3A_620 = tpu.memref_slice %arg35[%run_scoped3A_106, %mul3A_105] : memref<16x10240xf32, #tpu.memory_space<vmem_shared>> -> memref<1x640xf32, #tpu.memory_space<vmem_shared>>
      %dma_wait3A_621 = tpu.memref_squeeze %dma_wait3A_620 : memref<1x640xf32, #tpu.memory_space<vmem_shared>> -> memref<640xf32, #tpu.memory_space<vmem_shared>>
      %dma_wait3A_622 = tpu.memref_slice %arg35[%run_scoped3A_106, %mul3A_105] : memref<16x10240xf32, #tpu.memory_space<vmem_shared>> -> memref<1x640xf32, #tpu.memory_space<vmem_shared>>
      %dma_wait3A_623 = tpu.memref_squeeze %dma_wait3A_622 : memref<1x640xf32, #tpu.memory_space<vmem_shared>> -> memref<640xf32, #tpu.memory_space<vmem_shared>>
      tpu.wait_dma2 semaphore(%run_scoped3A_615 : memref<!tpu.dma_semaphore, #tpu.memory_space<semaphore_mem>>) src(%dma_wait3A_623 : memref<640xf32, #tpu.memory_space<vmem_shared>>) dst(%arg28 : memref<640xf32, #tpu.memory_space<vmem>>)
      tpu.yield
    }) : () -> ()
    %scan3A_107 = arith.constant 0 : i32
    %scan3A_108 = arith.constant 0 : i32
    %scan3A_109 = arith.constant 40 : i32
    %scan3A_110 = arith.addi %scan3A_108, %scan3A_109 : i32
    %scan3A_111 = arith.constant 1 : i32
    %scan3A_112 = scf.for %scan3A_615 = %scan3A_108 to %scan3A_110 step %scan3A_111 iter_args(%scan3A_616 = %scan3A_107) -> (i32)  : i32 {
      %mul3A_617 = arith.constant 16 : i32
      %mul3A_618 = arith.muli %scan3A_615, %mul3A_617 : i32
      %get3A_619 = arith.index_cast %mul3A_618 : i32 to index
      %get3A_620 = tpu.vector_load %arg29[%get3A_619] {strides = array<i32>} : memref<640xf32, #tpu.memory_space<vmem>>, vector<16xf32>,
      %mul3A_621 = arith.constant 16 : i32
      %mul3A_622 = arith.muli %scan3A_615, %mul3A_621 : i32
      %get3A_623 = arith.index_cast %mul3A_622 : i32 to index
      %get3A_624 = tpu.vector_load %arg28[%get3A_623] {strides = array<i32>} : memref<640xf32, #tpu.memory_space<vmem>>, vector<16xf32>,
      %add3A_625 = arith.addf %get3A_620, %get3A_624 : vector<16xf32>
      %mul3A_626 = arith.constant 16 : i32
      %mul3A_627 = arith.muli %scan3A_615, %mul3A_626 : i32
      %swap3A = arith.index_cast %mul3A_627 : i32 to index
      %swap3A_628 = tpu.vector_load %arg29[%swap3A] {strides = array<i32>} : memref<640xf32, #tpu.memory_space<vmem>>, vector<16xf32>,
      tpu.vector_store %arg29[%swap3A], %add3A_625 {strides = array<i32>} : memref<640xf32, #tpu.memory_space<vmem>>, vector<16xf32>,
      %scan3A_629 = arith.constant 0 : i32
      scf.yield %scan3A_629 : i32
    }
    %scan3A_113 = arith.constant 40 : i32
    %mul3A_114 = arith.constant 640 : i32
    %mul3A_115 = arith.muli %arg1, %mul3A_114 : i32
    %run_scoped3A_116 = arith.constant 8 : i32
    "tpu.region"() ({
      %run_scoped3A_615 = tpu.sem_alloc : memref<!tpu.dma_semaphore, #tpu.memory_space<semaphore_mem>>
      %dma_start3A_616 = tpu.memref_slice %arg35[%run_scoped3A_116, %mul3A_115] : memref<16x10240xf32, #tpu.memory_space<vmem_shared>> -> memref<1x640xf32, #tpu.memory_space<vmem_shared>>
      %dma_start3A_617 = tpu.memref_squeeze %dma_start3A_616 : memref<1x640xf32, #tpu.memory_space<vmem_shared>> -> memref<640xf32, #tpu.memory_space<vmem_shared>>
      %dma_start3A_618 = tpu.memref_slice %arg35[%run_scoped3A_116, %mul3A_115] : memref<16x10240xf32, #tpu.memory_space<vmem_shared>> -> memref<1x640xf32, #tpu.memory_space<vmem_shared>>
      %dma_start3A_619 = tpu.memref_squeeze %dma_start3A_618 : memref<1x640xf32, #tpu.memory_space<vmem_shared>> -> memref<640xf32, #tpu.memory_space<vmem_shared>>
      tpu.enqueue_dma source(%dma_start3A_619 : memref<640xf32, #tpu.memory_space<vmem_shared>>) target(%arg28 : memref<640xf32, #tpu.memory_space<vmem>>) target_semaphore(%run_scoped3A_615 : memref<!tpu.dma_semaphore, #tpu.memory_space<semaphore_mem>>)
      %dma_wait3A_620 = tpu.memref_slice %arg35[%run_scoped3A_116, %mul3A_115] : memref<16x10240xf32, #tpu.memory_space<vmem_shared>> -> memref<1x640xf32, #tpu.memory_space<vmem_shared>>
      %dma_wait3A_621 = tpu.memref_squeeze %dma_wait3A_620 : memref<1x640xf32, #tpu.memory_space<vmem_shared>> -> memref<640xf32, #tpu.memory_space<vmem_shared>>
      %dma_wait3A_622 = tpu.memref_slice %arg35[%run_scoped3A_116, %mul3A_115] : memref<16x10240xf32, #tpu.memory_space<vmem_shared>> -> memref<1x640xf32, #tpu.memory_space<vmem_shared>>
      %dma_wait3A_623 = tpu.memref_squeeze %dma_wait3A_622 : memref<1x640xf32, #tpu.memory_space<vmem_shared>> -> memref<640xf32, #tpu.memory_space<vmem_shared>>
      tpu.wait_dma2 semaphore(%run_scoped3A_615 : memref<!tpu.dma_semaphore, #tpu.memory_space<semaphore_mem>>) src(%dma_wait3A_623 : memref<640xf32, #tpu.memory_space<vmem_shared>>) dst(%arg28 : memref<640xf32, #tpu.memory_space<vmem>>)
      tpu.yield
    }) : () -> ()
    %scan3A_117 = arith.constant 0 : i32
    %scan3A_118 = arith.constant 0 : i32
    %scan3A_119 = arith.constant 40 : i32
    %scan3A_120 = arith.addi %scan3A_118, %scan3A_119 : i32
    %scan3A_121 = arith.constant 1 : i32
    %scan3A_122 = scf.for %scan3A_615 = %scan3A_118 to %scan3A_120 step %scan3A_121 iter_args(%scan3A_616 = %scan3A_117) -> (i32)  : i32 {
      %mul3A_617 = arith.constant 16 : i32
      %mul3A_618 = arith.muli %scan3A_615, %mul3A_617 : i32
      %get3A_619 = arith.index_cast %mul3A_618 : i32 to index
      %get3A_620 = tpu.vector_load %arg29[%get3A_619] {strides = array<i32>} : memref<640xf32, #tpu.memory_space<vmem>>, vector<16xf32>,
      %mul3A_621 = arith.constant 16 : i32
      %mul3A_622 = arith.muli %scan3A_615, %mul3A_621 : i32
      %get3A_623 = arith.index_cast %mul3A_622 : i32 to index
      %get3A_624 = tpu.vector_load %arg28[%get3A_623] {strides = array<i32>} : memref<640xf32, #tpu.memory_space<vmem>>, vector<16xf32>,
      %add3A_625 = arith.addf %get3A_620, %get3A_624 : vector<16xf32>
      %mul3A_626 = arith.constant 16 : i32
      %mul3A_627 = arith.muli %scan3A_615, %mul3A_626 : i32
      %swap3A = arith.index_cast %mul3A_627 : i32 to index
      %swap3A_628 = tpu.vector_load %arg29[%swap3A] {strides = array<i32>} : memref<640xf32, #tpu.memory_space<vmem>>, vector<16xf32>,
      tpu.vector_store %arg29[%swap3A], %add3A_625 {strides = array<i32>} : memref<640xf32, #tpu.memory_space<vmem>>, vector<16xf32>,
      %scan3A_629 = arith.constant 0 : i32
      scf.yield %scan3A_629 : i32
    }
    %scan3A_123 = arith.constant 40 : i32
    %mul3A_124 = arith.constant 640 : i32
    %mul3A_125 = arith.muli %arg1, %mul3A_124 : i32
    %run_scoped3A_126 = arith.constant 9 : i32
    "tpu.region"() ({
      %run_scoped3A_615 = tpu.sem_alloc : memref<!tpu.dma_semaphore, #tpu.memory_space<semaphore_mem>>
      %dma_start3A_616 = tpu.memref_slice %arg35[%run_scoped3A_126, %mul3A_125] : memref<16x10240xf32, #tpu.memory_space<vmem_shared>> -> memref<1x640xf32, #tpu.memory_space<vmem_shared>>
      %dma_start3A_617 = tpu.memref_squeeze %dma_start3A_616 : memref<1x640xf32, #tpu.memory_space<vmem_shared>> -> memref<640xf32, #tpu.memory_space<vmem_shared>>
      %dma_start3A_618 = tpu.memref_slice %arg35[%run_scoped3A_126, %mul3A_125] : memref<16x10240xf32, #tpu.memory_space<vmem_shared>> -> memref<1x640xf32, #tpu.memory_space<vmem_shared>>
      %dma_start3A_619 = tpu.memref_squeeze %dma_start3A_618 : memref<1x640xf32, #tpu.memory_space<vmem_shared>> -> memref<640xf32, #tpu.memory_space<vmem_shared>>
      tpu.enqueue_dma source(%dma_start3A_619 : memref<640xf32, #tpu.memory_space<vmem_shared>>) target(%arg28 : memref<640xf32, #tpu.memory_space<vmem>>) target_semaphore(%run_scoped3A_615 : memref<!tpu.dma_semaphore, #tpu.memory_space<semaphore_mem>>)
      %dma_wait3A_620 = tpu.memref_slice %arg35[%run_scoped3A_126, %mul3A_125] : memref<16x10240xf32, #tpu.memory_space<vmem_shared>> -> memref<1x640xf32, #tpu.memory_space<vmem_shared>>
      %dma_wait3A_621 = tpu.memref_squeeze %dma_wait3A_620 : memref<1x640xf32, #tpu.memory_space<vmem_shared>> -> memref<640xf32, #tpu.memory_space<vmem_shared>>
      %dma_wait3A_622 = tpu.memref_slice %arg35[%run_scoped3A_126, %mul3A_125] : memref<16x10240xf32, #tpu.memory_space<vmem_shared>> -> memref<1x640xf32, #tpu.memory_space<vmem_shared>>
      %dma_wait3A_623 = tpu.memref_squeeze %dma_wait3A_622 : memref<1x640xf32, #tpu.memory_space<vmem_shared>> -> memref<640xf32, #tpu.memory_space<vmem_shared>>
      tpu.wait_dma2 semaphore(%run_scoped3A_615 : memref<!tpu.dma_semaphore, #tpu.memory_space<semaphore_mem>>) src(%dma_wait3A_623 : memref<640xf32, #tpu.memory_space<vmem_shared>>) dst(%arg28 : memref<640xf32, #tpu.memory_space<vmem>>)
      tpu.yield
    }) : () -> ()
    %scan3A_127 = arith.constant 0 : i32
    %scan3A_128 = arith.constant 0 : i32
    %scan3A_129 = arith.constant 40 : i32
    %scan3A_130 = arith.addi %scan3A_128, %scan3A_129 : i32
    %scan3A_131 = arith.constant 1 : i32
    %scan3A_132 = scf.for %scan3A_615 = %scan3A_128 to %scan3A_130 step %scan3A_131 iter_args(%scan3A_616 = %scan3A_127) -> (i32)  : i32 {
      %mul3A_617 = arith.constant 16 : i32
      %mul3A_618 = arith.muli %scan3A_615, %mul3A_617 : i32
      %get3A_619 = arith.index_cast %mul3A_618 : i32 to index
      %get3A_620 = tpu.vector_load %arg29[%get3A_619] {strides = array<i32>} : memref<640xf32, #tpu.memory_space<vmem>>, vector<16xf32>,
      %mul3A_621 = arith.constant 16 : i32
      %mul3A_622 = arith.muli %scan3A_615, %mul3A_621 : i32
      %get3A_623 = arith.index_cast %mul3A_622 : i32 to index
      %get3A_624 = tpu.vector_load %arg28[%get3A_623] {strides = array<i32>} : memref<640xf32, #tpu.memory_space<vmem>>, vector<16xf32>,
      %add3A_625 = arith.addf %get3A_620, %get3A_624 : vector<16xf32>
      %mul3A_626 = arith.constant 16 : i32
      %mul3A_627 = arith.muli %scan3A_615, %mul3A_626 : i32
      %swap3A = arith.index_cast %mul3A_627 : i32 to index
      %swap3A_628 = tpu.vector_load %arg29[%swap3A] {strides = array<i32>} : memref<640xf32, #tpu.memory_space<vmem>>, vector<16xf32>,
      tpu.vector_store %arg29[%swap3A], %add3A_625 {strides = array<i32>} : memref<640xf32, #tpu.memory_space<vmem>>, vector<16xf32>,
      %scan3A_629 = arith.constant 0 : i32
      scf.yield %scan3A_629 : i32
    }
    %scan3A_133 = arith.constant 40 : i32
    %mul3A_134 = arith.constant 640 : i32
    %mul3A_135 = arith.muli %arg1, %mul3A_134 : i32
    %run_scoped3A_136 = arith.constant 10 : i32
    "tpu.region"() ({
      %run_scoped3A_615 = tpu.sem_alloc : memref<!tpu.dma_semaphore, #tpu.memory_space<semaphore_mem>>
      %dma_start3A_616 = tpu.memref_slice %arg35[%run_scoped3A_136, %mul3A_135] : memref<16x10240xf32, #tpu.memory_space<vmem_shared>> -> memref<1x640xf32, #tpu.memory_space<vmem_shared>>
      %dma_start3A_617 = tpu.memref_squeeze %dma_start3A_616 : memref<1x640xf32, #tpu.memory_space<vmem_shared>> -> memref<640xf32, #tpu.memory_space<vmem_shared>>
      %dma_start3A_618 = tpu.memref_slice %arg35[%run_scoped3A_136, %mul3A_135] : memref<16x10240xf32, #tpu.memory_space<vmem_shared>> -> memref<1x640xf32, #tpu.memory_space<vmem_shared>>
      %dma_start3A_619 = tpu.memref_squeeze %dma_start3A_618 : memref<1x640xf32, #tpu.memory_space<vmem_shared>> -> memref<640xf32, #tpu.memory_space<vmem_shared>>
      tpu.enqueue_dma source(%dma_start3A_619 : memref<640xf32, #tpu.memory_space<vmem_shared>>) target(%arg28 : memref<640xf32, #tpu.memory_space<vmem>>) target_semaphore(%run_scoped3A_615 : memref<!tpu.dma_semaphore, #tpu.memory_space<semaphore_mem>>)
      %dma_wait3A_620 = tpu.memref_slice %arg35[%run_scoped3A_136, %mul3A_135] : memref<16x10240xf32, #tpu.memory_space<vmem_shared>> -> memref<1x640xf32, #tpu.memory_space<vmem_shared>>
      %dma_wait3A_621 = tpu.memref_squeeze %dma_wait3A_620 : memref<1x640xf32, #tpu.memory_space<vmem_shared>> -> memref<640xf32, #tpu.memory_space<vmem_shared>>
      %dma_wait3A_622 = tpu.memref_slice %arg35[%run_scoped3A_136, %mul3A_135] : memref<16x10240xf32, #tpu.memory_space<vmem_shared>> -> memref<1x640xf32, #tpu.memory_space<vmem_shared>>
      %dma_wait3A_623 = tpu.memref_squeeze %dma_wait3A_622 : memref<1x640xf32, #tpu.memory_space<vmem_shared>> -> memref<640xf32, #tpu.memory_space<vmem_shared>>
      tpu.wait_dma2 semaphore(%run_scoped3A_615 : memref<!tpu.dma_semaphore, #tpu.memory_space<semaphore_mem>>) src(%dma_wait3A_623 : memref<640xf32, #tpu.memory_space<vmem_shared>>) dst(%arg28 : memref<640xf32, #tpu.memory_space<vmem>>)
      tpu.yield
    }) : () -> ()
    %scan3A_137 = arith.constant 0 : i32
    %scan3A_138 = arith.constant 0 : i32
    %scan3A_139 = arith.constant 40 : i32
    %scan3A_140 = arith.addi %scan3A_138, %scan3A_139 : i32
    %scan3A_141 = arith.constant 1 : i32
    %scan3A_142 = scf.for %scan3A_615 = %scan3A_138 to %scan3A_140 step %scan3A_141 iter_args(%scan3A_616 = %scan3A_137) -> (i32)  : i32 {
      %mul3A_617 = arith.constant 16 : i32
      %mul3A_618 = arith.muli %scan3A_615, %mul3A_617 : i32
      %get3A_619 = arith.index_cast %mul3A_618 : i32 to index
      %get3A_620 = tpu.vector_load %arg29[%get3A_619] {strides = array<i32>} : memref<640xf32, #tpu.memory_space<vmem>>, vector<16xf32>,
      %mul3A_621 = arith.constant 16 : i32
      %mul3A_622 = arith.muli %scan3A_615, %mul3A_621 : i32
      %get3A_623 = arith.index_cast %mul3A_622 : i32 to index
      %get3A_624 = tpu.vector_load %arg28[%get3A_623] {strides = array<i32>} : memref<640xf32, #tpu.memory_space<vmem>>, vector<16xf32>,
      %add3A_625 = arith.addf %get3A_620, %get3A_624 : vector<16xf32>
      %mul3A_626 = arith.constant 16 : i32
      %mul3A_627 = arith.muli %scan3A_615, %mul3A_626 : i32
      %swap3A = arith.index_cast %mul3A_627 : i32 to index
      %swap3A_628 = tpu.vector_load %arg29[%swap3A] {strides = array<i32>} : memref<640xf32, #tpu.memory_space<vmem>>, vector<16xf32>,
      tpu.vector_store %arg29[%swap3A], %add3A_625 {strides = array<i32>} : memref<640xf32, #tpu.memory_space<vmem>>, vector<16xf32>,
      %scan3A_629 = arith.constant 0 : i32
      scf.yield %scan3A_629 : i32
    }
    %scan3A_143 = arith.constant 40 : i32
    %mul3A_144 = arith.constant 640 : i32
    %mul3A_145 = arith.muli %arg1, %mul3A_144 : i32
    %run_scoped3A_146 = arith.constant 11 : i32
    "tpu.region"() ({
      %run_scoped3A_615 = tpu.sem_alloc : memref<!tpu.dma_semaphore, #tpu.memory_space<semaphore_mem>>
      %dma_start3A_616 = tpu.memref_slice %arg35[%run_scoped3A_146, %mul3A_145] : memref<16x10240xf32, #tpu.memory_space<vmem_shared>> -> memref<1x640xf32, #tpu.memory_space<vmem_shared>>
      %dma_start3A_617 = tpu.memref_squeeze %dma_start3A_616 : memref<1x640xf32, #tpu.memory_space<vmem_shared>> -> memref<640xf32, #tpu.memory_space<vmem_shared>>
      %dma_start3A_618 = tpu.memref_slice %arg35[%run_scoped3A_146, %mul3A_145] : memref<16x10240xf32, #tpu.memory_space<vmem_shared>> -> memref<1x640xf32, #tpu.memory_space<vmem_shared>>
      %dma_start3A_619 = tpu.memref_squeeze %dma_start3A_618 : memref<1x640xf32, #tpu.memory_space<vmem_shared>> -> memref<640xf32, #tpu.memory_space<vmem_shared>>
      tpu.enqueue_dma source(%dma_start3A_619 : memref<640xf32, #tpu.memory_space<vmem_shared>>) target(%arg28 : memref<640xf32, #tpu.memory_space<vmem>>) target_semaphore(%run_scoped3A_615 : memref<!tpu.dma_semaphore, #tpu.memory_space<semaphore_mem>>)
      %dma_wait3A_620 = tpu.memref_slice %arg35[%run_scoped3A_146, %mul3A_145] : memref<16x10240xf32, #tpu.memory_space<vmem_shared>> -> memref<1x640xf32, #tpu.memory_space<vmem_shared>>
      %dma_wait3A_621 = tpu.memref_squeeze %dma_wait3A_620 : memref<1x640xf32, #tpu.memory_space<vmem_shared>> -> memref<640xf32, #tpu.memory_space<vmem_shared>>
      %dma_wait3A_622 = tpu.memref_slice %arg35[%run_scoped3A_146, %mul3A_145] : memref<16x10240xf32, #tpu.memory_space<vmem_shared>> -> memref<1x640xf32, #tpu.memory_space<vmem_shared>>
      %dma_wait3A_623 = tpu.memref_squeeze %dma_wait3A_622 : memref<1x640xf32, #tpu.memory_space<vmem_shared>> -> memref<640xf32, #tpu.memory_space<vmem_shared>>
      tpu.wait_dma2 semaphore(%run_scoped3A_615 : memref<!tpu.dma_semaphore, #tpu.memory_space<semaphore_mem>>) src(%dma_wait3A_623 : memref<640xf32, #tpu.memory_space<vmem_shared>>) dst(%arg28 : memref<640xf32, #tpu.memory_space<vmem>>)
      tpu.yield
    }) : () -> ()
    %scan3A_147 = arith.constant 0 : i32
    %scan3A_148 = arith.constant 0 : i32
    %scan3A_149 = arith.constant 40 : i32
    %scan3A_150 = arith.addi %scan3A_148, %scan3A_149 : i32
    %scan3A_151 = arith.constant 1 : i32
    %scan3A_152 = scf.for %scan3A_615 = %scan3A_148 to %scan3A_150 step %scan3A_151 iter_args(%scan3A_616 = %scan3A_147) -> (i32)  : i32 {
      %mul3A_617 = arith.constant 16 : i32
      %mul3A_618 = arith.muli %scan3A_615, %mul3A_617 : i32
      %get3A_619 = arith.index_cast %mul3A_618 : i32 to index
      %get3A_620 = tpu.vector_load %arg29[%get3A_619] {strides = array<i32>} : memref<640xf32, #tpu.memory_space<vmem>>, vector<16xf32>,
      %mul3A_621 = arith.constant 16 : i32
      %mul3A_622 = arith.muli %scan3A_615, %mul3A_621 : i32
      %get3A_623 = arith.index_cast %mul3A_622 : i32 to index
      %get3A_624 = tpu.vector_load %arg28[%get3A_623] {strides = array<i32>} : memref<640xf32, #tpu.memory_space<vmem>>, vector<16xf32>,
      %add3A_625 = arith.addf %get3A_620, %get3A_624 : vector<16xf32>
      %mul3A_626 = arith.constant 16 : i32
      %mul3A_627 = arith.muli %scan3A_615, %mul3A_626 : i32
      %swap3A = arith.index_cast %mul3A_627 : i32 to index
      %swap3A_628 = tpu.vector_load %arg29[%swap3A] {strides = array<i32>} : memref<640xf32, #tpu.memory_space<vmem>>, vector<16xf32>,
      tpu.vector_store %arg29[%swap3A], %add3A_625 {strides = array<i32>} : memref<640xf32, #tpu.memory_space<vmem>>, vector<16xf32>,
      %scan3A_629 = arith.constant 0 : i32
      scf.yield %scan3A_629 : i32
    }
    %scan3A_153 = arith.constant 40 : i32
    %mul3A_154 = arith.constant 640 : i32
    %mul3A_155 = arith.muli %arg1, %mul3A_154 : i32
    %run_scoped3A_156 = arith.constant 12 : i32
    "tpu.region"() ({
      %run_scoped3A_615 = tpu.sem_alloc : memref<!tpu.dma_semaphore, #tpu.memory_space<semaphore_mem>>
      %dma_start3A_616 = tpu.memref_slice %arg35[%run_scoped3A_156, %mul3A_155] : memref<16x10240xf32, #tpu.memory_space<vmem_shared>> -> memref<1x640xf32, #tpu.memory_space<vmem_shared>>
      %dma_start3A_617 = tpu.memref_squeeze %dma_start3A_616 : memref<1x640xf32, #tpu.memory_space<vmem_shared>> -> memref<640xf32, #tpu.memory_space<vmem_shared>>
      %dma_start3A_618 = tpu.memref_slice %arg35[%run_scoped3A_156, %mul3A_155] : memref<16x10240xf32, #tpu.memory_space<vmem_shared>> -> memref<1x640xf32, #tpu.memory_space<vmem_shared>>
      %dma_start3A_619 = tpu.memref_squeeze %dma_start3A_618 : memref<1x640xf32, #tpu.memory_space<vmem_shared>> -> memref<640xf32, #tpu.memory_space<vmem_shared>>
      tpu.enqueue_dma source(%dma_start3A_619 : memref<640xf32, #tpu.memory_space<vmem_shared>>) target(%arg28 : memref<640xf32, #tpu.memory_space<vmem>>) target_semaphore(%run_scoped3A_615 : memref<!tpu.dma_semaphore, #tpu.memory_space<semaphore_mem>>)
      %dma_wait3A_620 = tpu.memref_slice %arg35[%run_scoped3A_156, %mul3A_155] : memref<16x10240xf32, #tpu.memory_space<vmem_shared>> -> memref<1x640xf32, #tpu.memory_space<vmem_shared>>
      %dma_wait3A_621 = tpu.memref_squeeze %dma_wait3A_620 : memref<1x640xf32, #tpu.memory_space<vmem_shared>> -> memref<640xf32, #tpu.memory_space<vmem_shared>>
      %dma_wait3A_622 = tpu.memref_slice %arg35[%run_scoped3A_156, %mul3A_155] : memref<16x10240xf32, #tpu.memory_space<vmem_shared>> -> memref<1x640xf32, #tpu.memory_space<vmem_shared>>
      %dma_wait3A_623 = tpu.memref_squeeze %dma_wait3A_622 : memref<1x640xf32, #tpu.memory_space<vmem_shared>> -> memref<640xf32, #tpu.memory_space<vmem_shared>>
      tpu.wait_dma2 semaphore(%run_scoped3A_615 : memref<!tpu.dma_semaphore, #tpu.memory_space<semaphore_mem>>) src(%dma_wait3A_623 : memref<640xf32, #tpu.memory_space<vmem_shared>>) dst(%arg28 : memref<640xf32, #tpu.memory_space<vmem>>)
      tpu.yield
    }) : () -> ()
    %scan3A_157 = arith.constant 0 : i32
    %scan3A_158 = arith.constant 0 : i32
    %scan3A_159 = arith.constant 40 : i32
    %scan3A_160 = arith.addi %scan3A_158, %scan3A_159 : i32
    %scan3A_161 = arith.constant 1 : i32
    %scan3A_162 = scf.for %scan3A_615 = %scan3A_158 to %scan3A_160 step %scan3A_161 iter_args(%scan3A_616 = %scan3A_157) -> (i32)  : i32 {
      %mul3A_617 = arith.constant 16 : i32
      %mul3A_618 = arith.muli %scan3A_615, %mul3A_617 : i32
      %get3A_619 = arith.index_cast %mul3A_618 : i32 to index
      %get3A_620 = tpu.vector_load %arg29[%get3A_619] {strides = array<i32>} : memref<640xf32, #tpu.memory_space<vmem>>, vector<16xf32>,
      %mul3A_621 = arith.constant 16 : i32
      %mul3A_622 = arith.muli %scan3A_615, %mul3A_621 : i32
      %get3A_623 = arith.index_cast %mul3A_622 : i32 to index
      %get3A_624 = tpu.vector_load %arg28[%get3A_623] {strides = array<i32>} : memref<640xf32, #tpu.memory_space<vmem>>, vector<16xf32>,
      %add3A_625 = arith.addf %get3A_620, %get3A_624 : vector<16xf32>
      %mul3A_626 = arith.constant 16 : i32
      %mul3A_627 = arith.muli %scan3A_615, %mul3A_626 : i32
      %swap3A = arith.index_cast %mul3A_627 : i32 to index
      %swap3A_628 = tpu.vector_load %arg29[%swap3A] {strides = array<i32>} : memref<640xf32, #tpu.memory_space<vmem>>, vector<16xf32>,
      tpu.vector_store %arg29[%swap3A], %add3A_625 {strides = array<i32>} : memref<640xf32, #tpu.memory_space<vmem>>, vector<16xf32>,
      %scan3A_629 = arith.constant 0 : i32
      scf.yield %scan3A_629 : i32
    }
    %scan3A_163 = arith.constant 40 : i32
    %mul3A_164 = arith.constant 640 : i32
    %mul3A_165 = arith.muli %arg1, %mul3A_164 : i32
    %run_scoped3A_166 = arith.constant 13 : i32
    "tpu.region"() ({
      %run_scoped3A_615 = tpu.sem_alloc : memref<!tpu.dma_semaphore, #tpu.memory_space<semaphore_mem>>
      %dma_start3A_616 = tpu.memref_slice %arg35[%run_scoped3A_166, %mul3A_165] : memref<16x10240xf32, #tpu.memory_space<vmem_shared>> -> memref<1x640xf32, #tpu.memory_space<vmem_shared>>
      %dma_start3A_617 = tpu.memref_squeeze %dma_start3A_616 : memref<1x640xf32, #tpu.memory_space<vmem_shared>> -> memref<640xf32, #tpu.memory_space<vmem_shared>>
      %dma_start3A_618 = tpu.memref_slice %arg35[%run_scoped3A_166, %mul3A_165] : memref<16x10240xf32, #tpu.memory_space<vmem_shared>> -> memref<1x640xf32, #tpu.memory_space<vmem_shared>>
      %dma_start3A_619 = tpu.memref_squeeze %dma_start3A_618 : memref<1x640xf32, #tpu.memory_space<vmem_shared>> -> memref<640xf32, #tpu.memory_space<vmem_shared>>
      tpu.enqueue_dma source(%dma_start3A_619 : memref<640xf32, #tpu.memory_space<vmem_shared>>) target(%arg28 : memref<640xf32, #tpu.memory_space<vmem>>) target_semaphore(%run_scoped3A_615 : memref<!tpu.dma_semaphore, #tpu.memory_space<semaphore_mem>>)
      %dma_wait3A_620 = tpu.memref_slice %arg35[%run_scoped3A_166, %mul3A_165] : memref<16x10240xf32, #tpu.memory_space<vmem_shared>> -> memref<1x640xf32, #tpu.memory_space<vmem_shared>>
      %dma_wait3A_621 = tpu.memref_squeeze %dma_wait3A_620 : memref<1x640xf32, #tpu.memory_space<vmem_shared>> -> memref<640xf32, #tpu.memory_space<vmem_shared>>
      %dma_wait3A_622 = tpu.memref_slice %arg35[%run_scoped3A_166, %mul3A_165] : memref<16x10240xf32, #tpu.memory_space<vmem_shared>> -> memref<1x640xf32, #tpu.memory_space<vmem_shared>>
      %dma_wait3A_623 = tpu.memref_squeeze %dma_wait3A_622 : memref<1x640xf32, #tpu.memory_space<vmem_shared>> -> memref<640xf32, #tpu.memory_space<vmem_shared>>
      tpu.wait_dma2 semaphore(%run_scoped3A_615 : memref<!tpu.dma_semaphore, #tpu.memory_space<semaphore_mem>>) src(%dma_wait3A_623 : memref<640xf32, #tpu.memory_space<vmem_shared>>) dst(%arg28 : memref<640xf32, #tpu.memory_space<vmem>>)
      tpu.yield
    }) : () -> ()
    %scan3A_167 = arith.constant 0 : i32
    %scan3A_168 = arith.constant 0 : i32
    %scan3A_169 = arith.constant 40 : i32
    %scan3A_170 = arith.addi %scan3A_168, %scan3A_169 : i32
    %scan3A_171 = arith.constant 1 : i32
    %scan3A_172 = scf.for %scan3A_615 = %scan3A_168 to %scan3A_170 step %scan3A_171 iter_args(%scan3A_616 = %scan3A_167) -> (i32)  : i32 {
      %mul3A_617 = arith.constant 16 : i32
      %mul3A_618 = arith.muli %scan3A_615, %mul3A_617 : i32
      %get3A_619 = arith.index_cast %mul3A_618 : i32 to index
      %get3A_620 = tpu.vector_load %arg29[%get3A_619] {strides = array<i32>} : memref<640xf32, #tpu.memory_space<vmem>>, vector<16xf32>,
      %mul3A_621 = arith.constant 16 : i32
      %mul3A_622 = arith.muli %scan3A_615, %mul3A_621 : i32
      %get3A_623 = arith.index_cast %mul3A_622 : i32 to index
      %get3A_624 = tpu.vector_load %arg28[%get3A_623] {strides = array<i32>} : memref<640xf32, #tpu.memory_space<vmem>>, vector<16xf32>,
      %add3A_625 = arith.addf %get3A_620, %get3A_624 : vector<16xf32>
      %mul3A_626 = arith.constant 16 : i32
      %mul3A_627 = arith.muli %scan3A_615, %mul3A_626 : i32
      %swap3A = arith.index_cast %mul3A_627 : i32 to index
      %swap3A_628 = tpu.vector_load %arg29[%swap3A] {strides = array<i32>} : memref<640xf32, #tpu.memory_space<vmem>>, vector<16xf32>,
      tpu.vector_store %arg29[%swap3A], %add3A_625 {strides = array<i32>} : memref<640xf32, #tpu.memory_space<vmem>>, vector<16xf32>,
      %scan3A_629 = arith.constant 0 : i32
      scf.yield %scan3A_629 : i32
    }
    %scan3A_173 = arith.constant 40 : i32
    %mul3A_174 = arith.constant 640 : i32
    %mul3A_175 = arith.muli %arg1, %mul3A_174 : i32
    %run_scoped3A_176 = arith.constant 14 : i32
    "tpu.region"() ({
      %run_scoped3A_615 = tpu.sem_alloc : memref<!tpu.dma_semaphore, #tpu.memory_space<semaphore_mem>>
      %dma_start3A_616 = tpu.memref_slice %arg35[%run_scoped3A_176, %mul3A_175] : memref<16x10240xf32, #tpu.memory_space<vmem_shared>> -> memref<1x640xf32, #tpu.memory_space<vmem_shared>>
      %dma_start3A_617 = tpu.memref_squeeze %dma_start3A_616 : memref<1x640xf32, #tpu.memory_space<vmem_shared>> -> memref<640xf32, #tpu.memory_space<vmem_shared>>
      %dma_start3A_618 = tpu.memref_slice %arg35[%run_scoped3A_176, %mul3A_175] : memref<16x10240xf32, #tpu.memory_space<vmem_shared>> -> memref<1x640xf32, #tpu.memory_space<vmem_shared>>
      %dma_start3A_619 = tpu.memref_squeeze %dma_start3A_618 : memref<1x640xf32, #tpu.memory_space<vmem_shared>> -> memref<640xf32, #tpu.memory_space<vmem_shared>>
      tpu.enqueue_dma source(%dma_start3A_619 : memref<640xf32, #tpu.memory_space<vmem_shared>>) target(%arg28 : memref<640xf32, #tpu.memory_space<vmem>>) target_semaphore(%run_scoped3A_615 : memref<!tpu.dma_semaphore, #tpu.memory_space<semaphore_mem>>)
      %dma_wait3A_620 = tpu.memref_slice %arg35[%run_scoped3A_176, %mul3A_175] : memref<16x10240xf32, #tpu.memory_space<vmem_shared>> -> memref<1x640xf32, #tpu.memory_space<vmem_shared>>
      %dma_wait3A_621 = tpu.memref_squeeze %dma_wait3A_620 : memref<1x640xf32, #tpu.memory_space<vmem_shared>> -> memref<640xf32, #tpu.memory_space<vmem_shared>>
      %dma_wait3A_622 = tpu.memref_slice %arg35[%run_scoped3A_176, %mul3A_175] : memref<16x10240xf32, #tpu.memory_space<vmem_shared>> -> memref<1x640xf32, #tpu.memory_space<vmem_shared>>
      %dma_wait3A_623 = tpu.memref_squeeze %dma_wait3A_622 : memref<1x640xf32, #tpu.memory_space<vmem_shared>> -> memref<640xf32, #tpu.memory_space<vmem_shared>>
      tpu.wait_dma2 semaphore(%run_scoped3A_615 : memref<!tpu.dma_semaphore, #tpu.memory_space<semaphore_mem>>) src(%dma_wait3A_623 : memref<640xf32, #tpu.memory_space<vmem_shared>>) dst(%arg28 : memref<640xf32, #tpu.memory_space<vmem>>)
      tpu.yield
    }) : () -> ()
    %scan3A_177 = arith.constant 0 : i32
    %scan3A_178 = arith.constant 0 : i32
    %scan3A_179 = arith.constant 40 : i32
    %scan3A_180 = arith.addi %scan3A_178, %scan3A_179 : i32
    %scan3A_181 = arith.constant 1 : i32
    %scan3A_182 = scf.for %scan3A_615 = %scan3A_178 to %scan3A_180 step %scan3A_181 iter_args(%scan3A_616 = %scan3A_177) -> (i32)  : i32 {
      %mul3A_617 = arith.constant 16 : i32
      %mul3A_618 = arith.muli %scan3A_615, %mul3A_617 : i32
      %get3A_619 = arith.index_cast %mul3A_618 : i32 to index
      %get3A_620 = tpu.vector_load %arg29[%get3A_619] {strides = array<i32>} : memref<640xf32, #tpu.memory_space<vmem>>, vector<16xf32>,
      %mul3A_621 = arith.constant 16 : i32
      %mul3A_622 = arith.muli %scan3A_615, %mul3A_621 : i32
      %get3A_623 = arith.index_cast %mul3A_622 : i32 to index
      %get3A_624 = tpu.vector_load %arg28[%get3A_623] {strides = array<i32>} : memref<640xf32, #tpu.memory_space<vmem>>, vector<16xf32>,
      %add3A_625 = arith.addf %get3A_620, %get3A_624 : vector<16xf32>
      %mul3A_626 = arith.constant 16 : i32
      %mul3A_627 = arith.muli %scan3A_615, %mul3A_626 : i32
      %swap3A = arith.index_cast %mul3A_627 : i32 to index
      %swap3A_628 = tpu.vector_load %arg29[%swap3A] {strides = array<i32>} : memref<640xf32, #tpu.memory_space<vmem>>, vector<16xf32>,
      tpu.vector_store %arg29[%swap3A], %add3A_625 {strides = array<i32>} : memref<640xf32, #tpu.memory_space<vmem>>, vector<16xf32>,
      %scan3A_629 = arith.constant 0 : i32
      scf.yield %scan3A_629 : i32
    }
    %scan3A_183 = arith.constant 40 : i32
    %mul3A_184 = arith.constant 640 : i32
    %mul3A_185 = arith.muli %arg1, %mul3A_184 : i32
    %run_scoped3A_186 = arith.constant 15 : i32
    "tpu.region"() ({
      %run_scoped3A_615 = tpu.sem_alloc : memref<!tpu.dma_semaphore, #tpu.memory_space<semaphore_mem>>
      %dma_start3A_616 = tpu.memref_slice %arg35[%run_scoped3A_186, %mul3A_185] : memref<16x10240xf32, #tpu.memory_space<vmem_shared>> -> memref<1x640xf32, #tpu.memory_space<vmem_shared>>
      %dma_start3A_617 = tpu.memref_squeeze %dma_start3A_616 : memref<1x640xf32, #tpu.memory_space<vmem_shared>> -> memref<640xf32, #tpu.memory_space<vmem_shared>>
      %dma_start3A_618 = tpu.memref_slice %arg35[%run_scoped3A_186, %mul3A_185] : memref<16x10240xf32, #tpu.memory_space<vmem_shared>> -> memref<1x640xf32, #tpu.memory_space<vmem_shared>>
      %dma_start3A_619 = tpu.memref_squeeze %dma_start3A_618 : memref<1x640xf32, #tpu.memory_space<vmem_shared>> -> memref<640xf32, #tpu.memory_space<vmem_shared>>
      tpu.enqueue_dma source(%dma_start3A_619 : memref<640xf32, #tpu.memory_space<vmem_shared>>) target(%arg28 : memref<640xf32, #tpu.memory_space<vmem>>) target_semaphore(%run_scoped3A_615 : memref<!tpu.dma_semaphore, #tpu.memory_space<semaphore_mem>>)
      %dma_wait3A_620 = tpu.memref_slice %arg35[%run_scoped3A_186, %mul3A_185] : memref<16x10240xf32, #tpu.memory_space<vmem_shared>> -> memref<1x640xf32, #tpu.memory_space<vmem_shared>>
      %dma_wait3A_621 = tpu.memref_squeeze %dma_wait3A_620 : memref<1x640xf32, #tpu.memory_space<vmem_shared>> -> memref<640xf32, #tpu.memory_space<vmem_shared>>
      %dma_wait3A_622 = tpu.memref_slice %arg35[%run_scoped3A_186, %mul3A_185] : memref<16x10240xf32, #tpu.memory_space<vmem_shared>> -> memref<1x640xf32, #tpu.memory_space<vmem_shared>>
      %dma_wait3A_623 = tpu.memref_squeeze %dma_wait3A_622 : memref<1x640xf32, #tpu.memory_space<vmem_shared>> -> memref<640xf32, #tpu.memory_space<vmem_shared>>
      tpu.wait_dma2 semaphore(%run_scoped3A_615 : memref<!tpu.dma_semaphore, #tpu.memory_space<semaphore_mem>>) src(%dma_wait3A_623 : memref<640xf32, #tpu.memory_space<vmem_shared>>) dst(%arg28 : memref<640xf32, #tpu.memory_space<vmem>>)
      tpu.yield
    }) : () -> ()
    %scan3A_187 = arith.constant 0 : i32
    %scan3A_188 = arith.constant 0 : i32
    %scan3A_189 = arith.constant 40 : i32
    %scan3A_190 = arith.addi %scan3A_188, %scan3A_189 : i32
    %scan3A_191 = arith.constant 1 : i32
    %scan3A_192 = scf.for %scan3A_615 = %scan3A_188 to %scan3A_190 step %scan3A_191 iter_args(%scan3A_616 = %scan3A_187) -> (i32)  : i32 {
      %mul3A_617 = arith.constant 16 : i32
      %mul3A_618 = arith.muli %scan3A_615, %mul3A_617 : i32
      %get3A_619 = arith.index_cast %mul3A_618 : i32 to index
      %get3A_620 = tpu.vector_load %arg29[%get3A_619] {strides = array<i32>} : memref<640xf32, #tpu.memory_space<vmem>>, vector<16xf32>,
      %mul3A_621 = arith.constant 16 : i32
      %mul3A_622 = arith.muli %scan3A_615, %mul3A_621 : i32
      %get3A_623 = arith.index_cast %mul3A_622 : i32 to index
      %get3A_624 = tpu.vector_load %arg28[%get3A_623] {strides = array<i32>} : memref<640xf32, #tpu.memory_space<vmem>>, vector<16xf32>,
      %add3A_625 = arith.addf %get3A_620, %get3A_624 : vector<16xf32>
      %mul3A_626 = arith.constant 16 : i32
      %mul3A_627 = arith.muli %scan3A_615, %mul3A_626 : i32
      %swap3A = arith.index_cast %mul3A_627 : i32 to index
      %swap3A_628 = tpu.vector_load %arg29[%swap3A] {strides = array<i32>} : memref<640xf32, #tpu.memory_space<vmem>>, vector<16xf32>,
      tpu.vector_store %arg29[%swap3A], %add3A_625 {strides = array<i32>} : memref<640xf32, #tpu.memory_space<vmem>>, vector<16xf32>,
      %scan3A_629 = arith.constant 0 : i32
      scf.yield %scan3A_629 : i32
    }
    %scan3A_193 = arith.constant 40 : i32
    %mul3A_194 = arith.constant 640 : i32
    %mul3A_195 = arith.muli %arg1, %mul3A_194 : i32
    "tpu.region"() ({
      %run_scoped3A_615 = tpu.sem_alloc : memref<!tpu.dma_semaphore, #tpu.memory_space<semaphore_mem>>
      %dma_start3A_616 = tpu.memref_slice %arg5[%mul3A_195] : memref<10240xf32, #tpu.memory_space<hbm>> -> memref<640xf32, #tpu.memory_space<hbm>>
      %dma_start3A_617 = tpu.memref_slice %arg5[%mul3A_195] : memref<10240xf32, #tpu.memory_space<hbm>> -> memref<640xf32, #tpu.memory_space<hbm>>
      tpu.enqueue_dma source(%dma_start3A_617 : memref<640xf32, #tpu.memory_space<hbm>>) target(%arg28 : memref<640xf32, #tpu.memory_space<vmem>>) target_semaphore(%run_scoped3A_615 : memref<!tpu.dma_semaphore, #tpu.memory_space<semaphore_mem>>)
      %dma_wait3A_618 = tpu.memref_slice %arg5[%mul3A_195] : memref<10240xf32, #tpu.memory_space<hbm>> -> memref<640xf32, #tpu.memory_space<hbm>>
      %dma_wait3A_619 = tpu.memref_slice %arg5[%mul3A_195] : memref<10240xf32, #tpu.memory_space<hbm>> -> memref<640xf32, #tpu.memory_space<hbm>>
      tpu.wait_dma2 semaphore(%run_scoped3A_615 : memref<!tpu.dma_semaphore, #tpu.memory_space<semaphore_mem>>) src(%dma_wait3A_619 : memref<640xf32, #tpu.memory_space<hbm>>) dst(%arg28 : memref<640xf32, #tpu.memory_space<vmem>>)
      tpu.yield
    }) : () -> ()
    %broadcast_in_dim3A_196 = arith.constant 0.000000e+00 : f32
    %broadcast_in_dim3A_197 = vector.broadcast %broadcast_in_dim3A_196 : f32 to vector<16xf32>
    %get3A = arith.constant 0 : index
    %get3A_198 = tpu.vector_load %arg32[%get3A] {strides = array<i32>} : memref<128xf32, #tpu.memory_space<vmem>>, vector<16xf32>,
    %get3A_199 = arith.constant 0 : index
    %get3A_200 = tpu.vector_load %arg30[%get3A_199] {strides = array<i32>} : memref<256xf32, #tpu.memory_space<vmem>>, vector<16xf32>,
    %mul3A_201 = arith.mulf %get3A_198, %get3A_200 : vector<16xf32>
    %add3A_202 = arith.addf %broadcast_in_dim3A_197, %mul3A_201 : vector<16xf32>
    %get3A_203 = arith.constant 16 : index
    %get3A_204 = tpu.vector_load %arg32[%get3A_203] {strides = array<i32>} : memref<128xf32, #tpu.memory_space<vmem>>, vector<16xf32>,
    %get3A_205 = arith.constant 16 : index
    %get3A_206 = tpu.vector_load %arg30[%get3A_205] {strides = array<i32>} : memref<256xf32, #tpu.memory_space<vmem>>, vector<16xf32>,
    %mul3A_207 = arith.mulf %get3A_204, %get3A_206 : vector<16xf32>
    %add3A_208 = arith.addf %add3A_202, %mul3A_207 : vector<16xf32>
    %get3A_209 = arith.constant 32 : index
    %get3A_210 = tpu.vector_load %arg32[%get3A_209] {strides = array<i32>} : memref<128xf32, #tpu.memory_space<vmem>>, vector<16xf32>,
    %get3A_211 = arith.constant 32 : index
    %get3A_212 = tpu.vector_load %arg30[%get3A_211] {strides = array<i32>} : memref<256xf32, #tpu.memory_space<vmem>>, vector<16xf32>,
    %mul3A_213 = arith.mulf %get3A_210, %get3A_212 : vector<16xf32>
    %add3A_214 = arith.addf %add3A_208, %mul3A_213 : vector<16xf32>
    %get3A_215 = arith.constant 48 : index
    %get3A_216 = tpu.vector_load %arg32[%get3A_215] {strides = array<i32>} : memref<128xf32, #tpu.memory_space<vmem>>, vector<16xf32>,
    %get3A_217 = arith.constant 48 : index
    %get3A_218 = tpu.vector_load %arg30[%get3A_217] {strides = array<i32>} : memref<256xf32, #tpu.memory_space<vmem>>, vector<16xf32>,
    %mul3A_219 = arith.mulf %get3A_216, %get3A_218 : vector<16xf32>
    %add3A_220 = arith.addf %add3A_214, %mul3A_219 : vector<16xf32>
    %get3A_221 = arith.constant 64 : index
    %get3A_222 = tpu.vector_load %arg32[%get3A_221] {strides = array<i32>} : memref<128xf32, #tpu.memory_space<vmem>>, vector<16xf32>,
    %get3A_223 = arith.constant 64 : index
    %get3A_224 = tpu.vector_load %arg30[%get3A_223] {strides = array<i32>} : memref<256xf32, #tpu.memory_space<vmem>>, vector<16xf32>,
    %mul3A_225 = arith.mulf %get3A_222, %get3A_224 : vector<16xf32>
    %add3A_226 = arith.addf %add3A_220, %mul3A_225 : vector<16xf32>
    %get3A_227 = arith.constant 80 : index
    %get3A_228 = tpu.vector_load %arg32[%get3A_227] {strides = array<i32>} : memref<128xf32, #tpu.memory_space<vmem>>, vector<16xf32>,
    %get3A_229 = arith.constant 80 : index
    %get3A_230 = tpu.vector_load %arg30[%get3A_229] {strides = array<i32>} : memref<256xf32, #tpu.memory_space<vmem>>, vector<16xf32>,
    %mul3A_231 = arith.mulf %get3A_228, %get3A_230 : vector<16xf32>
    %add3A_232 = arith.addf %add3A_226, %mul3A_231 : vector<16xf32>
    %get3A_233 = arith.constant 96 : index
    %get3A_234 = tpu.vector_load %arg32[%get3A_233] {strides = array<i32>} : memref<128xf32, #tpu.memory_space<vmem>>, vector<16xf32>,
    %get3A_235 = arith.constant 96 : index
    %get3A_236 = tpu.vector_load %arg30[%get3A_235] {strides = array<i32>} : memref<256xf32, #tpu.memory_space<vmem>>, vector<16xf32>,
    %mul3A_237 = arith.mulf %get3A_234, %get3A_236 : vector<16xf32>
    %add3A_238 = arith.addf %add3A_232, %mul3A_237 : vector<16xf32>
    %get3A_239 = arith.constant 112 : index
    %get3A_240 = tpu.vector_load %arg32[%get3A_239] {strides = array<i32>} : memref<128xf32, #tpu.memory_space<vmem>>, vector<16xf32>,
    %get3A_241 = arith.constant 112 : index
    %get3A_242 = tpu.vector_load %arg30[%get3A_241] {strides = array<i32>} : memref<256xf32, #tpu.memory_space<vmem>>, vector<16xf32>,
    %mul3A_243 = arith.mulf %get3A_240, %get3A_242 : vector<16xf32>
    %add3A_244 = arith.addf %add3A_238, %mul3A_243 : vector<16xf32>
    %reduce_sum3A = arith.constant true
    %reduce_sum3A_245 = vector.broadcast %reduce_sum3A : i1 to vector<16xi1>
    %reduce_sum3A_246 = tpu.scan <sum>, %add3A_244 masked %reduce_sum3A_245 : vector<16xf32>, vector<16xi1> -> vector<16xf32>
    %reduce_sum3A_247 = vector.extract %reduce_sum3A_246[15] : f32 from vector<16xf32>
    %scan3A_248 = arith.constant 0 : i32
    %scan3A_249 = arith.constant 0 : i32
    %scan3A_250 = arith.constant 40 : i32
    %scan3A_251 = arith.addi %scan3A_249, %scan3A_250 : i32
    %scan3A_252 = arith.constant 1 : i32
    %scan3A_253 = scf.for %scan3A_615 = %scan3A_249 to %scan3A_251 step %scan3A_252 iter_args(%scan3A_616 = %scan3A_248) -> (i32)  : i32 {
      %mul3A_617 = arith.constant 16 : i32
      %mul3A_618 = arith.muli %scan3A_615, %mul3A_617 : i32
      %get3A_619 = arith.index_cast %mul3A_618 : i32 to index
      %get3A_620 = tpu.vector_load %arg28[%get3A_619] {strides = array<i32>} : memref<640xf32, #tpu.memory_space<vmem>>, vector<16xf32>,
      %mul3A_621 = arith.constant 640 : i32
      %mul3A_622 = arith.muli %arg1, %mul3A_621 : i32
      %mul3A_623 = arith.constant 16 : i32
      %mul3A_624 = arith.muli %scan3A_615, %mul3A_623 : i32
      %add3A_625 = arith.addi %mul3A_622, %mul3A_624 : i32
      %get3A_626 = arith.index_cast %add3A_625 : i32 to index
      %get3A_627 = tpu.vector_load %arg17[%get3A_626] {strides = array<i32>} : memref<10240xf32, #tpu.memory_space<vmem>>, vector<16xf32>,
      %mul3A_628 = arith.constant 16 : i32
      %mul3A_629 = arith.muli %scan3A_615, %mul3A_628 : i32
      %get3A_630 = arith.index_cast %mul3A_629 : i32 to index
      %get3A_631 = tpu.vector_load %arg29[%get3A_630] {strides = array<i32>} : memref<640xf32, #tpu.memory_space<vmem>>, vector<16xf32>,
      %add3A_632 = arith.addf %get3A_631, %get3A_627 : vector<16xf32>
      %mul3A_633 = arith.mulf %get3A_620, %add3A_632 : vector<16xf32>
      %add3A_634 = vector.broadcast %reduce_sum3A_247 : f32 to vector<16xf32>
      %add3A_635 = arith.addf %mul3A_633, %add3A_634 : vector<16xf32>
      %mul3A_636 = arith.constant 16 : i32
      %mul3A_637 = arith.muli %scan3A_615, %mul3A_636 : i32
      %swap3A = arith.index_cast %mul3A_637 : i32 to index
      %swap3A_638 = tpu.vector_load %arg29[%swap3A] {strides = array<i32>} : memref<640xf32, #tpu.memory_space<vmem>>, vector<16xf32>,
      tpu.vector_store %arg29[%swap3A], %add3A_635 {strides = array<i32>} : memref<640xf32, #tpu.memory_space<vmem>>, vector<16xf32>,
      %scan3A_639 = arith.constant 0 : i32
      scf.yield %scan3A_639 : i32
    }
    %scan3A_254 = arith.constant 40 : i32
    %mul3A_255 = arith.constant 640 : i32
    %mul3A_256 = arith.muli %arg1, %mul3A_255 : i32
    "tpu.region"() ({
      %run_scoped3A_615 = tpu.sem_alloc : memref<!tpu.dma_semaphore, #tpu.memory_space<semaphore_mem>>
      %dma_start3A_616 = tpu.memref_slice %arg36[%mul3A_256] : memref<10240xf32, #tpu.memory_space<vmem_shared>> -> memref<640xf32, #tpu.memory_space<vmem_shared>>
      %dma_start3A_617 = tpu.memref_slice %arg36[%mul3A_256] : memref<10240xf32, #tpu.memory_space<vmem_shared>> -> memref<640xf32, #tpu.memory_space<vmem_shared>>
      tpu.enqueue_dma source(%arg29 : memref<640xf32, #tpu.memory_space<vmem>>) target(%dma_start3A_617 : memref<640xf32, #tpu.memory_space<vmem_shared>>) target_semaphore(%run_scoped3A_615 : memref<!tpu.dma_semaphore, #tpu.memory_space<semaphore_mem>>)
      %dma_wait3A_618 = tpu.memref_slice %arg36[%mul3A_256] : memref<10240xf32, #tpu.memory_space<vmem_shared>> -> memref<640xf32, #tpu.memory_space<vmem_shared>>
      %dma_wait3A_619 = tpu.memref_slice %arg36[%mul3A_256] : memref<10240xf32, #tpu.memory_space<vmem_shared>> -> memref<640xf32, #tpu.memory_space<vmem_shared>>
      tpu.wait_dma2 semaphore(%run_scoped3A_615 : memref<!tpu.dma_semaphore, #tpu.memory_space<semaphore_mem>>) src(%arg29 : memref<640xf32, #tpu.memory_space<vmem>>) dst(%dma_wait3A_619 : memref<640xf32, #tpu.memory_space<vmem_shared>>)
      tpu.yield
    }) : () -> ()
    %barrier3A_257 = arith.constant 0 : index
    tpu.barrier barrier_id(%barrier3A_257)
    "tpu.region"() ({
      %run_scoped3A_615 = tpu.sem_alloc : memref<!tpu.dma_semaphore, #tpu.memory_space<semaphore_mem>>
      tpu.enqueue_dma source(%arg36 : memref<10240xf32, #tpu.memory_space<vmem_shared>>) target(%arg18 : memref<10240xf32, #tpu.memory_space<vmem>>) target_semaphore(%run_scoped3A_615 : memref<!tpu.dma_semaphore, #tpu.memory_space<semaphore_mem>>)
      tpu.wait_dma2 semaphore(%run_scoped3A_615 : memref<!tpu.dma_semaphore, #tpu.memory_space<semaphore_mem>>) src(%arg36 : memref<10240xf32, #tpu.memory_space<vmem_shared>>) dst(%arg18 : memref<10240xf32, #tpu.memory_space<vmem>>)
      tpu.yield
    }) : () -> ()
    %broadcast_in_dim3A_258 = arith.constant 0.000000e+00 : f32
    %broadcast_in_dim3A_259 = vector.broadcast %broadcast_in_dim3A_258 : f32 to vector<16xf32>
    %get3A_260 = arith.constant 0 : i32
    %get3A_261 = arith.index_cast %get3A_260 : i32 to index
    %get3A_262 = arith.constant 0 : index
    %get3A_263 = tpu.vector_load %arg31[%get3A_261, %get3A_262] {strides = array<i32>} : memref<4x128xf32, #tpu.memory_space<vmem>>, vector<16xf32>,
    %get3A_264 = arith.constant 128 : index
    %get3A_265 = tpu.vector_load %arg30[%get3A_264] {strides = array<i32>} : memref<256xf32, #tpu.memory_space<vmem>>, vector<16xf32>,
    %mul3A_266 = arith.mulf %get3A_263, %get3A_265 : vector<16xf32>
    %add3A_267 = arith.addf %broadcast_in_dim3A_259, %mul3A_266 : vector<16xf32>
    %get3A_268 = arith.constant 0 : i32
    %get3A_269 = arith.index_cast %get3A_268 : i32 to index
    %get3A_270 = arith.constant 16 : index
    %get3A_271 = tpu.vector_load %arg31[%get3A_269, %get3A_270] {strides = array<i32>} : memref<4x128xf32, #tpu.memory_space<vmem>>, vector<16xf32>,
    %get3A_272 = arith.constant 144 : index
    %get3A_273 = tpu.vector_load %arg30[%get3A_272] {strides = array<i32>} : memref<256xf32, #tpu.memory_space<vmem>>, vector<16xf32>,
    %mul3A_274 = arith.mulf %get3A_271, %get3A_273 : vector<16xf32>
    %add3A_275 = arith.addf %add3A_267, %mul3A_274 : vector<16xf32>
    %get3A_276 = arith.constant 0 : i32
    %get3A_277 = arith.index_cast %get3A_276 : i32 to index
    %get3A_278 = arith.constant 32 : index
    %get3A_279 = tpu.vector_load %arg31[%get3A_277, %get3A_278] {strides = array<i32>} : memref<4x128xf32, #tpu.memory_space<vmem>>, vector<16xf32>,
    %get3A_280 = arith.constant 160 : index
    %get3A_281 = tpu.vector_load %arg30[%get3A_280] {strides = array<i32>} : memref<256xf32, #tpu.memory_space<vmem>>, vector<16xf32>,
    %mul3A_282 = arith.mulf %get3A_279, %get3A_281 : vector<16xf32>
    %add3A_283 = arith.addf %add3A_275, %mul3A_282 : vector<16xf32>
    %get3A_284 = arith.constant 0 : i32
    %get3A_285 = arith.index_cast %get3A_284 : i32 to index
    %get3A_286 = arith.constant 48 : index
    %get3A_287 = tpu.vector_load %arg31[%get3A_285, %get3A_286] {strides = array<i32>} : memref<4x128xf32, #tpu.memory_space<vmem>>, vector<16xf32>,
    %get3A_288 = arith.constant 176 : index
    %get3A_289 = tpu.vector_load %arg30[%get3A_288] {strides = array<i32>} : memref<256xf32, #tpu.memory_space<vmem>>, vector<16xf32>,
    %mul3A_290 = arith.mulf %get3A_287, %get3A_289 : vector<16xf32>
    %add3A_291 = arith.addf %add3A_283, %mul3A_290 : vector<16xf32>
    %get3A_292 = arith.constant 0 : i32
    %get3A_293 = arith.index_cast %get3A_292 : i32 to index
    %get3A_294 = arith.constant 64 : index
    %get3A_295 = tpu.vector_load %arg31[%get3A_293, %get3A_294] {strides = array<i32>} : memref<4x128xf32, #tpu.memory_space<vmem>>, vector<16xf32>,
    %get3A_296 = arith.constant 192 : index
    %get3A_297 = tpu.vector_load %arg30[%get3A_296] {strides = array<i32>} : memref<256xf32, #tpu.memory_space<vmem>>, vector<16xf32>,
    %mul3A_298 = arith.mulf %get3A_295, %get3A_297 : vector<16xf32>
    %add3A_299 = arith.addf %add3A_291, %mul3A_298 : vector<16xf32>
    %get3A_300 = arith.constant 0 : i32
    %get3A_301 = arith.index_cast %get3A_300 : i32 to index
    %get3A_302 = arith.constant 80 : index
    %get3A_303 = tpu.vector_load %arg31[%get3A_301, %get3A_302] {strides = array<i32>} : memref<4x128xf32, #tpu.memory_space<vmem>>, vector<16xf32>,
    %get3A_304 = arith.constant 208 : index
    %get3A_305 = tpu.vector_load %arg30[%get3A_304] {strides = array<i32>} : memref<256xf32, #tpu.memory_space<vmem>>, vector<16xf32>,
    %mul3A_306 = arith.mulf %get3A_303, %get3A_305 : vector<16xf32>
    %add3A_307 = arith.addf %add3A_299, %mul3A_306 : vector<16xf32>
    %get3A_308 = arith.constant 0 : i32
    %get3A_309 = arith.index_cast %get3A_308 : i32 to index
    %get3A_310 = arith.constant 96 : index
    %get3A_311 = tpu.vector_load %arg31[%get3A_309, %get3A_310] {strides = array<i32>} : memref<4x128xf32, #tpu.memory_space<vmem>>, vector<16xf32>,
    %get3A_312 = arith.constant 224 : index
    %get3A_313 = tpu.vector_load %arg30[%get3A_312] {strides = array<i32>} : memref<256xf32, #tpu.memory_space<vmem>>, vector<16xf32>,
    %mul3A_314 = arith.mulf %get3A_311, %get3A_313 : vector<16xf32>
    %add3A_315 = arith.addf %add3A_307, %mul3A_314 : vector<16xf32>
    %get3A_316 = arith.constant 0 : i32
    %get3A_317 = arith.index_cast %get3A_316 : i32 to index
    %get3A_318 = arith.constant 112 : index
    %get3A_319 = tpu.vector_load %arg31[%get3A_317, %get3A_318] {strides = array<i32>} : memref<4x128xf32, #tpu.memory_space<vmem>>, vector<16xf32>,
    %get3A_320 = arith.constant 240 : index
    %get3A_321 = tpu.vector_load %arg30[%get3A_320] {strides = array<i32>} : memref<256xf32, #tpu.memory_space<vmem>>, vector<16xf32>,
    %mul3A_322 = arith.mulf %get3A_319, %get3A_321 : vector<16xf32>
    %add3A_323 = arith.addf %add3A_315, %mul3A_322 : vector<16xf32>
    %reduce_sum3A_324 = arith.constant true
    %reduce_sum3A_325 = vector.broadcast %reduce_sum3A_324 : i1 to vector<16xi1>
    %reduce_sum3A_326 = tpu.scan <sum>, %add3A_323 masked %reduce_sum3A_325 : vector<16xf32>, vector<16xi1> -> vector<16xf32>
    %reduce_sum3A_327 = vector.extract %reduce_sum3A_326[15] : f32 from vector<16xf32>
    %broadcast_in_dim3A_328 = arith.constant 0.000000e+00 : f32
    %broadcast_in_dim3A_329 = vector.broadcast %broadcast_in_dim3A_328 : f32 to vector<16xf32>
    %get3A_330 = arith.constant 1 : i32
    %get3A_331 = arith.index_cast %get3A_330 : i32 to index
    %get3A_332 = arith.constant 0 : index
    %get3A_333 = tpu.vector_load %arg31[%get3A_331, %get3A_332] {strides = array<i32>} : memref<4x128xf32, #tpu.memory_space<vmem>>, vector<16xf32>,
    %get3A_334 = arith.constant 128 : index
    %get3A_335 = tpu.vector_load %arg30[%get3A_334] {strides = array<i32>} : memref<256xf32, #tpu.memory_space<vmem>>, vector<16xf32>,
    %mul3A_336 = arith.mulf %get3A_333, %get3A_335 : vector<16xf32>
    %add3A_337 = arith.addf %broadcast_in_dim3A_329, %mul3A_336 : vector<16xf32>
    %get3A_338 = arith.constant 1 : i32
    %get3A_339 = arith.index_cast %get3A_338 : i32 to index
    %get3A_340 = arith.constant 16 : index
    %get3A_341 = tpu.vector_load %arg31[%get3A_339, %get3A_340] {strides = array<i32>} : memref<4x128xf32, #tpu.memory_space<vmem>>, vector<16xf32>,
    %get3A_342 = arith.constant 144 : index
    %get3A_343 = tpu.vector_load %arg30[%get3A_342] {strides = array<i32>} : memref<256xf32, #tpu.memory_space<vmem>>, vector<16xf32>,
    %mul3A_344 = arith.mulf %get3A_341, %get3A_343 : vector<16xf32>
    %add3A_345 = arith.addf %add3A_337, %mul3A_344 : vector<16xf32>
    %get3A_346 = arith.constant 1 : i32
    %get3A_347 = arith.index_cast %get3A_346 : i32 to index
    %get3A_348 = arith.constant 32 : index
    %get3A_349 = tpu.vector_load %arg31[%get3A_347, %get3A_348] {strides = array<i32>} : memref<4x128xf32, #tpu.memory_space<vmem>>, vector<16xf32>,
    %get3A_350 = arith.constant 160 : index
    %get3A_351 = tpu.vector_load %arg30[%get3A_350] {strides = array<i32>} : memref<256xf32, #tpu.memory_space<vmem>>, vector<16xf32>,
    %mul3A_352 = arith.mulf %get3A_349, %get3A_351 : vector<16xf32>
    %add3A_353 = arith.addf %add3A_345, %mul3A_352 : vector<16xf32>
    %get3A_354 = arith.constant 1 : i32
    %get3A_355 = arith.index_cast %get3A_354 : i32 to index
    %get3A_356 = arith.constant 48 : index
    %get3A_357 = tpu.vector_load %arg31[%get3A_355, %get3A_356] {strides = array<i32>} : memref<4x128xf32, #tpu.memory_space<vmem>>, vector<16xf32>,
    %get3A_358 = arith.constant 176 : index
    %get3A_359 = tpu.vector_load %arg30[%get3A_358] {strides = array<i32>} : memref<256xf32, #tpu.memory_space<vmem>>, vector<16xf32>,
    %mul3A_360 = arith.mulf %get3A_357, %get3A_359 : vector<16xf32>
    %add3A_361 = arith.addf %add3A_353, %mul3A_360 : vector<16xf32>
    %get3A_362 = arith.constant 1 : i32
    %get3A_363 = arith.index_cast %get3A_362 : i32 to index
    %get3A_364 = arith.constant 64 : index
    %get3A_365 = tpu.vector_load %arg31[%get3A_363, %get3A_364] {strides = array<i32>} : memref<4x128xf32, #tpu.memory_space<vmem>>, vector<16xf32>,
    %get3A_366 = arith.constant 192 : index
    %get3A_367 = tpu.vector_load %arg30[%get3A_366] {strides = array<i32>} : memref<256xf32, #tpu.memory_space<vmem>>, vector<16xf32>,
    %mul3A_368 = arith.mulf %get3A_365, %get3A_367 : vector<16xf32>
    %add3A_369 = arith.addf %add3A_361, %mul3A_368 : vector<16xf32>
    %get3A_370 = arith.constant 1 : i32
    %get3A_371 = arith.index_cast %get3A_370 : i32 to index
    %get3A_372 = arith.constant 80 : index
    %get3A_373 = tpu.vector_load %arg31[%get3A_371, %get3A_372] {strides = array<i32>} : memref<4x128xf32, #tpu.memory_space<vmem>>, vector<16xf32>,
    %get3A_374 = arith.constant 208 : index
    %get3A_375 = tpu.vector_load %arg30[%get3A_374] {strides = array<i32>} : memref<256xf32, #tpu.memory_space<vmem>>, vector<16xf32>,
    %mul3A_376 = arith.mulf %get3A_373, %get3A_375 : vector<16xf32>
    %add3A_377 = arith.addf %add3A_369, %mul3A_376 : vector<16xf32>
    %get3A_378 = arith.constant 1 : i32
    %get3A_379 = arith.index_cast %get3A_378 : i32 to index
    %get3A_380 = arith.constant 96 : index
    %get3A_381 = tpu.vector_load %arg31[%get3A_379, %get3A_380] {strides = array<i32>} : memref<4x128xf32, #tpu.memory_space<vmem>>, vector<16xf32>,
    %get3A_382 = arith.constant 224 : index
    %get3A_383 = tpu.vector_load %arg30[%get3A_382] {strides = array<i32>} : memref<256xf32, #tpu.memory_space<vmem>>, vector<16xf32>,
    %mul3A_384 = arith.mulf %get3A_381, %get3A_383 : vector<16xf32>
    %add3A_385 = arith.addf %add3A_377, %mul3A_384 : vector<16xf32>
    %get3A_386 = arith.constant 1 : i32
    %get3A_387 = arith.index_cast %get3A_386 : i32 to index
    %get3A_388 = arith.constant 112 : index
    %get3A_389 = tpu.vector_load %arg31[%get3A_387, %get3A_388] {strides = array<i32>} : memref<4x128xf32, #tpu.memory_space<vmem>>, vector<16xf32>,
    %get3A_390 = arith.constant 240 : index
    %get3A_391 = tpu.vector_load %arg30[%get3A_390] {strides = array<i32>} : memref<256xf32, #tpu.memory_space<vmem>>, vector<16xf32>,
    %mul3A_392 = arith.mulf %get3A_389, %get3A_391 : vector<16xf32>
    %add3A_393 = arith.addf %add3A_385, %mul3A_392 : vector<16xf32>
    %reduce_sum3A_394 = arith.constant true
    %reduce_sum3A_395 = vector.broadcast %reduce_sum3A_394 : i1 to vector<16xi1>
    %reduce_sum3A_396 = tpu.scan <sum>, %add3A_393 masked %reduce_sum3A_395 : vector<16xf32>, vector<16xi1> -> vector<16xf32>
    %reduce_sum3A_397 = vector.extract %reduce_sum3A_396[15] : f32 from vector<16xf32>
    %broadcast_in_dim3A_398 = arith.constant 0.000000e+00 : f32
    %broadcast_in_dim3A_399 = vector.broadcast %broadcast_in_dim3A_398 : f32 to vector<16xf32>
    %get3A_400 = arith.constant 2 : i32
    %get3A_401 = arith.index_cast %get3A_400 : i32 to index
    %get3A_402 = arith.constant 0 : index
    %get3A_403 = tpu.vector_load %arg31[%get3A_401, %get3A_402] {strides = array<i32>} : memref<4x128xf32, #tpu.memory_space<vmem>>, vector<16xf32>,
    %get3A_404 = arith.constant 128 : index
    %get3A_405 = tpu.vector_load %arg30[%get3A_404] {strides = array<i32>} : memref<256xf32, #tpu.memory_space<vmem>>, vector<16xf32>,
    %mul3A_406 = arith.mulf %get3A_403, %get3A_405 : vector<16xf32>
    %add3A_407 = arith.addf %broadcast_in_dim3A_399, %mul3A_406 : vector<16xf32>
    %get3A_408 = arith.constant 2 : i32
    %get3A_409 = arith.index_cast %get3A_408 : i32 to index
    %get3A_410 = arith.constant 16 : index
    %get3A_411 = tpu.vector_load %arg31[%get3A_409, %get3A_410] {strides = array<i32>} : memref<4x128xf32, #tpu.memory_space<vmem>>, vector<16xf32>,
    %get3A_412 = arith.constant 144 : index
    %get3A_413 = tpu.vector_load %arg30[%get3A_412] {strides = array<i32>} : memref<256xf32, #tpu.memory_space<vmem>>, vector<16xf32>,
    %mul3A_414 = arith.mulf %get3A_411, %get3A_413 : vector<16xf32>
    %add3A_415 = arith.addf %add3A_407, %mul3A_414 : vector<16xf32>
    %get3A_416 = arith.constant 2 : i32
    %get3A_417 = arith.index_cast %get3A_416 : i32 to index
    %get3A_418 = arith.constant 32 : index
    %get3A_419 = tpu.vector_load %arg31[%get3A_417, %get3A_418] {strides = array<i32>} : memref<4x128xf32, #tpu.memory_space<vmem>>, vector<16xf32>,
    %get3A_420 = arith.constant 160 : index
    %get3A_421 = tpu.vector_load %arg30[%get3A_420] {strides = array<i32>} : memref<256xf32, #tpu.memory_space<vmem>>, vector<16xf32>,
    %mul3A_422 = arith.mulf %get3A_419, %get3A_421 : vector<16xf32>
    %add3A_423 = arith.addf %add3A_415, %mul3A_422 : vector<16xf32>
    %get3A_424 = arith.constant 2 : i32
    %get3A_425 = arith.index_cast %get3A_424 : i32 to index
    %get3A_426 = arith.constant 48 : index
    %get3A_427 = tpu.vector_load %arg31[%get3A_425, %get3A_426] {strides = array<i32>} : memref<4x128xf32, #tpu.memory_space<vmem>>, vector<16xf32>,
    %get3A_428 = arith.constant 176 : index
    %get3A_429 = tpu.vector_load %arg30[%get3A_428] {strides = array<i32>} : memref<256xf32, #tpu.memory_space<vmem>>, vector<16xf32>,
    %mul3A_430 = arith.mulf %get3A_427, %get3A_429 : vector<16xf32>
    %add3A_431 = arith.addf %add3A_423, %mul3A_430 : vector<16xf32>
    %get3A_432 = arith.constant 2 : i32
    %get3A_433 = arith.index_cast %get3A_432 : i32 to index
    %get3A_434 = arith.constant 64 : index
    %get3A_435 = tpu.vector_load %arg31[%get3A_433, %get3A_434] {strides = array<i32>} : memref<4x128xf32, #tpu.memory_space<vmem>>, vector<16xf32>,
    %get3A_436 = arith.constant 192 : index
    %get3A_437 = tpu.vector_load %arg30[%get3A_436] {strides = array<i32>} : memref<256xf32, #tpu.memory_space<vmem>>, vector<16xf32>,
    %mul3A_438 = arith.mulf %get3A_435, %get3A_437 : vector<16xf32>
    %add3A_439 = arith.addf %add3A_431, %mul3A_438 : vector<16xf32>
    %get3A_440 = arith.constant 2 : i32
    %get3A_441 = arith.index_cast %get3A_440 : i32 to index
    %get3A_442 = arith.constant 80 : index
    %get3A_443 = tpu.vector_load %arg31[%get3A_441, %get3A_442] {strides = array<i32>} : memref<4x128xf32, #tpu.memory_space<vmem>>, vector<16xf32>,
    %get3A_444 = arith.constant 208 : index
    %get3A_445 = tpu.vector_load %arg30[%get3A_444] {strides = array<i32>} : memref<256xf32, #tpu.memory_space<vmem>>, vector<16xf32>,
    %mul3A_446 = arith.mulf %get3A_443, %get3A_445 : vector<16xf32>
    %add3A_447 = arith.addf %add3A_439, %mul3A_446 : vector<16xf32>
    %get3A_448 = arith.constant 2 : i32
    %get3A_449 = arith.index_cast %get3A_448 : i32 to index
    %get3A_450 = arith.constant 96 : index
    %get3A_451 = tpu.vector_load %arg31[%get3A_449, %get3A_450] {strides = array<i32>} : memref<4x128xf32, #tpu.memory_space<vmem>>, vector<16xf32>,
    %get3A_452 = arith.constant 224 : index
    %get3A_453 = tpu.vector_load %arg30[%get3A_452] {strides = array<i32>} : memref<256xf32, #tpu.memory_space<vmem>>, vector<16xf32>,
    %mul3A_454 = arith.mulf %get3A_451, %get3A_453 : vector<16xf32>
    %add3A_455 = arith.addf %add3A_447, %mul3A_454 : vector<16xf32>
    %get3A_456 = arith.constant 2 : i32
    %get3A_457 = arith.index_cast %get3A_456 : i32 to index
    %get3A_458 = arith.constant 112 : index
    %get3A_459 = tpu.vector_load %arg31[%get3A_457, %get3A_458] {strides = array<i32>} : memref<4x128xf32, #tpu.memory_space<vmem>>, vector<16xf32>,
    %get3A_460 = arith.constant 240 : index
    %get3A_461 = tpu.vector_load %arg30[%get3A_460] {strides = array<i32>} : memref<256xf32, #tpu.memory_space<vmem>>, vector<16xf32>,
    %mul3A_462 = arith.mulf %get3A_459, %get3A_461 : vector<16xf32>
    %add3A_463 = arith.addf %add3A_455, %mul3A_462 : vector<16xf32>
    %reduce_sum3A_464 = arith.constant true
    %reduce_sum3A_465 = vector.broadcast %reduce_sum3A_464 : i1 to vector<16xi1>
    %reduce_sum3A_466 = tpu.scan <sum>, %add3A_463 masked %reduce_sum3A_465 : vector<16xf32>, vector<16xi1> -> vector<16xf32>
    %reduce_sum3A_467 = vector.extract %reduce_sum3A_466[15] : f32 from vector<16xf32>
    %broadcast_in_dim3A_468 = arith.constant 0.000000e+00 : f32
    %broadcast_in_dim3A_469 = vector.broadcast %broadcast_in_dim3A_468 : f32 to vector<16xf32>
    %get3A_470 = arith.constant 3 : i32
    %get3A_471 = arith.index_cast %get3A_470 : i32 to index
    %get3A_472 = arith.constant 0 : index
    %get3A_473 = tpu.vector_load %arg31[%get3A_471, %get3A_472] {strides = array<i32>} : memref<4x128xf32, #tpu.memory_space<vmem>>, vector<16xf32>,
    %get3A_474 = arith.constant 128 : index
    %get3A_475 = tpu.vector_load %arg30[%get3A_474] {strides = array<i32>} : memref<256xf32, #tpu.memory_space<vmem>>, vector<16xf32>,
    %mul3A_476 = arith.mulf %get3A_473, %get3A_475 : vector<16xf32>
    %add3A_477 = arith.addf %broadcast_in_dim3A_469, %mul3A_476 : vector<16xf32>
    %get3A_478 = arith.constant 3 : i32
    %get3A_479 = arith.index_cast %get3A_478 : i32 to index
    %get3A_480 = arith.constant 16 : index
    %get3A_481 = tpu.vector_load %arg31[%get3A_479, %get3A_480] {strides = array<i32>} : memref<4x128xf32, #tpu.memory_space<vmem>>, vector<16xf32>,
    %get3A_482 = arith.constant 144 : index
    %get3A_483 = tpu.vector_load %arg30[%get3A_482] {strides = array<i32>} : memref<256xf32, #tpu.memory_space<vmem>>, vector<16xf32>,
    %mul3A_484 = arith.mulf %get3A_481, %get3A_483 : vector<16xf32>
    %add3A_485 = arith.addf %add3A_477, %mul3A_484 : vector<16xf32>
    %get3A_486 = arith.constant 3 : i32
    %get3A_487 = arith.index_cast %get3A_486 : i32 to index
    %get3A_488 = arith.constant 32 : index
    %get3A_489 = tpu.vector_load %arg31[%get3A_487, %get3A_488] {strides = array<i32>} : memref<4x128xf32, #tpu.memory_space<vmem>>, vector<16xf32>,
    %get3A_490 = arith.constant 160 : index
    %get3A_491 = tpu.vector_load %arg30[%get3A_490] {strides = array<i32>} : memref<256xf32, #tpu.memory_space<vmem>>, vector<16xf32>,
    %mul3A_492 = arith.mulf %get3A_489, %get3A_491 : vector<16xf32>
    %add3A_493 = arith.addf %add3A_485, %mul3A_492 : vector<16xf32>
    %get3A_494 = arith.constant 3 : i32
    %get3A_495 = arith.index_cast %get3A_494 : i32 to index
    %get3A_496 = arith.constant 48 : index
    %get3A_497 = tpu.vector_load %arg31[%get3A_495, %get3A_496] {strides = array<i32>} : memref<4x128xf32, #tpu.memory_space<vmem>>, vector<16xf32>,
    %get3A_498 = arith.constant 176 : index
    %get3A_499 = tpu.vector_load %arg30[%get3A_498] {strides = array<i32>} : memref<256xf32, #tpu.memory_space<vmem>>, vector<16xf32>,
    %mul3A_500 = arith.mulf %get3A_497, %get3A_499 : vector<16xf32>
    %add3A_501 = arith.addf %add3A_493, %mul3A_500 : vector<16xf32>
    %get3A_502 = arith.constant 3 : i32
    %get3A_503 = arith.index_cast %get3A_502 : i32 to index
    %get3A_504 = arith.constant 64 : index
    %get3A_505 = tpu.vector_load %arg31[%get3A_503, %get3A_504] {strides = array<i32>} : memref<4x128xf32, #tpu.memory_space<vmem>>, vector<16xf32>,
    %get3A_506 = arith.constant 192 : index
    %get3A_507 = tpu.vector_load %arg30[%get3A_506] {strides = array<i32>} : memref<256xf32, #tpu.memory_space<vmem>>, vector<16xf32>,
    %mul3A_508 = arith.mulf %get3A_505, %get3A_507 : vector<16xf32>
    %add3A_509 = arith.addf %add3A_501, %mul3A_508 : vector<16xf32>
    %get3A_510 = arith.constant 3 : i32
    %get3A_511 = arith.index_cast %get3A_510 : i32 to index
    %get3A_512 = arith.constant 80 : index
    %get3A_513 = tpu.vector_load %arg31[%get3A_511, %get3A_512] {strides = array<i32>} : memref<4x128xf32, #tpu.memory_space<vmem>>, vector<16xf32>,
    %get3A_514 = arith.constant 208 : index
    %get3A_515 = tpu.vector_load %arg30[%get3A_514] {strides = array<i32>} : memref<256xf32, #tpu.memory_space<vmem>>, vector<16xf32>,
    %mul3A_516 = arith.mulf %get3A_513, %get3A_515 : vector<16xf32>
    %add3A_517 = arith.addf %add3A_509, %mul3A_516 : vector<16xf32>
    %get3A_518 = arith.constant 3 : i32
    %get3A_519 = arith.index_cast %get3A_518 : i32 to index
    %get3A_520 = arith.constant 96 : index
    %get3A_521 = tpu.vector_load %arg31[%get3A_519, %get3A_520] {strides = array<i32>} : memref<4x128xf32, #tpu.memory_space<vmem>>, vector<16xf32>,
    %get3A_522 = arith.constant 224 : index
    %get3A_523 = tpu.vector_load %arg30[%get3A_522] {strides = array<i32>} : memref<256xf32, #tpu.memory_space<vmem>>, vector<16xf32>,
    %mul3A_524 = arith.mulf %get3A_521, %get3A_523 : vector<16xf32>
    %add3A_525 = arith.addf %add3A_517, %mul3A_524 : vector<16xf32>
    %get3A_526 = arith.constant 3 : i32
    %get3A_527 = arith.index_cast %get3A_526 : i32 to index
    %get3A_528 = arith.constant 112 : index
    %get3A_529 = tpu.vector_load %arg31[%get3A_527, %get3A_528] {strides = array<i32>} : memref<4x128xf32, #tpu.memory_space<vmem>>, vector<16xf32>,
    %get3A_530 = arith.constant 240 : index
    %get3A_531 = tpu.vector_load %arg30[%get3A_530] {strides = array<i32>} : memref<256xf32, #tpu.memory_space<vmem>>, vector<16xf32>,
    %mul3A_532 = arith.mulf %get3A_529, %get3A_531 : vector<16xf32>
    %add3A_533 = arith.addf %add3A_525, %mul3A_532 : vector<16xf32>
    %reduce_sum3A_534 = arith.constant true
    %reduce_sum3A_535 = vector.broadcast %reduce_sum3A_534 : i1 to vector<16xi1>
    %reduce_sum3A_536 = tpu.scan <sum>, %add3A_533 masked %reduce_sum3A_535 : vector<16xf32>, vector<16xi1> -> vector<16xf32>
    %reduce_sum3A_537 = vector.extract %reduce_sum3A_536[15] : f32 from vector<16xf32>
    %broadcast_in_dim3A_538 = arith.constant 0.000000e+00 : f32
    %broadcast_in_dim3A_539 = vector.broadcast %broadcast_in_dim3A_538 : f32 to vector<16xf32>
    %get3A_540 = arith.constant 0 : index
    %get3A_541 = tpu.vector_load %arg33[%get3A_540] {strides = array<i32>} : memref<128xf32, #tpu.memory_space<vmem>>, vector<16xf32>,
    %get3A_542 = arith.constant 128 : index
    %get3A_543 = tpu.vector_load %arg30[%get3A_542] {strides = array<i32>} : memref<256xf32, #tpu.memory_space<vmem>>, vector<16xf32>,
    %mul3A_544 = arith.mulf %get3A_541, %get3A_543 : vector<16xf32>
    %add3A_545 = arith.addf %broadcast_in_dim3A_539, %mul3A_544 : vector<16xf32>
    %get3A_546 = arith.constant 16 : index
    %get3A_547 = tpu.vector_load %arg33[%get3A_546] {strides = array<i32>} : memref<128xf32, #tpu.memory_space<vmem>>, vector<16xf32>,
    %get3A_548 = arith.constant 144 : index
    %get3A_549 = tpu.vector_load %arg30[%get3A_548] {strides = array<i32>} : memref<256xf32, #tpu.memory_space<vmem>>, vector<16xf32>,
    %mul3A_550 = arith.mulf %get3A_547, %get3A_549 : vector<16xf32>
    %add3A_551 = arith.addf %add3A_545, %mul3A_550 : vector<16xf32>
    %get3A_552 = arith.constant 32 : index
    %get3A_553 = tpu.vector_load %arg33[%get3A_552] {strides = array<i32>} : memref<128xf32, #tpu.memory_space<vmem>>, vector<16xf32>,
    %get3A_554 = arith.constant 160 : index
    %get3A_555 = tpu.vector_load %arg30[%get3A_554] {strides = array<i32>} : memref<256xf32, #tpu.memory_space<vmem>>, vector<16xf32>,
    %mul3A_556 = arith.mulf %get3A_553, %get3A_555 : vector<16xf32>
    %add3A_557 = arith.addf %add3A_551, %mul3A_556 : vector<16xf32>
    %get3A_558 = arith.constant 48 : index
    %get3A_559 = tpu.vector_load %arg33[%get3A_558] {strides = array<i32>} : memref<128xf32, #tpu.memory_space<vmem>>, vector<16xf32>,
    %get3A_560 = arith.constant 176 : index
    %get3A_561 = tpu.vector_load %arg30[%get3A_560] {strides = array<i32>} : memref<256xf32, #tpu.memory_space<vmem>>, vector<16xf32>,
    %mul3A_562 = arith.mulf %get3A_559, %get3A_561 : vector<16xf32>
    %add3A_563 = arith.addf %add3A_557, %mul3A_562 : vector<16xf32>
    %get3A_564 = arith.constant 64 : index
    %get3A_565 = tpu.vector_load %arg33[%get3A_564] {strides = array<i32>} : memref<128xf32, #tpu.memory_space<vmem>>, vector<16xf32>,
    %get3A_566 = arith.constant 192 : index
    %get3A_567 = tpu.vector_load %arg30[%get3A_566] {strides = array<i32>} : memref<256xf32, #tpu.memory_space<vmem>>, vector<16xf32>,
    %mul3A_568 = arith.mulf %get3A_565, %get3A_567 : vector<16xf32>
    %add3A_569 = arith.addf %add3A_563, %mul3A_568 : vector<16xf32>
    %get3A_570 = arith.constant 80 : index
    %get3A_571 = tpu.vector_load %arg33[%get3A_570] {strides = array<i32>} : memref<128xf32, #tpu.memory_space<vmem>>, vector<16xf32>,
    %get3A_572 = arith.constant 208 : index
    %get3A_573 = tpu.vector_load %arg30[%get3A_572] {strides = array<i32>} : memref<256xf32, #tpu.memory_space<vmem>>, vector<16xf32>,
    %mul3A_574 = arith.mulf %get3A_571, %get3A_573 : vector<16xf32>
    %add3A_575 = arith.addf %add3A_569, %mul3A_574 : vector<16xf32>
    %get3A_576 = arith.constant 96 : index
    %get3A_577 = tpu.vector_load %arg33[%get3A_576] {strides = array<i32>} : memref<128xf32, #tpu.memory_space<vmem>>, vector<16xf32>,
    %get3A_578 = arith.constant 224 : index
    %get3A_579 = tpu.vector_load %arg30[%get3A_578] {strides = array<i32>} : memref<256xf32, #tpu.memory_space<vmem>>, vector<16xf32>,
    %mul3A_580 = arith.mulf %get3A_577, %get3A_579 : vector<16xf32>
    %add3A_581 = arith.addf %add3A_575, %mul3A_580 : vector<16xf32>
    %get3A_582 = arith.constant 112 : index
    %get3A_583 = tpu.vector_load %arg33[%get3A_582] {strides = array<i32>} : memref<128xf32, #tpu.memory_space<vmem>>, vector<16xf32>,
    %get3A_584 = arith.constant 240 : index
    %get3A_585 = tpu.vector_load %arg30[%get3A_584] {strides = array<i32>} : memref<256xf32, #tpu.memory_space<vmem>>, vector<16xf32>,
    %mul3A_586 = arith.mulf %get3A_583, %get3A_585 : vector<16xf32>
    %add3A_587 = arith.addf %add3A_581, %mul3A_586 : vector<16xf32>
    %reduce_sum3A_588 = arith.constant true
    %reduce_sum3A_589 = vector.broadcast %reduce_sum3A_588 : i1 to vector<16xi1>
    %reduce_sum3A_590 = tpu.scan <sum>, %add3A_587 masked %reduce_sum3A_589 : vector<16xf32>, vector<16xi1> -> vector<16xf32>
    %reduce_sum3A_591 = vector.extract %reduce_sum3A_590[15] : f32 from vector<16xf32>
    %get3A_592 = arith.constant 0 : index
    %get3A_593 = tpu.vector_load %arg34[%get3A_592] {strides = array<i32>} : memref<16xf32, #tpu.memory_space<vmem>>, vector<16xf32>,
    %reduce_sum3A_594 = arith.constant true
    %reduce_sum3A_595 = vector.broadcast %reduce_sum3A_594 : i1 to vector<16xi1>
    %reduce_sum3A_596 = tpu.scan <sum>, %get3A_593 masked %reduce_sum3A_595 : vector<16xf32>, vector<16xi1> -> vector<16xf32>
    %reduce_sum3A_597 = vector.extract %reduce_sum3A_596[15] : f32 from vector<16xf32>
    %add3A_598 = arith.addf %reduce_sum3A_591, %reduce_sum3A_597 : f32
    %dma_wait3A = tpu.memref_slice %arg2[%mul3A_2] : memref<320000xi32, #tpu.memory_space<hbm>> -> memref<10000xi32, #tpu.memory_space<hbm>>
    %dma_wait3A_599 = tpu.memref_slice %arg2[%mul3A_2] : memref<320000xi32, #tpu.memory_space<hbm>> -> memref<10000xi32, #tpu.memory_space<hbm>>
    tpu.wait_dma2 semaphore(%arg16 : memref<!tpu.dma_semaphore, #tpu.memory_space<semaphore_mem>>) src(%dma_wait3A_599 : memref<10000xi32, #tpu.memory_space<hbm>>) dst(%arg22 : memref<10000xi32, #tpu.memory_space<vmem>>)
    %dma_wait3A_600 = tpu.memref_slice %arg6[%mul3A_2] : memref<320000xf32, #tpu.memory_space<hbm>> -> memref<10000xf32, #tpu.memory_space<hbm>>
    %dma_wait3A_601 = tpu.memref_slice %arg6[%mul3A_2] : memref<320000xf32, #tpu.memory_space<hbm>> -> memref<10000xf32, #tpu.memory_space<hbm>>
    tpu.wait_dma2 semaphore(%arg16 : memref<!tpu.dma_semaphore, #tpu.memory_space<semaphore_mem>>) src(%dma_wait3A_601 : memref<10000xf32, #tpu.memory_space<hbm>>) dst(%arg23 : memref<10000xf32, #tpu.memory_space<vmem>>)
    %dma_wait3A_602 = tpu.memref_slice %arg7[%mul3A_2] : memref<320000xf32, #tpu.memory_space<hbm>> -> memref<10000xf32, #tpu.memory_space<hbm>>
    %dma_wait3A_603 = tpu.memref_slice %arg7[%mul3A_2] : memref<320000xf32, #tpu.memory_space<hbm>> -> memref<10000xf32, #tpu.memory_space<hbm>>
    tpu.wait_dma2 semaphore(%arg16 : memref<!tpu.dma_semaphore, #tpu.memory_space<semaphore_mem>>) src(%dma_wait3A_603 : memref<10000xf32, #tpu.memory_space<hbm>>) dst(%arg24 : memref<10000xf32, #tpu.memory_space<vmem>>)
    %dma_wait3A_604 = tpu.memref_slice %arg8[%mul3A_2] : memref<320000xf32, #tpu.memory_space<hbm>> -> memref<10000xf32, #tpu.memory_space<hbm>>
    %dma_wait3A_605 = tpu.memref_slice %arg8[%mul3A_2] : memref<320000xf32, #tpu.memory_space<hbm>> -> memref<10000xf32, #tpu.memory_space<hbm>>
    tpu.wait_dma2 semaphore(%arg16 : memref<!tpu.dma_semaphore, #tpu.memory_space<semaphore_mem>>) src(%dma_wait3A_605 : memref<10000xf32, #tpu.memory_space<hbm>>) dst(%arg25 : memref<10000xf32, #tpu.memory_space<vmem>>)
    %dma_wait3A_606 = tpu.memref_slice %arg9[%mul3A_2] : memref<320000xf32, #tpu.memory_space<hbm>> -> memref<10000xf32, #tpu.memory_space<hbm>>
    %dma_wait3A_607 = tpu.memref_slice %arg9[%mul3A_2] : memref<320000xf32, #tpu.memory_space<hbm>> -> memref<10000xf32, #tpu.memory_space<hbm>>
    tpu.wait_dma2 semaphore(%arg16 : memref<!tpu.dma_semaphore, #tpu.memory_space<semaphore_mem>>) src(%dma_wait3A_607 : memref<10000xf32, #tpu.memory_space<hbm>>) dst(%arg26 : memref<10000xf32, #tpu.memory_space<vmem>>)
    %scan3A_608 = arith.constant 0 : i32
    %scan3A_609 = arith.constant 0 : i32
    %scan3A_610 = arith.constant 125 : i32
    %scan3A_611 = arith.addi %scan3A_609, %scan3A_610 : i32
    %scan3A_612 = arith.constant 1 : i32
    %scan3A_613 = scf.for %scan3A_615 = %scan3A_609 to %scan3A_611 step %scan3A_612 iter_args(%scan3A_616 = %scan3A_608) -> (i32)  : i32 {
      %mul3A_617 = arith.constant 5 : i32
      %mul3A_618 = arith.muli %scan3A_615, %mul3A_617 : i32
      %mul3A_619 = arith.constant 16 : i32
      %mul3A_620 = arith.muli %mul3A_618, %mul3A_619 : i32
      %add3A_621 = arith.constant 0 : i32
      %add3A_622 = arith.addi %mul3A_620, %add3A_621 : i32
      %get3A_623 = arith.index_cast %add3A_622 : i32 to index
      %get3A_624 = tpu.vector_load %arg22[%get3A_623] {strides = array<i32>} : memref<10000xi32, #tpu.memory_space<vmem>>, vector<16xi32>,
      %gather3A = tpu.vector_load_idx %arg18[%get3A_624] : memref<10240xf32, #tpu.memory_space<vmem>>[vector<16xi32>], vector<16xf32>,
      %get3A_625 = arith.index_cast %add3A_622 : i32 to index
      %get3A_626 = tpu.vector_load %arg23[%get3A_625] {strides = array<i32>} : memref<10000xf32, #tpu.memory_space<vmem>>, vector<16xf32>,
      %mul3A_627 = vector.broadcast %reduce_sum3A_327 : f32 to vector<16xf32>
      %mul3A_628 = arith.mulf %get3A_626, %mul3A_627 : vector<16xf32>
      %get3A_629 = arith.index_cast %add3A_622 : i32 to index
      %get3A_630 = tpu.vector_load %arg24[%get3A_629] {strides = array<i32>} : memref<10000xf32, #tpu.memory_space<vmem>>, vector<16xf32>,
      %mul3A_631 = vector.broadcast %reduce_sum3A_397 : f32 to vector<16xf32>
      %mul3A_632 = arith.mulf %get3A_630, %mul3A_631 : vector<16xf32>
      %add3A_633 = arith.addf %mul3A_628, %mul3A_632 : vector<16xf32>
      %get3A_634 = arith.index_cast %add3A_622 : i32 to index
      %get3A_635 = tpu.vector_load %arg25[%get3A_634] {strides = array<i32>} : memref<10000xf32, #tpu.memory_space<vmem>>, vector<16xf32>,
      %mul3A_636 = vector.broadcast %reduce_sum3A_467 : f32 to vector<16xf32>
      %mul3A_637 = arith.mulf %get3A_635, %mul3A_636 : vector<16xf32>
      %add3A_638 = arith.addf %add3A_633, %mul3A_637 : vector<16xf32>
      %get3A_639 = arith.index_cast %add3A_622 : i32 to index
      %get3A_640 = tpu.vector_load %arg26[%get3A_639] {strides = array<i32>} : memref<10000xf32, #tpu.memory_space<vmem>>, vector<16xf32>,
      %mul3A_641 = vector.broadcast %reduce_sum3A_537 : f32 to vector<16xf32>
      %mul3A_642 = arith.mulf %get3A_640, %mul3A_641 : vector<16xf32>
      %add3A_643 = arith.addf %add3A_638, %mul3A_642 : vector<16xf32>
      %add3A_644 = vector.broadcast %add3A_598 : f32 to vector<16xf32>
      %add3A_645 = arith.addf %add3A_643, %add3A_644 : vector<16xf32>
      %add3A_646 = arith.addf %gather3A, %add3A_645 : vector<16xf32>
      %swap3A = arith.index_cast %add3A_622 : i32 to index
      %swap3A_647 = tpu.vector_load %arg27[%swap3A] {strides = array<i32>} : memref<10000xf32, #tpu.memory_space<vmem>>, vector<16xf32>,
      tpu.vector_store %arg27[%swap3A], %add3A_646 {strides = array<i32>} : memref<10000xf32, #tpu.memory_space<vmem>>, vector<16xf32>,
      %mul3A_648 = arith.constant 5 : i32
      %mul3A_649 = arith.muli %scan3A_615, %mul3A_648 : i32
      %mul3A_650 = arith.constant 16 : i32
      %mul3A_651 = arith.muli %mul3A_649, %mul3A_650 : i32
      %add3A_652 = arith.constant 16 : i32
      %add3A_653 = arith.addi %mul3A_651, %add3A_652 : i32
      %get3A_654 = arith.index_cast %add3A_653 : i32 to index
      %get3A_655 = tpu.vector_load %arg22[%get3A_654] {strides = array<i32>} : memref<10000xi32, #tpu.memory_space<vmem>>, vector<16xi32>,
      %gather3A_656 = tpu.vector_load_idx %arg18[%get3A_655] : memref<10240xf32, #tpu.memory_space<vmem>>[vector<16xi32>], vector<16xf32>,
      %get3A_657 = arith.index_cast %add3A_653 : i32 to index
      %get3A_658 = tpu.vector_load %arg23[%get3A_657] {strides = array<i32>} : memref<10000xf32, #tpu.memory_space<vmem>>, vector<16xf32>,
      %mul3A_659 = vector.broadcast %reduce_sum3A_327 : f32 to vector<16xf32>
      %mul3A_660 = arith.mulf %get3A_658, %mul3A_659 : vector<16xf32>
      %get3A_661 = arith.index_cast %add3A_653 : i32 to index
      %get3A_662 = tpu.vector_load %arg24[%get3A_661] {strides = array<i32>} : memref<10000xf32, #tpu.memory_space<vmem>>, vector<16xf32>,
      %mul3A_663 = vector.broadcast %reduce_sum3A_397 : f32 to vector<16xf32>
      %mul3A_664 = arith.mulf %get3A_662, %mul3A_663 : vector<16xf32>
      %add3A_665 = arith.addf %mul3A_660, %mul3A_664 : vector<16xf32>
      %get3A_666 = arith.index_cast %add3A_653 : i32 to index
      %get3A_667 = tpu.vector_load %arg25[%get3A_666] {strides = array<i32>} : memref<10000xf32, #tpu.memory_space<vmem>>, vector<16xf32>,
      %mul3A_668 = vector.broadcast %reduce_sum3A_467 : f32 to vector<16xf32>
      %mul3A_669 = arith.mulf %get3A_667, %mul3A_668 : vector<16xf32>
      %add3A_670 = arith.addf %add3A_665, %mul3A_669 : vector<16xf32>
      %get3A_671 = arith.index_cast %add3A_653 : i32 to index
      %get3A_672 = tpu.vector_load %arg26[%get3A_671] {strides = array<i32>} : memref<10000xf32, #tpu.memory_space<vmem>>, vector<16xf32>,
      %mul3A_673 = vector.broadcast %reduce_sum3A_537 : f32 to vector<16xf32>
      %mul3A_674 = arith.mulf %get3A_672, %mul3A_673 : vector<16xf32>
      %add3A_675 = arith.addf %add3A_670, %mul3A_674 : vector<16xf32>
      %add3A_676 = vector.broadcast %add3A_598 : f32 to vector<16xf32>
      %add3A_677 = arith.addf %add3A_675, %add3A_676 : vector<16xf32>
      %add3A_678 = arith.addf %gather3A_656, %add3A_677 : vector<16xf32>
      %swap3A_679 = arith.index_cast %add3A_653 : i32 to index
      %swap3A_680 = tpu.vector_load %arg27[%swap3A_679] {strides = array<i32>} : memref<10000xf32, #tpu.memory_space<vmem>>, vector<16xf32>,
      tpu.vector_store %arg27[%swap3A_679], %add3A_678 {strides = array<i32>} : memref<10000xf32, #tpu.memory_space<vmem>>, vector<16xf32>,
      %mul3A_681 = arith.constant 5 : i32
      %mul3A_682 = arith.muli %scan3A_615, %mul3A_681 : i32
      %mul3A_683 = arith.constant 16 : i32
      %mul3A_684 = arith.muli %mul3A_682, %mul3A_683 : i32
      %add3A_685 = arith.constant 32 : i32
      %add3A_686 = arith.addi %mul3A_684, %add3A_685 : i32
      %get3A_687 = arith.index_cast %add3A_686 : i32 to index
      %get3A_688 = tpu.vector_load %arg22[%get3A_687] {strides = array<i32>} : memref<10000xi32, #tpu.memory_space<vmem>>, vector<16xi32>,
      %gather3A_689 = tpu.vector_load_idx %arg18[%get3A_688] : memref<10240xf32, #tpu.memory_space<vmem>>[vector<16xi32>], vector<16xf32>,
      %get3A_690 = arith.index_cast %add3A_686 : i32 to index
      %get3A_691 = tpu.vector_load %arg23[%get3A_690] {strides = array<i32>} : memref<10000xf32, #tpu.memory_space<vmem>>, vector<16xf32>,
      %mul3A_692 = vector.broadcast %reduce_sum3A_327 : f32 to vector<16xf32>
      %mul3A_693 = arith.mulf %get3A_691, %mul3A_692 : vector<16xf32>
      %get3A_694 = arith.index_cast %add3A_686 : i32 to index
      %get3A_695 = tpu.vector_load %arg24[%get3A_694] {strides = array<i32>} : memref<10000xf32, #tpu.memory_space<vmem>>, vector<16xf32>,
      %mul3A_696 = vector.broadcast %reduce_sum3A_397 : f32 to vector<16xf32>
      %mul3A_697 = arith.mulf %get3A_695, %mul3A_696 : vector<16xf32>
      %add3A_698 = arith.addf %mul3A_693, %mul3A_697 : vector<16xf32>
      %get3A_699 = arith.index_cast %add3A_686 : i32 to index
      %get3A_700 = tpu.vector_load %arg25[%get3A_699] {strides = array<i32>} : memref<10000xf32, #tpu.memory_space<vmem>>, vector<16xf32>,
      %mul3A_701 = vector.broadcast %reduce_sum3A_467 : f32 to vector<16xf32>
      %mul3A_702 = arith.mulf %get3A_700, %mul3A_701 : vector<16xf32>
      %add3A_703 = arith.addf %add3A_698, %mul3A_702 : vector<16xf32>
      %get3A_704 = arith.index_cast %add3A_686 : i32 to index
      %get3A_705 = tpu.vector_load %arg26[%get3A_704] {strides = array<i32>} : memref<10000xf32, #tpu.memory_space<vmem>>, vector<16xf32>,
      %mul3A_706 = vector.broadcast %reduce_sum3A_537 : f32 to vector<16xf32>
      %mul3A_707 = arith.mulf %get3A_705, %mul3A_706 : vector<16xf32>
      %add3A_708 = arith.addf %add3A_703, %mul3A_707 : vector<16xf32>
      %add3A_709 = vector.broadcast %add3A_598 : f32 to vector<16xf32>
      %add3A_710 = arith.addf %add3A_708, %add3A_709 : vector<16xf32>
      %add3A_711 = arith.addf %gather3A_689, %add3A_710 : vector<16xf32>
      %swap3A_712 = arith.index_cast %add3A_686 : i32 to index
      %swap3A_713 = tpu.vector_load %arg27[%swap3A_712] {strides = array<i32>} : memref<10000xf32, #tpu.memory_space<vmem>>, vector<16xf32>,
      tpu.vector_store %arg27[%swap3A_712], %add3A_711 {strides = array<i32>} : memref<10000xf32, #tpu.memory_space<vmem>>, vector<16xf32>,
      %mul3A_714 = arith.constant 5 : i32
      %mul3A_715 = arith.muli %scan3A_615, %mul3A_714 : i32
      %mul3A_716 = arith.constant 16 : i32
      %mul3A_717 = arith.muli %mul3A_715, %mul3A_716 : i32
      %add3A_718 = arith.constant 48 : i32
      %add3A_719 = arith.addi %mul3A_717, %add3A_718 : i32
      %get3A_720 = arith.index_cast %add3A_719 : i32 to index
      %get3A_721 = tpu.vector_load %arg22[%get3A_720] {strides = array<i32>} : memref<10000xi32, #tpu.memory_space<vmem>>, vector<16xi32>,
      %gather3A_722 = tpu.vector_load_idx %arg18[%get3A_721] : memref<10240xf32, #tpu.memory_space<vmem>>[vector<16xi32>], vector<16xf32>,
      %get3A_723 = arith.index_cast %add3A_719 : i32 to index
      %get3A_724 = tpu.vector_load %arg23[%get3A_723] {strides = array<i32>} : memref<10000xf32, #tpu.memory_space<vmem>>, vector<16xf32>,
      %mul3A_725 = vector.broadcast %reduce_sum3A_327 : f32 to vector<16xf32>
      %mul3A_726 = arith.mulf %get3A_724, %mul3A_725 : vector<16xf32>
      %get3A_727 = arith.index_cast %add3A_719 : i32 to index
      %get3A_728 = tpu.vector_load %arg24[%get3A_727] {strides = array<i32>} : memref<10000xf32, #tpu.memory_space<vmem>>, vector<16xf32>,
      %mul3A_729 = vector.broadcast %reduce_sum3A_397 : f32 to vector<16xf32>
      %mul3A_730 = arith.mulf %get3A_728, %mul3A_729 : vector<16xf32>
      %add3A_731 = arith.addf %mul3A_726, %mul3A_730 : vector<16xf32>
      %get3A_732 = arith.index_cast %add3A_719 : i32 to index
      %get3A_733 = tpu.vector_load %arg25[%get3A_732] {strides = array<i32>} : memref<10000xf32, #tpu.memory_space<vmem>>, vector<16xf32>,
      %mul3A_734 = vector.broadcast %reduce_sum3A_467 : f32 to vector<16xf32>
      %mul3A_735 = arith.mulf %get3A_733, %mul3A_734 : vector<16xf32>
      %add3A_736 = arith.addf %add3A_731, %mul3A_735 : vector<16xf32>
      %get3A_737 = arith.index_cast %add3A_719 : i32 to index
      %get3A_738 = tpu.vector_load %arg26[%get3A_737] {strides = array<i32>} : memref<10000xf32, #tpu.memory_space<vmem>>, vector<16xf32>,
      %mul3A_739 = vector.broadcast %reduce_sum3A_537 : f32 to vector<16xf32>
      %mul3A_740 = arith.mulf %get3A_738, %mul3A_739 : vector<16xf32>
      %add3A_741 = arith.addf %add3A_736, %mul3A_740 : vector<16xf32>
      %add3A_742 = vector.broadcast %add3A_598 : f32 to vector<16xf32>
      %add3A_743 = arith.addf %add3A_741, %add3A_742 : vector<16xf32>
      %add3A_744 = arith.addf %gather3A_722, %add3A_743 : vector<16xf32>
      %swap3A_745 = arith.index_cast %add3A_719 : i32 to index
      %swap3A_746 = tpu.vector_load %arg27[%swap3A_745] {strides = array<i32>} : memref<10000xf32, #tpu.memory_space<vmem>>, vector<16xf32>,
      tpu.vector_store %arg27[%swap3A_745], %add3A_744 {strides = array<i32>} : memref<10000xf32, #tpu.memory_space<vmem>>, vector<16xf32>,
      %mul3A_747 = arith.constant 5 : i32
      %mul3A_748 = arith.muli %scan3A_615, %mul3A_747 : i32
      %mul3A_749 = arith.constant 16 : i32
      %mul3A_750 = arith.muli %mul3A_748, %mul3A_749 : i32
      %add3A_751 = arith.constant 64 : i32
      %add3A_752 = arith.addi %mul3A_750, %add3A_751 : i32
      %get3A_753 = arith.index_cast %add3A_752 : i32 to index
      %get3A_754 = tpu.vector_load %arg22[%get3A_753] {strides = array<i32>} : memref<10000xi32, #tpu.memory_space<vmem>>, vector<16xi32>,
      %gather3A_755 = tpu.vector_load_idx %arg18[%get3A_754] : memref<10240xf32, #tpu.memory_space<vmem>>[vector<16xi32>], vector<16xf32>,
      %get3A_756 = arith.index_cast %add3A_752 : i32 to index
      %get3A_757 = tpu.vector_load %arg23[%get3A_756] {strides = array<i32>} : memref<10000xf32, #tpu.memory_space<vmem>>, vector<16xf32>,
      %mul3A_758 = vector.broadcast %reduce_sum3A_327 : f32 to vector<16xf32>
      %mul3A_759 = arith.mulf %get3A_757, %mul3A_758 : vector<16xf32>
      %get3A_760 = arith.index_cast %add3A_752 : i32 to index
      %get3A_761 = tpu.vector_load %arg24[%get3A_760] {strides = array<i32>} : memref<10000xf32, #tpu.memory_space<vmem>>, vector<16xf32>,
      %mul3A_762 = vector.broadcast %reduce_sum3A_397 : f32 to vector<16xf32>
      %mul3A_763 = arith.mulf %get3A_761, %mul3A_762 : vector<16xf32>
      %add3A_764 = arith.addf %mul3A_759, %mul3A_763 : vector<16xf32>
      %get3A_765 = arith.index_cast %add3A_752 : i32 to index
      %get3A_766 = tpu.vector_load %arg25[%get3A_765] {strides = array<i32>} : memref<10000xf32, #tpu.memory_space<vmem>>, vector<16xf32>,
      %mul3A_767 = vector.broadcast %reduce_sum3A_467 : f32 to vector<16xf32>
      %mul3A_768 = arith.mulf %get3A_766, %mul3A_767 : vector<16xf32>
      %add3A_769 = arith.addf %add3A_764, %mul3A_768 : vector<16xf32>
      %get3A_770 = arith.index_cast %add3A_752 : i32 to index
      %get3A_771 = tpu.vector_load %arg26[%get3A_770] {strides = array<i32>} : memref<10000xf32, #tpu.memory_space<vmem>>, vector<16xf32>,
      %mul3A_772 = vector.broadcast %reduce_sum3A_537 : f32 to vector<16xf32>
      %mul3A_773 = arith.mulf %get3A_771, %mul3A_772 : vector<16xf32>
      %add3A_774 = arith.addf %add3A_769, %mul3A_773 : vector<16xf32>
      %add3A_775 = vector.broadcast %add3A_598 : f32 to vector<16xf32>
      %add3A_776 = arith.addf %add3A_774, %add3A_775 : vector<16xf32>
      %add3A_777 = arith.addf %gather3A_755, %add3A_776 : vector<16xf32>
      %swap3A_778 = arith.index_cast %add3A_752 : i32 to index
      %swap3A_779 = tpu.vector_load %arg27[%swap3A_778] {strides = array<i32>} : memref<10000xf32, #tpu.memory_space<vmem>>, vector<16xf32>,
      tpu.vector_store %arg27[%swap3A_778], %add3A_777 {strides = array<i32>} : memref<10000xf32, #tpu.memory_space<vmem>>, vector<16xf32>,
      %scan3A_780 = arith.constant 0 : i32
      scf.yield %scan3A_780 : i32
    }
    %scan3A_614 = arith.constant 125 : i32
    "tpu.region"() ({
      %run_scoped3A_615 = tpu.sem_alloc : memref<!tpu.dma_semaphore, #tpu.memory_space<semaphore_mem>>
      %dma_start3A_616 = tpu.memref_slice %arg15[%mul3A_2] : memref<320000xf32, #tpu.memory_space<hbm>> -> memref<10000xf32, #tpu.memory_space<hbm>>
      %dma_start3A_617 = tpu.memref_slice %arg15[%mul3A_2] : memref<320000xf32, #tpu.memory_space<hbm>> -> memref<10000xf32, #tpu.memory_space<hbm>>
      tpu.enqueue_dma source(%arg27 : memref<10000xf32, #tpu.memory_space<vmem>>) target(%dma_start3A_617 : memref<10000xf32, #tpu.memory_space<hbm>>) target_semaphore(%run_scoped3A_615 : memref<!tpu.dma_semaphore, #tpu.memory_space<semaphore_mem>>)
      %dma_wait3A_618 = tpu.memref_slice %arg15[%mul3A_2] : memref<320000xf32, #tpu.memory_space<hbm>> -> memref<10000xf32, #tpu.memory_space<hbm>>
      %dma_wait3A_619 = tpu.memref_slice %arg15[%mul3A_2] : memref<320000xf32, #tpu.memory_space<hbm>> -> memref<10000xf32, #tpu.memory_space<hbm>>
      tpu.wait_dma2 semaphore(%run_scoped3A_615 : memref<!tpu.dma_semaphore, #tpu.memory_space<semaphore_mem>>) src(%arg27 : memref<10000xf32, #tpu.memory_space<vmem>>) dst(%dma_wait3A_619 : memref<10000xf32, #tpu.memory_space<hbm>>)
      tpu.yield
    }) : () -> ()
    return
  }
}

module attributes {stable_mosaic.version = 14 : i64} {
  func.func @_tc1_body(%arg0: i32, %arg1: memref<512x128xf32, #tpu.memory_space<vmem>>, %arg2: memref<128x128xf32, #tpu.memory_space<vmem>>, %arg3: memref<512x1xf32, #tpu.memory_space<vmem>>, %arg4: memref<512x1xf32, #tpu.memory_space<vmem>>, %arg5: memref<512x128xf32, #tpu.memory_space<vmem>>, %arg6: memref<512x1xf32, #tpu.memory_space<vmem>>) attributes {dimension_semantics = [#tpu.dimension_semantics<arbitrary>], iteration_bounds = array<i64: 20>, scalar_prefetch = 0 : i64, scratch_operands = 0 : i64, tpu.core_type = #tpu.core_type<tc>, window_params = [{transform_indices = @transform_0, window_bounds = array<i64: 512, 128>}, {pipeline_mode = #tpu.pipeline_mode<synchronous>, transform_indices = @transform_1, window_bounds = array<i64: 128, 128>}, {transform_indices = @transform_2, window_bounds = array<i64: 512, 1>}, {transform_indices = @transform_3, window_bounds = array<i64: 512, 1>}, {transform_indices = @transform_4, window_bounds = array<i64: 512, 128>}, {transform_indices = @transform_5, window_bounds = array<i64: 512, 1>}]} {
    %get3A = arith.constant 0 : index
    %get3A_0 = arith.constant 0 : index
    %get3A_1 = vector.load %arg3[%get3A, %get3A_0] : memref<512x1xf32, #tpu.memory_space<vmem>>, vector<512x1xf32>
    %get3A_2 = arith.constant 0 : index
    %get3A_3 = arith.constant 0 : index
    %get3A_4 = vector.load %arg4[%get3A_2, %get3A_3] : memref<512x1xf32, #tpu.memory_space<vmem>>, vector<512x1xf32>
    %add3A = arith.addf %get3A_1, %get3A_4 : vector<512x1xf32>
    %add3A_5 = arith.constant 1.000000e+00 : f32
    %add3A_6 = vector.broadcast %add3A_5 : f32 to vector<512x1xf32>
    %add3A_7 = arith.addf %add3A, %add3A_6 : vector<512x1xf32>
    %rsqrt3A = math.rsqrt %add3A_7 : vector<512x1xf32>
    %mul3A = arith.constant 5.000000e-01 : f32
    %mul3A_8 = vector.broadcast %mul3A : f32 to vector<512x1xf32>
    %mul3A_9 = arith.mulf %mul3A_8, %add3A_7 : vector<512x1xf32>
    %mul3A_10 = arith.mulf %mul3A_9, %rsqrt3A : vector<512x1xf32>
    %mul3A_11 = arith.mulf %mul3A_10, %rsqrt3A : vector<512x1xf32>
    %sub3A = arith.constant 1.500000e+00 : f32
    %sub3A_12 = vector.broadcast %sub3A : f32 to vector<512x1xf32>
    %sub3A_13 = arith.subf %sub3A_12, %mul3A_11 : vector<512x1xf32>
    %mul3A_14 = arith.mulf %rsqrt3A, %sub3A_13 : vector<512x1xf32>
    %get3A_15 = arith.constant 0 : index
    %get3A_16 = arith.constant 0 : index
    %get3A_17 = vector.load %arg1[%get3A_15, %get3A_16] : memref<512x128xf32, #tpu.memory_space<vmem>>, vector<512x128xf32>
    %get3A_18 = arith.constant 0 : index
    %get3A_19 = arith.constant 0 : index
    %get3A_20 = vector.load %arg2[%get3A_18, %get3A_19] : memref<128x128xf32, #tpu.memory_space<vmem>>, vector<128x128xf32>
    %dot_general3A = arith.constant dense<0.000000e+00> : vector<512x128xf32>
    %dot_general3A_21 = tpu.matmul %get3A_17, %get3A_20, %dot_general3A {dimension_numbers = #tpu.dot_dimension_numbers<[1], [0], [0], [1], [0, 0, 1, 1], [], []>, transpose_lhs_hint = false} : vector<512x128xf32>, vector<128x128xf32>, vector<512x128xf32> -> vector<512x128xf32>
    %mul3A_22 = vector.broadcast %mul3A_14 : vector<512x1xf32> to vector<512x128xf32>
    %mul3A_23 = arith.mulf %dot_general3A_21, %mul3A_22 : vector<512x128xf32>
    %swap3A = arith.constant 0 : index
    %swap3A_24 = arith.constant 0 : index
    %swap3A_25 = vector.load %arg5[%swap3A, %swap3A_24] : memref<512x128xf32, #tpu.memory_space<vmem>>, vector<512x128xf32>
    tpu.vector_store %arg5[%swap3A, %swap3A_24], %mul3A_23 {strides = array<i32>} : memref<512x128xf32, #tpu.memory_space<vmem>>, vector<512x128xf32>,
    %swap3A_26 = arith.constant 0 : index
    %swap3A_27 = arith.constant 0 : index
    %swap3A_28 = vector.load %arg6[%swap3A_26, %swap3A_27] : memref<512x1xf32, #tpu.memory_space<vmem>>, vector<512x1xf32>
    tpu.vector_store %arg6[%swap3A_26, %swap3A_27], %mul3A_14 {strides = array<i32>} : memref<512x1xf32, #tpu.memory_space<vmem>>, vector<512x1xf32>,
    return
  }
  func.func @transform_0(%arg0: i32) -> (i32, i32) {
    %c0_i32 = arith.constant 0 : i32
    %c0_i32_0 = arith.constant 0 : i32
    return %arg0, %c0_i32 : i32, i32
  }
  func.func @transform_1(%arg0: i32) -> (i32, i32) {
    %c0_i32 = arith.constant 0 : i32
    %c0_i32_0 = arith.constant 0 : i32
    %c0_i32_1 = arith.constant 0 : i32
    return %c0_i32, %c0_i32_0 : i32, i32
  }
  func.func @transform_2(%arg0: i32) -> (i32, i32) {
    %c0_i32 = arith.constant 0 : i32
    %c0_i32_0 = arith.constant 0 : i32
    return %arg0, %c0_i32 : i32, i32
  }
  func.func @transform_3(%arg0: i32) -> (i32, i32) {
    %c0_i32 = arith.constant 0 : i32
    %c0_i32_0 = arith.constant 0 : i32
    return %arg0, %c0_i32 : i32, i32
  }
  func.func @transform_4(%arg0: i32) -> (i32, i32) {
    %c0_i32 = arith.constant 0 : i32
    %c0_i32_0 = arith.constant 0 : i32
    return %arg0, %c0_i32 : i32, i32
  }
  func.func @transform_5(%arg0: i32) -> (i32, i32) {
    %c0_i32 = arith.constant 0 : i32
    %c0_i32_0 = arith.constant 0 : i32
    return %arg0, %c0_i32 : i32, i32
  }
}

module attributes {stable_mosaic.version = 14 : i64} {
  func.func @_tc2_body(%arg0: i32, %arg1: memref<512x128xf32, #tpu.memory_space<vmem>>, %arg2: memref<512x128xf32, #tpu.memory_space<vmem>>, %arg3: memref<512x128xf32, #tpu.memory_space<vmem>>, %arg4: memref<512x1xf32, #tpu.memory_space<vmem>>, %arg5: memref<1x128xf32, #tpu.memory_space<vmem>>, %arg6: memref<128x128xf32, #tpu.memory_space<vmem>>, %arg7: memref<256x1xf32, #tpu.memory_space<vmem>>, %arg8: memref<512x1xf32, #tpu.memory_space<vmem>>) attributes {dimension_semantics = [#tpu.dimension_semantics<arbitrary>], iteration_bounds = array<i64: 20>, scalar_prefetch = 0 : i64, scratch_operands = 0 : i64, tpu.core_type = #tpu.core_type<tc>, window_params = [{transform_indices = @transform_0, window_bounds = array<i64: 512, 128>}, {transform_indices = @transform_1, window_bounds = array<i64: 512, 128>}, {transform_indices = @transform_2, window_bounds = array<i64: 512, 128>}, {transform_indices = @transform_3, window_bounds = array<i64: 512, 1>}, {pipeline_mode = #tpu.pipeline_mode<synchronous>, transform_indices = @transform_4, window_bounds = array<i64: 1, 128>}, {pipeline_mode = #tpu.pipeline_mode<synchronous>, transform_indices = @transform_5, window_bounds = array<i64: 128, 128>}, {pipeline_mode = #tpu.pipeline_mode<synchronous>, transform_indices = @transform_6, window_bounds = array<i64: 256, 1>}, {transform_indices = @transform_7, window_bounds = array<i64: 512, 1>}]} {
    %get3A = arith.constant 0 : index
    %get3A_0 = arith.constant 0 : index
    %get3A_1 = vector.load %arg1[%get3A, %get3A_0] : memref<512x128xf32, #tpu.memory_space<vmem>>, vector<512x128xf32>
    %get3A_2 = arith.constant 0 : index
    %get3A_3 = arith.constant 0 : index
    %get3A_4 = vector.load %arg2[%get3A_2, %get3A_3] : memref<512x128xf32, #tpu.memory_space<vmem>>, vector<512x128xf32>
    %add3A = arith.addf %get3A_1, %get3A_4 : vector<512x128xf32>
    %get3A_5 = arith.constant 0 : index
    %get3A_6 = arith.constant 0 : index
    %get3A_7 = vector.load %arg3[%get3A_5, %get3A_6] : memref<512x128xf32, #tpu.memory_space<vmem>>, vector<512x128xf32>
    %add3A_8 = arith.addf %add3A, %get3A_7 : vector<512x128xf32>
    %get3A_9 = arith.constant 0 : index
    %get3A_10 = arith.constant 0 : index
    %get3A_11 = vector.load %arg4[%get3A_9, %get3A_10] : memref<512x1xf32, #tpu.memory_space<vmem>>, vector<512x1xf32>
    %mul3A = vector.broadcast %get3A_11 : vector<512x1xf32> to vector<512x128xf32>
    %mul3A_12 = arith.mulf %mul3A, %add3A_8 : vector<512x128xf32>
    %get3A_13 = arith.constant 0 : index
    %get3A_14 = arith.constant 0 : index
    %get3A_15 = vector.load %arg5[%get3A_13, %get3A_14] : memref<1x128xf32, #tpu.memory_space<vmem>>, vector<1x128xf32>
    %add3A_16 = vector.broadcast %get3A_15 : vector<1x128xf32> to vector<512x128xf32>
    %add3A_17 = arith.addf %mul3A_12, %add3A_16 : vector<512x128xf32>
    %max3A = arith.constant 0.000000e+00 : f32
    %max3A_18 = vector.broadcast %max3A : f32 to vector<512x128xf32>
    %max3A_19 = arith.maximumf %add3A_17, %max3A_18 : vector<512x128xf32>
    %get3A_20 = arith.constant 0 : index
    %get3A_21 = arith.constant 0 : index
    %get3A_22 = vector.load %arg6[%get3A_20, %get3A_21] : memref<128x128xf32, #tpu.memory_space<vmem>>, vector<128x128xf32>
    %get3A_23 = arith.constant 0 : index
    %get3A_24 = arith.constant 0 : index
    %get3A_25 = vector.load %arg7[%get3A_23, %get3A_24] : memref<256x1xf32, #tpu.memory_space<vmem>>, vector<256x1xf32>
    %slice3A = vector.extract_strided_slice %get3A_25 {offsets = [0, 0], sizes = [128, 1], strides = [1, 1]} : vector<256x1xf32> to vector<128x1xf32>
    %dot_general3A = arith.constant dense<0.000000e+00> : vector<128x1xf32>
    %dot_general3A_26 = tpu.matmul %get3A_22, %slice3A, %dot_general3A {dimension_numbers = #tpu.dot_dimension_numbers<[1], [0], [0], [1], [0, 0, 1, 1], [], []>, transpose_lhs_hint = false} : vector<128x128xf32>, vector<128x1xf32>, vector<128x1xf32> -> vector<128x1xf32>
    %dot_general3A_27 = arith.constant dense<0.000000e+00> : vector<512x1xf32>
    %dot_general3A_28 = tpu.matmul %max3A_19, %dot_general3A_26, %dot_general3A_27 {dimension_numbers = #tpu.dot_dimension_numbers<[1], [0], [0], [1], [0, 0, 1, 1], [], []>, transpose_lhs_hint = false} : vector<512x128xf32>, vector<128x1xf32>, vector<512x1xf32> -> vector<512x1xf32>
    %mul3A_29 = arith.mulf %get3A_11, %dot_general3A_28 : vector<512x1xf32>
    %swap3A = arith.constant 0 : index
    %swap3A_30 = arith.constant 0 : index
    %swap3A_31 = vector.load %arg8[%swap3A, %swap3A_30] : memref<512x1xf32, #tpu.memory_space<vmem>>, vector<512x1xf32>
    tpu.vector_store %arg8[%swap3A, %swap3A_30], %mul3A_29 {strides = array<i32>} : memref<512x1xf32, #tpu.memory_space<vmem>>, vector<512x1xf32>,
    return
  }
  func.func @transform_0(%arg0: i32) -> (i32, i32) {
    %c0_i32 = arith.constant 0 : i32
    %c0_i32_0 = arith.constant 0 : i32
    return %arg0, %c0_i32 : i32, i32
  }
  func.func @transform_1(%arg0: i32) -> (i32, i32) {
    %c0_i32 = arith.constant 0 : i32
    %c0_i32_0 = arith.constant 0 : i32
    return %arg0, %c0_i32 : i32, i32
  }
  func.func @transform_2(%arg0: i32) -> (i32, i32) {
    %c0_i32 = arith.constant 0 : i32
    %c0_i32_0 = arith.constant 0 : i32
    return %arg0, %c0_i32 : i32, i32
  }
  func.func @transform_3(%arg0: i32) -> (i32, i32) {
    %c0_i32 = arith.constant 0 : i32
    %c0_i32_0 = arith.constant 0 : i32
    return %arg0, %c0_i32 : i32, i32
  }
  func.func @transform_4(%arg0: i32) -> (i32, i32) {
    %c0_i32 = arith.constant 0 : i32
    %c0_i32_0 = arith.constant 0 : i32
    %c0_i32_1 = arith.constant 0 : i32
    return %c0_i32, %c0_i32_0 : i32, i32
  }
  func.func @transform_5(%arg0: i32) -> (i32, i32) {
    %c0_i32 = arith.constant 0 : i32
    %c0_i32_0 = arith.constant 0 : i32
    %c0_i32_1 = arith.constant 0 : i32
    return %c0_i32, %c0_i32_0 : i32, i32
  }
  func.func @transform_6(%arg0: i32) -> (i32, i32) {
    %c0_i32 = arith.constant 0 : i32
    %c0_i32_0 = arith.constant 0 : i32
    %c0_i32_1 = arith.constant 0 : i32
    return %c0_i32, %c0_i32_0 : i32, i32
  }
  func.func @transform_7(%arg0: i32) -> (i32, i32) {
    %c0_i32 = arith.constant 0 : i32
    %c0_i32_0 = arith.constant 0 : i32
    return %arg0, %c0_i32 : i32, i32
  }
}

</mosaic_0001>

<sc_bundles>
// kernel: kernel.10.cloned.1.call-start
scs
__scs_entry_jumppad:
0x0: {  	(pc) =	sbr.rel $0x88, $3  }
0x1: {  	(tag) =	ssettag $0x0;
	lr =	simm.s32 $0x1  }
0x2: {  	[smem:$0x3F96] =	sst lr;
	_ =	strace $0xD0000000  }
0x3: {  	_ = 	snop  }
0x4: {  	_ = 	snop  }
0x5: {  	_ = 	snop  }
0x6: {  	_ = 	snop  }
0x7: {  	_ = 	snop  }
__scs_overlays_trampoline_lowered:
0x8: {  	[smem:$0x3FA5] =	sst s0  }
0x9: {  	[smem:$0x3FA6] =	sst s1  }
0xa: {  	[smem:$0x3FA7] =	sst s2  }
0xb: {  	[smem:$0x3FA8] =	sst s3  }
0xc: {  	[smem:$0x3FA9] =	sst s4  }
0xd: {  	[smem:$0x3FAA] =	sst s5  }
0xe: {  	[smem:$0x3FAB] =	sst s6  }
0xf: {  	[smem:$0x3FAC] =	sst s7  }
0x10: {  	[smem:$0x3FAD] =	sst s8  }
0x11: {  	[smem:$0x3FAE] =	sst s9;
	s0 =	simm.s32 @!p0 $0x0  }
0x12: {  	s1 =	sld [smem:$0x3F94];
	s0 =	simm.s32 @p0 $0x1  }
0x13: {  	[smem:$0x3FAF] =	sst s0;
	s0 =	simm.s32 @!p1 $0x0  }
0x14: {  	s2 =	sld [smem:$0x3F93];
	s0 =	simm.s32 @p1 $0x1  }
0x15: {  	[smem:$0x3FB0] =	sst s0;
	s0 =	simm.s32 @!p2 $0x0  }
0x16: {  	s3 =	sld [smem:$0x3FDB];
	s0 =	simm.s32 @p2 $0x1  }
0x17: {  	s4 =	simm.s32 $0x1BF5;
	[smem:$0x3FB2] =	sst s0  }
0x18: {  	s0 =	sld [smem:$0x3F95];
	_ =	swait.ge [sflag:s4], $0x0  }
0x19: {  	s7 =	sld [smem:$0x3F96]  }
0x1a: {  	s8 =	sadd.s32 $0xFFFFE003, lr  }
0x1b: {  	s9 =	sadd.s32 $0xFFFFFEF7, lr;
	s5 =	simm.s32 $0xFFFFFFFF;
	p2 =	slt.u32 s8, $0xFFFFF086  }
0x1c: {  	p1 =	slt.u32 s9, $0xF7A;
	s5 =	simm.s32 @!p2 $0x0  }
0x1d: {  	s5 =	simm.s32 @p1 $0x1;
	p0 =	seq.s32 s7, s2  }
0x1e: {  	s7 =	smul.u32 @!p0 $0xF7A, s2;
	p2 =	seq.s32 @!p0 s5, $0x0  }
0x1f: {  	s9 =	smul.u32 $0xF7A, s1;
	s8 =	simm.s32 @!p0 $0x1BF5;
	p2 =	por !p2, p0  }
0x20: {  	[sflag:s8] =	ssyncset.s32 @!p0 $0xFFFFF086;
	s6 =	sadd.s32 @!p0 s3, s7;
	s7 =	simm.s32 @!p0 $0x108  }
0x21: {  	s3 =	sadd.s32 s3, s9;
	s6 =	sadd.s32 @!p0 $0x88, s6;
	s7 =	simm.s32 @p2 $0x1082  }
0x22: {  	[simem:s7], [sflag:s8] =	dma.local @!p0 [hbm:s6], $0xF7A  }
0x23: {  	s9 =	sor.u32 $0xD0000000, s2;
	s6 =	simm.s32 $0x108;
	_ =	swait.ge @!p0 [sflag:s8], $0x0  }
0x24: {  	s3 =	sadd.s32 $0x88, s3;
	s6 =	simm.s32 @!p1 $0x1082;
	[sflag:s4] =	ssyncset.s32 $0xFFFFF086  }
0x25: {  	[simem:s6], [sflag:s4] =	dma.local [hbm:s3], $0xF7A  }
0x26: {  	[smem:$0x3F96] =	sst s1;
	(tag) =	ssettag s2;
	_ =	strace s9  }
0x27: {  	s1 =	sld [smem:$0x3FA6]  }
0x28: {  	s2 =	sld [smem:$0x3FA7]  }
0x29: {  	s4 =	sld [smem:$0x3FA9]  }
0x2a: {  	p0 =	seq.s32 s5, $0x0;
	s5 =	sld [smem:$0x3FAA]  }
0x2b: {  	s6 =	sld [smem:$0x3FAB]  }
0x2c: {  	s7 =	sld [smem:$0x3FAC]  }
0x2d: {  	s3 =	simm.s32 $0x108;
	s8 =	sld [smem:$0x3FAD]  }
0x2e: {  	s3 =	simm.s32 @!p0 $0x1082;
	s9 =	sld [smem:$0x3FAE]  }
0x2f: {  	lr =	sadd.s32 s0, s3;
	s0 =	sld [smem:$0x3FA5]  }
0x30: {  	s3 =	sld [smem:$0x3FA8]  }
0x31: {  	[smem:$0x3FB1] =	sst s10  }
0x32: {  	s10 =	sld [smem:$0x3FAF];
	_ =	sdelay $0x3  }
0x33: {  	p0 =	seq.s32 s10, $0x1;
	s10 =	sld [smem:$0x3FB1];
	_ =	sdelay $0x3  }
0x34: {  	[smem:$0x3FB1] =	sst s10  }
0x35: {  	s10 =	sld [smem:$0x3FB0];
	_ =	sdelay $0x3  }
0x36: {  	p1 =	seq.s32 s10, $0x1;
	s10 =	sld [smem:$0x3FB1];
	_ =	sdelay $0x3  }
0x37: {  	[smem:$0x3FB1] =	sst s10  }
0x38: {  	s10 =	sld [smem:$0x3FB2]  }
0x39: {  	_ = 	snop;
	(pc) =	sbr.ind lr, $3  }
0x3a: {  	_ = 	snop  }
0x3b: {  	_ = 	snop  }
0x3c: {  	p2 =	seq.s32 s10, $0x1;
	s10 =	sld [smem:$0x3FB1]  }
0x3d: {  	_ =	shalt  }
0x3e: {  	_ =	shalt  }
0x3f: {  	_ =	shalt  }
0x40: {  	_ =	shalt  }
0x41: {  	_ =	shalt  }
0x42: {  	_ =	shalt  }
0x43: {  	_ =	shalt  }
0x44: {  	_ =	shalt  }
0x45: {  	_ =	shalt  }
0x46: {  	_ =	shalt  }
0x47: {  	_ =	shalt  }
0x48: {  	_ =	shalt  }
0x49: {  	_ =	shalt  }
0x4a: {  	_ =	shalt  }
0x4b: {  	_ =	shalt  }
0x4c: {  	_ =	shalt  }
0x4d: {  	_ =	shalt  }
0x4e: {  	_ =	shalt  }
0x4f: {  	_ =	shalt  }
0x50: {  	_ =	shalt  }
0x51: {  	_ =	shalt  }
0x52: {  	_ =	shalt  }
0x53: {  	_ =	shalt  }
0x54: {  	_ =	shalt  }
0x55: {  	_ =	shalt  }
0x56: {  	_ =	shalt  }
0x57: {  	_ =	shalt  }
0x58: {  	_ =	shalt  }
0x59: {  	_ =	shalt  }
0x5a: {  	_ =	shalt  }
0x5b: {  	_ =	shalt  }
0x5c: {  	_ =	shalt  }
0x5d: {  	_ =	shalt  }
0x5e: {  	_ =	shalt  }
0x5f: {  	_ =	shalt  }
0x60: {  	_ =	shalt  }
0x61: {  	_ =	shalt  }
0x62: {  	_ =	shalt  }
0x63: {  	_ =	shalt  }
0x64: {  	_ =	shalt  }
0x65: {  	_ =	shalt  }
0x66: {  	_ =	shalt  }
0x67: {  	_ =	shalt  }
0x68: {  	_ =	shalt  }
0x69: {  	_ =	shalt  }
0x6a: {  	_ =	shalt  }
0x6b: {  	_ =	shalt  }
0x6c: {  	_ =	shalt  }
0x6d: {  	_ =	shalt  }
0x6e: {  	_ =	shalt  }
0x6f: {  	_ =	shalt  }
0x70: {  	_ =	shalt  }
0x71: {  	_ =	shalt  }
0x72: {  	_ =	shalt  }
0x73: {  	_ =	shalt  }
0x74: {  	_ =	shalt  }
0x75: {  	_ =	shalt  }
0x76: {  	_ =	shalt  }
0x77: {  	_ =	shalt  }
0x78: {  	_ =	shalt  }
0x79: {  	_ =	shalt  }
0x7a: {  	_ =	shalt  }
0x7b: {  	_ =	shalt  }
0x7c: {  	_ =	shalt  }
0x7d: {  	_ =	shalt  }
0x7e: {  	_ =	shalt  }
0x7f: {  	_ =	shalt  }
0x80: {  	_ =	shalt  }
0x81: {  	_ =	shalt  }
0x82: {  	_ =	shalt  }
0x83: {  	_ =	shalt  }
0x84: {  	_ =	shalt  }
0x85: {  	_ =	shalt  }
0x86: {  	_ =	shalt  }
0x87: {  	_ =	shalt  }
.Lfunc_end0:
.L_simem_size_0:
called_computation.1_lowered:
.L_overlay_start_0:
0x88: {  	s2 =	sld [smem:$0x3FD9]  }
0x89: {  	s3 =	sld [smem:$0x3FFE];
	_ =	sdelay $0x1  }
0x8a: {  	s1 =	srdreg.scid  }
0x8b: {  	s0 =	sand.u32 $0x1, s1  }
0x8c: {  	s16 =	sshll.u32 s0, $0xA;
	s2 =	sadd.s32 s3, s2  }
0x8d: {  	s2 =	sadd.s32 s2, s16  }
0x8e: {  	[smem:$0x3FBD] =	sst s2  }
0x8f: {  	_ = 	snop  }
0x90: {  	(tm) =	ssettm $0x1  }
0x91: {  	s17 =	sld [smem:$0x3FFB];
	_ =	sdelay $0x3  }
0x92: {  	_ =	strace s17  }
0x93: {  	s2 =	sld [smem:$0x3FFC];
	_ =	sdelay $0x3  }
0x94: {  	_ =	strace s2  }
0x95: {  	s2 =	sld [smem:$0x3FFD];
	_ =	sdelay $0x3  }
0x96: {  	_ =	strace s2  }
0x97: {  	_ =	strace $0x8FFFFFFF  }
0x98: {  	s18 =	sld [smem:$0x3FDB];
	_ =	sdelay $0x1  }
0x99: {  	s19 =	simm.s32 $_scs_section_size  }
0x9a: {  	s4 =	simm.s32 $_size__tile_overlayer_lowered;
	s5 =	simm.s32 $_tile_overlayer_lowered  }
0x9b: {  	s22 =	simm.s32 $0x1BFF;
	s21 =	sshll.u32 s5, $0x1;
	s2 =	sadd.s32 s19, s18  }
0x9c: {  	s6 =	simm.s32 $0x0;
	s20 =	sshll.u32 s4, $0x1;
	s4 =	sadd.s32 s21, s2  }
0x9d: {  	[timem:s6], [sflag:s22] =	dma.local [hbm:s4], s20  }
0x9e: {  	_ =	swait.ge [sflag:s22], s20  }
0x9f: {  	s3 =	ssub.s32 $0x0, s20;
	[sflag:s22] =	ssyncset.done $0x0  }
0xa0: {  	[sflag:s22] =	ssyncadd.s32 s3;
	_ =	sdelay $0x1  }
0xa1: {  	s23 =	simm.s32 $0x1B8B  }
0xa2: {  	_ =	swait.ge [sflag:s23], $0x1  }
0xa3: {  	[sflag:s23] =	ssyncset.done $0x0  }
0xa4: {  	s25 =	simm.s32 $0x1B8E;
	s24 =	sld [smem:$0x3FFE];
	[sflag:s23] =	ssyncadd.s32 $0xFFFFFFFF  }
0xa5: {  	s26 =	simm.s32 $execute0_lowered;
	[smem:$0x3FD2] =	sst s25  }
0xa6: {  	s4 =	sshll.u32 s26, $0x1;
	_ =	strace $0x80000049;
	[dreg:$0x1] =	wrdreg $0xFFFFFFFF  }
0xa7: {  	s28 =	simm.s32 $_size_execute0_lowered;
	s2 =	sadd.s32 s2, s4;
	[dreg:$0x0] =	wrdreg $0x0  }
0xa8: {  	s4 =	sshll.u32 s28, $0x1;
	[dreg:$0x2] =	wrdreg s2  }
0xa9: {  	[dreg:$0x3] =	wrdreg s4  }
0xaa: {  	[dreg:$0x4] =	wrdreg $0xC0  }
0xab: {  	_ =	task [dreg:s6], $0x5FFFF  }
0xac: {  	[dreg:$0x1] =	wrdreg $0xFFFFFFFF  }
0xad: {  	[dreg:$0x0] =	wrdreg $0x60  }
0xae: {  	[dreg:$0x2] =	wrdreg s24  }
0xaf: {  	[dreg:$0x3] =	wrdreg $0xB8000  }
0xb0: {  	[dreg:$0x4] =	wrdreg $0x9  }
0xb1: {  	_ =	task.clear_ibuf [dreg:s6], $0x5FFFF;
	_ =	strace $0x90000049  }
0xb2: {  	s29 =	simm.s32 $0x9;
	_ =	strace $0x8000004B  }
0xb3: {  	_ =	swait.ge [sflag:s29], $0x1  }
0xb4: {  	[sflag:s29] =	ssyncadd.s32 $0xFFFFFFFF  }
0xb5: {  	_ =	strace $0x9000004B  }
0xb6: {  	_ =	sfence  }
0xb7: {  	s30 =	sld [smem:$0x0];
	_ =	sdelay $0x2  }
0xb8: {  	s31 =	sshll.u32 s1, $0xD;
	s1 =	sshrl.u32 s1, $0x2  }
0xb9: {  	s3 =	sand.u32 $0x4000, s31;
	s1 =	sadd.s32 s1, s30  }
0xba: {  	s0 =	sor.u32 s3, s0;
	s1 =	sshll.u32 s1, $0x11  }
0xbb: {  	s0 =	sor.u32 s1, s0  }
0xbc: {  	s0 =	sadd.s32 $0x8F2B, s0  }
0xbd: {  	[sflag:s0] =	ssyncadd.remote.s32 $0x1  }
0xbe: {  	_ =	sfence.sel $0xFFFF  }
0xbf: {  	[dreg:$0x0] =	wrdreg $0xFFFFFFFF;
	(pc) =	sbr.abs _section_cstart, $3  }
0xc0: {  	[dreg:$0x1] =	wrdreg $0xFFFFFFFF  }
0xc1: {  	_ =	task.clear_ibuf [dreg:s6], $0x2FFFF;
	_ =	strace $0x9FFFFFFF  }
0xc2: {  	(tm) =	ssettm $0x7FFFFFFF  }
0xc3: {  	_ =	shalt  }
tec
execute0_lowered:
.L_overlay_start_1:
0x0: {  	(tag) =	ssettag $0x1  }
0x1: {  	s11 =	stileid.u32  }
0x2: {  	s0 =	rddreg [dreg:$0x0];
	s7 =	smul.u32 $0x50000, s11  }
0x3: {  	s1 =	rddreg [dreg:$0x1];
	s3 =	simm.s32 $0x0  }
0x4: {  	s2 =	srdreg.scid;
	s31 =	simm.s32 $0xA800;
	s7 =	sshrl.u32 s7, $0x2  }
0x5: {  	[smem:$0x7FF] =	sst s3;
	s4 =	sadd.s32 $0x29C00, s0;
	s7 =	sadd.s32 s7, s1  }
0x6: {  	s2 =	sand.u32 $0x1, s2;
	s5 =	sadd.s32 $0x1FC00, s0;
	s25 =	sadd.s32 $0x1000, s7  }
0x7: {  	_ =	strace $0x8000004A;
	s26 =	sadd.s32 $0x2000, s7;
	[dreg:$0x3] =	wrdreg s25  }
0x8: {  	s6 =	sadd.s32 $0x15C00, s0;
	s28 =	sadd.s32 $0x3000, s7;
	[dreg:$0x4] =	wrdreg s26  }
0x9: {  	s20 =	smul.u32 $0x2800, s11;
	s12 =	sadd.s32 $0x4000, s7;
	[dreg:$0x5] =	wrdreg s28  }
0xa: {  	s8 =	ssub.s32 $0x2, s2;
	s13 =	sadd.s32 $0x5000, s7;
	[dreg:$0x6] =	wrdreg s12  }
0xb: {  	s10 =	sshll.u32 s2, $0x4;
	s14 =	sadd.s32 $0x6000, s7;
	[dreg:$0x7] =	wrdreg s13  }
0xc: {  	p0 =	seq.s32 s2, $0x1;
	s15 =	sadd.s32 $0x7000, s7;
	[dreg:$0x8] =	wrdreg s14  }
0xd: {  	s2 =	simm.s32 $0xA1C00;
	s16 =	sadd.s32 $0x8000, s7;
	[dreg:$0x9] =	wrdreg s15  }
0xe: {  	s9 =	sshrl.u32 s8, $0x1;
	s17 =	sadd.s32 $0x9000, s7;
	[dreg:$0xa] =	wrdreg s16  }
0xf: {  	s2 =	simm.s32 @!p0 $0x79C00;
	s18 =	sadd.s32 $0xA000, s7;
	[dreg:$0xb] =	wrdreg s17  }
0x10: {  	s8 =	ssub.s32 s8, s9;
	s19 =	sadd.s32 $0xB000, s7;
	[dreg:$0xc] =	wrdreg s18  }
0x11: {  	s9 =	sor.u32 s11, s10;
	s21 =	sadd.s32 $0xC000, s7;
	[dreg:$0xd] =	wrdreg s19  }
0x12: {  	s0 =	sadd.s32 s2, s0;
	s22 =	sadd.s32 $0xD000, s7;
	[dreg:$0xe] =	wrdreg s21  }
0x13: {  	s2 =	simm.s32 $0x1400;
	s23 =	sadd.s32 $0xE000, s7;
	[dreg:$0xf] =	wrdreg s22  }
0x14: {  	s10 =	simm.s32 $0x80;
	s0 =	sadd.s32 s0, s20;
	[dreg:$0x10] =	wrdreg s23  }
0x15: {  	s11 =	simm.s32 $0x6800;
	s24 =	sadd.s32 $0xF000, s7;
	[dreg:$0x11] =	wrdreg s0  }
0x16: {  	s29 =	sadd.s32 $0x12000, s7;
	s30 =	sadd.s32 $0x13000, s7;
	[dreg:$0x12] =	wrdreg s24  }
0x17: {  	s24 =	smul.u32 $0x50, s9;
	s25 =	smax.u32 s8, $0x1;
	s26 =	sadd.s32 $0x10000, s7  }
0x18: {  	s28 =	sadd.s32 $0x11000, s7;
	s0 =	simm.s32 $0x5;
	s8 =	simm.s32 $0x7D  }
0x19: {  	s9 =	simm.s32 $0x2800;
	s12 =	simm.s32 $0x2;
	[dreg:$0x13] =	wrdreg s25  }
0x1a: {  	s13 =	simm.s32 $0x2780;
	s14 =	simm.s32 $0x3;
	[dreg:$0x14] =	wrdreg s26  }
0x1b: {  	v0 =	vimm.f32 $0.0e+00;
	s15 =	simm.s32 $0x4;
	s16 =	simm.s32 $0x0;
	[dreg:$0x15] =	wrdreg s28  }
.LBB2_1:
0x1c: {  	s17 =	sand.u32 $0x3E00, s3  }
0x1d: {  	s18 =	sand.u32 $0x70, s3;
	s19 =	sshrl.u32 s17, $0x2  }
0x1e: {  	s17 =	simm.s32 $0x40;
	s19 =	sor.u32 s18, s19;
	s18 =	simm.s32 $0x0  }
.LBB2_2:
0x1f: {  	p0 =	sne.s32 s17, $0x3FC0  }
0x20: {  	[tilespmem:s19+$0xA800] =	vst v0;
	s18 =	sadd.s32 $0x10, s18;
	s19 =	smov.u32 s17;
	s17 =	sadd.s32 $0x40, s17  }
.Ltmp0:
0x21: {  	(pc) =	sbr.rel @p0 .LBB2_2-.Ltmp0, $4  }
0x22: {  	_ = 	snop  }
0x23: {  	s19 =	sand.u32 $0x3E00, s19  }
0x24: {  	s20 =	sand.u32 $0x70, s18;
	s19 =	sshrl.u32 s19, $0x2  }
0x25: {  	s19 =	sor.u32 s20, s19  }
0x26: {  	[tilespmem:s19+$0xA800] =	vst v0  }
0x27: {  	[spmem:s7] =	stream.linear.scatter [tilespmem:s31], [sflag:$0x5], $0x1000, $0x38;
	[tilespmem:$0x1F800] =	vst v63  }
0x28: {  	_ =	swait.ge [sflag:s0], $0x1000  }
0x29: {  	[sflag:s0] =	ssyncset.done $0x0  }
0x2a: {  	s17 =	rddreg [dreg:$0x3];
	[sflag:s0] =	ssyncadd.s32 $0xFFFFF000  }
0x2b: {  	[spmem:s17] =	stream.linear.scatter [tilespmem:s31], [sflag:$0x5], $0x1000, $0x38;
	[tilespmem:$0x1F800] =	vst v63  }
0x2c: {  	_ =	swait.ge [sflag:s0], $0x1000  }
0x2d: {  	[sflag:s0] =	ssyncset.done $0x0  }
0x2e: {  	s20 =	rddreg [dreg:$0x4];
	[sflag:s0] =	ssyncadd.s32 $0xFFFFF000  }
0x2f: {  	[spmem:s20] =	stream.linear.scatter [tilespmem:s31], [sflag:$0x5], $0x1000, $0x38;
	[tilespmem:$0x1F800] =	vst v63  }
0x30: {  	_ =	swait.ge [sflag:s0], $0x1000  }
0x31: {  	[sflag:s0] =	ssyncset.done $0x0  }
0x32: {  	s21 =	rddreg [dreg:$0x5];
	[sflag:s0] =	ssyncadd.s32 $0xFFFFF000  }
0x33: {  	[spmem:s21] =	stream.linear.scatter [tilespmem:s31], [sflag:$0x5], $0x1000, $0x38;
	[tilespmem:$0x1F800] =	vst v63  }
0x34: {  	_ =	swait.ge [sflag:s0], $0x1000  }
0x35: {  	[sflag:s0] =	ssyncset.done $0x0  }
0x36: {  	s22 =	rddreg [dreg:$0x6];
	[sflag:s0] =	ssyncadd.s32 $0xFFFFF000  }
0x37: {  	[spmem:s22] =	stream.linear.scatter [tilespmem:s31], [sflag:$0x5], $0x1000, $0x38;
	[tilespmem:$0x1F800] =	vst v63  }
0x38: {  	_ =	swait.ge [sflag:s0], $0x1000  }
0x39: {  	[sflag:s0] =	ssyncset.done $0x0  }
0x3a: {  	s23 =	rddreg [dreg:$0x7];
	[sflag:s0] =	ssyncadd.s32 $0xFFFFF000  }
0x3b: {  	[spmem:s23] =	stream.linear.scatter [tilespmem:s31], [sflag:$0x5], $0x1000, $0x38;
	[tilespmem:$0x1F800] =	vst v63  }
0x3c: {  	_ =	swait.ge [sflag:s0], $0x1000  }
0x3d: {  	[sflag:s0] =	ssyncset.done $0x0  }
0x3e: {  	s25 =	rddreg [dreg:$0x8];
	[sflag:s0] =	ssyncadd.s32 $0xFFFFF000  }
0x3f: {  	[spmem:s25] =	stream.linear.scatter [tilespmem:s31], [sflag:$0x5], $0x1000, $0x38;
	[tilespmem:$0x1F800] =	vst v63  }
0x40: {  	_ =	swait.ge [sflag:s0], $0x1000  }
0x41: {  	[sflag:s0] =	ssyncset.done $0x0  }
0x42: {  	s26 =	rddreg [dreg:$0x9];
	[sflag:s0] =	ssyncadd.s32 $0xFFFFF000  }
0x43: {  	[spmem:s26] =	stream.linear.scatter [tilespmem:s31], [sflag:$0x5], $0x1000, $0x38;
	[tilespmem:$0x1F800] =	vst v63  }
0x44: {  	_ =	swait.ge [sflag:s0], $0x1000  }
0x45: {  	[sflag:s0] =	ssyncset.done $0x0  }
0x46: {  	s28 =	rddreg [dreg:$0xa];
	[sflag:s0] =	ssyncadd.s32 $0xFFFFF000  }
0x47: {  	[spmem:s28] =	stream.linear.scatter [tilespmem:s31], [sflag:$0x5], $0x1000, $0x38;
	[tilespmem:$0x1F800] =	vst v63  }
0x48: {  	_ =	swait.ge [sflag:s0], $0x1000  }
0x49: {  	[sflag:s0] =	ssyncset.done $0x0  }
0x4a: {  	s18 =	rddreg [dreg:$0xb];
	[sflag:s0] =	ssyncadd.s32 $0xFFFFF000  }
0x4b: {  	[spmem:s18] =	stream.linear.scatter [tilespmem:s31], [sflag:$0x5], $0x1000, $0x38;
	[tilespmem:$0x1F800] =	vst v63  }
0x4c: {  	_ =	swait.ge [sflag:s0], $0x1000  }
0x4d: {  	[sflag:s0] =	ssyncset.done $0x0  }
0x4e: {  	s19 =	rddreg [dreg:$0xc];
	[sflag:s0] =	ssyncadd.s32 $0xFFFFF000  }
0x4f: {  	[spmem:s19] =	stream.linear.scatter [tilespmem:s31], [sflag:$0x5], $0x1000, $0x38;
	[tilespmem:$0x1F800] =	vst v63  }
0x50: {  	_ =	swait.ge [sflag:s0], $0x1000  }
0x51: {  	[sflag:s0] =	ssyncset.done $0x0  }
0x52: {  	s20 =	rddreg [dreg:$0xd];
	[sflag:s0] =	ssyncadd.s32 $0xFFFFF000  }
0x53: {  	[spmem:s20] =	stream.linear.scatter [tilespmem:s31], [sflag:$0x5], $0x1000, $0x38;
	[tilespmem:$0x1F800] =	vst v63  }
0x54: {  	_ =	swait.ge [sflag:s0], $0x1000  }
0x55: {  	[sflag:s0] =	ssyncset.done $0x0  }
0x56: {  	s21 =	rddreg [dreg:$0xe];
	[sflag:s0] =	ssyncadd.s32 $0xFFFFF000  }
0x57: {  	[spmem:s21] =	stream.linear.scatter [tilespmem:s31], [sflag:$0x5], $0x1000, $0x38;
	[tilespmem:$0x1F800] =	vst v63  }
0x58: {  	_ =	swait.ge [sflag:s0], $0x1000  }
0x59: {  	[sflag:s0] =	ssyncset.done $0x0  }
0x5a: {  	s22 =	rddreg [dreg:$0xf];
	[sflag:s0] =	ssyncadd.s32 $0xFFFFF000  }
0x5b: {  	[spmem:s22] =	stream.linear.scatter [tilespmem:s31], [sflag:$0x5], $0x1000, $0x38;
	[tilespmem:$0x1F800] =	vst v63  }
0x5c: {  	_ =	swait.ge [sflag:s0], $0x1000  }
0x5d: {  	[sflag:s0] =	ssyncset.done $0x0  }
0x5e: {  	s23 =	rddreg [dreg:$0x10];
	[sflag:s0] =	ssyncadd.s32 $0xFFFFF000  }
0x5f: {  	[spmem:s23] =	stream.linear.scatter [tilespmem:s31], [sflag:$0x5], $0x1000, $0x38;
	[tilespmem:$0x1F800] =	vst v63  }
0x60: {  	_ =	swait.ge [sflag:s0], $0x1000  }
0x61: {  	[sflag:s0] =	ssyncset.done $0x0  }
0x62: {  	s25 =	rddreg [dreg:$0x12];
	[sflag:s0] =	ssyncadd.s32 $0xFFFFF000  }
0x63: {  	[spmem:s25] =	stream.linear.scatter [tilespmem:s31], [sflag:$0x5], $0x1000, $0x38;
	[tilespmem:$0x1F800] =	vst v63  }
0x64: {  	_ =	swait.ge [sflag:s0], $0x1000  }
0x65: {  	[sflag:s0] =	ssyncset.done $0x0  }
0x66: {  	s26 =	rddreg [dreg:$0x14];
	[sflag:s0] =	ssyncadd.s32 $0xFFFFF000  }
0x67: {  	[spmem:s26] =	stream.linear.scatter [tilespmem:s31], [sflag:$0x5], $0x1000, $0x38;
	[tilespmem:$0x1F800] =	vst v63  }
0x68: {  	_ =	swait.ge [sflag:s0], $0x1000  }
0x69: {  	[sflag:s0] =	ssyncset.done $0x0  }
0x6a: {  	s28 =	rddreg [dreg:$0x15];
	[sflag:s0] =	ssyncadd.s32 $0xFFFFF000  }
0x6b: {  	[spmem:s28] =	stream.linear.scatter [tilespmem:s31], [sflag:$0x5], $0x1000, $0x38;
	[tilespmem:$0x1F800] =	vst v63  }
0x6c: {  	_ =	swait.ge [sflag:s0], $0x1000  }
0x6d: {  	[sflag:s0] =	ssyncset.done $0x0  }
0x6e: {  	[sflag:s0] =	ssyncadd.s32 $0xFFFFF000  }
0x6f: {  	[spmem:s29] =	stream.linear.scatter [tilespmem:s31], [sflag:$0x5], $0x1000, $0x38;
	[tilespmem:$0x1F800] =	vst v63  }
0x70: {  	_ =	swait.ge [sflag:s0], $0x1000  }
0x71: {  	[sflag:s0] =	ssyncset.done $0x0  }
0x72: {  	[sflag:s0] =	ssyncadd.s32 $0xFFFFF000  }
0x73: {  	[spmem:s30] =	stream.linear.scatter [tilespmem:s31], [sflag:$0x5], $0x1000, $0x38;
	[tilespmem:$0x1F800] =	vst v63  }
0x74: {  	_ =	swait.ge [sflag:s0], $0x1000  }
0x75: {  	[sflag:s0] =	ssyncset.done $0x0  }
0x76: {  	[sflag:s0] =	ssyncadd.s32 $0xFFFFF000  }
0x77: {  	p2 =	por $0x1, $0x1;
	s17 =	simm.s32 $0x0;
	[bflag:$0x0] =	sbarrier.arrive $0xFFFF  }
.LBB2_4:
0x78: {  	s17 =	sadd.s32 s24, s17  }
0x79: {  	s17 =	sshll.u32 s17, $0x4  }
0x7a: {  	s18 =	sadd.s32 s5, s17  }
0x7b: {  	[tilespmem:s3], [sflag:$0x5] =	stream.linear.gather [hbm4b:s18+s3], $0x1400, $0x38;
	[tilespmem:$0x1F800] =	vst v63  }
0x7c: {  	_ =	swait.ge [sflag:s0], $0x1400  }
0x7d: {  	[sflag:s0] =	ssyncset.done $0x0  }
0x7e: {  	s17 =	sadd.s32 s6, s17;
	[sflag:s0] =	ssyncadd.s32 $0xFFFFEC00  }
0x7f: {  	[tilespmem:s2], [sflag:$0x5] =	stream.linear.gather [hbm4b:s17+s3], $0x1400, $0x38;
	[tilespmem:$0x1F800] =	vst v63  }
0x80: {  	_ =	swait.ge [sflag:s0], $0x1400  }
0x81: {  	[sflag:s0] =	ssyncset.done $0x0  }
0x82: {  	[sflag:s0] =	ssyncadd.s32 $0xFFFFEC00  }
0x83: {  	[tilespmem:s9], [sflag:$0x1] =	stream.indirect.gather [hbm4b:s4+s8], $0x80, s3, s8, $0xb8;
	[tilespmem:$0x1F800] =	vst v63  }
0x84: {  	s28 =	simm.s32 $0x1  }
0x85: {  	[tilespmem:s11], [sflag:$0x2] =	stream.indirect.gather [hbm4b:s4+s8], $0x80, s10, s8, $0xb8;
	[tilespmem:$0x1F800] =	vst v63  }
0x86: {  	s17 =	sand.u32 $0x1, s28;
	_ =	swait.ge [sflag:s28], $0x3E80  }
0x87: {  	p0 =	seq.s32 s17, $0x0;
	[sflag:s28] =	ssyncset.done $0x0  }
0x88: {  	s17 =	simm.s32 @p0 $0x4;
	[sflag:s28] =	ssyncadd.s32 $0xFFFFC180  }
0x89: {  	[spmem:s1] =	stream.indirect.scatter.add.f32 [tilespmem:s9], [sflag:$0x3], $0x80, s2, s8, $0xb8;
	[tilespmem:$0x1F800] =	vst v63  }
0x8a: {  	s18 =	simm.s32 $0x100;
	_ =	swait.ge @p0 [sflag:s17], $0x3E80  }
0x8b: {  	s20 =	simm.s32 @p0 $0x1;
	p1 =	por p0, p0;
	[sflag:s17] =	ssyncset.done @p0 $0x0  }
0x8c: {  	s19 =	simm.s32 @p1 $0x6800;
	[sflag:s17] =	ssyncadd.s32 @p1 $0xFFFFC180;
	s17 =	simm.s32 @p1 $0x7D  }
0x8d: {  	[tilespmem:s19], [sflag:$0x2] =	stream.indirect.gather @p1 [hbm4b:s4+s17], $0x80, s18, s17, $0xb8;
	[tilespmem:$0x1F800] =	vst v63  }
0x8e: {  	s23 =	simm.s32 $0x2;
	_ =	swait.ge @p1 [sflag:s20], $0x3E80  }
0x8f: {  	s23 =	sand.u32 $0x1, s23;
	s21 =	simm.s32 @!p1 $0x3;
	[sflag:s20] =	ssyncset.done @p1 $0x0  }
0x90: {  	s19 =	simm.s32 $0x1480;
	[sflag:s20] =	ssyncadd.s32 @p1 $0xFFFFC180;
	s20 =	simm.s32 @p1 $0x2800  }
0x91: {  	[spmem:s1] =	stream.indirect.scatter.add.f32 @p1 [tilespmem:s20], [sflag:$0x3], $0x80, s19, s17, $0xb8;
	[tilespmem:$0x1F800] =	vst v63  }
0x92: {  	p3 =	seq.s32 s23, $0x0;
	_ =	swait.ge @!p1 [sflag:s21], $0x3E80  }
0x93: {  	s22 =	simm.s32 @!p1 $0x2;
	s25 =	simm.s32 @!p1 $0x2800;
	[sflag:s21] =	ssyncset.done @!p1 $0x0  }
0x94: {  	s23 =	simm.s32 @!p1 $0x6800;
	[sflag:s21] =	ssyncadd.s32 @!p1 $0xFFFFC180;
	s21 =	simm.s32 @!p1 $0x7D  }
0x95: {  	[tilespmem:s25], [sflag:$0x1] =	stream.indirect.gather @!p1 [hbm4b:s4+s21], $0x80, s18, s21, $0xb8;
	[tilespmem:$0x1F800] =	vst v63  }
0x96: {  	p0 =	por p2, p2;
	s20 =	simm.s32 $0x3;
	_ =	swait.ge @!p1 [sflag:s22], $0x3E80  }
0x97: {  	s17 =	simm.s32 $0x180;
	s18 =	simm.s32 $0x1500;
	[sflag:s22] =	ssyncset.done @!p1 $0x0  }
.LBB2_5:
0x98: {  	s25 =	simm.s32 @p3 $0x4;
	[sflag:s22] =	ssyncadd.s32 @!p1 $0xFFFFC180  }
0x99: {  	s26 =	smov.u32 s20;
	s20 =	sadd.s32 $0x1, s20;
	s28 =	smov.u32 s17  }
0x9a: {  	[spmem:s1] =	stream.indirect.scatter.add.f32 @!p1 [tilespmem:s23], [sflag:$0x4], $0x80, s19, s21, $0xb8;
	[tilespmem:$0x1F800] =	vst v63  }
0x9b: {  	p2 =	sne.s32 s20, $0x27;
	s19 =	smov.u32 s18;
	_ =	swait.ge @p3 [sflag:s25], $0x3E80  }
0x9c: {  	s21 =	simm.s32 @p3 $0x1;
	p1 =	por p3, p3;
	[sflag:s25] =	ssyncset.done @p3 $0x0  }
0x9d: {  	s22 =	simm.s32 @p1 $0x7D;
	s23 =	simm.s32 @p1 $0x6800;
	[sflag:s25] =	ssyncadd.s32 @p1 $0xFFFFC180  }
0x9e: {  	[tilespmem:s23], [sflag:$0x2] =	stream.indirect.gather @p1 [hbm4b:s4+s22], $0x80, s17, s22, $0xb8;
	[tilespmem:$0x1F800] =	vst v63  }
0x9f: {  	_ =	swait.ge @p1 [sflag:s21], $0x3E80  }
0xa0: {  	[sflag:s21] =	ssyncset.done @p1 $0x0  }
0xa1: {  	s23 =	simm.s32 @!p1 $0x3;
	[sflag:s21] =	ssyncadd.s32 @p1 $0xFFFFC180;
	s21 =	simm.s32 @p1 $0x2800  }
0xa2: {  	[spmem:s1] =	stream.indirect.scatter.add.f32 @p1 [tilespmem:s21], [sflag:$0x3], $0x80, s18, s22, $0xb8;
	[tilespmem:$0x1F800] =	vst v63  }
0xa3: {  	s17 =	sadd.s32 $0x80, s17;
	_ =	swait.ge @!p1 [sflag:s23], $0x3E80  }
.Ltmp1:
0xa4: {  	s22 =	simm.s32 @!p1 $0x2;
	[sflag:s23] =	ssyncset.done @!p1 $0x0;
	(pc) =	sbr.rel @p2 .LBB2_5-.Ltmp1, $4  }
0xa5: {  	s21 =	simm.s32 @!p1 $0x7D;
	[sflag:s23] =	ssyncadd.s32 @!p1 $0xFFFFC180;
	s23 =	simm.s32 @!p1 $0x2800  }
0xa6: {  	[tilespmem:s23], [sflag:$0x1] =	stream.indirect.gather @!p1 [hbm4b:s4+s21], $0x80, s28, s21, $0xb8;
	[tilespmem:$0x1F800] =	vst v63  }
0xa7: {  	s18 =	sadd.s32 $0x80, s18;
	s23 =	sand.u32 $0x1, s26;
	_ =	swait.ge @!p1 [sflag:s22], $0x3E80  }
0xa8: {  	p3 =	seq.s32 s23, $0x0;
	s23 =	simm.s32 @!p1 $0x6800;
	[sflag:s22] =	ssyncset.done @!p1 $0x0  }
0xa9: {  	s20 =	simm.s32 @p3 $0x4;
	[sflag:s22] =	ssyncadd.s32 @!p1 $0xFFFFC180  }
0xaa: {  	[spmem:s1] =	stream.indirect.scatter.add.f32 @!p1 [tilespmem:s23], [sflag:$0x4], $0x80, s19, s21, $0xb8;
	[tilespmem:$0x1F800] =	vst v63  }
0xab: {  	_ =	swait.ge @p3 [sflag:s20], $0x3E80  }
0xac: {  	s19 =	simm.s32 @p3 $0x1;
	p1 =	por p3, p3;
	[sflag:s20] =	ssyncset.done @p3 $0x0  }
0xad: {  	s21 =	simm.s32 @p1 $0x6800;
	[sflag:s20] =	ssyncadd.s32 @p1 $0xFFFFC180;
	s20 =	simm.s32 @p1 $0x7D  }
0xae: {  	[tilespmem:s21], [sflag:$0x2] =	stream.indirect.gather @p1 [hbm4b:s4+s20], $0x80, s17, s20, $0xb8;
	[tilespmem:$0x1F800] =	vst v63  }
0xaf: {  	_ =	swait.ge @p1 [sflag:s19], $0x3E80  }
0xb0: {  	[sflag:s19] =	ssyncset.done @p1 $0x0  }
0xb1: {  	s21 =	simm.s32 @!p1 $0x3;
	[sflag:s19] =	ssyncadd.s32 @p1 $0xFFFFC180;
	s19 =	simm.s32 @p1 $0x2800  }
0xb2: {  	[spmem:s1] =	stream.indirect.scatter.add.f32 @p1 [tilespmem:s19], [sflag:$0x3], $0x80, s18, s20, $0xb8;
	[tilespmem:$0x1F800] =	vst v63  }
0xb3: {  	_ =	swait.ge @!p1 [sflag:s21], $0x3E80  }
0xb4: {  	s19 =	simm.s32 @!p1 $0x2;
	[sflag:s21] =	ssyncset.done @!p1 $0x0  }
0xb5: {  	s20 =	simm.s32 @!p1 $0x7D;
	[sflag:s21] =	ssyncadd.s32 @!p1 $0xFFFFC180;
	s21 =	simm.s32 @!p1 $0x2800  }
0xb6: {  	[tilespmem:s21], [sflag:$0x1] =	stream.indirect.gather @!p1 [hbm4b:s4+s20], $0x80, s17, s20, $0xb8;
	[tilespmem:$0x1F800] =	vst v63  }
0xb7: {  	_ =	swait.ge @!p1 [sflag:s19], $0x3E80  }
0xb8: {  	[sflag:s19] =	ssyncset.done @!p1 $0x0  }
0xb9: {  	s17 =	simm.s32 @!p1 $0x6800;
	[sflag:s19] =	ssyncadd.s32 @!p1 $0xFFFFC180  }
0xba: {  	[spmem:s1] =	stream.indirect.scatter.add.f32 @!p1 [tilespmem:s17], [sflag:$0x4], $0x80, s18, s20, $0xb8;
	[tilespmem:$0x1F800] =	vst v63  }
0xbb: {  	_ =	swait.ge [sflag:s12], $0x3E80  }
0xbc: {  	[sflag:s12] =	ssyncset.done $0x0  }
0xbd: {  	[sflag:s12] =	ssyncadd.s32 $0xFFFFC180  }
0xbe: {  	[spmem:s1] =	stream.indirect.scatter.add.f32 [tilespmem:s11], [sflag:$0x4], $0x80, s13, s8, $0xb8;
	[tilespmem:$0x1F800] =	vst v63  }
0xbf: {  	_ =	swait.ge [sflag:s14], $0x3E80  }
.Ltmp2:
0xc0: {  	[sflag:s14] =	ssyncset.done $0x0;
	(pc) =	sbr.rel @p0 .LBB2_4-.Ltmp2, $4  }
0xc1: {  	[sflag:s14] =	ssyncadd.s32 $0xFFFFC180  }
0xc2: {  	_ =	swait.ge [sflag:s15], $0x3E80  }
0xc3: {  	[sflag:s15] =	ssyncset.done $0x0  }
0xc4: {  	p2 =	por $0x0, $0x0;
	s17 =	simm.s32 $0x28;
	[sflag:s15] =	ssyncadd.s32 $0xFFFFC180  }
0xc5: {  	s17 =	stileid.u32  }
0xc6: {  	[bflag:$0x0] =	sbarrier.arrive $0xFFFF;
	s17 =	sshll.u32 s17, $0x6  }
0xc7: {  	s18 =	sshrl.u32 s7, $0x3;
	s19 =	rddreg [dreg:$0x11];
	s17 =	sor.u32 $0x1C05, s17  }
0xc8: {  	[hbm:s19], [sflag:s17] =	dma.local [spmem:s18], $0x2800  }
0xc9: {  	_ =	swait.ge [sflag:s0], $0x2800  }
0xca: {  	s16 =	sadd.s32 $0x1, s16;
	s28 =	rddreg [dreg:$0x13]  }
0xcb: {  	p0 =	sne.s32 s16, s28  }
.Ltmp3:
0xcc: {  	_ = 	snop;
	(pc) =	sbr.rel @p0 .LBB2_1-.Ltmp3, $3  }
0xcd: {  	_ =	sdelay $0x1  }
0xce: {  	[sflag:s0] =	ssyncset.done $0x0  }
0xcf: {  	[sflag:s0] =	ssyncadd.s32 $0xFFFFD800  }
0xd0: {  	_ =	sfence.sel $0x180000  }
0xd1: {  	[bflag:$0x0] =	sbarrier.arrive $0xFFFF  }
0xd2: {  	_ =	strace $0x9000004A  }
0xd3: {  	s0 =	stileid.u32;
	[bflag:$0x2] =	sbarrier.arrive $0xFFFF  }
0xd4: {  	p0 =	sne.s32 s0, $0x0;
	s0 =	rddreg [dreg:$0x2]  }
0xd5: {  	s0 =	sadd.s32 @!p0 $0x100000, s0  }
0xd6: {  	[sflag:s0] =	ssyncadd.tile.s32 @!p0 $0x1;
	_ =	shalt  }
.Lfunc_end2:
_tile_overlayer_lowered:
.L_overlay_start_2:
0xd7: {  	(tag) =	ssettag $0x2  }
0xd8: {  	s0 =	rddreg [dreg:$0x0];
	s2 =	stileid.u32  }
0xd9: {  	s1 =	rddreg [dreg:$0x1];
	p0 =	sne.s32 s2, $0x0  }
0xda: {  	s3 =	rddreg [dreg:$0x2];
	[bflag:$0x3] =	sbarrier.arrive $0xFFFF;
	s2 =	simm.s32 @!p0 $0x1C05  }
0xdb: {  	[timem:s3], [sflag:s2] =	dma.local @!p0 [hbm:s0], s1  }
0xdc: {  	s0 =	simm.s32 @!p0 $0x5  }
0xdd: {  	_ =	swait.ge @!p0 [sflag:s0], s1  }
0xde: {  	s1 =	ssub.s32 @!p0 $0x0, s1;
	[sflag:s0] =	ssyncset.done @!p0 $0x0  }
0xdf: {  	[sflag:s0] =	ssyncadd.s32 @!p0 s1  }
0xe0: {  	[bflag:$0x3] =	sbarrier.arrive $0xFFFF  }
0xe1: {  	_ =	shalt  }

// kernel: kernel.13.cloned.1.call-start
scs
__scs_entry_jumppad:
0x0: {  	(pc) =	sbr.rel $0x88, $3  }
0x1: {  	(tag) =	ssettag $0x0;
	lr =	simm.s32 $0x1  }
0x2: {  	[smem:$0x3F96] =	sst lr;
	_ =	strace $0xD0000000  }
0x3: {  	_ = 	snop  }
0x4: {  	_ = 	snop  }
0x5: {  	_ = 	snop  }
0x6: {  	_ = 	snop  }
0x7: {  	_ = 	snop  }
__scs_overlays_trampoline_lowered:
0x8: {  	[smem:$0x3FA5] =	sst s0  }
0x9: {  	[smem:$0x3FA6] =	sst s1  }
0xa: {  	[smem:$0x3FA7] =	sst s2  }
0xb: {  	[smem:$0x3FA8] =	sst s3  }
0xc: {  	[smem:$0x3FA9] =	sst s4  }
0xd: {  	[smem:$0x3FAA] =	sst s5  }
0xe: {  	[smem:$0x3FAB] =	sst s6  }
0xf: {  	[smem:$0x3FAC] =	sst s7  }
0x10: {  	[smem:$0x3FAD] =	sst s8  }
0x11: {  	[smem:$0x3FAE] =	sst s9;
	s0 =	simm.s32 @!p0 $0x0  }
0x12: {  	s1 =	sld [smem:$0x3F94];
	s0 =	simm.s32 @p0 $0x1  }
0x13: {  	[smem:$0x3FAF] =	sst s0;
	s0 =	simm.s32 @!p1 $0x0  }
0x14: {  	s2 =	sld [smem:$0x3F93];
	s0 =	simm.s32 @p1 $0x1  }
0x15: {  	[smem:$0x3FB0] =	sst s0;
	s0 =	simm.s32 @!p2 $0x0  }
0x16: {  	s3 =	sld [smem:$0x3FDB];
	s0 =	simm.s32 @p2 $0x1  }
0x17: {  	s4 =	simm.s32 $0x1BF5;
	[smem:$0x3FB2] =	sst s0  }
0x18: {  	s0 =	sld [smem:$0x3F95];
	_ =	swait.ge [sflag:s4], $0x0  }
0x19: {  	s7 =	sld [smem:$0x3F96]  }
0x1a: {  	s8 =	sadd.s32 $0xFFFFE003, lr  }
0x1b: {  	s9 =	sadd.s32 $0xFFFFFEF7, lr;
	s5 =	simm.s32 $0xFFFFFFFF;
	p2 =	slt.u32 s8, $0xFFFFF086  }
0x1c: {  	p1 =	slt.u32 s9, $0xF7A;
	s5 =	simm.s32 @!p2 $0x0  }
0x1d: {  	s5 =	simm.s32 @p1 $0x1;
	p0 =	seq.s32 s7, s2  }
0x1e: {  	s7 =	smul.u32 @!p0 $0xF7A, s2;
	p2 =	seq.s32 @!p0 s5, $0x0  }
0x1f: {  	s9 =	smul.u32 $0xF7A, s1;
	s8 =	simm.s32 @!p0 $0x1BF5;
	p2 =	por !p2, p0  }
0x20: {  	[sflag:s8] =	ssyncset.s32 @!p0 $0xFFFFF086;
	s6 =	sadd.s32 @!p0 s3, s7;
	s7 =	simm.s32 @!p0 $0x108  }
0x21: {  	s3 =	sadd.s32 s3, s9;
	s6 =	sadd.s32 @!p0 $0x88, s6;
	s7 =	simm.s32 @p2 $0x1082  }
0x22: {  	[simem:s7], [sflag:s8] =	dma.local @!p0 [hbm:s6], $0xF7A  }
0x23: {  	s9 =	sor.u32 $0xD0000000, s2;
	s6 =	simm.s32 $0x108;
	_ =	swait.ge @!p0 [sflag:s8], $0x0  }
0x24: {  	s3 =	sadd.s32 $0x88, s3;
	s6 =	simm.s32 @!p1 $0x1082;
	[sflag:s4] =	ssyncset.s32 $0xFFFFF086  }
0x25: {  	[simem:s6], [sflag:s4] =	dma.local [hbm:s3], $0xF7A  }
0x26: {  	[smem:$0x3F96] =	sst s1;
	(tag) =	ssettag s2;
	_ =	strace s9  }
0x27: {  	s1 =	sld [smem:$0x3FA6]  }
0x28: {  	s2 =	sld [smem:$0x3FA7]  }
0x29: {  	s4 =	sld [smem:$0x3FA9]  }
0x2a: {  	p0 =	seq.s32 s5, $0x0;
	s5 =	sld [smem:$0x3FAA]  }
0x2b: {  	s6 =	sld [smem:$0x3FAB]  }
0x2c: {  	s7 =	sld [smem:$0x3FAC]  }
0x2d: {  	s3 =	simm.s32 $0x108;
	s8 =	sld [smem:$0x3FAD]  }
0x2e: {  	s3 =	simm.s32 @!p0 $0x1082;
	s9 =	sld [smem:$0x3FAE]  }
0x2f: {  	lr =	sadd.s32 s0, s3;
	s0 =	sld [smem:$0x3FA5]  }
0x30: {  	s3 =	sld [smem:$0x3FA8]  }
0x31: {  	[smem:$0x3FB1] =	sst s10  }
0x32: {  	s10 =	sld [smem:$0x3FAF];
	_ =	sdelay $0x3  }
0x33: {  	p0 =	seq.s32 s10, $0x1;
	s10 =	sld [smem:$0x3FB1];
	_ =	sdelay $0x3  }
0x34: {  	[smem:$0x3FB1] =	sst s10  }
0x35: {  	s10 =	sld [smem:$0x3FB0];
	_ =	sdelay $0x3  }
0x36: {  	p1 =	seq.s32 s10, $0x1;
	s10 =	sld [smem:$0x3FB1];
	_ =	sdelay $0x3  }
0x37: {  	[smem:$0x3FB1] =	sst s10  }
0x38: {  	s10 =	sld [smem:$0x3FB2]  }
0x39: {  	_ = 	snop;
	(pc) =	sbr.ind lr, $3  }
0x3a: {  	_ = 	snop  }
0x3b: {  	_ = 	snop  }
0x3c: {  	p2 =	seq.s32 s10, $0x1;
	s10 =	sld [smem:$0x3FB1]  }
0x3d: {  	_ =	shalt  }
0x3e: {  	_ =	shalt  }
0x3f: {  	_ =	shalt  }
0x40: {  	_ =	shalt  }
0x41: {  	_ =	shalt  }
0x42: {  	_ =	shalt  }
0x43: {  	_ =	shalt  }
0x44: {  	_ =	shalt  }
0x45: {  	_ =	shalt  }
0x46: {  	_ =	shalt  }
0x47: {  	_ =	shalt  }
0x48: {  	_ =	shalt  }
0x49: {  	_ =	shalt  }
0x4a: {  	_ =	shalt  }
0x4b: {  	_ =	shalt  }
0x4c: {  	_ =	shalt  }
0x4d: {  	_ =	shalt  }
0x4e: {  	_ =	shalt  }
0x4f: {  	_ =	shalt  }
0x50: {  	_ =	shalt  }
0x51: {  	_ =	shalt  }
0x52: {  	_ =	shalt  }
0x53: {  	_ =	shalt  }
0x54: {  	_ =	shalt  }
0x55: {  	_ =	shalt  }
0x56: {  	_ =	shalt  }
0x57: {  	_ =	shalt  }
0x58: {  	_ =	shalt  }
0x59: {  	_ =	shalt  }
0x5a: {  	_ =	shalt  }
0x5b: {  	_ =	shalt  }
0x5c: {  	_ =	shalt  }
0x5d: {  	_ =	shalt  }
0x5e: {  	_ =	shalt  }
0x5f: {  	_ =	shalt  }
0x60: {  	_ =	shalt  }
0x61: {  	_ =	shalt  }
0x62: {  	_ =	shalt  }
0x63: {  	_ =	shalt  }
0x64: {  	_ =	shalt  }
0x65: {  	_ =	shalt  }
0x66: {  	_ =	shalt  }
0x67: {  	_ =	shalt  }
0x68: {  	_ =	shalt  }
0x69: {  	_ =	shalt  }
0x6a: {  	_ =	shalt  }
0x6b: {  	_ =	shalt  }
0x6c: {  	_ =	shalt  }
0x6d: {  	_ =	shalt  }
0x6e: {  	_ =	shalt  }
0x6f: {  	_ =	shalt  }
0x70: {  	_ =	shalt  }
0x71: {  	_ =	shalt  }
0x72: {  	_ =	shalt  }
0x73: {  	_ =	shalt  }
0x74: {  	_ =	shalt  }
0x75: {  	_ =	shalt  }
0x76: {  	_ =	shalt  }
0x77: {  	_ =	shalt  }
0x78: {  	_ =	shalt  }
0x79: {  	_ =	shalt  }
0x7a: {  	_ =	shalt  }
0x7b: {  	_ =	shalt  }
0x7c: {  	_ =	shalt  }
0x7d: {  	_ =	shalt  }
0x7e: {  	_ =	shalt  }
0x7f: {  	_ =	shalt  }
0x80: {  	_ =	shalt  }
0x81: {  	_ =	shalt  }
0x82: {  	_ =	shalt  }
0x83: {  	_ =	shalt  }
0x84: {  	_ =	shalt  }
0x85: {  	_ =	shalt  }
0x86: {  	_ =	shalt  }
0x87: {  	_ =	shalt  }
.Lfunc_end0:
.L_simem_size_0:
called_computation.2_lowered:
.L_overlay_start_0:
0x88: {  	s2 =	sld [smem:$0x3FD9]  }
0x89: {  	s3 =	sld [smem:$0x3FFE];
	_ =	sdelay $0x1  }
0x8a: {  	s1 =	srdreg.scid  }
0x8b: {  	s0 =	sand.u32 $0x1, s1  }
0x8c: {  	s17 =	sshll.u32 s0, $0xA;
	s2 =	sadd.s32 s3, s2  }
0x8d: {  	s2 =	sadd.s32 s2, s17  }
0x8e: {  	[smem:$0x3FBD] =	sst s2  }
0x8f: {  	_ = 	snop  }
0x90: {  	s2 =	sld [smem:$0x3FC3]  }
0x91: {  	s18 =	sld [smem:$0x3FC2]  }
0x92: {  	s4 =	sld [smem:$0x3FC1]  }
0x93: {  	s5 =	sld [smem:$0x3FC0]  }
0x94: {  	s6 =	sld [smem:$0x3FD0];
	(tm) =	ssettm $0x1  }
0x95: {  	s7 =	sld [smem:$0x3FFB];
	_ =	sdelay $0x3  }
0x96: {  	_ =	strace s7  }
0x97: {  	s7 =	sld [smem:$0x3FFC];
	_ =	sdelay $0x3  }
0x98: {  	_ =	strace s7  }
0x99: {  	s7 =	sld [smem:$0x3FFD];
	_ =	sdelay $0x3  }
0x9a: {  	_ =	strace s7  }
0x9b: {  	_ =	strace $0x8FFFFFFF  }
0x9c: {  	s19 =	sld [smem:$0x3FDB];
	_ =	sdelay $0x1  }
0x9d: {  	s8 =	simm.s32 $_scs_section_size  }
0x9e: {  	s9 =	simm.s32 $_size__tile_overlayer_lowered;
	s10 =	simm.s32 $_tile_overlayer_lowered  }
0x9f: {  	s22 =	simm.s32 $0x1BFF;
	s21 =	sshll.u32 s10, $0x1;
	s7 =	sadd.s32 s8, s19  }
0xa0: {  	s11 =	simm.s32 $0x0;
	s20 =	sshll.u32 s9, $0x1;
	s9 =	sadd.s32 s21, s7  }
0xa1: {  	[timem:s11], [sflag:s22] =	dma.local [hbm:s9], s20  }
0xa2: {  	_ =	swait.ge [sflag:s22], s20  }
0xa3: {  	s8 =	ssub.s32 $0x0, s20;
	[sflag:s22] =	ssyncset.done $0x0  }
0xa4: {  	[sflag:s22] =	ssyncadd.s32 s8;
	_ =	sdelay $0x1  }
0xa5: {  	s23 =	simm.s32 $0x1B8B  }
0xa6: {  	_ =	swait.ge [sflag:s23], $0x1  }
0xa7: {  	[sflag:s23] =	ssyncset.done $0x0  }
0xa8: {  	s25 =	simm.s32 $0x1B8E;
	s24 =	sld [smem:$0x3FFE];
	[sflag:s23] =	ssyncadd.s32 $0xFFFFFFFF  }
0xa9: {  	s26 =	simm.s32 $execute0_lowered;
	[smem:$0x3FD2] =	sst s25  }
0xaa: {  	s9 =	sshll.u32 s26, $0x1;
	_ =	strace $0x8000004C;
	[dreg:$0x1] =	wrdreg $0xFFFFFFFF  }
0xab: {  	s28 =	simm.s32 $_size_execute0_lowered;
	s7 =	sadd.s32 s7, s9;
	[dreg:$0x0] =	wrdreg $0x0  }
0xac: {  	s9 =	sshll.u32 s28, $0x1;
	[dreg:$0x2] =	wrdreg s7  }
0xad: {  	[dreg:$0x3] =	wrdreg s9  }
0xae: {  	[dreg:$0x4] =	wrdreg $0xC0  }
0xaf: {  	_ =	task [dreg:s11], $0x5FFFF  }
0xb0: {  	[dreg:$0x1] =	wrdreg $0xFFFFFFFF  }
0xb1: {  	[dreg:$0x0] =	wrdreg $0x60  }
0xb2: {  	[dreg:$0x2] =	wrdreg s24  }
0xb3: {  	[dreg:$0x3] =	wrdreg s6  }
0xb4: {  	[dreg:$0x4] =	wrdreg s18  }
0xb5: {  	[dreg:$0x5] =	wrdreg s5  }
0xb6: {  	[dreg:$0x6] =	wrdreg s2  }
0xb7: {  	[dreg:$0x7] =	wrdreg s4  }
0xb8: {  	[dreg:$0x8] =	wrdreg $0x17E800  }
0xb9: {  	[dreg:$0x9] =	wrdreg $0x1A6800  }
0xba: {  	[dreg:$0xa] =	wrdreg $0x9  }
0xbb: {  	_ =	task.clear_ibuf [dreg:s11], $0xBFFFF;
	_ =	strace $0x9000004C  }
0xbc: {  	s29 =	simm.s32 $0x9;
	_ =	strace $0x8000004E  }
0xbd: {  	_ =	swait.ge [sflag:s29], $0x1  }
0xbe: {  	[sflag:s29] =	ssyncadd.s32 $0xFFFFFFFF  }
0xbf: {  	_ =	strace $0x9000004E  }
0xc0: {  	_ =	sfence  }
0xc1: {  	s30 =	sld [smem:$0x0];
	_ =	sdelay $0x2  }
0xc2: {  	s31 =	sshll.u32 s1, $0xD;
	s1 =	sshrl.u32 s1, $0x2  }
0xc3: {  	s3 =	sand.u32 $0x4000, s31;
	s1 =	sadd.s32 s1, s30  }
0xc4: {  	s0 =	sor.u32 s3, s0;
	s1 =	sshll.u32 s1, $0x11  }
0xc5: {  	s0 =	sor.u32 s1, s0  }
0xc6: {  	s0 =	sadd.s32 $0x8F2B, s0  }
0xc7: {  	[sflag:s0] =	ssyncadd.remote.s32 $0x1  }
0xc8: {  	_ =	sfence.sel $0xFFFF  }
0xc9: {  	[dreg:$0x0] =	wrdreg $0xFFFFFFFF;
	(pc) =	sbr.abs _section_cstart, $3  }
0xca: {  	[dreg:$0x1] =	wrdreg $0xFFFFFFFF  }
0xcb: {  	_ =	task.clear_ibuf [dreg:s11], $0x2FFFF;
	_ =	strace $0x9FFFFFFF  }
0xcc: {  	(tm) =	ssettm $0x7FFFFFFF  }
0xcd: {  	_ =	shalt  }
tec
execute0_lowered:
.L_overlay_start_1:
0x0: {  	(tag) =	ssettag $0x1  }
0x1: {  	s0 =	rddreg [dreg:$0x0]  }
0x2: {  	s1 =	rddreg [dreg:$0x6]  }
0x3: {  	s12 =	rddreg [dreg:$0x7];
	s2 =	srdreg.scid;
	s8 =	simm.s32 $0x0  }
0x4: {  	s7 =	stileid.u32;
	s2 =	sand.u32 $0x1, s2;
	[smem:$0x7FF] =	sst s8  }
0x5: {  	s9 =	smul.u32 $0x280, s7;
	s10 =	sadd.s32 $0xB800, s0;
	s11 =	sadd.s32 $0x1A00, s0  }
0x6: {  	s5 =	sadd.s32 $0x15600, s0;
	s6 =	sshrl.u32 s7, $0x3;
	s17 =	smul.u32 $0x5000, s7  }
0x7: {  	s20 =	sshll.u32 s7, $0x7;
	s3 =	sshll.u32 s2, $0x4;
	_ =	strace $0x8000004D  }
0x8: {  	[dreg:$0x9] =	wrdreg s5;
	s2 =	ssub.s32 $0x2, s2;
	s14 =	smul.u32 $0x50000, s6  }
0x9: {  	s6 =	sand.u32 $0x380, s20;
	s20 =	simm.s32 $0x400;
	s3 =	sor.u32 s7, s3  }
0xa: {  	s4 =	sshrl.u32 s9, $0x3;
	s13 =	sshrl.u32 s2, $0x1;
	s5 =	sshrl.u32 s17, $0x2  }
0xb: {  	s12 =	sadd.s32 s9, s12;
	s17 =	simm.s32 $0x80;
	s4 =	sadd.s32 s4, s0  }
0xc: {  	s3 =	smul.u32 $0x4E2, s3;
	s2 =	ssub.s32 s2, s13;
	s24 =	sadd.s32 $0xF1400, s4  }
0xd: {  	s13 =	simm.s32 $0x2;
	s25 =	smax.u32 s2, $0x1;
	[dreg:$0x12] =	wrdreg s24  }
0xe: {  	s0 =	sadd.s32 s3, s0;
	s3 =	sadd.s32 s10, s3;
	[dreg:$0x14] =	wrdreg s25  }
0xf: {  	s24 =	simm.s32 $0x0;
	[dreg:$0xa] =	wrdreg s3;
	s15 =	sadd.s32 $0xE7600, s0  }
0x10: {  	s16 =	sadd.s32 $0xDD800, s0;
	s18 =	sadd.s32 $0xD3A00, s0;
	[dreg:$0xb] =	wrdreg s15  }
0x11: {  	s19 =	sadd.s32 $0xC9C00, s0;
	s3 =	sshrl.u32 s14, $0x2;
	[dreg:$0xc] =	wrdreg s16  }
0x12: {  	s0 =	sadd.s32 $0x15800, s0;
	s14 =	simm.s32 $0x7800;
	[dreg:$0xd] =	wrdreg s18  }
0x13: {  	[dreg:$0xe] =	wrdreg s19;
	s18 =	smul.u32 $0x4E20, s7;
	s3 =	sadd.s32 s3, s1  }
0x14: {  	s19 =	sadd.s32 s5, s1;
	[dreg:$0x13] =	wrdreg s0;
	s15 =	simm.s32 $0x8000  }
0x15: {  	s16 =	simm.s32 $0x5000;
	s21 =	sadd.s32 s6, s3;
	s22 =	sadd.s32 $0x80, s19  }
0x16: {  	s23 =	sadd.s32 $0x100, s19;
	s26 =	sadd.s32 $0x180, s19;
	[dreg:$0xf] =	wrdreg s21  }
0x17: {  	s28 =	sadd.s32 $0x200, s19;
	s29 =	sadd.s32 $0x280, s19;
	[dreg:$0x10] =	wrdreg s22  }
0x18: {  	s30 =	sadd.s32 $0x300, s19;
	s31 =	sadd.s32 $0x380, s19;
	[dreg:$0x11] =	wrdreg s23  }
0x19: {  	s1 =	sadd.s32 $0x14000, s19;
	s6 =	sadd.s32 $0x14080, s19;
	[dreg:$0x15] =	wrdreg s26  }
0x1a: {  	s0 =	sadd.s32 $0x14100, s19;
	s2 =	sadd.s32 $0x14180, s19;
	[dreg:$0x16] =	wrdreg s28  }
0x1b: {  	s3 =	sadd.s32 $0x14200, s19;
	s4 =	sadd.s32 $0x14280, s19;
	[dreg:$0x17] =	wrdreg s29  }
0x1c: {  	s5 =	sadd.s32 $0x14300, s19;
	s7 =	sadd.s32 $0x14380, s19;
	[dreg:$0x18] =	wrdreg s30  }
0x1d: {  	v0 =	vimm.f32 $0.0e+00;
	s21 =	simm.s32 $0x17500;
	s22 =	simm.s32 $0x2800;
	s23 =	simm.s32 $0x1  }
.LBB2_1:
0x1e: {  	s25 =	rddreg [dreg:$0xa];
	s26 =	simm.s32 $0x8800  }
0x1f: {  	[tilespmem:s26], [sflag:$0x1] =	stream.linear.gather [hbm4b:s25+s8], $0x2710, $0x38;
	[tilespmem:$0x1A900] =	vst v63  }
0x20: {  	s28 =	simm.s32 $0xAF80;
	s26 =	rddreg [dreg:$0xb]  }
0x21: {  	[tilespmem:s28], [sflag:$0x1] =	stream.linear.gather [hbm4b:s26+s8], $0x2710, $0x38;
	[tilespmem:$0x1A900] =	vst v63  }
0x22: {  	s29 =	rddreg [dreg:$0xc];
	s30 =	simm.s32 $0xD700  }
0x23: {  	[tilespmem:s30], [sflag:$0x1] =	stream.linear.gather [hbm4b:s29+s8], $0x2710, $0x38;
	[tilespmem:$0x1A900] =	vst v63  }
0x24: {  	s26 =	rddreg [dreg:$0xd];
	s28 =	simm.s32 $0xFE80  }
0x25: {  	[tilespmem:s28], [sflag:$0x1] =	stream.linear.gather [hbm4b:s26+s8], $0x2710, $0x38;
	[tilespmem:$0x1A900] =	vst v63  }
0x26: {  	s29 =	rddreg [dreg:$0xe];
	s30 =	simm.s32 $0x12600  }
0x27: {  	[tilespmem:s30], [sflag:$0x1] =	stream.linear.gather [hbm4b:s29+s8], $0x2710, $0x38;
	[tilespmem:$0x1A900] =	vst v63  }
0x28: {  	s28 =	rddreg [dreg:$0x1]  }
0x29: {  	[tilespmem:s8], [sflag:$0x2] =	stream.linear.gather [hbm4b:s28+s8], $0x2800, $0x38;
	[tilespmem:$0x1A900] =	vst v63  }
0x2a: {  	_ =	swait.ge [sflag:s13], $0x2800  }
0x2b: {  	[sflag:s13] =	ssyncset.done $0x0  }
0x2c: {  	[sflag:s13] =	ssyncadd.s32 $0xFFFFD800  }
0x2d: {  	s30 =	simm.s32 $0x17A00;
	s29 =	rddreg [dreg:$0x3]  }
0x2e: {  	[tilespmem:s30], [sflag:$0x2] =	stream.linear.gather [hbm4b:s29+s8], $0x100, $0x38;
	[tilespmem:$0x1A900] =	vst v63  }
0x2f: {  	_ =	swait.ge [sflag:s13], $0x100  }
0x30: {  	[sflag:s13] =	ssyncset.done $0x0  }
0x31: {  	[sflag:s13] =	ssyncadd.s32 $0xFFFFFF00  }
0x32: {  	s28 =	simm.s32 $0x17B00;
	s26 =	rddreg [dreg:$0x2]  }
0x33: {  	[tilespmem:s28], [sflag:$0x2] =	stream.linear.gather [hbm4b:s26+s8], $0x200, $0x38;
	[tilespmem:$0x1A900] =	vst v63  }
0x34: {  	_ =	swait.ge [sflag:s13], $0x200  }
0x35: {  	[sflag:s13] =	ssyncset.done $0x0  }
0x36: {  	[sflag:s13] =	ssyncadd.s32 $0xFFFFFE00  }
0x37: {  	s30 =	simm.s32 $0x17D00;
	s29 =	rddreg [dreg:$0x4]  }
0x38: {  	[tilespmem:s30], [sflag:$0x2] =	stream.linear.gather [hbm4b:s29+s8], $0x80, $0x38;
	[tilespmem:$0x1A900] =	vst v63  }
0x39: {  	_ =	swait.ge [sflag:s13], $0x80  }
0x3a: {  	[sflag:s13] =	ssyncset.done $0x0  }
0x3b: {  	[sflag:s13] =	ssyncadd.s32 $0xFFFFFF80  }
0x3c: {  	s28 =	simm.s32 $0x17D80;
	s26 =	rddreg [dreg:$0x5]  }
0x3d: {  	[tilespmem:s28], [sflag:$0x2] =	stream.linear.gather [hbm4b:s26+s8], $0x80, $0x38;
	[tilespmem:$0x1A900] =	vst v63  }
0x3e: {  	_ =	swait.ge [sflag:s13], $0x80  }
0x3f: {  	[sflag:s13] =	ssyncset.done $0x0  }
0x40: {  	s30 =	simm.s32 $0x17E00;
	s29 =	rddreg [dreg:$0x9];
	[sflag:s13] =	ssyncadd.s32 $0xFFFFFF80  }
0x41: {  	[tilespmem:s30], [sflag:$0x2] =	stream.linear.gather [hbm4b:s29+s8], $0x80, $0x38;
	[tilespmem:$0x1A900] =	vst v63  }
0x42: {  	_ =	swait.ge [sflag:s13], $0x80  }
0x43: {  	[sflag:s13] =	ssyncset.done $0x0  }
0x44: {  	s25 =	simm.s32 $0x40;
	s26 =	simm.s32 $0x0;
	[sflag:s13] =	ssyncadd.s32 $0xFFFFFF80  }
.LBB2_2:
0x45: {  	p0 =	sne.s32 s25, $0x9FC0;
	[tilespmem:s26+$0x5000] =	vst v0;
	s26 =	smov.u32 s25;
	s25 =	sadd.s32 $0x40, s25  }
.Ltmp0:
0x46: {  	(pc) =	sbr.rel @p0 .LBB2_2-.Ltmp0, $2  }
0x47: {  	_ =	sdelay $0x2  }
0x48: {  	s26 =	sshra.s32 s26, $0x2  }
0x49: {  	[tilespmem:s26+$0x5000] =	vst v0;
	s25 =	simm.s32 $0x0;
	s26 =	simm.s32 $0x0  }
.LBB2_4:
0x4a: {  	s28 =	smul.u32 $0x7D0, s26;
	_ =	sdelay $0x1  }
0x4b: {  	s28 =	sadd.s32 s18, s28  }
0x4c: {  	s28 =	sshrl.u32 s28, $0x3  }
0x4d: {  	s29 =	sadd.s32 s10, s28  }
0x4e: {  	[tilespmem:s14], [sflag:$0x2] =	stream.linear.gather [hbm4b:s29+s25], $0x7D0, $0x38;
	[tilespmem:$0x1A900] =	vst v63  }
0x4f: {  	_ =	swait.ge [sflag:s13], $0x7D0  }
0x50: {  	[sflag:s13] =	ssyncset.done $0x0  }
0x51: {  	s28 =	sadd.s32 s11, s28;
	[sflag:s13] =	ssyncadd.s32 $0xFFFFF830  }
0x52: {  	[tilespmem:s15], [sflag:$0x2] =	stream.linear.gather [hbm4b:s28+s25], $0x7D0, $0x38;
	[tilespmem:$0x1A900] =	vst v63  }
0x53: {  	_ =	swait.ge [sflag:s13], $0x7D0  }
0x54: {  	[sflag:s13] =	ssyncset.done $0x0  }
0x55: {  	s28 =	simm.s32 $0x0;
	[sflag:s13] =	ssyncadd.s32 $0xFFFFF830  }
.LBB2_5:
0x56: {  	s29 =	sshra.s32 s28, $0x2  }
0x57: {  	v1 =	vld [tilespmem:s29+$0x7800];
	_ =	sdelay $0x4  }
0x58: {  	v2 =	vld [tilespmem:s29+$0x8000];
	_ =	sdelay $0x2  }
0x59: {  	v1 =	vld.idx.msk [tilespmem:v1+s8+$0x0], $0xffff;
	_ =	sdelay $0x4  }
0x5a: {  	[tilespmem:v2+s16+$0x0] =	vst.idx.add.f32.msk $0xffff, v1  }
0x5b: {  	v1 =	vld [tilespmem:s29+$0x7810];
	_ =	sdelay $0x4  }
0x5c: {  	v2 =	vld [tilespmem:s29+$0x8010];
	_ =	sdelay $0x2  }
0x5d: {  	v1 =	vld.idx.msk [tilespmem:v1+s8+$0x0], $0xffff;
	_ =	sdelay $0x4  }
0x5e: {  	[tilespmem:v2+s16+$0x0] =	vst.idx.add.f32.msk $0xffff, v1  }
0x5f: {  	v1 =	vld [tilespmem:s29+$0x7820];
	_ =	sdelay $0x4  }
0x60: {  	v2 =	vld [tilespmem:s29+$0x8020];
	_ =	sdelay $0x2  }
0x61: {  	v1 =	vld.idx.msk [tilespmem:v1+s8+$0x0], $0xffff;
	_ =	sdelay $0x4  }
0x62: {  	[tilespmem:v2+s16+$0x0] =	vst.idx.add.f32.msk $0xffff, v1  }
0x63: {  	v1 =	vld [tilespmem:s29+$0x7830];
	_ =	sdelay $0x4  }
0x64: {  	v2 =	vld [tilespmem:s29+$0x8030];
	_ =	sdelay $0x2  }
0x65: {  	v1 =	vld.idx.msk [tilespmem:v1+s8+$0x0], $0xffff;
	_ =	sdelay $0x4  }
0x66: {  	[tilespmem:v2+s16+$0x0] =	vst.idx.add.f32.msk $0xffff, v1  }
0x67: {  	v1 =	vld [tilespmem:s29+$0x7840];
	_ =	sdelay $0x4  }
0x68: {  	v2 =	vld [tilespmem:s29+$0x8040];
	_ =	sdelay $0x2  }
0x69: {  	p0 =	sne.s32 s28, $0x1E00;
	v1 =	vld.idx.msk [tilespmem:v1+s8+$0x0], $0xffff  }
.Ltmp1:
0x6a: {  	_ = 	snop;
	(pc) =	sbr.rel @p0 .LBB2_5-.Ltmp1, $2  }
0x6b: {  	_ =	sdelay $0x2  }
0x6c: {  	s28 =	sadd.s32 $0x140, s28;
	[tilespmem:v2+s16+$0x0] =	vst.idx.add.f32.msk $0xffff, v1  }
0x6d: {  	s26 =	sadd.s32 $0x1, s26  }
0x6e: {  	p0 =	sne.s32 s26, $0xA  }
.Ltmp2:
0x6f: {  	_ = 	snop;
	(pc) =	sbr.rel @p0 .LBB2_4-.Ltmp2, $1  }
0x70: {  	_ =	sdelay $0x3  }
0x71: {  	s25 =	rddreg [dreg:$0xf]  }
0x72: {  	[spmem:s25] =	stream.strided.scatter [tilespmem:s16], [sflag:$0x2], $0x2800, s20, s17, $0x38;
	[tilespmem:$0x1A900] =	vst v63  }
0x73: {  	_ =	swait.ge [sflag:s13], $0x2800  }
0x74: {  	[sflag:s13] =	ssyncset.done $0x0  }
0x75: {  	[sflag:s13] =	ssyncadd.s32 $0xFFFFD800  }
0x76: {  	[bflag:$0x0] =	sbarrier.arrive $0xFFFF  }
0x77: {  	[tilespmem:$0x17780] =	vst v0  }
0x78: {  	[tilespmem:$0x17790] =	vst v0  }
0x79: {  	[tilespmem:$0x177A0] =	vst v0  }
0x7a: {  	[tilespmem:$0x177B0] =	vst v0  }
0x7b: {  	[tilespmem:$0x177C0] =	vst v0  }
0x7c: {  	[tilespmem:$0x177D0] =	vst v0  }
0x7d: {  	[tilespmem:$0x177E0] =	vst v0  }
0x7e: {  	[tilespmem:$0x177F0] =	vst v0  }
0x7f: {  	[tilespmem:$0x17800] =	vst v0  }
0x80: {  	[tilespmem:$0x17810] =	vst v0  }
0x81: {  	[tilespmem:$0x17820] =	vst v0  }
0x82: {  	[tilespmem:$0x17830] =	vst v0  }
0x83: {  	[tilespmem:$0x17840] =	vst v0  }
0x84: {  	[tilespmem:$0x17850] =	vst v0  }
0x85: {  	[tilespmem:$0x17860] =	vst v0  }
0x86: {  	[tilespmem:$0x17870] =	vst v0  }
0x87: {  	[tilespmem:$0x17880] =	vst v0  }
0x88: {  	[tilespmem:$0x17890] =	vst v0  }
0x89: {  	[tilespmem:$0x178A0] =	vst v0  }
0x8a: {  	[tilespmem:$0x178B0] =	vst v0  }
0x8b: {  	[tilespmem:$0x178C0] =	vst v0  }
0x8c: {  	[tilespmem:$0x178D0] =	vst v0  }
0x8d: {  	[tilespmem:$0x178E0] =	vst v0  }
0x8e: {  	[tilespmem:$0x178F0] =	vst v0  }
0x8f: {  	[tilespmem:$0x17900] =	vst v0  }
0x90: {  	[tilespmem:$0x17910] =	vst v0  }
0x91: {  	[tilespmem:$0x17920] =	vst v0  }
0x92: {  	[tilespmem:$0x17930] =	vst v0  }
0x93: {  	[tilespmem:$0x17940] =	vst v0  }
0x94: {  	[tilespmem:$0x17950] =	vst v0  }
0x95: {  	[tilespmem:$0x17960] =	vst v0  }
0x96: {  	[tilespmem:$0x17970] =	vst v0  }
0x97: {  	[tilespmem:$0x17980] =	vst v0  }
0x98: {  	[tilespmem:$0x17990] =	vst v0  }
0x99: {  	[tilespmem:$0x179A0] =	vst v0  }
0x9a: {  	[tilespmem:$0x179B0] =	vst v0  }
0x9b: {  	[tilespmem:$0x179C0] =	vst v0  }
0x9c: {  	[tilespmem:$0x179D0] =	vst v0  }
0x9d: {  	[tilespmem:$0x179E0] =	vst v0  }
0x9e: {  	[tilespmem:$0x179F0] =	vst v0  }
0x9f: {  	[tilespmem:s21], [sflag:$0x2] =	stream.strided.gather [spmem:s19], $0x280, s20, s17, $0x38;
	[tilespmem:$0x1A900] =	vst v63  }
0xa0: {  	_ =	swait.ge [sflag:s13], $0x280  }
0xa1: {  	[sflag:s13] =	ssyncset.done $0x0  }
0xa2: {  	s25 =	simm.s32 $0x0;
	[sflag:s13] =	ssyncadd.s32 $0xFFFFFD80  }
0xa3: {  	s26 =	simm.s32 $0x40;
	v1 =	vld [tilespmem:s25+$0x17500]  }
.LBB2_8:
0xa4: {  	p0 =	sne.s32 s26, $0x9C0;
	v2 =	vld [tilespmem:s25+$0x17780];
	_ =	sdelay $0x2  }
.Ltmp3:
0xa5: {  	(pc) =	sbr.rel @p0 .LBB2_8-.Ltmp3, $4  }
0xa6: {  	_ = 	snop  }
0xa7: {  	v2 =	vadd.f32 v1, v2  }
0xa8: {  	s28 =	sshra.s32 s26, $0x2  }
0xa9: {  	s26 =	sadd.s32 $0x40, s26;
	v1 =	vld [tilespmem:s28+$0x17500];
	[tilespmem:s25+$0x17780] =	vst v2;
	s25 =	smov.u32 s28  }
0xaa: {  	v2 =	vld [tilespmem:s25+$0x17780];
	_ =	sdelay $0x4  }
0xab: {  	v1 =	vadd.f32 v1, v2;
	_ =	sdelay $0x1  }
0xac: {  	s30 =	rddreg [dreg:$0x10];
	[tilespmem:s25+$0x17780] =	vst v1  }
0xad: {  	[tilespmem:s21], [sflag:$0x2] =	stream.strided.gather [spmem:s30], $0x280, s20, s17, $0x38;
	[tilespmem:$0x1A900] =	vst v63  }
0xae: {  	_ =	swait.ge [sflag:s13], $0x280  }
0xaf: {  	[sflag:s13] =	ssyncset.done $0x0  }
0xb0: {  	s25 =	simm.s32 $0x0;
	[sflag:s13] =	ssyncadd.s32 $0xFFFFFD80  }
0xb1: {  	s26 =	simm.s32 $0x40;
	v1 =	vld [tilespmem:s25+$0x17500]  }
.LBB2_10:
0xb2: {  	p0 =	sne.s32 s26, $0x9C0;
	v2 =	vld [tilespmem:s25+$0x17780];
	_ =	sdelay $0x2  }
.Ltmp4:
0xb3: {  	(pc) =	sbr.rel @p0 .LBB2_10-.Ltmp4, $4  }
0xb4: {  	_ = 	snop  }
0xb5: {  	v2 =	vadd.f32 v1, v2  }
0xb6: {  	s28 =	sshra.s32 s26, $0x2  }
0xb7: {  	s26 =	sadd.s32 $0x40, s26;
	v1 =	vld [tilespmem:s28+$0x17500];
	[tilespmem:s25+$0x17780] =	vst v2;
	s25 =	smov.u32 s28  }
0xb8: {  	v2 =	vld [tilespmem:s25+$0x17780];
	_ =	sdelay $0x4  }
0xb9: {  	v1 =	vadd.f32 v1, v2;
	_ =	sdelay $0x1  }
0xba: {  	s30 =	rddreg [dreg:$0x11];
	[tilespmem:s25+$0x17780] =	vst v1  }
0xbb: {  	[tilespmem:s21], [sflag:$0x2] =	stream.strided.gather [spmem:s30], $0x280, s20, s17, $0x38;
	[tilespmem:$0x1A900] =	vst v63  }
0xbc: {  	_ =	swait.ge [sflag:s13], $0x280  }
0xbd: {  	[sflag:s13] =	ssyncset.done $0x0  }
0xbe: {  	s25 =	simm.s32 $0x0;
	[sflag:s13] =	ssyncadd.s32 $0xFFFFFD80  }
0xbf: {  	s26 =	simm.s32 $0x40;
	v1 =	vld [tilespmem:s25+$0x17500]  }
.LBB2_12:
0xc0: {  	p0 =	sne.s32 s26, $0x9C0;
	v2 =	vld [tilespmem:s25+$0x17780];
	_ =	sdelay $0x2  }
.Ltmp5:
0xc1: {  	(pc) =	sbr.rel @p0 .LBB2_12-.Ltmp5, $4  }
0xc2: {  	_ = 	snop  }
0xc3: {  	v2 =	vadd.f32 v1, v2  }
0xc4: {  	s28 =	sshra.s32 s26, $0x2  }
0xc5: {  	s26 =	sadd.s32 $0x40, s26;
	v1 =	vld [tilespmem:s28+$0x17500];
	[tilespmem:s25+$0x17780] =	vst v2;
	s25 =	smov.u32 s28  }
0xc6: {  	v2 =	vld [tilespmem:s25+$0x17780];
	_ =	sdelay $0x4  }
0xc7: {  	v1 =	vadd.f32 v1, v2;
	_ =	sdelay $0x1  }
0xc8: {  	s30 =	rddreg [dreg:$0x15];
	[tilespmem:s25+$0x17780] =	vst v1  }
0xc9: {  	[tilespmem:s21], [sflag:$0x2] =	stream.strided.gather [spmem:s30], $0x280, s20, s17, $0x38;
	[tilespmem:$0x1A900] =	vst v63  }
0xca: {  	_ =	swait.ge [sflag:s13], $0x280  }
0xcb: {  	[sflag:s13] =	ssyncset.done $0x0  }
0xcc: {  	s25 =	simm.s32 $0x0;
	[sflag:s13] =	ssyncadd.s32 $0xFFFFFD80  }
0xcd: {  	s26 =	simm.s32 $0x40;
	v1 =	vld [tilespmem:s25+$0x17500]  }
.LBB2_14:
0xce: {  	p0 =	sne.s32 s26, $0x9C0;
	v2 =	vld [tilespmem:s25+$0x17780];
	_ =	sdelay $0x2  }
.Ltmp6:
0xcf: {  	(pc) =	sbr.rel @p0 .LBB2_14-.Ltmp6, $4  }
0xd0: {  	_ = 	snop  }
0xd1: {  	v2 =	vadd.f32 v1, v2  }
0xd2: {  	s28 =	sshra.s32 s26, $0x2  }
0xd3: {  	s26 =	sadd.s32 $0x40, s26;
	v1 =	vld [tilespmem:s28+$0x17500];
	[tilespmem:s25+$0x17780] =	vst v2;
	s25 =	smov.u32 s28  }
0xd4: {  	v2 =	vld [tilespmem:s25+$0x17780];
	_ =	sdelay $0x4  }
0xd5: {  	v1 =	vadd.f32 v1, v2;
	_ =	sdelay $0x1  }
0xd6: {  	s30 =	rddreg [dreg:$0x16];
	[tilespmem:s25+$0x17780] =	vst v1  }
0xd7: {  	[tilespmem:s21], [sflag:$0x2] =	stream.strided.gather [spmem:s30], $0x280, s20, s17, $0x38;
	[tilespmem:$0x1A900] =	vst v63  }
0xd8: {  	_ =	swait.ge [sflag:s13], $0x280  }
0xd9: {  	[sflag:s13] =	ssyncset.done $0x0  }
0xda: {  	s25 =	simm.s32 $0x0;
	[sflag:s13] =	ssyncadd.s32 $0xFFFFFD80  }
0xdb: {  	s26 =	simm.s32 $0x40;
	v1 =	vld [tilespmem:s25+$0x17500]  }
.LBB2_16:
0xdc: {  	p0 =	sne.s32 s26, $0x9C0;
	v2 =	vld [tilespmem:s25+$0x17780];
	_ =	sdelay $0x2  }
.Ltmp7:
0xdd: {  	(pc) =	sbr.rel @p0 .LBB2_16-.Ltmp7, $4  }
0xde: {  	_ = 	snop  }
0xdf: {  	v2 =	vadd.f32 v1, v2  }
0xe0: {  	s28 =	sshra.s32 s26, $0x2  }
0xe1: {  	s26 =	sadd.s32 $0x40, s26;
	v1 =	vld [tilespmem:s28+$0x17500];
	[tilespmem:s25+$0x17780] =	vst v2;
	s25 =	smov.u32 s28  }
0xe2: {  	v2 =	vld [tilespmem:s25+$0x17780];
	_ =	sdelay $0x4  }
0xe3: {  	v1 =	vadd.f32 v1, v2;
	_ =	sdelay $0x1  }
0xe4: {  	s30 =	rddreg [dreg:$0x17];
	[tilespmem:s25+$0x17780] =	vst v1  }
0xe5: {  	[tilespmem:s21], [sflag:$0x2] =	stream.strided.gather [spmem:s30], $0x280, s20, s17, $0x38;
	[tilespmem:$0x1A900] =	vst v63  }
0xe6: {  	_ =	swait.ge [sflag:s13], $0x280  }
0xe7: {  	[sflag:s13] =	ssyncset.done $0x0  }
0xe8: {  	s25 =	simm.s32 $0x0;
	[sflag:s13] =	ssyncadd.s32 $0xFFFFFD80  }
0xe9: {  	s26 =	simm.s32 $0x40;
	v1 =	vld [tilespmem:s25+$0x17500]  }
.LBB2_18:
0xea: {  	p0 =	sne.s32 s26, $0x9C0;
	v2 =	vld [tilespmem:s25+$0x17780];
	_ =	sdelay $0x2  }
.Ltmp8:
0xeb: {  	(pc) =	sbr.rel @p0 .LBB2_18-.Ltmp8, $4  }
0xec: {  	_ = 	snop  }
0xed: {  	v2 =	vadd.f32 v1, v2  }
0xee: {  	s28 =	sshra.s32 s26, $0x2  }
0xef: {  	s26 =	sadd.s32 $0x40, s26;
	v1 =	vld [tilespmem:s28+$0x17500];
	[tilespmem:s25+$0x17780] =	vst v2;
	s25 =	smov.u32 s28  }
0xf0: {  	v2 =	vld [tilespmem:s25+$0x17780];
	_ =	sdelay $0x4  }
0xf1: {  	v1 =	vadd.f32 v1, v2;
	_ =	sdelay $0x1  }
0xf2: {  	s30 =	rddreg [dreg:$0x18];
	[tilespmem:s25+$0x17780] =	vst v1  }
0xf3: {  	[tilespmem:s21], [sflag:$0x2] =	stream.strided.gather [spmem:s30], $0x280, s20, s17, $0x38;
	[tilespmem:$0x1A900] =	vst v63  }
0xf4: {  	_ =	swait.ge [sflag:s13], $0x280  }
0xf5: {  	[sflag:s13] =	ssyncset.done $0x0  }
0xf6: {  	s25 =	simm.s32 $0x0;
	[sflag:s13] =	ssyncadd.s32 $0xFFFFFD80  }
0xf7: {  	s26 =	simm.s32 $0x40;
	v1 =	vld [tilespmem:s25+$0x17500]  }
.LBB2_20:
0xf8: {  	p0 =	sne.s32 s26, $0x9C0;
	v2 =	vld [tilespmem:s25+$0x17780];
	_ =	sdelay $0x2  }
.Ltmp9:
0xf9: {  	(pc) =	sbr.rel @p0 .LBB2_20-.Ltmp9, $4  }
0xfa: {  	_ = 	snop  }
0xfb: {  	v2 =	vadd.f32 v1, v2  }
0xfc: {  	s28 =	sshra.s32 s26, $0x2  }
0xfd: {  	s26 =	sadd.s32 $0x40, s26;
	v1 =	vld [tilespmem:s28+$0x17500];
	[tilespmem:s25+$0x17780] =	vst v2;
	s25 =	smov.u32 s28  }
0xfe: {  	v2 =	vld [tilespmem:s25+$0x17780];
	_ =	sdelay $0x4  }
0xff: {  	v1 =	vadd.f32 v1, v2;
	_ =	sdelay $0x1  }
0x100: {  	[tilespmem:s25+$0x17780] =	vst v1  }
0x101: {  	[tilespmem:s21], [sflag:$0x2] =	stream.strided.gather [spmem:s31], $0x280, s20, s17, $0x38;
	[tilespmem:$0x1A900] =	vst v63  }
0x102: {  	_ =	swait.ge [sflag:s13], $0x280  }
0x103: {  	[sflag:s13] =	ssyncset.done $0x0  }
0x104: {  	s25 =	simm.s32 $0x0;
	[sflag:s13] =	ssyncadd.s32 $0xFFFFFD80  }
0x105: {  	s26 =	simm.s32 $0x40;
	v1 =	vld [tilespmem:s25+$0x17500]  }
.LBB2_22:
0x106: {  	p0 =	sne.s32 s26, $0x9C0;
	v2 =	vld [tilespmem:s25+$0x17780];
	_ =	sdelay $0x2  }
.Ltmp10:
0x107: {  	(pc) =	sbr.rel @p0 .LBB2_22-.Ltmp10, $4  }
0x108: {  	_ = 	snop  }
0x109: {  	v2 =	vadd.f32 v1, v2  }
0x10a: {  	s28 =	sshra.s32 s26, $0x2  }
0x10b: {  	s26 =	sadd.s32 $0x40, s26;
	v1 =	vld [tilespmem:s28+$0x17500];
	[tilespmem:s25+$0x17780] =	vst v2;
	s25 =	smov.u32 s28  }
0x10c: {  	v2 =	vld [tilespmem:s25+$0x17780];
	_ =	sdelay $0x4  }
0x10d: {  	v1 =	vadd.f32 v1, v2;
	_ =	sdelay $0x1  }
0x10e: {  	[tilespmem:s25+$0x17780] =	vst v1  }
0x10f: {  	[tilespmem:s21], [sflag:$0x2] =	stream.strided.gather [spmem:s1], $0x280, s20, s17, $0x38;
	[tilespmem:$0x1A900] =	vst v63  }
0x110: {  	_ =	swait.ge [sflag:s13], $0x280  }
0x111: {  	[sflag:s13] =	ssyncset.done $0x0  }
0x112: {  	s25 =	simm.s32 $0x0;
	[sflag:s13] =	ssyncadd.s32 $0xFFFFFD80  }
0x113: {  	s26 =	simm.s32 $0x40;
	v1 =	vld [tilespmem:s25+$0x17500]  }
.LBB2_24:
0x114: {  	p0 =	sne.s32 s26, $0x9C0;
	v2 =	vld [tilespmem:s25+$0x17780];
	_ =	sdelay $0x2  }
.Ltmp11:
0x115: {  	(pc) =	sbr.rel @p0 .LBB2_24-.Ltmp11, $4  }
0x116: {  	_ = 	snop  }
0x117: {  	v2 =	vadd.f32 v1, v2  }
0x118: {  	s28 =	sshra.s32 s26, $0x2  }
0x119: {  	s26 =	sadd.s32 $0x40, s26;
	v1 =	vld [tilespmem:s28+$0x17500];
	[tilespmem:s25+$0x17780] =	vst v2;
	s25 =	smov.u32 s28  }
0x11a: {  	v2 =	vld [tilespmem:s25+$0x17780];
	_ =	sdelay $0x4  }
0x11b: {  	v1 =	vadd.f32 v1, v2;
	_ =	sdelay $0x1  }
0x11c: {  	[tilespmem:s25+$0x17780] =	vst v1  }
0x11d: {  	[tilespmem:s21], [sflag:$0x2] =	stream.strided.gather [spmem:s6], $0x280, s20, s17, $0x38;
	[tilespmem:$0x1A900] =	vst v63  }
0x11e: {  	_ =	swait.ge [sflag:s13], $0x280  }
0x11f: {  	[sflag:s13] =	ssyncset.done $0x0  }
0x120: {  	s25 =	simm.s32 $0x0;
	[sflag:s13] =	ssyncadd.s32 $0xFFFFFD80  }
0x121: {  	s26 =	simm.s32 $0x40;
	v1 =	vld [tilespmem:s25+$0x17500]  }
.LBB2_26:
0x122: {  	p0 =	sne.s32 s26, $0x9C0;
	v2 =	vld [tilespmem:s25+$0x17780];
	_ =	sdelay $0x2  }
.Ltmp12:
0x123: {  	(pc) =	sbr.rel @p0 .LBB2_26-.Ltmp12, $4  }
0x124: {  	_ = 	snop  }
0x125: {  	v2 =	vadd.f32 v1, v2  }
0x126: {  	s28 =	sshra.s32 s26, $0x2  }
0x127: {  	s26 =	sadd.s32 $0x40, s26;
	v1 =	vld [tilespmem:s28+$0x17500];
	[tilespmem:s25+$0x17780] =	vst v2;
	s25 =	smov.u32 s28  }
0x128: {  	v2 =	vld [tilespmem:s25+$0x17780];
	_ =	sdelay $0x4  }
0x129: {  	v1 =	vadd.f32 v1, v2;
	_ =	sdelay $0x1  }
0x12a: {  	[tilespmem:s25+$0x17780] =	vst v1  }
0x12b: {  	[tilespmem:s21], [sflag:$0x2] =	stream.strided.gather [spmem:s0], $0x280, s20, s17, $0x38;
	[tilespmem:$0x1A900] =	vst v63  }
0x12c: {  	_ =	swait.ge [sflag:s13], $0x280  }
0x12d: {  	[sflag:s13] =	ssyncset.done $0x0  }
0x12e: {  	s25 =	simm.s32 $0x0;
	[sflag:s13] =	ssyncadd.s32 $0xFFFFFD80  }
0x12f: {  	s26 =	simm.s32 $0x40;
	v1 =	vld [tilespmem:s25+$0x17500]  }
.LBB2_28:
0x130: {  	p0 =	sne.s32 s26, $0x9C0;
	v2 =	vld [tilespmem:s25+$0x17780];
	_ =	sdelay $0x2  }
.Ltmp13:
0x131: {  	(pc) =	sbr.rel @p0 .LBB2_28-.Ltmp13, $4  }
0x132: {  	_ = 	snop  }
0x133: {  	v2 =	vadd.f32 v1, v2  }
0x134: {  	s28 =	sshra.s32 s26, $0x2  }
0x135: {  	s26 =	sadd.s32 $0x40, s26;
	v1 =	vld [tilespmem:s28+$0x17500];
	[tilespmem:s25+$0x17780] =	vst v2;
	s25 =	smov.u32 s28  }
0x136: {  	v2 =	vld [tilespmem:s25+$0x17780];
	_ =	sdelay $0x4  }
0x137: {  	v1 =	vadd.f32 v1, v2;
	_ =	sdelay $0x1  }
0x138: {  	[tilespmem:s25+$0x17780] =	vst v1  }
0x139: {  	[tilespmem:s21], [sflag:$0x2] =	stream.strided.gather [spmem:s2], $0x280, s20, s17, $0x38;
	[tilespmem:$0x1A900] =	vst v63  }
0x13a: {  	_ =	swait.ge [sflag:s13], $0x280  }
0x13b: {  	[sflag:s13] =	ssyncset.done $0x0  }
0x13c: {  	s25 =	simm.s32 $0x0;
	[sflag:s13] =	ssyncadd.s32 $0xFFFFFD80  }
0x13d: {  	s26 =	simm.s32 $0x40;
	v1 =	vld [tilespmem:s25+$0x17500]  }
.LBB2_30:
0x13e: {  	p0 =	sne.s32 s26, $0x9C0;
	v2 =	vld [tilespmem:s25+$0x17780];
	_ =	sdelay $0x2  }
.Ltmp14:
0x13f: {  	(pc) =	sbr.rel @p0 .LBB2_30-.Ltmp14, $4  }
0x140: {  	_ = 	snop  }
0x141: {  	v2 =	vadd.f32 v1, v2  }
0x142: {  	s28 =	sshra.s32 s26, $0x2  }
0x143: {  	s26 =	sadd.s32 $0x40, s26;
	v1 =	vld [tilespmem:s28+$0x17500];
	[tilespmem:s25+$0x17780] =	vst v2;
	s25 =	smov.u32 s28  }
0x144: {  	v2 =	vld [tilespmem:s25+$0x17780];
	_ =	sdelay $0x4  }
0x145: {  	v1 =	vadd.f32 v1, v2;
	_ =	sdelay $0x1  }
0x146: {  	[tilespmem:s25+$0x17780] =	vst v1  }
0x147: {  	[tilespmem:s21], [sflag:$0x2] =	stream.strided.gather [spmem:s3], $0x280, s20, s17, $0x38;
	[tilespmem:$0x1A900] =	vst v63  }
0x148: {  	_ =	swait.ge [sflag:s13], $0x280  }
0x149: {  	[sflag:s13] =	ssyncset.done $0x0  }
0x14a: {  	s25 =	simm.s32 $0x0;
	[sflag:s13] =	ssyncadd.s32 $0xFFFFFD80  }
0x14b: {  	s26 =	simm.s32 $0x40;
	v1 =	vld [tilespmem:s25+$0x17500]  }
.LBB2_32:
0x14c: {  	p0 =	sne.s32 s26, $0x9C0;
	v2 =	vld [tilespmem:s25+$0x17780];
	_ =	sdelay $0x2  }
.Ltmp15:
0x14d: {  	(pc) =	sbr.rel @p0 .LBB2_32-.Ltmp15, $4  }
0x14e: {  	_ = 	snop  }
0x14f: {  	v2 =	vadd.f32 v1, v2  }
0x150: {  	s28 =	sshra.s32 s26, $0x2  }
0x151: {  	s26 =	sadd.s32 $0x40, s26;
	v1 =	vld [tilespmem:s28+$0x17500];
	[tilespmem:s25+$0x17780] =	vst v2;
	s25 =	smov.u32 s28  }
0x152: {  	v2 =	vld [tilespmem:s25+$0x17780];
	_ =	sdelay $0x4  }
0x153: {  	v1 =	vadd.f32 v1, v2;
	_ =	sdelay $0x1  }
0x154: {  	[tilespmem:s25+$0x17780] =	vst v1  }
0x155: {  	[tilespmem:s21], [sflag:$0x2] =	stream.strided.gather [spmem:s4], $0x280, s20, s17, $0x38;
	[tilespmem:$0x1A900] =	vst v63  }
0x156: {  	_ =	swait.ge [sflag:s13], $0x280  }
0x157: {  	[sflag:s13] =	ssyncset.done $0x0  }
0x158: {  	s25 =	simm.s32 $0x0;
	[sflag:s13] =	ssyncadd.s32 $0xFFFFFD80  }
0x159: {  	s26 =	simm.s32 $0x40;
	v1 =	vld [tilespmem:s25+$0x17500]  }
.LBB2_34:
0x15a: {  	p0 =	sne.s32 s26, $0x9C0;
	v2 =	vld [tilespmem:s25+$0x17780];
	_ =	sdelay $0x2  }
.Ltmp16:
0x15b: {  	(pc) =	sbr.rel @p0 .LBB2_34-.Ltmp16, $4  }
0x15c: {  	_ = 	snop  }
0x15d: {  	v2 =	vadd.f32 v1, v2  }
0x15e: {  	s28 =	sshra.s32 s26, $0x2  }
0x15f: {  	s26 =	sadd.s32 $0x40, s26;
	v1 =	vld [tilespmem:s28+$0x17500];
	[tilespmem:s25+$0x17780] =	vst v2;
	s25 =	smov.u32 s28  }
0x160: {  	v2 =	vld [tilespmem:s25+$0x17780];
	_ =	sdelay $0x4  }
0x161: {  	v1 =	vadd.f32 v1, v2;
	_ =	sdelay $0x1  }
0x162: {  	[tilespmem:s25+$0x17780] =	vst v1  }
0x163: {  	[tilespmem:s21], [sflag:$0x2] =	stream.strided.gather [spmem:s5], $0x280, s20, s17, $0x38;
	[tilespmem:$0x1A900] =	vst v63  }
0x164: {  	_ =	swait.ge [sflag:s13], $0x280  }
0x165: {  	[sflag:s13] =	ssyncset.done $0x0  }
0x166: {  	s25 =	simm.s32 $0x0;
	[sflag:s13] =	ssyncadd.s32 $0xFFFFFD80  }
0x167: {  	s26 =	simm.s32 $0x40;
	v1 =	vld [tilespmem:s25+$0x17500]  }
.LBB2_36:
0x168: {  	p0 =	sne.s32 s26, $0x9C0;
	v2 =	vld [tilespmem:s25+$0x17780];
	_ =	sdelay $0x2  }
.Ltmp17:
0x169: {  	(pc) =	sbr.rel @p0 .LBB2_36-.Ltmp17, $4  }
0x16a: {  	_ = 	snop  }
0x16b: {  	v2 =	vadd.f32 v1, v2  }
0x16c: {  	s28 =	sshra.s32 s26, $0x2  }
0x16d: {  	s26 =	sadd.s32 $0x40, s26;
	v1 =	vld [tilespmem:s28+$0x17500];
	[tilespmem:s25+$0x17780] =	vst v2;
	s25 =	smov.u32 s28  }
0x16e: {  	v2 =	vld [tilespmem:s25+$0x17780];
	_ =	sdelay $0x4  }
0x16f: {  	v1 =	vadd.f32 v1, v2;
	_ =	sdelay $0x1  }
0x170: {  	[tilespmem:s25+$0x17780] =	vst v1  }
0x171: {  	[tilespmem:s21], [sflag:$0x2] =	stream.strided.gather [spmem:s7], $0x280, s20, s17, $0x38;
	[tilespmem:$0x1A900] =	vst v63  }
0x172: {  	_ =	swait.ge [sflag:s13], $0x280  }
0x173: {  	[sflag:s13] =	ssyncset.done $0x0  }
0x174: {  	s25 =	simm.s32 $0x0;
	[sflag:s13] =	ssyncadd.s32 $0xFFFFFD80  }
0x175: {  	s26 =	simm.s32 $0x40;
	v1 =	vld [tilespmem:s25+$0x17500]  }
.LBB2_38:
0x176: {  	p0 =	sne.s32 s26, $0x9C0;
	v2 =	vld [tilespmem:s25+$0x17780];
	_ =	sdelay $0x2  }
.Ltmp18:
0x177: {  	(pc) =	sbr.rel @p0 .LBB2_38-.Ltmp18, $4  }
0x178: {  	_ = 	snop  }
0x179: {  	v2 =	vadd.f32 v1, v2  }
0x17a: {  	s28 =	sshra.s32 s26, $0x2  }
0x17b: {  	s26 =	sadd.s32 $0x40, s26;
	v1 =	vld [tilespmem:s28+$0x17500];
	[tilespmem:s25+$0x17780] =	vst v2;
	s25 =	smov.u32 s28  }
0x17c: {  	v2 =	vld [tilespmem:s25+$0x17780];
	_ =	sdelay $0x4  }
0x17d: {  	v1 =	vadd.f32 v1, v2;
	_ =	sdelay $0x1  }
0x17e: {  	s26 =	simm.s32 $0x0;
	s28 =	rddreg [dreg:$0x12];
	[tilespmem:s25+$0x17780] =	vst v1;
	s25 =	simm.s32 $0x17500  }
0x17f: {  	[tilespmem:s25], [sflag:$0x2] =	stream.linear.gather [hbm4b:s28+s26], $0x280, $0x38;
	[tilespmem:$0x1A900] =	vst v63  }
0x180: {  	_ =	swait.ge [sflag:s13], $0x280  }
0x181: {  	[sflag:s13] =	ssyncset.done $0x0  }
0x182: {  	[sflag:s13] =	ssyncadd.s32 $0xFFFFFD80  }
0x183: {  	v1 =	vld [tilespmem:$0x17D00]  }
0x184: {  	v2 =	vld [tilespmem:$0x17A00]  }
0x185: {  	v3 =	vld [tilespmem:$0x17D10]  }
0x186: {  	v4 =	vld [tilespmem:$0x17A10]  }
0x187: {  	v5 =	vld [tilespmem:$0x17D20]  }
0x188: {  	v6 =	vld [tilespmem:$0x17A20]  }
0x189: {  	v7 =	vld [tilespmem:$0x17A30];
	v1 =	vmul.f32 v2, v1  }
0x18a: {  	v2 =	vld [tilespmem:$0x17D30]  }
0x18b: {  	v58 =	vld [tilespmem:$0x17D40];
	v3 =	vmul.f32 v4, v3;
	v1 =	vadd.f32 $0.0e+00, v1  }
0x18c: {  	v8 =	vld [tilespmem:$0x17A40]  }
0x18d: {  	v59 =	vld [tilespmem:$0x17D50];
	v1 =	vadd.f32 v3, v1;
	v3 =	vmul.f32 v6, v5  }
0x18e: {  	v60 =	vld [tilespmem:$0x17A50]  }
0x18f: {  	v61 =	vld [tilespmem:$0x17A60];
	v2 =	vmul.f32 v7, v2;
	v1 =	vadd.f32 v3, v1  }
0x190: {  	v3 =	vld [tilespmem:$0x17D60]  }
0x191: {  	v62 =	vld [tilespmem:$0x17D70];
	v1 =	vadd.f32 v2, v1;
	v2 =	vmul.f32 v8, v58  }
0x192: {  	v63 =	vld [tilespmem:$0x17A70]  }
0x193: {  	v1 =	vadd.f32 v2, v1;
	v2 =	vmul.f32 v60, v59;
	_ =	sdelay $0x1  }
0x194: {  	v1 =	vadd.f32 v2, v1;
	v2 =	vmul.f32 v61, v3;
	_ =	sdelay $0x1  }
0x195: {  	v1 =	vadd.f32 v2, v1;
	v2 =	vmul.f32 v63, v62;
	_ =	sdelay $0x1  }
0x196: {  	v1 =	vadd.f32 v2, v1;
	_ =	sdelay $0x1  }
0x197: {  	s28 =	sadd.s32 $0x0, s9;
	(xrf2) =	vadd.scan.msk.f32 $0xffff, v1  }
0x198: {  	s26 =	sand.u32 $0x70, s26;
	s28 =	sand.u32 $0x7F80, s28  }
0x199: {  	s28 =	sor.u32 s26, s28;
	s26 =	simm.s32 $0x17780  }
0x19a: {  	v2 =	vld [tilespmem:s26+$0x0]  }
0x19b: {  	v1 =	vld [tilespmem:s28+$0x0];
	_ =	sdelay $0x1  }
0x19c: {  	v3 =	vld [tilespmem:s25+$0x0];
	_ =	sdelay $0x2  }
0x19d: {  	v2 =	vadd.f32 v2, v1  }
0x19e: {  	v1, _, _ =	vpop (xrf2)  }
0x19f: {  	v2 =	vmul.f32 v2, v3;
	v1 =	vbroadcast v1, $0xF;
	_ =	sdelay $0x1  }
0x1a0: {  	s29 =	sadd.s32 $0x10, s9;
	s28 =	simm.s32 $0x10;
	v2 =	vadd.f32 v2, v1  }
0x1a1: {  	s29 =	sand.u32 $0x7F80, s29;
	s30 =	sand.u32 $0x70, s28;
	s28 =	simm.s32 $0x20  }
.LBB2_40:
0x1a2: {  	p0 =	sne.s32 s28, $0x270;
	s29 =	sor.u32 s30, s29;
	[tilespmem:s26+$0x0] =	vst v2  }
0x1a3: {  	s26 =	sadd.s32 $0x10, s26;
	v2 =	vld [tilespmem:s29+$0x0]  }
0x1a4: {  	v3 =	vld [tilespmem:s26+$0x0]  }
0x1a5: {  	s25 =	sadd.s32 $0x10, s25  }
0x1a6: {  	v4 =	vld [tilespmem:s25+$0x0];
	_ =	sdelay $0x2  }
0x1a7: {  	v2 =	vadd.f32 v3, v2  }
.Ltmp19:
0x1a8: {  	(pc) =	sbr.rel @p0 .LBB2_40-.Ltmp19, $3  }
0x1a9: {  	v2 =	vmul.f32 v2, v4;
	_ =	sdelay $0x1  }
0x1aa: {  	s29 =	sadd.s32 s28, s9;
	v2 =	vadd.f32 v2, v1  }
0x1ab: {  	s30 =	sand.u32 $0x70, s28;
	s28 =	sadd.s32 $0x10, s28;
	s29 =	sand.u32 $0x7F80, s29  }
0x1ac: {  	s28 =	sor.u32 s30, s29;
	[tilespmem:s26+$0x0] =	vst v2  }
0x1ad: {  	s30 =	sadd.s32 $0x10, s26;
	v2 =	vld [tilespmem:s28+$0x0]  }
0x1ae: {  	v3 =	vld [tilespmem:s30+$0x0]  }
0x1af: {  	s25 =	sadd.s32 $0x10, s25  }
0x1b0: {  	v4 =	vld [tilespmem:s25+$0x0];
	_ =	sdelay $0x2  }
0x1b1: {  	v2 =	vadd.f32 v3, v2;
	_ =	sdelay $0x1  }
0x1b2: {  	v2 =	vmul.f32 v2, v4;
	_ =	sdelay $0x1  }
0x1b3: {  	v1 =	vadd.f32 v2, v1;
	_ =	sdelay $0x1  }
0x1b4: {  	s26 =	simm.s32 $0x17780;
	[tilespmem:s30+$0x0] =	vst v1  }
0x1b5: {  	[spmem:s12] =	stream.linear.scatter [tilespmem:s26], [sflag:$0x2], $0x280, $0x38;
	[tilespmem:$0x1A900] =	vst v63  }
0x1b6: {  	_ =	swait.ge [sflag:s13], $0x280  }
0x1b7: {  	[sflag:s13] =	ssyncset.done $0x0  }
0x1b8: {  	[sflag:s13] =	ssyncadd.s32 $0xFFFFFD80  }
0x1b9: {  	[bflag:$0x0] =	sbarrier.arrive $0xFFFF  }
0x1ba: {  	s29 =	rddreg [dreg:$0x7]  }
0x1bb: {  	[tilespmem:s22], [sflag:$0x2] =	stream.linear.gather [spmem:s29], $0x2800, $0x38;
	[tilespmem:$0x1A900] =	vst v63  }
0x1bc: {  	_ =	swait.ge [sflag:s13], $0x2800  }
0x1bd: {  	[sflag:s13] =	ssyncset.done $0x0  }
0x1be: {  	[sflag:s13] =	ssyncadd.s32 $0xFFFFD800  }
0x1bf: {  	v1 =	vld [tilespmem:$0x17B00]  }
0x1c0: {  	v2 =	vld [tilespmem:$0x17A80]  }
0x1c1: {  	v3 =	vld [tilespmem:$0x17B10]  }
0x1c2: {  	v4 =	vld [tilespmem:$0x17A90]  }
0x1c3: {  	v5 =	vld [tilespmem:$0x17B20]  }
0x1c4: {  	v6 =	vld [tilespmem:$0x17AA0]  }
0x1c5: {  	v7 =	vld [tilespmem:$0x17B30]  }
0x1c6: {  	v8 =	vld [tilespmem:$0x17AB0]  }
0x1c7: {  	v9 =	vld [tilespmem:$0x17B40]  }
0x1c8: {  	v10 =	vld [tilespmem:$0x17AC0]  }
0x1c9: {  	v11 =	vld [tilespmem:$0x17B50]  }
0x1ca: {  	v12 =	vld [tilespmem:$0x17AD0]  }
0x1cb: {  	v13 =	vld [tilespmem:$0x17B60]  }
0x1cc: {  	v14 =	vld [tilespmem:$0x17AE0]  }
0x1cd: {  	v15 =	vld [tilespmem:$0x17B70]  }
0x1ce: {  	v16 =	vld [tilespmem:$0x17AF0]  }
0x1cf: {  	v17 =	vld [tilespmem:$0x17B80]  }
0x1d0: {  	v18 =	vld [tilespmem:$0x17B90]  }
0x1d1: {  	v19 =	vld [tilespmem:$0x17BA0];
	v1 =	vmul.f32 v2, v1  }
0x1d2: {  	v20 =	vld [tilespmem:$0x17BB0]  }
0x1d3: {  	v21 =	vld [tilespmem:$0x17BC0];
	v3 =	vmul.f32 v4, v3;
	v1 =	vadd.f32 $0.0e+00, v1  }
0x1d4: {  	v22 =	vld [tilespmem:$0x17BD0]  }
0x1d5: {  	v23 =	vld [tilespmem:$0x17BF0];
	v1 =	vadd.f32 v3, v1;
	v3 =	vmul.f32 v6, v5  }
0x1d6: {  	v24 =	vld [tilespmem:$0x17C10]  }
0x1d7: {  	v25 =	vld [tilespmem:$0x17C30];
	v1 =	vadd.f32 v3, v1;
	v3 =	vmul.f32 v8, v7  }
0x1d8: {  	v7 =	vld [tilespmem:$0x17C00]  }
0x1d9: {  	v26 =	vld [tilespmem:$0x17C50];
	v1 =	vadd.f32 v3, v1;
	v3 =	vmul.f32 v10, v9  }
0x1da: {  	v27 =	vld [tilespmem:$0x17C70]  }
0x1db: {  	v28 =	vld [tilespmem:$0x17C80];
	v1 =	vadd.f32 v3, v1;
	v3 =	vmul.f32 v12, v11  }
0x1dc: {  	v9 =	vld [tilespmem:$0x17C20]  }
0x1dd: {  	v43 =	vld [tilespmem:$0x17C90];
	v17 =	vmul.f32 v17, v2;
	v1 =	vadd.f32 v3, v1;
	v3 =	vmul.f32 v7, v2  }
0x1de: {  	v42 =	vld [tilespmem:$0x17D80];
	v13 =	vmul.f32 v14, v13;
	v18 =	vmul.f32 v18, v4  }
0x1df: {  	v45 =	vld [tilespmem:$0x17D90];
	v24 =	vmul.f32 v24, v4;
	v41 =	vmul.f32 v19, v6;
	v3 =	vadd.f32 $0.0e+00, v3  }
0x1e0: {  	v15 =	vmul.f32 v16, v15;
	v48 =	vmul.f32 v28, v2;
	v11 =	vld [tilespmem:$0x17C40]  }
0x1e1: {  	v46 =	vld [tilespmem:$0x17CA0];
	v44 =	vmul.f32 v20, v8;
	v9 =	vmul.f32 v9, v6;
	v3 =	vadd.f32 v24, v3  }
0x1e2: {  	v51 =	vmul.f32 v43, v4;
	v17 =	vadd.f32 $0.0e+00, v17;
	v50 =	vadd.f32 $0.0e+00, v48;
	v5 =	vld [tilespmem:$0x17BE0]  }
0x1e3: {  	v49 =	vld [tilespmem:$0x17DA0];
	v47 =	vmul.f32 v21, v10;
	v3 =	vadd.f32 v9, v3;
	v9 =	vmul.f32 v25, v8  }
0x1e4: {  	v52 =	vld [tilespmem:$0x17DB0];
	v4 =	vmul.f32 v45, v4;
	v40 =	vadd.f32 v18, v17;
	v17 =	vadd.f32 v51, v50  }
0x1e5: {  	v2 =	vmul.f32 v42, v2;
	v3 =	vadd.f32 v9, v3;
	v9 =	vmul.f32 v11, v10;
	v11 =	vld [tilespmem:$0x17CB0]  }
0x1e6: {  	v54 =	vld [tilespmem:$0x17DC0];
	v53 =	vmul.f32 v22, v12;
	v1 =	vadd.f32 v13, v1;
	v13 =	vadd.f32 v41, v40  }
0x1e7: {  	v5 =	vmul.f32 v5, v14;
	v2 =	vadd.f32 $0.0e+00, v2;
	v3 =	vadd.f32 v9, v3;
	v9 =	vld [tilespmem:$0x17CC0]  }
0x1e8: {  	v7 =	vld [tilespmem:$0x17C60];
	v1 =	vadd.f32 v15, v1;
	v13 =	vadd.f32 v44, v13;
	v15 =	vmul.f32 v46, v6  }
0x1e9: {  	v55 =	vld [tilespmem:$0x17CD0];
	v2 =	vadd.f32 v4, v2;
	v4 =	vmul.f32 v26, v12;
	v6 =	vmul.f32 v49, v6  }
0x1ea: {  	v56 =	vld [tilespmem:$0x17DD0];
	v13 =	vadd.f32 v47, v13;
	v15 =	vadd.f32 v15, v17;
	v11 =	vmul.f32 v11, v8  }
0x1eb: {  	v2 =	vadd.f32 v6, v2;
	v6 =	vld [tilespmem:$0x17CE0];
	v3 =	vadd.f32 v4, v3;
	v4 =	vmul.f32 v52, v8  }
0x1ec: {  	v13 =	vadd.f32 v53, v13;
	v8 =	vadd.f32 v11, v15;
	v9 =	vmul.f32 v9, v10;
	v11 =	vld [tilespmem:$0x17DE0]  }
0x1ed: {  	v2 =	vadd.f32 v4, v2;
	v4 =	vmul.f32 v7, v14;
	v7 =	vmul.f32 v54, v10;
	v10 =	vld [tilespmem:$0x17CF0]  }
0x1ee: {  	v57 =	vld [tilespmem:$0x17DF0];
	v5 =	vadd.f32 v5, v13;
	v8 =	vadd.f32 v9, v8;
	v9 =	vmul.f32 v55, v12  }
0x1ef: {  	v3 =	vadd.f32 v4, v3;
	v2 =	vadd.f32 v7, v2;
	v4 =	vmul.f32 v56, v12  }
0x1f0: {  	v6 =	vmul.f32 v6, v14;
	v7 =	vadd.f32 v9, v8;
	v8 =	vmul.f32 v23, v16  }
0x1f1: {  	v2 =	vadd.f32 v4, v2;
	v4 =	vmul.f32 v27, v16;
	v9 =	vmul.f32 v11, v14  }
0x1f2: {  	v5 =	vadd.f32 v8, v5;
	v6 =	vadd.f32 v6, v7;
	v7 =	vmul.f32 v10, v16  }
0x1f3: {  	(xrf2) =	vadd.scan.msk.f32 $0xffff, v1;
	v1 =	vadd.f32 v4, v3;
	v3 =	vmul.f32 v57, v16;
	v4 =	vld [tilespmem:$0x17E00];
	v2 =	vadd.f32 v9, v2  }
0x1f4: {  	(xrf2) =	vadd.scan.msk.f32 $0xffff, v5;
	v5 =	vadd.f32 v7, v6  }
0x1f5: {  	(xrf2) =	vadd.scan.msk.f32 $0xffff, v1;
	v1 =	vadd.f32 v3, v2  }
0x1f6: {  	(xrf2) =	vadd.scan.msk.f32 $0xffff, v5  }
0x1f7: {  	(xrf2) =	vadd.scan.msk.f32 $0xffff, v1  }
0x1f8: {  	(xrf2) =	vadd.scan.msk.f32 $0xffff, v4;
	_ =	sdelay $0x4  }
0x1f9: {  	v1, _, _ =	vpop (xrf2)  }
0x1fa: {  	v2, _, _ =	vpop (xrf2)  }
0x1fb: {  	v5, _, _ =	vpop (xrf2)  }
0x1fc: {  	v6, _, _ =	vpop (xrf2)  }
0x1fd: {  	v3, _, _ =	vpop (xrf2)  }
0x1fe: {  	(v2sf) =	vpush v3, $0xF;
	v3, _, _ =	vpop (xrf2)  }
0x1ff: {  	(v2sf) =	vpush v3, $0xF;
	_ =	sdelay $0xd  }
0x200: {  	s30 =	spop (v2sf)  }
0x201: {  	s28 =	spop (v2sf)  }
0x202: {  	_ =	swait.ge [sflag:s23], $0x2710  }
0x203: {  	[sflag:s23] =	ssyncset.done $0x0  }
0x204: {  	[sflag:s23] =	ssyncadd.s32 $0xFFFFD8F0  }
0x205: {  	_ =	swait.ge [sflag:s23], $0x2710  }
0x206: {  	[sflag:s23] =	ssyncset.done $0x0  }
0x207: {  	[sflag:s23] =	ssyncadd.s32 $0xFFFFD8F0  }
0x208: {  	_ =	swait.ge [sflag:s23], $0x2710  }
0x209: {  	[sflag:s23] =	ssyncset.done $0x0  }
0x20a: {  	[sflag:s23] =	ssyncadd.s32 $0xFFFFD8F0  }
0x20b: {  	_ =	swait.ge [sflag:s23], $0x2710  }
0x20c: {  	[sflag:s23] =	ssyncset.done $0x0  }
0x20d: {  	[sflag:s23] =	ssyncadd.s32 $0xFFFFD8F0  }
0x20e: {  	_ =	swait.ge [sflag:s23], $0x2710  }
0x20f: {  	[sflag:s23] =	ssyncset.done $0x0  }
0x210: {  	s25 =	simm.s32 $0x0;
	[sflag:s23] =	ssyncadd.s32 $0xFFFFD8F0  }
0x211: {  	v7 =	vld [tilespmem:s25+$0xAF80]  }
0x212: {  	v8 =	vld [tilespmem:s25+$0xD700]  }
0x213: {  	v9 =	vld [tilespmem:s25+$0x8800]  }
0x214: {  	v10 =	vld [tilespmem:s25+$0xFE80]  }
0x215: {  	v4 =	vbroadcast v2, $0xF;
	v3 =	vbroadcast v1, $0xF  }
0x216: {  	v1 =	vbroadcast v5, $0xF;
	v5 =	vld [tilespmem:s25+$0x12600]  }
0x217: {  	v7 =	vmul.f32 v7, v3;
	v8 =	vmul.f32 v8, v4  }
0x218: {  	v11 =	vld [tilespmem:s25+$0xFE90]  }
0x219: {  	v2 =	vbroadcast v6, $0xF;
	v6 =	vadd.f32 v8, v7;
	v7 =	vmul.f32 v10, v1;
	v8 =	vld [tilespmem:s25+$0xAF90]  }
0x21a: {  	v10 =	vld [tilespmem:s25+$0xD710]  }
0x21b: {  	v5 =	vmul.f32 v5, v2;
	v9 =	vld.idx.msk [tilespmem:v9+s22+$0x0], $0xffff;
	v6 =	vadd.f32 v7, v6  }
0x21c: {  	s26 =	sadd.f32 s30, s28;
	v7 =	vld [tilespmem:s25+$0x8810]  }
0x21d: {  	v6 =	vadd.f32 v5, v6  }
0x21e: {  	v58 =	vld [tilespmem:s25+$0x12610];
	v5 =	vmov s26  }
0x21f: {  	v8 =	vmul.f32 v8, v3;
	v10 =	vmul.f32 v10, v4;
	v6 =	vadd.f32 v6, v5;
	_ =	sdelay $0x1  }
0x220: {  	v8 =	vadd.f32 v10, v8;
	v10 =	vld [tilespmem:s25+$0xAFA0];
	v6 =	vadd.f32 v6, v9;
	v9 =	vmul.f32 v11, v1  }
0x221: {  	v11 =	vld [tilespmem:s25+$0x8820]  }
0x222: {  	[tilespmem:s25+$0x14D80] =	vst v6;
	v6 =	vld [tilespmem:s25+$0xD720];
	v8 =	vadd.f32 v9, v8;
	v9 =	vmul.f32 v58, v2  }
0x223: {  	v7 =	vld.idx.msk [tilespmem:v7+s22+$0x0], $0xffff  }
0x224: {  	v8 =	vadd.f32 v9, v8;
	v9 =	vld [tilespmem:s25+$0xFEA0];
	_ =	sdelay $0x1  }
0x225: {  	v59 =	vld [tilespmem:s25+$0x12620];
	v8 =	vadd.f32 v8, v5  }
0x226: {  	v10 =	vmul.f32 v10, v3;
	v6 =	vmul.f32 v6, v4  }
0x227: {  	v7 =	vadd.f32 v8, v7  }
0x228: {  	v8 =	vld [tilespmem:s25+$0xAFB0];
	v6 =	vadd.f32 v6, v10;
	v9 =	vmul.f32 v9, v1  }
0x229: {  	[tilespmem:s25+$0x14D90] =	vst v7;
	v7 =	vld [tilespmem:s25+$0xD730]  }
0x22a: {  	v10 =	vld.idx.msk [tilespmem:v11+s22+$0x0], $0xffff;
	v6 =	vadd.f32 v9, v6;
	v9 =	vmul.f32 v59, v2  }
0x22b: {  	v11 =	vld [tilespmem:s25+$0x8830]  }
0x22c: {  	v6 =	vadd.f32 v9, v6;
	v9 =	vld [tilespmem:s25+$0xFEB0];
	_ =	sdelay $0x1  }
0x22d: {  	v60 =	vld [tilespmem:s25+$0x12630]  }
0x22e: {  	v8 =	vmul.f32 v8, v3;
	v6 =	vadd.f32 v6, v5;
	v7 =	vmul.f32 v7, v4;
	_ =	sdelay $0x1  }
0x22f: {  	v6 =	vadd.f32 v6, v10;
	v7 =	vadd.f32 v7, v8;
	v8 =	vmul.f32 v9, v1  }
0x230: {  	v61 =	vld [tilespmem:s25+$0xD740]  }
0x231: {  	v10 =	vld [tilespmem:s25+$0xAFC0];
	[tilespmem:s25+$0x14DA0] =	vst v6;
	v6 =	vadd.f32 v8, v7;
	v7 =	vmul.f32 v60, v2  }
0x232: {  	v8 =	vld.idx.msk [tilespmem:v11+s22+$0x0], $0xffff  }
0x233: {  	v7 =	vadd.f32 v7, v6;
	v6 =	vld [tilespmem:s25+$0x8840]  }
0x234: {  	v11 =	vld [tilespmem:s25+$0xFEC0];
	_ =	sdelay $0x1  }
0x235: {  	v9 =	vld [tilespmem:s25+$0x12640];
	v7 =	vadd.f32 v7, v5  }
0x236: {  	v62 =	vmul.f32 v61, v4;
	v10 =	vmul.f32 v10, v3  }
0x237: {  	s26 =	simm.s32 $0x50;
	v63 =	vadd.f32 v7, v8  }
0x238: {  	v10 =	vadd.f32 v62, v10;
	v11 =	vmul.f32 v11, v1;
	v7 =	vld [tilespmem:s26+$0xAF80]  }
0x239: {  	s28 =	simm.s32 $0x280;
	v8 =	vld [tilespmem:s26+$0xD700];
	[tilespmem:s25+$0x14DB0] =	vst v63  }
.LBB2_42:
0x23a: {  	p0 =	sne.s32 s28, $0x9B00;
	v6 =	vld.idx.msk [tilespmem:v6+s22+$0x0], $0xffff;
	v10 =	vadd.f32 v11, v10;
	v9 =	vmul.f32 v9, v2  }
0x23b: {  	v11 =	vld [tilespmem:s26+$0x8800]  }
0x23c: {  	v12 =	vld [tilespmem:s26+$0xFE80];
	v9 =	vadd.f32 v9, v10;
	_ =	sdelay $0x1  }
0x23d: {  	v10 =	vld [tilespmem:s26+$0x12600];
	v9 =	vadd.f32 v9, v5  }
0x23e: {  	v7 =	vmul.f32 v7, v3;
	v8 =	vmul.f32 v8, v4  }
0x23f: {  	v6 =	vadd.f32 v9, v6  }
0x240: {  	v7 =	vadd.f32 v8, v7;
	v8 =	vmul.f32 v12, v1;
	v9 =	vld [tilespmem:s26+$0xAF90]  }
0x241: {  	v12 =	vld [tilespmem:s26+$0xD710];
	[tilespmem:s25+$0x14DC0] =	vst v6;
	s25 =	smov.u32 s26  }
0x242: {  	v6 =	vld.idx.msk [tilespmem:v11+s22+$0x0], $0xffff;
	v7 =	vadd.f32 v8, v7;
	v8 =	vmul.f32 v10, v2  }
0x243: {  	v10 =	vld [tilespmem:s25+$0x8810]  }
0x244: {  	v7 =	vadd.f32 v8, v7;
	v8 =	vld [tilespmem:s25+$0xFE90];
	_ =	sdelay $0x1  }
0x245: {  	v7 =	vadd.f32 v7, v5;
	v11 =	vld [tilespmem:s25+$0x12610]  }
0x246: {  	v9 =	vmul.f32 v9, v3;
	v12 =	vmul.f32 v12, v4  }
0x247: {  	v6 =	vadd.f32 v7, v6  }
0x248: {  	v7 =	vadd.f32 v12, v9;
	v8 =	vmul.f32 v8, v1;
	v9 =	vld [tilespmem:s25+$0xAFA0]  }
0x249: {  	[tilespmem:s25+$0x14D80] =	vst v6;
	v6 =	vld [tilespmem:s25+$0xD720]  }
0x24a: {  	v10 =	vld.idx.msk [tilespmem:v10+s22+$0x0], $0xffff;
	v7 =	vadd.f32 v8, v7;
	v8 =	vmul.f32 v11, v2  }
0x24b: {  	v11 =	vld [tilespmem:s25+$0x8820]  }
0x24c: {  	v7 =	vadd.f32 v8, v7;
	v8 =	vld [tilespmem:s25+$0xFEA0];
	_ =	sdelay $0x1  }
0x24d: {  	v7 =	vadd.f32 v7, v5;
	v12 =	vld [tilespmem:s25+$0x12620]  }
0x24e: {  	v9 =	vmul.f32 v9, v3;
	v6 =	vmul.f32 v6, v4  }
0x24f: {  	v7 =	vadd.f32 v7, v10  }
0x250: {  	v6 =	vadd.f32 v6, v9;
	v8 =	vmul.f32 v8, v1;
	v9 =	vld [tilespmem:s25+$0xAFB0]  }
0x251: {  	[tilespmem:s25+$0x14D90] =	vst v7;
	v7 =	vld [tilespmem:s25+$0xD730]  }
0x252: {  	v10 =	vld.idx.msk [tilespmem:v11+s22+$0x0], $0xffff;
	v6 =	vadd.f32 v8, v6;
	v8 =	vmul.f32 v12, v2  }
0x253: {  	v11 =	vld [tilespmem:s25+$0x8830]  }
0x254: {  	v6 =	vadd.f32 v8, v6;
	v8 =	vld [tilespmem:s25+$0xFEB0];
	_ =	sdelay $0x1  }
0x255: {  	v6 =	vadd.f32 v6, v5;
	v12 =	vld [tilespmem:s25+$0x12630]  }
0x256: {  	v9 =	vmul.f32 v9, v3;
	v7 =	vmul.f32 v7, v4  }
0x257: {  	v6 =	vadd.f32 v6, v10  }
0x258: {  	v7 =	vadd.f32 v7, v9;
	v8 =	vmul.f32 v8, v1;
	v10 =	vld [tilespmem:s25+$0xAFC0]  }
0x259: {  	[tilespmem:s25+$0x14DA0] =	vst v6;
	v13 =	vld [tilespmem:s25+$0xD740]  }
0x25a: {  	v11 =	vld.idx.msk [tilespmem:v11+s22+$0x0], $0xffff;
	v7 =	vadd.f32 v8, v7;
	v8 =	vmul.f32 v12, v2  }
0x25b: {  	v6 =	vld [tilespmem:s25+$0x8840]  }
0x25c: {  	v7 =	vadd.f32 v8, v7;
	v8 =	vld [tilespmem:s25+$0xFEC0];
	_ =	sdelay $0x1  }
.Ltmp20:
0x25d: {  	v7 =	vadd.f32 v7, v5;
	v9 =	vld [tilespmem:s25+$0x12640];
	(pc) =	sbr.rel @p0 .LBB2_42-.Ltmp20, $4  }
0x25e: {  	v10 =	vmul.f32 v10, v3;
	v12 =	vmul.f32 v13, v4  }
0x25f: {  	s26 =	sshra.s32 s28, $0x2;
	v13 =	vadd.f32 v7, v11  }
0x260: {  	v10 =	vadd.f32 v12, v10;
	v7 =	vld [tilespmem:s26+$0xAF80];
	v11 =	vmul.f32 v8, v1  }
0x261: {  	s28 =	sadd.s32 $0x140, s28;
	v8 =	vld [tilespmem:s26+$0xD700];
	[tilespmem:s25+$0x14DB0] =	vst v13  }
0x262: {  	_ =	sdelay $0x3  }
0x263: {  	v6 =	vld.idx.msk [tilespmem:v6+s22+$0x0], $0xffff;
	v10 =	vadd.f32 v11, v10;
	v9 =	vmul.f32 v9, v2  }
0x264: {  	v29 =	vld [tilespmem:s26+$0x8800]  }
0x265: {  	v9 =	vadd.f32 v9, v10  }
0x266: {  	v12 =	vld [tilespmem:s26+$0xFE80]  }
0x267: {  	v9 =	vadd.f32 v9, v5  }
0x268: {  	v30 =	vld [tilespmem:s26+$0x12600]  }
0x269: {  	v7 =	vmul.f32 v7, v3;
	v8 =	vmul.f32 v8, v4;
	v6 =	vadd.f32 v9, v6  }
0x26a: {  	v32 =	vld [tilespmem:s26+$0xAF90]  }
0x26b: {  	v33 =	vld [tilespmem:s26+$0xD710];
	v31 =	vmul.f32 v12, v1;
	v7 =	vadd.f32 v8, v7;
	[tilespmem:s25+$0x14DC0] =	vst v6  }
0x26c: {  	v36 =	vld.idx.msk [tilespmem:v29+s22+$0x0], $0xffff  }
0x26d: {  	v35 =	vmul.f32 v30, v2;
	v34 =	vadd.f32 v31, v7;
	v37 =	vld [tilespmem:s26+$0x8810]  }
0x26e: {  	v38 =	vld [tilespmem:s26+$0xFE90]  }
0x26f: {  	v6 =	vadd.f32 v35, v34  }
0x270: {  	v39 =	vld [tilespmem:s26+$0x12610]  }
0x271: {  	v12 =	vmul.f32 v33, v4;
	v9 =	vmul.f32 v32, v3;
	v6 =	vadd.f32 v6, v5  }
0x272: {  	v40 =	vld [tilespmem:s26+$0xAFA0]  }
0x273: {  	v9 =	vadd.f32 v12, v9;
	v41 =	vld [tilespmem:s26+$0xD720];
	v6 =	vadd.f32 v6, v36;
	v7 =	vmul.f32 v38, v1  }
0x274: {  	v43 =	vld [tilespmem:s26+$0x8820]  }
0x275: {  	v44 =	vld [tilespmem:s26+$0xFEA0];
	v42 =	vmul.f32 v39, v2;
	[tilespmem:s26+$0x14D80] =	vst v6;
	v7 =	vadd.f32 v7, v9  }
0x276: {  	v10 =	vld.idx.msk [tilespmem:v37+s22+$0x0], $0xffff  }
0x277: {  	v7 =	vadd.f32 v42, v7  }
0x278: {  	v45 =	vld [tilespmem:s26+$0x12620]  }
0x279: {  	v8 =	vmul.f32 v40, v3;
	v6 =	vmul.f32 v41, v4;
	v7 =	vadd.f32 v7, v5  }
0x27a: {  	v47 =	vld [tilespmem:s26+$0xAFB0]  }
0x27b: {  	v48 =	vld [tilespmem:s26+$0xD730];
	v46 =	vmul.f32 v44, v1;
	v6 =	vadd.f32 v6, v8;
	v7 =	vadd.f32 v7, v10  }
0x27c: {  	v51 =	vld [tilespmem:s26+$0x8830]  }
0x27d: {  	v52 =	vld [tilespmem:s26+$0xFEB0];
	v49 =	vmul.f32 v45, v2;
	v6 =	vadd.f32 v46, v6;
	[tilespmem:s26+$0x14D90] =	vst v7  }
0x27e: {  	v50 =	vld.idx.msk [tilespmem:v43+s22+$0x0], $0xffff  }
0x27f: {  	v6 =	vadd.f32 v49, v6  }
0x280: {  	v53 =	vld [tilespmem:s26+$0x12630]  }
0x281: {  	v9 =	vmul.f32 v47, v3;
	v6 =	vadd.f32 v6, v5;
	v7 =	vmul.f32 v48, v4  }
0x282: {  	v54 =	vld [tilespmem:s26+$0xAFC0]  }
0x283: {  	v57 =	vld [tilespmem:s26+$0xD740];
	v56 =	vmul.f32 v52, v1;
	v55 =	vadd.f32 v7, v9;
	v6 =	vadd.f32 v6, v50  }
0x284: {  	v60 =	vld [tilespmem:s26+$0x8840]  }
0x285: {  	v61 =	vld [tilespmem:s26+$0xFEC0];
	v59 =	vmul.f32 v53, v2;
	[tilespmem:s26+$0x14DA0] =	vst v6;
	v6 =	vadd.f32 v56, v55  }
0x286: {  	v58 =	vld.idx.msk [tilespmem:v51+s22+$0x0], $0xffff  }
0x287: {  	v6 =	vadd.f32 v59, v6  }
0x288: {  	v62 =	vld [tilespmem:s26+$0x12640]  }
0x289: {  	v63 =	vmul.f32 v57, v4;
	v3 =	vmul.f32 v54, v3;
	v6 =	vadd.f32 v6, v5;
	_ =	sdelay $0x1  }
0x28a: {  	v1 =	vmul.f32 v61, v1;
	v3 =	vadd.f32 v63, v3;
	v6 =	vadd.f32 v6, v58;
	_ =	sdelay $0x1  }
0x28b: {  	v2 =	vmul.f32 v62, v2;
	v1 =	vadd.f32 v1, v3;
	[tilespmem:s26+$0x14DB0] =	vst v6  }
0x28c: {  	v3 =	vld.idx.msk [tilespmem:v60+s22+$0x0], $0xffff  }
0x28d: {  	v1 =	vadd.f32 v2, v1;
	_ =	sdelay $0x1  }
0x28e: {  	v1 =	vadd.f32 v1, v5;
	_ =	sdelay $0x1  }
0x28f: {  	v1 =	vadd.f32 v1, v3;
	_ =	sdelay $0x1  }
0x290: {  	s28 =	rddreg [dreg:$0x13];
	s29 =	simm.s32 $0x14D80;
	[tilespmem:s26+$0x14DC0] =	vst v1  }
0x291: {  	[hbm4b:s28+s8] =	stream.linear.scatter [tilespmem:s29], [sflag:$0x2], $0x2710, $0x38;
	[tilespmem:$0x1A900] =	vst v63  }
0x292: {  	_ =	swait.ge [sflag:s13], $0x2710  }
0x293: {  	s24 =	sadd.s32 $0x1, s24;
	s30 =	rddreg [dreg:$0x14]  }
0x294: {  	p0 =	sne.s32 s24, s30  }
.Ltmp21:
0x295: {  	_ = 	snop;
	(pc) =	sbr.rel @p0 .LBB2_1-.Ltmp21, $3  }
0x296: {  	_ =	sdelay $0x1  }
0x297: {  	[sflag:s13] =	ssyncset.done $0x0  }
0x298: {  	[sflag:s13] =	ssyncadd.s32 $0xFFFFD8F0  }
0x299: {  	_ =	sfence.sel $0x180000  }
0x29a: {  	[bflag:$0x0] =	sbarrier.arrive $0xFFFF  }
0x29b: {  	_ =	strace $0x9000004D  }
0x29c: {  	s0 =	stileid.u32;
	[bflag:$0x2] =	sbarrier.arrive $0xFFFF  }
0x29d: {  	p0 =	sne.s32 s0, $0x0;
	s0 =	rddreg [dreg:$0x8]  }
0x29e: {  	s0 =	sadd.s32 @!p0 $0x100000, s0  }
0x29f: {  	[sflag:s0] =	ssyncadd.tile.s32 @!p0 $0x1;
	_ =	shalt  }
.Lfunc_end2:
_tile_overlayer_lowered:
.L_overlay_start_2:
0x2a0: {  	(tag) =	ssettag $0x2  }
0x2a1: {  	s0 =	rddreg [dreg:$0x0];
	s2 =	stileid.u32  }
0x2a2: {  	s1 =	rddreg [dreg:$0x1];
	p0 =	sne.s32 s2, $0x0  }
0x2a3: {  	s3 =	rddreg [dreg:$0x2];
	[bflag:$0x3] =	sbarrier.arrive $0xFFFF;
	s2 =	simm.s32 @!p0 $0x1C02  }
0x2a4: {  	[timem:s3], [sflag:s2] =	dma.local @!p0 [hbm:s0], s1  }
0x2a5: {  	s0 =	simm.s32 @!p0 $0x2  }
0x2a6: {  	_ =	swait.ge @!p0 [sflag:s0], s1  }
0x2a7: {  	s1 =	ssub.s32 @!p0 $0x0, s1;
	[sflag:s0] =	ssyncset.done @!p0 $0x0  }
0x2a8: {  	[sflag:s0] =	ssyncadd.s32 @!p0 s1  }
0x2a9: {  	[bflag:$0x3] =	sbarrier.arrive $0xFFFF  }
0x2aa: {  	_ =	shalt  }

// kernel: kernel.7.cloned.1.call-start
scs
__scs_entry_jumppad:
0x0: {  	(pc) =	sbr.rel $0x88, $3  }
0x1: {  	(tag) =	ssettag $0x0;
	lr =	simm.s32 $0x1  }
0x2: {  	[smem:$0x3F96] =	sst lr;
	_ =	strace $0xD0000000  }
0x3: {  	_ = 	snop  }
0x4: {  	_ = 	snop  }
0x5: {  	_ = 	snop  }
0x6: {  	_ = 	snop  }
0x7: {  	_ = 	snop  }
__scs_overlays_trampoline_lowered:
0x8: {  	[smem:$0x3FA5] =	sst s0  }
0x9: {  	[smem:$0x3FA6] =	sst s1  }
0xa: {  	[smem:$0x3FA7] =	sst s2  }
0xb: {  	[smem:$0x3FA8] =	sst s3  }
0xc: {  	[smem:$0x3FA9] =	sst s4  }
0xd: {  	[smem:$0x3FAA] =	sst s5  }
0xe: {  	[smem:$0x3FAB] =	sst s6  }
0xf: {  	[smem:$0x3FAC] =	sst s7  }
0x10: {  	[smem:$0x3FAD] =	sst s8  }
0x11: {  	[smem:$0x3FAE] =	sst s9;
	s0 =	simm.s32 @!p0 $0x0  }
0x12: {  	s1 =	sld [smem:$0x3F94];
	s0 =	simm.s32 @p0 $0x1  }
0x13: {  	[smem:$0x3FAF] =	sst s0;
	s0 =	simm.s32 @!p1 $0x0  }
0x14: {  	s2 =	sld [smem:$0x3F93];
	s0 =	simm.s32 @p1 $0x1  }
0x15: {  	[smem:$0x3FB0] =	sst s0;
	s0 =	simm.s32 @!p2 $0x0  }
0x16: {  	s3 =	sld [smem:$0x3FDB];
	s0 =	simm.s32 @p2 $0x1  }
0x17: {  	s4 =	simm.s32 $0x1BF5;
	[smem:$0x3FB2] =	sst s0  }
0x18: {  	s0 =	sld [smem:$0x3F95];
	_ =	swait.ge [sflag:s4], $0x0  }
0x19: {  	s7 =	sld [smem:$0x3F96]  }
0x1a: {  	s8 =	sadd.s32 $0xFFFFE003, lr  }
0x1b: {  	s9 =	sadd.s32 $0xFFFFFEF7, lr;
	s5 =	simm.s32 $0xFFFFFFFF;
	p2 =	slt.u32 s8, $0xFFFFF086  }
0x1c: {  	p1 =	slt.u32 s9, $0xF7A;
	s5 =	simm.s32 @!p2 $0x0  }
0x1d: {  	s5 =	simm.s32 @p1 $0x1;
	p0 =	seq.s32 s7, s2  }
0x1e: {  	s7 =	smul.u32 @!p0 $0xF7A, s2;
	p2 =	seq.s32 @!p0 s5, $0x0  }
0x1f: {  	s9 =	smul.u32 $0xF7A, s1;
	s8 =	simm.s32 @!p0 $0x1BF5;
	p2 =	por !p2, p0  }
0x20: {  	[sflag:s8] =	ssyncset.s32 @!p0 $0xFFFFF086;
	s6 =	sadd.s32 @!p0 s3, s7;
	s7 =	simm.s32 @!p0 $0x108  }
0x21: {  	s3 =	sadd.s32 s3, s9;
	s6 =	sadd.s32 @!p0 $0x88, s6;
	s7 =	simm.s32 @p2 $0x1082  }
0x22: {  	[simem:s7], [sflag:s8] =	dma.local @!p0 [hbm:s6], $0xF7A  }
0x23: {  	s9 =	sor.u32 $0xD0000000, s2;
	s6 =	simm.s32 $0x108;
	_ =	swait.ge @!p0 [sflag:s8], $0x0  }
0x24: {  	s3 =	sadd.s32 $0x88, s3;
	s6 =	simm.s32 @!p1 $0x1082;
	[sflag:s4] =	ssyncset.s32 $0xFFFFF086  }
0x25: {  	[simem:s6], [sflag:s4] =	dma.local [hbm:s3], $0xF7A  }
0x26: {  	[smem:$0x3F96] =	sst s1;
	(tag) =	ssettag s2;
	_ =	strace s9  }
0x27: {  	s1 =	sld [smem:$0x3FA6]  }
0x28: {  	s2 =	sld [smem:$0x3FA7]  }
0x29: {  	s4 =	sld [smem:$0x3FA9]  }
0x2a: {  	p0 =	seq.s32 s5, $0x0;
	s5 =	sld [smem:$0x3FAA]  }
0x2b: {  	s6 =	sld [smem:$0x3FAB]  }
0x2c: {  	s7 =	sld [smem:$0x3FAC]  }
0x2d: {  	s3 =	simm.s32 $0x108;
	s8 =	sld [smem:$0x3FAD]  }
0x2e: {  	s3 =	simm.s32 @!p0 $0x1082;
	s9 =	sld [smem:$0x3FAE]  }
0x2f: {  	lr =	sadd.s32 s0, s3;
	s0 =	sld [smem:$0x3FA5]  }
0x30: {  	s3 =	sld [smem:$0x3FA8]  }
0x31: {  	[smem:$0x3FB1] =	sst s10  }
0x32: {  	s10 =	sld [smem:$0x3FAF];
	_ =	sdelay $0x3  }
0x33: {  	p0 =	seq.s32 s10, $0x1;
	s10 =	sld [smem:$0x3FB1];
	_ =	sdelay $0x3  }
0x34: {  	[smem:$0x3FB1] =	sst s10  }
0x35: {  	s10 =	sld [smem:$0x3FB0];
	_ =	sdelay $0x3  }
0x36: {  	p1 =	seq.s32 s10, $0x1;
	s10 =	sld [smem:$0x3FB1];
	_ =	sdelay $0x3  }
0x37: {  	[smem:$0x3FB1] =	sst s10  }
0x38: {  	s10 =	sld [smem:$0x3FB2]  }
0x39: {  	_ = 	snop;
	(pc) =	sbr.ind lr, $3  }
0x3a: {  	_ = 	snop  }
0x3b: {  	_ = 	snop  }
0x3c: {  	p2 =	seq.s32 s10, $0x1;
	s10 =	sld [smem:$0x3FB1]  }
0x3d: {  	_ =	shalt  }
0x3e: {  	_ =	shalt  }
0x3f: {  	_ =	shalt  }
0x40: {  	_ =	shalt  }
0x41: {  	_ =	shalt  }
0x42: {  	_ =	shalt  }
0x43: {  	_ =	shalt  }
0x44: {  	_ =	shalt  }
0x45: {  	_ =	shalt  }
0x46: {  	_ =	shalt  }
0x47: {  	_ =	shalt  }
0x48: {  	_ =	shalt  }
0x49: {  	_ =	shalt  }
0x4a: {  	_ =	shalt  }
0x4b: {  	_ =	shalt  }
0x4c: {  	_ =	shalt  }
0x4d: {  	_ =	shalt  }
0x4e: {  	_ =	shalt  }
0x4f: {  	_ =	shalt  }
0x50: {  	_ =	shalt  }
0x51: {  	_ =	shalt  }
0x52: {  	_ =	shalt  }
0x53: {  	_ =	shalt  }
0x54: {  	_ =	shalt  }
0x55: {  	_ =	shalt  }
0x56: {  	_ =	shalt  }
0x57: {  	_ =	shalt  }
0x58: {  	_ =	shalt  }
0x59: {  	_ =	shalt  }
0x5a: {  	_ =	shalt  }
0x5b: {  	_ =	shalt  }
0x5c: {  	_ =	shalt  }
0x5d: {  	_ =	shalt  }
0x5e: {  	_ =	shalt  }
0x5f: {  	_ =	shalt  }
0x60: {  	_ =	shalt  }
0x61: {  	_ =	shalt  }
0x62: {  	_ =	shalt  }
0x63: {  	_ =	shalt  }
0x64: {  	_ =	shalt  }
0x65: {  	_ =	shalt  }
0x66: {  	_ =	shalt  }
0x67: {  	_ =	shalt  }
0x68: {  	_ =	shalt  }
0x69: {  	_ =	shalt  }
0x6a: {  	_ =	shalt  }
0x6b: {  	_ =	shalt  }
0x6c: {  	_ =	shalt  }
0x6d: {  	_ =	shalt  }
0x6e: {  	_ =	shalt  }
0x6f: {  	_ =	shalt  }
0x70: {  	_ =	shalt  }
0x71: {  	_ =	shalt  }
0x72: {  	_ =	shalt  }
0x73: {  	_ =	shalt  }
0x74: {  	_ =	shalt  }
0x75: {  	_ =	shalt  }
0x76: {  	_ =	shalt  }
0x77: {  	_ =	shalt  }
0x78: {  	_ =	shalt  }
0x79: {  	_ =	shalt  }
0x7a: {  	_ =	shalt  }
0x7b: {  	_ =	shalt  }
0x7c: {  	_ =	shalt  }
0x7d: {  	_ =	shalt  }
0x7e: {  	_ =	shalt  }
0x7f: {  	_ =	shalt  }
0x80: {  	_ =	shalt  }
0x81: {  	_ =	shalt  }
0x82: {  	_ =	shalt  }
0x83: {  	_ =	shalt  }
0x84: {  	_ =	shalt  }
0x85: {  	_ =	shalt  }
0x86: {  	_ =	shalt  }
0x87: {  	_ =	shalt  }
.Lfunc_end0:
.L_simem_size_0:
called_computation_lowered:
.L_overlay_start_0:
0x88: {  	s2 =	sld [smem:$0x3FD9]  }
0x89: {  	s3 =	sld [smem:$0x3FFE];
	_ =	sdelay $0x1  }
0x8a: {  	s1 =	srdreg.scid  }
0x8b: {  	s0 =	sand.u32 $0x1, s1  }
0x8c: {  	s17 =	sshll.u32 s0, $0xA;
	s2 =	sadd.s32 s3, s2  }
0x8d: {  	s2 =	sadd.s32 s2, s17  }
0x8e: {  	[smem:$0x3FBD] =	sst s2  }
0x8f: {  	_ = 	snop  }
0x90: {  	s2 =	sld [smem:$0x3FD0];
	(tm) =	ssettm $0x1  }
0x91: {  	s18 =	sld [smem:$0x3FFB];
	_ =	sdelay $0x3  }
0x92: {  	_ =	strace s18  }
0x93: {  	s3 =	sld [smem:$0x3FFC];
	_ =	sdelay $0x3  }
0x94: {  	_ =	strace s3  }
0x95: {  	s3 =	sld [smem:$0x3FFD];
	_ =	sdelay $0x3  }
0x96: {  	_ =	strace s3  }
0x97: {  	_ =	strace $0x8FFFFFFF  }
0x98: {  	s19 =	sld [smem:$0x3FDB];
	_ =	sdelay $0x1  }
0x99: {  	s4 =	simm.s32 $_scs_section_size  }
0x9a: {  	s5 =	simm.s32 $_size__tile_overlayer_lowered;
	s6 =	simm.s32 $_tile_overlayer_lowered  }
0x9b: {  	s22 =	simm.s32 $0x1BFF;
	s21 =	sshll.u32 s6, $0x1;
	s3 =	sadd.s32 s4, s19  }
0x9c: {  	s7 =	simm.s32 $0x0;
	s20 =	sshll.u32 s5, $0x1;
	s5 =	sadd.s32 s21, s3  }
0x9d: {  	[timem:s7], [sflag:s22] =	dma.local [hbm:s5], s20  }
0x9e: {  	_ =	swait.ge [sflag:s22], s20  }
0x9f: {  	s4 =	ssub.s32 $0x0, s20;
	[sflag:s22] =	ssyncset.done $0x0  }
0xa0: {  	[sflag:s22] =	ssyncadd.s32 s4;
	_ =	sdelay $0x1  }
0xa1: {  	s23 =	simm.s32 $0x1B8B  }
0xa2: {  	_ =	swait.ge [sflag:s23], $0x1  }
0xa3: {  	[sflag:s23] =	ssyncset.done $0x0  }
0xa4: {  	s25 =	simm.s32 $0x1B8E;
	s24 =	sld [smem:$0x3FFE];
	[sflag:s23] =	ssyncadd.s32 $0xFFFFFFFF  }
0xa5: {  	s26 =	simm.s32 $execute0_lowered;
	[smem:$0x3FD2] =	sst s25  }
0xa6: {  	s5 =	sshll.u32 s26, $0x1;
	_ =	strace $0x80000046;
	[dreg:$0x1] =	wrdreg $0xFFFFFFFF  }
0xa7: {  	s28 =	simm.s32 $_size_execute0_lowered;
	s3 =	sadd.s32 s3, s5;
	[dreg:$0x0] =	wrdreg $0x0  }
0xa8: {  	s5 =	sshll.u32 s28, $0x1;
	[dreg:$0x2] =	wrdreg s3  }
0xa9: {  	[dreg:$0x3] =	wrdreg s5  }
0xaa: {  	[dreg:$0x4] =	wrdreg $0xC0  }
0xab: {  	_ =	task [dreg:s7], $0x5FFFF  }
0xac: {  	[dreg:$0x1] =	wrdreg $0xFFFFFFFF  }
0xad: {  	[dreg:$0x0] =	wrdreg $0x60  }
0xae: {  	[dreg:$0x2] =	wrdreg s24  }
0xaf: {  	[dreg:$0x3] =	wrdreg s2  }
0xb0: {  	[dreg:$0x4] =	wrdreg $0x4F800  }
0xb1: {  	[dreg:$0x5] =	wrdreg $0x9  }
0xb2: {  	_ =	task.clear_ibuf [dreg:s7], $0x6FFFF;
	_ =	strace $0x90000046  }
0xb3: {  	s29 =	simm.s32 $0x9;
	_ =	strace $0x80000048  }
0xb4: {  	_ =	swait.ge [sflag:s29], $0x1  }
0xb5: {  	[sflag:s29] =	ssyncadd.s32 $0xFFFFFFFF  }
0xb6: {  	_ =	strace $0x90000048  }
0xb7: {  	_ =	sfence  }
0xb8: {  	s30 =	sld [smem:$0x0];
	_ =	sdelay $0x2  }
0xb9: {  	s31 =	sshll.u32 s1, $0xD;
	s1 =	sshrl.u32 s1, $0x2  }
0xba: {  	s3 =	sand.u32 $0x4000, s31;
	s1 =	sadd.s32 s1, s30  }
0xbb: {  	s0 =	sor.u32 s3, s0;
	s1 =	sshll.u32 s1, $0x11  }
0xbc: {  	s0 =	sor.u32 s1, s0  }
0xbd: {  	s0 =	sadd.s32 $0x8F2B, s0  }
0xbe: {  	[sflag:s0] =	ssyncadd.remote.s32 $0x1  }
0xbf: {  	_ =	sfence.sel $0xFFFF  }
0xc0: {  	[dreg:$0x0] =	wrdreg $0xFFFFFFFF;
	(pc) =	sbr.abs _section_cstart, $3  }
0xc1: {  	[dreg:$0x1] =	wrdreg $0xFFFFFFFF  }
0xc2: {  	_ =	task.clear_ibuf [dreg:s7], $0x2FFFF;
	_ =	strace $0x9FFFFFFF  }
0xc3: {  	(tm) =	ssettm $0x7FFFFFFF  }
tec
execute0_lowered:
.L_overlay_start_1:
0x0: {  	(tag) =	ssettag $0x1  }
0x1: {  	s0 =	rddreg [dreg:$0x0]  }
0x2: {  	s22 =	rddreg [dreg:$0x1]  }
0x3: {  	s1 =	srdreg.scid;
	s5 =	rddreg [dreg:$0x2]  }
0x4: {  	s25 =	stileid.u32;
	s2 =	simm.s32 $0x0;
	s24 =	simm.s32 $0x2780  }
0x5: {  	s28 =	simm.s32 $0x7780;
	s29 =	simm.s32 $0x7A00;
	s30 =	simm.s32 $0x0  }
0x6: {  	s19 =	sand.u32 $0x1, s1;
	[smem:$0x7FF] =	sst s2;
	s8 =	smul.u32 $0x5000, s25  }
0x7: {  	s4 =	sshrl.u32 s25, $0x3;
	s26 =	sshll.u32 s25, $0x7;
	s23 =	smul.u32 $0x50, s25  }
0x8: {  	s3 =	sshll.u32 s19, $0x4;
	_ =	strace $0x80000047;
	s6 =	ssub.s32 $0x2, s19  }
0x9: {  	s4 =	smul.u32 $0x50000, s4;
	p0 =	seq.s32 s19, $0x1;
	s3 =	sor.u32 s25, s3  }
0xa: {  	s7 =	sshrl.u32 s6, $0x1;
	s31 =	sshrl.u32 s8, $0x2;
	s25 =	simm.s32 $0x80  }
0xb: {  	s3 =	smul.u32 $0x4E2, s3;
	s21 =	ssub.s32 s6, s7;
	s4 =	sshrl.u32 s4, $0x2  }
0xc: {  	s6 =	sand.u32 $0x380, s26;
	s26 =	simm.s32 $0x400;
	s4 =	sadd.s32 s4, s5  }
0xd: {  	s5 =	sadd.s32 s31, s5;
	s21 =	smax.u32 s21, $0x1;
	s3 =	sadd.s32 s3, s0  }
0xe: {  	s0 =	sadd.s32 $0x15600, s0;
	s4 =	sadd.s32 s6, s4;
	s6 =	sadd.s32 $0x80, s5  }
0xf: {  	s7 =	sadd.s32 $0x100, s5;
	s8 =	sadd.s32 $0x180, s5;
	s9 =	sadd.s32 $0x200, s5  }
0x10: {  	s10 =	sadd.s32 $0x280, s5;
	s11 =	sadd.s32 $0x300, s5;
	s12 =	sadd.s32 $0x380, s5  }
0x11: {  	s13 =	sadd.s32 $0x14000, s5;
	s14 =	sadd.s32 $0x14080, s5;
	s15 =	sadd.s32 $0x14100, s5  }
0x12: {  	s16 =	sadd.s32 $0x14180, s5;
	s17 =	sadd.s32 $0x14200, s5;
	s18 =	sadd.s32 $0x14280, s5  }
0x13: {  	s19 =	sadd.s32 $0x14300, s5;
	s20 =	sadd.s32 $0x14380, s5;
	s22 =	smov.u32 @p0 s0  }
0x14: {  	v0 =	vimm.f32 $0.0e+00;
	v1 =	vimm.f32 $1.000000000e+00;
	s3 =	sadd.s32 $0x1A00, s3;
	s22 =	sadd.s32 s22, s23;
	s23 =	simm.s32 $0x1  }
.LBB2_1:
0x15: {  	s0 =	simm.s32 $0x40;
	s31 =	simm.s32 $0x0  }
.LBB2_2:
0x16: {  	p0 =	sne.s32 s0, $0x9FC0;
	[tilespmem:s31+$0x2780] =	vst v0;
	s31 =	smov.u32 s0;
	s0 =	sadd.s32 $0x40, s0  }
.Ltmp0:
0x17: {  	(pc) =	sbr.rel @p0 .LBB2_2-.Ltmp0, $2  }
0x18: {  	_ =	sdelay $0x2  }
0x19: {  	s31 =	sshra.s32 s31, $0x2  }
0x1a: {  	[tilespmem:s31+$0x2780] =	vst v0;
	s31 =	simm.s32 $0x0  }
0x1b: {  	[tilespmem:s31], [sflag:$0x1] =	stream.linear.gather [hbm4b:s3+s31], $0x2710, $0x38;
	[tilespmem:$0x7C80] =	vst v63  }
0x1c: {  	_ =	swait.ge [sflag:s23], $0x2710  }
0x1d: {  	[sflag:s23] =	ssyncset.done $0x0  }
0x1e: {  	[sflag:s23] =	ssyncadd.s32 $0xFFFFD8F0  }
.LBB2_4:
0x1f: {  	s0 =	sshra.s32 s31, $0x2  }
0x20: {  	v2 =	vld [tilespmem:s0+$0x0];
	_ =	sdelay $0x7  }
0x21: {  	[tilespmem:v2+s24+$0x0] =	vst.idx.add.f32.msk $0xffff, v1  }
0x22: {  	v2 =	vld [tilespmem:s0+$0x10];
	_ =	sdelay $0x7  }
0x23: {  	[tilespmem:v2+s24+$0x0] =	vst.idx.add.f32.msk $0xffff, v1  }
0x24: {  	v2 =	vld [tilespmem:s0+$0x20];
	_ =	sdelay $0x7  }
0x25: {  	[tilespmem:v2+s24+$0x0] =	vst.idx.add.f32.msk $0xffff, v1  }
0x26: {  	v2 =	vld [tilespmem:s0+$0x30];
	_ =	sdelay $0x7  }
0x27: {  	[tilespmem:v2+s24+$0x0] =	vst.idx.add.f32.msk $0xffff, v1  }
0x28: {  	v2 =	vld [tilespmem:s0+$0x40];
	_ =	sdelay $0x2  }
0x29: {  	p0 =	sne.s32 s31, $0x9B00  }
.Ltmp1:
0x2a: {  	_ = 	snop;
	(pc) =	sbr.rel @p0 .LBB2_4-.Ltmp1, $2  }
0x2b: {  	_ =	sdelay $0x2  }
0x2c: {  	s31 =	sadd.s32 $0x140, s31;
	[tilespmem:v2+s24+$0x0] =	vst.idx.add.f32.msk $0xffff, v1  }
0x2d: {  	[spmem:s4] =	stream.strided.scatter [tilespmem:s24], [sflag:$0x1], $0x2800, s26, s25, $0x38;
	[tilespmem:$0x7C80] =	vst v63  }
0x2e: {  	_ =	swait.ge [sflag:s23], $0x2800  }
0x2f: {  	[sflag:s23] =	ssyncset.done $0x0  }
0x30: {  	[sflag:s23] =	ssyncadd.s32 $0xFFFFD800  }
0x31: {  	[bflag:$0x0] =	sbarrier.arrive $0xFFFF  }
0x32: {  	[tilespmem:$0x7A00] =	vst v0  }
0x33: {  	[tilespmem:$0x7A10] =	vst v0  }
0x34: {  	[tilespmem:$0x7A20] =	vst v0  }
0x35: {  	[tilespmem:$0x7A30] =	vst v0  }
0x36: {  	[tilespmem:$0x7A40] =	vst v0  }
0x37: {  	[tilespmem:$0x7A50] =	vst v0  }
0x38: {  	[tilespmem:$0x7A60] =	vst v0  }
0x39: {  	[tilespmem:$0x7A70] =	vst v0  }
0x3a: {  	[tilespmem:$0x7A80] =	vst v0  }
0x3b: {  	[tilespmem:$0x7A90] =	vst v0  }
0x3c: {  	[tilespmem:$0x7AA0] =	vst v0  }
0x3d: {  	[tilespmem:$0x7AB0] =	vst v0  }
0x3e: {  	[tilespmem:$0x7AC0] =	vst v0  }
0x3f: {  	[tilespmem:$0x7AD0] =	vst v0  }
0x40: {  	[tilespmem:$0x7AE0] =	vst v0  }
0x41: {  	[tilespmem:$0x7AF0] =	vst v0  }
0x42: {  	[tilespmem:$0x7B00] =	vst v0  }
0x43: {  	[tilespmem:$0x7B10] =	vst v0  }
0x44: {  	[tilespmem:$0x7B20] =	vst v0  }
0x45: {  	[tilespmem:$0x7B30] =	vst v0  }
0x46: {  	[tilespmem:$0x7B40] =	vst v0  }
0x47: {  	[tilespmem:$0x7B50] =	vst v0  }
0x48: {  	[tilespmem:$0x7B60] =	vst v0  }
0x49: {  	[tilespmem:$0x7B70] =	vst v0  }
0x4a: {  	[tilespmem:$0x7B80] =	vst v0  }
0x4b: {  	[tilespmem:$0x7B90] =	vst v0  }
0x4c: {  	[tilespmem:$0x7BA0] =	vst v0  }
0x4d: {  	[tilespmem:$0x7BB0] =	vst v0  }
0x4e: {  	[tilespmem:$0x7BC0] =	vst v0  }
0x4f: {  	[tilespmem:$0x7BD0] =	vst v0  }
0x50: {  	[tilespmem:$0x7BE0] =	vst v0  }
0x51: {  	[tilespmem:$0x7BF0] =	vst v0  }
0x52: {  	[tilespmem:$0x7C00] =	vst v0  }
0x53: {  	[tilespmem:$0x7C10] =	vst v0  }
0x54: {  	[tilespmem:$0x7C20] =	vst v0  }
0x55: {  	[tilespmem:$0x7C30] =	vst v0  }
0x56: {  	[tilespmem:$0x7C40] =	vst v0  }
0x57: {  	[tilespmem:$0x7C50] =	vst v0  }
0x58: {  	[tilespmem:$0x7C60] =	vst v0  }
0x59: {  	[tilespmem:$0x7C70] =	vst v0  }
0x5a: {  	[tilespmem:s28], [sflag:$0x1] =	stream.strided.gather [spmem:s5], $0x280, s26, s25, $0x38;
	[tilespmem:$0x7C80] =	vst v63  }
0x5b: {  	_ =	swait.ge [sflag:s23], $0x280  }
0x5c: {  	[sflag:s23] =	ssyncset.done $0x0  }
0x5d: {  	s31 =	simm.s32 $0x0;
	[sflag:s23] =	ssyncadd.s32 $0xFFFFFD80  }
0x5e: {  	s0 =	simm.s32 $0x40;
	v2 =	vld [tilespmem:s31+$0x7780]  }
.LBB2_6:
0x5f: {  	p0 =	sne.s32 s0, $0x9C0;
	v3 =	vld [tilespmem:s31+$0x7A00];
	_ =	sdelay $0x2  }
.Ltmp2:
0x60: {  	(pc) =	sbr.rel @p0 .LBB2_6-.Ltmp2, $4  }
0x61: {  	_ = 	snop  }
0x62: {  	v3 =	vadd.f32 v2, v3  }
0x63: {  	s1 =	sshra.s32 s0, $0x2  }
0x64: {  	s0 =	sadd.s32 $0x40, s0;
	v2 =	vld [tilespmem:s1+$0x7780];
	[tilespmem:s31+$0x7A00] =	vst v3;
	s31 =	smov.u32 s1  }
0x65: {  	v3 =	vld [tilespmem:s31+$0x7A00];
	_ =	sdelay $0x4  }
0x66: {  	v2 =	vadd.f32 v2, v3;
	_ =	sdelay $0x1  }
0x67: {  	[tilespmem:s31+$0x7A00] =	vst v2  }
0x68: {  	[tilespmem:s28], [sflag:$0x1] =	stream.strided.gather [spmem:s6], $0x280, s26, s25, $0x38;
	[tilespmem:$0x7C80] =	vst v63  }
0x69: {  	_ =	swait.ge [sflag:s23], $0x280  }
0x6a: {  	[sflag:s23] =	ssyncset.done $0x0  }
0x6b: {  	s31 =	simm.s32 $0x0;
	[sflag:s23] =	ssyncadd.s32 $0xFFFFFD80  }
0x6c: {  	s0 =	simm.s32 $0x40;
	v2 =	vld [tilespmem:s31+$0x7780]  }
.LBB2_8:
0x6d: {  	p0 =	sne.s32 s0, $0x9C0;
	v3 =	vld [tilespmem:s31+$0x7A00];
	_ =	sdelay $0x2  }
.Ltmp3:
0x6e: {  	(pc) =	sbr.rel @p0 .LBB2_8-.Ltmp3, $4  }
0x6f: {  	_ = 	snop  }
0x70: {  	v3 =	vadd.f32 v2, v3  }
0x71: {  	s1 =	sshra.s32 s0, $0x2  }
0x72: {  	s0 =	sadd.s32 $0x40, s0;
	v2 =	vld [tilespmem:s1+$0x7780];
	[tilespmem:s31+$0x7A00] =	vst v3;
	s31 =	smov.u32 s1  }
0x73: {  	v3 =	vld [tilespmem:s31+$0x7A00];
	_ =	sdelay $0x4  }
0x74: {  	v2 =	vadd.f32 v2, v3;
	_ =	sdelay $0x1  }
0x75: {  	[tilespmem:s31+$0x7A00] =	vst v2  }
0x76: {  	[tilespmem:s28], [sflag:$0x1] =	stream.strided.gather [spmem:s7], $0x280, s26, s25, $0x38;
	[tilespmem:$0x7C80] =	vst v63  }
0x77: {  	_ =	swait.ge [sflag:s23], $0x280  }
0x78: {  	[sflag:s23] =	ssyncset.done $0x0  }
0x79: {  	s31 =	simm.s32 $0x0;
	[sflag:s23] =	ssyncadd.s32 $0xFFFFFD80  }
0x7a: {  	s0 =	simm.s32 $0x40;
	v2 =	vld [tilespmem:s31+$0x7780]  }
.LBB2_10:
0x7b: {  	p0 =	sne.s32 s0, $0x9C0;
	v3 =	vld [tilespmem:s31+$0x7A00];
	_ =	sdelay $0x2  }
.Ltmp4:
0x7c: {  	(pc) =	sbr.rel @p0 .LBB2_10-.Ltmp4, $4  }
0x7d: {  	_ = 	snop  }
0x7e: {  	v3 =	vadd.f32 v2, v3  }
0x7f: {  	s1 =	sshra.s32 s0, $0x2  }
0x80: {  	s0 =	sadd.s32 $0x40, s0;
	v2 =	vld [tilespmem:s1+$0x7780];
	[tilespmem:s31+$0x7A00] =	vst v3;
	s31 =	smov.u32 s1  }
0x81: {  	v3 =	vld [tilespmem:s31+$0x7A00];
	_ =	sdelay $0x4  }
0x82: {  	v2 =	vadd.f32 v2, v3;
	_ =	sdelay $0x1  }
0x83: {  	[tilespmem:s31+$0x7A00] =	vst v2  }
0x84: {  	[tilespmem:s28], [sflag:$0x1] =	stream.strided.gather [spmem:s8], $0x280, s26, s25, $0x38;
	[tilespmem:$0x7C80] =	vst v63  }
0x85: {  	_ =	swait.ge [sflag:s23], $0x280  }
0x86: {  	[sflag:s23] =	ssyncset.done $0x0  }
0x87: {  	s31 =	simm.s32 $0x0;
	[sflag:s23] =	ssyncadd.s32 $0xFFFFFD80  }
0x88: {  	s0 =	simm.s32 $0x40;
	v2 =	vld [tilespmem:s31+$0x7780]  }
.LBB2_12:
0x89: {  	p0 =	sne.s32 s0, $0x9C0;
	v3 =	vld [tilespmem:s31+$0x7A00];
	_ =	sdelay $0x2  }
.Ltmp5:
0x8a: {  	(pc) =	sbr.rel @p0 .LBB2_12-.Ltmp5, $4  }
0x8b: {  	_ = 	snop  }
0x8c: {  	v3 =	vadd.f32 v2, v3  }
0x8d: {  	s1 =	sshra.s32 s0, $0x2  }
0x8e: {  	s0 =	sadd.s32 $0x40, s0;
	v2 =	vld [tilespmem:s1+$0x7780];
	[tilespmem:s31+$0x7A00] =	vst v3;
	s31 =	smov.u32 s1  }
0x8f: {  	v3 =	vld [tilespmem:s31+$0x7A00];
	_ =	sdelay $0x4  }
0x90: {  	v2 =	vadd.f32 v2, v3;
	_ =	sdelay $0x1  }
0x91: {  	[tilespmem:s31+$0x7A00] =	vst v2  }
0x92: {  	[tilespmem:s28], [sflag:$0x1] =	stream.strided.gather [spmem:s9], $0x280, s26, s25, $0x38;
	[tilespmem:$0x7C80] =	vst v63  }
0x93: {  	_ =	swait.ge [sflag:s23], $0x280  }
0x94: {  	[sflag:s23] =	ssyncset.done $0x0  }
0x95: {  	s31 =	simm.s32 $0x0;
	[sflag:s23] =	ssyncadd.s32 $0xFFFFFD80  }
0x96: {  	s0 =	simm.s32 $0x40;
	v2 =	vld [tilespmem:s31+$0x7780]  }
.LBB2_14:
0x97: {  	p0 =	sne.s32 s0, $0x9C0;
	v3 =	vld [tilespmem:s31+$0x7A00];
	_ =	sdelay $0x2  }
.Ltmp6:
0x98: {  	(pc) =	sbr.rel @p0 .LBB2_14-.Ltmp6, $4  }
0x99: {  	_ = 	snop  }
0x9a: {  	v3 =	vadd.f32 v2, v3  }
0x9b: {  	s1 =	sshra.s32 s0, $0x2  }
0x9c: {  	s0 =	sadd.s32 $0x40, s0;
	v2 =	vld [tilespmem:s1+$0x7780];
	[tilespmem:s31+$0x7A00] =	vst v3;
	s31 =	smov.u32 s1  }
0x9d: {  	v3 =	vld [tilespmem:s31+$0x7A00];
	_ =	sdelay $0x4  }
0x9e: {  	v2 =	vadd.f32 v2, v3;
	_ =	sdelay $0x1  }
0x9f: {  	[tilespmem:s31+$0x7A00] =	vst v2  }
0xa0: {  	[tilespmem:s28], [sflag:$0x1] =	stream.strided.gather [spmem:s10], $0x280, s26, s25, $0x38;
	[tilespmem:$0x7C80] =	vst v63  }
0xa1: {  	_ =	swait.ge [sflag:s23], $0x280  }
0xa2: {  	[sflag:s23] =	ssyncset.done $0x0  }
0xa3: {  	s31 =	simm.s32 $0x0;
	[sflag:s23] =	ssyncadd.s32 $0xFFFFFD80  }
0xa4: {  	s0 =	simm.s32 $0x40;
	v2 =	vld [tilespmem:s31+$0x7780]  }
.LBB2_16:
0xa5: {  	p0 =	sne.s32 s0, $0x9C0;
	v3 =	vld [tilespmem:s31+$0x7A00];
	_ =	sdelay $0x2  }
.Ltmp7:
0xa6: {  	(pc) =	sbr.rel @p0 .LBB2_16-.Ltmp7, $4  }
0xa7: {  	_ = 	snop  }
0xa8: {  	v3 =	vadd.f32 v2, v3  }
0xa9: {  	s1 =	sshra.s32 s0, $0x2  }
0xaa: {  	s0 =	sadd.s32 $0x40, s0;
	v2 =	vld [tilespmem:s1+$0x7780];
	[tilespmem:s31+$0x7A00] =	vst v3;
	s31 =	smov.u32 s1  }
0xab: {  	v3 =	vld [tilespmem:s31+$0x7A00];
	_ =	sdelay $0x4  }
0xac: {  	v2 =	vadd.f32 v2, v3;
	_ =	sdelay $0x1  }
0xad: {  	[tilespmem:s31+$0x7A00] =	vst v2  }
0xae: {  	[tilespmem:s28], [sflag:$0x1] =	stream.strided.gather [spmem:s11], $0x280, s26, s25, $0x38;
	[tilespmem:$0x7C80] =	vst v63  }
0xaf: {  	_ =	swait.ge [sflag:s23], $0x280  }
0xb0: {  	[sflag:s23] =	ssyncset.done $0x0  }
0xb1: {  	s31 =	simm.s32 $0x0;
	[sflag:s23] =	ssyncadd.s32 $0xFFFFFD80  }
0xb2: {  	s0 =	simm.s32 $0x40;
	v2 =	vld [tilespmem:s31+$0x7780]  }
.LBB2_18:
0xb3: {  	p0 =	sne.s32 s0, $0x9C0;
	v3 =	vld [tilespmem:s31+$0x7A00];
	_ =	sdelay $0x2  }
.Ltmp8:
0xb4: {  	(pc) =	sbr.rel @p0 .LBB2_18-.Ltmp8, $4  }
0xb5: {  	_ = 	snop  }
0xb6: {  	v3 =	vadd.f32 v2, v3  }
0xb7: {  	s1 =	sshra.s32 s0, $0x2  }
0xb8: {  	s0 =	sadd.s32 $0x40, s0;
	v2 =	vld [tilespmem:s1+$0x7780];
	[tilespmem:s31+$0x7A00] =	vst v3;
	s31 =	smov.u32 s1  }
0xb9: {  	v3 =	vld [tilespmem:s31+$0x7A00];
	_ =	sdelay $0x4  }
0xba: {  	v2 =	vadd.f32 v2, v3;
	_ =	sdelay $0x1  }
0xbb: {  	[tilespmem:s31+$0x7A00] =	vst v2  }
0xbc: {  	[tilespmem:s28], [sflag:$0x1] =	stream.strided.gather [spmem:s12], $0x280, s26, s25, $0x38;
	[tilespmem:$0x7C80] =	vst v63  }
0xbd: {  	_ =	swait.ge [sflag:s23], $0x280  }
0xbe: {  	[sflag:s23] =	ssyncset.done $0x0  }
0xbf: {  	s31 =	simm.s32 $0x0;
	[sflag:s23] =	ssyncadd.s32 $0xFFFFFD80  }
0xc0: {  	s0 =	simm.s32 $0x40;
	v2 =	vld [tilespmem:s31+$0x7780]  }
.LBB2_20:
0xc1: {  	p0 =	sne.s32 s0, $0x9C0;
	v3 =	vld [tilespmem:s31+$0x7A00];
	_ =	sdelay $0x2  }
.Ltmp9:
0xc2: {  	(pc) =	sbr.rel @p0 .LBB2_20-.Ltmp9, $4  }
0xc3: {  	_ = 	snop  }
0xc4: {  	v3 =	vadd.f32 v2, v3  }
0xc5: {  	s1 =	sshra.s32 s0, $0x2  }
0xc6: {  	s0 =	sadd.s32 $0x40, s0;
	v2 =	vld [tilespmem:s1+$0x7780];
	[tilespmem:s31+$0x7A00] =	vst v3;
	s31 =	smov.u32 s1  }
0xc7: {  	v3 =	vld [tilespmem:s31+$0x7A00];
	_ =	sdelay $0x4  }
0xc8: {  	v2 =	vadd.f32 v2, v3;
	_ =	sdelay $0x1  }
0xc9: {  	[tilespmem:s31+$0x7A00] =	vst v2  }
0xca: {  	[tilespmem:s28], [sflag:$0x1] =	stream.strided.gather [spmem:s13], $0x280, s26, s25, $0x38;
	[tilespmem:$0x7C80] =	vst v63  }
0xcb: {  	_ =	swait.ge [sflag:s23], $0x280  }
0xcc: {  	[sflag:s23] =	ssyncset.done $0x0  }
0xcd: {  	s31 =	simm.s32 $0x0;
	[sflag:s23] =	ssyncadd.s32 $0xFFFFFD80  }
0xce: {  	s0 =	simm.s32 $0x40;
	v2 =	vld [tilespmem:s31+$0x7780]  }
.LBB2_22:
0xcf: {  	p0 =	sne.s32 s0, $0x9C0;
	v3 =	vld [tilespmem:s31+$0x7A00];
	_ =	sdelay $0x2  }
.Ltmp10:
0xd0: {  	(pc) =	sbr.rel @p0 .LBB2_22-.Ltmp10, $4  }
0xd1: {  	_ = 	snop  }
0xd2: {  	v3 =	vadd.f32 v2, v3  }
0xd3: {  	s1 =	sshra.s32 s0, $0x2  }
0xd4: {  	s0 =	sadd.s32 $0x40, s0;
	v2 =	vld [tilespmem:s1+$0x7780];
	[tilespmem:s31+$0x7A00] =	vst v3;
	s31 =	smov.u32 s1  }
0xd5: {  	v3 =	vld [tilespmem:s31+$0x7A00];
	_ =	sdelay $0x4  }
0xd6: {  	v2 =	vadd.f32 v2, v3;
	_ =	sdelay $0x1  }
0xd7: {  	[tilespmem:s31+$0x7A00] =	vst v2  }
0xd8: {  	[tilespmem:s28], [sflag:$0x1] =	stream.strided.gather [spmem:s14], $0x280, s26, s25, $0x38;
	[tilespmem:$0x7C80] =	vst v63  }
0xd9: {  	_ =	swait.ge [sflag:s23], $0x280  }
0xda: {  	[sflag:s23] =	ssyncset.done $0x0  }
0xdb: {  	s31 =	simm.s32 $0x0;
	[sflag:s23] =	ssyncadd.s32 $0xFFFFFD80  }
0xdc: {  	s0 =	simm.s32 $0x40;
	v2 =	vld [tilespmem:s31+$0x7780]  }
.LBB2_24:
0xdd: {  	p0 =	sne.s32 s0, $0x9C0;
	v3 =	vld [tilespmem:s31+$0x7A00];
	_ =	sdelay $0x2  }
.Ltmp11:
0xde: {  	(pc) =	sbr.rel @p0 .LBB2_24-.Ltmp11, $4  }
0xdf: {  	_ = 	snop  }
0xe0: {  	v3 =	vadd.f32 v2, v3  }
0xe1: {  	s1 =	sshra.s32 s0, $0x2  }
0xe2: {  	s0 =	sadd.s32 $0x40, s0;
	v2 =	vld [tilespmem:s1+$0x7780];
	[tilespmem:s31+$0x7A00] =	vst v3;
	s31 =	smov.u32 s1  }
0xe3: {  	v3 =	vld [tilespmem:s31+$0x7A00];
	_ =	sdelay $0x4  }
0xe4: {  	v2 =	vadd.f32 v2, v3;
	_ =	sdelay $0x1  }
0xe5: {  	[tilespmem:s31+$0x7A00] =	vst v2  }
0xe6: {  	[tilespmem:s28], [sflag:$0x1] =	stream.strided.gather [spmem:s15], $0x280, s26, s25, $0x38;
	[tilespmem:$0x7C80] =	vst v63  }
0xe7: {  	_ =	swait.ge [sflag:s23], $0x280  }
0xe8: {  	[sflag:s23] =	ssyncset.done $0x0  }
0xe9: {  	s31 =	simm.s32 $0x0;
	[sflag:s23] =	ssyncadd.s32 $0xFFFFFD80  }
0xea: {  	s0 =	simm.s32 $0x40;
	v2 =	vld [tilespmem:s31+$0x7780]  }
.LBB2_26:
0xeb: {  	p0 =	sne.s32 s0, $0x9C0;
	v3 =	vld [tilespmem:s31+$0x7A00];
	_ =	sdelay $0x2  }
.Ltmp12:
0xec: {  	(pc) =	sbr.rel @p0 .LBB2_26-.Ltmp12, $4  }
0xed: {  	_ = 	snop  }
0xee: {  	v3 =	vadd.f32 v2, v3  }
0xef: {  	s1 =	sshra.s32 s0, $0x2  }
0xf0: {  	s0 =	sadd.s32 $0x40, s0;
	v2 =	vld [tilespmem:s1+$0x7780];
	[tilespmem:s31+$0x7A00] =	vst v3;
	s31 =	smov.u32 s1  }
0xf1: {  	v3 =	vld [tilespmem:s31+$0x7A00];
	_ =	sdelay $0x4  }
0xf2: {  	v2 =	vadd.f32 v2, v3;
	_ =	sdelay $0x1  }
0xf3: {  	[tilespmem:s31+$0x7A00] =	vst v2  }
0xf4: {  	[tilespmem:s28], [sflag:$0x1] =	stream.strided.gather [spmem:s16], $0x280, s26, s25, $0x38;
	[tilespmem:$0x7C80] =	vst v63  }
0xf5: {  	_ =	swait.ge [sflag:s23], $0x280  }
0xf6: {  	[sflag:s23] =	ssyncset.done $0x0  }
0xf7: {  	s31 =	simm.s32 $0x0;
	[sflag:s23] =	ssyncadd.s32 $0xFFFFFD80  }
0xf8: {  	s0 =	simm.s32 $0x40;
	v2 =	vld [tilespmem:s31+$0x7780]  }
.LBB2_28:
0xf9: {  	p0 =	sne.s32 s0, $0x9C0;
	v3 =	vld [tilespmem:s31+$0x7A00];
	_ =	sdelay $0x2  }
.Ltmp13:
0xfa: {  	(pc) =	sbr.rel @p0 .LBB2_28-.Ltmp13, $4  }
0xfb: {  	_ = 	snop  }
0xfc: {  	v3 =	vadd.f32 v2, v3  }
0xfd: {  	s1 =	sshra.s32 s0, $0x2  }
0xfe: {  	s0 =	sadd.s32 $0x40, s0;
	v2 =	vld [tilespmem:s1+$0x7780];
	[tilespmem:s31+$0x7A00] =	vst v3;
	s31 =	smov.u32 s1  }
0xff: {  	v3 =	vld [tilespmem:s31+$0x7A00];
	_ =	sdelay $0x4  }
0x100: {  	v2 =	vadd.f32 v2, v3;
	_ =	sdelay $0x1  }
0x101: {  	[tilespmem:s31+$0x7A00] =	vst v2  }
0x102: {  	[tilespmem:s28], [sflag:$0x1] =	stream.strided.gather [spmem:s17], $0x280, s26, s25, $0x38;
	[tilespmem:$0x7C80] =	vst v63  }
0x103: {  	_ =	swait.ge [sflag:s23], $0x280  }
0x104: {  	[sflag:s23] =	ssyncset.done $0x0  }
0x105: {  	s31 =	simm.s32 $0x0;
	[sflag:s23] =	ssyncadd.s32 $0xFFFFFD80  }
0x106: {  	s0 =	simm.s32 $0x40;
	v2 =	vld [tilespmem:s31+$0x7780]  }
.LBB2_30:
0x107: {  	p0 =	sne.s32 s0, $0x9C0;
	v3 =	vld [tilespmem:s31+$0x7A00];
	_ =	sdelay $0x2  }
.Ltmp14:
0x108: {  	(pc) =	sbr.rel @p0 .LBB2_30-.Ltmp14, $4  }
0x109: {  	_ = 	snop  }
0x10a: {  	v3 =	vadd.f32 v2, v3  }
0x10b: {  	s1 =	sshra.s32 s0, $0x2  }
0x10c: {  	s0 =	sadd.s32 $0x40, s0;
	v2 =	vld [tilespmem:s1+$0x7780];
	[tilespmem:s31+$0x7A00] =	vst v3;
	s31 =	smov.u32 s1  }
0x10d: {  	v3 =	vld [tilespmem:s31+$0x7A00];
	_ =	sdelay $0x4  }
0x10e: {  	v2 =	vadd.f32 v2, v3;
	_ =	sdelay $0x1  }
0x10f: {  	[tilespmem:s31+$0x7A00] =	vst v2  }
0x110: {  	[tilespmem:s28], [sflag:$0x1] =	stream.strided.gather [spmem:s18], $0x280, s26, s25, $0x38;
	[tilespmem:$0x7C80] =	vst v63  }
0x111: {  	_ =	swait.ge [sflag:s23], $0x280  }
0x112: {  	[sflag:s23] =	ssyncset.done $0x0  }
0x113: {  	s31 =	simm.s32 $0x0;
	[sflag:s23] =	ssyncadd.s32 $0xFFFFFD80  }
0x114: {  	s0 =	simm.s32 $0x40;
	v2 =	vld [tilespmem:s31+$0x7780]  }
.LBB2_32:
0x115: {  	p0 =	sne.s32 s0, $0x9C0;
	v3 =	vld [tilespmem:s31+$0x7A00];
	_ =	sdelay $0x2  }
.Ltmp15:
0x116: {  	(pc) =	sbr.rel @p0 .LBB2_32-.Ltmp15, $4  }
0x117: {  	_ = 	snop  }
0x118: {  	v3 =	vadd.f32 v2, v3  }
0x119: {  	s1 =	sshra.s32 s0, $0x2  }
0x11a: {  	s0 =	sadd.s32 $0x40, s0;
	v2 =	vld [tilespmem:s1+$0x7780];
	[tilespmem:s31+$0x7A00] =	vst v3;
	s31 =	smov.u32 s1  }
0x11b: {  	v3 =	vld [tilespmem:s31+$0x7A00];
	_ =	sdelay $0x4  }
0x11c: {  	v2 =	vadd.f32 v2, v3;
	_ =	sdelay $0x1  }
0x11d: {  	[tilespmem:s31+$0x7A00] =	vst v2  }
0x11e: {  	[tilespmem:s28], [sflag:$0x1] =	stream.strided.gather [spmem:s19], $0x280, s26, s25, $0x38;
	[tilespmem:$0x7C80] =	vst v63  }
0x11f: {  	_ =	swait.ge [sflag:s23], $0x280  }
0x120: {  	[sflag:s23] =	ssyncset.done $0x0  }
0x121: {  	s31 =	simm.s32 $0x0;
	[sflag:s23] =	ssyncadd.s32 $0xFFFFFD80  }
0x122: {  	s0 =	simm.s32 $0x40;
	v2 =	vld [tilespmem:s31+$0x7780]  }
.LBB2_34:
0x123: {  	p0 =	sne.s32 s0, $0x9C0;
	v3 =	vld [tilespmem:s31+$0x7A00];
	_ =	sdelay $0x2  }
.Ltmp16:
0x124: {  	(pc) =	sbr.rel @p0 .LBB2_34-.Ltmp16, $4  }
0x125: {  	_ = 	snop  }
0x126: {  	v3 =	vadd.f32 v2, v3  }
0x127: {  	s1 =	sshra.s32 s0, $0x2  }
0x128: {  	s0 =	sadd.s32 $0x40, s0;
	v2 =	vld [tilespmem:s1+$0x7780];
	[tilespmem:s31+$0x7A00] =	vst v3;
	s31 =	smov.u32 s1  }
0x129: {  	v3 =	vld [tilespmem:s31+$0x7A00];
	_ =	sdelay $0x4  }
0x12a: {  	v2 =	vadd.f32 v2, v3;
	_ =	sdelay $0x1  }
0x12b: {  	[tilespmem:s31+$0x7A00] =	vst v2  }
0x12c: {  	[tilespmem:s28], [sflag:$0x1] =	stream.strided.gather [spmem:s20], $0x280, s26, s25, $0x38;
	[tilespmem:$0x7C80] =	vst v63  }
0x12d: {  	_ =	swait.ge [sflag:s23], $0x280  }
0x12e: {  	[sflag:s23] =	ssyncset.done $0x0  }
0x12f: {  	s31 =	simm.s32 $0x0;
	[sflag:s23] =	ssyncadd.s32 $0xFFFFFD80  }
0x130: {  	s0 =	simm.s32 $0x40;
	v2 =	vld [tilespmem:s31+$0x7780]  }
.LBB2_36:
0x131: {  	p0 =	sne.s32 s0, $0x9C0;
	v3 =	vld [tilespmem:s31+$0x7A00];
	_ =	sdelay $0x2  }
.Ltmp17:
0x132: {  	(pc) =	sbr.rel @p0 .LBB2_36-.Ltmp17, $4  }
0x133: {  	_ = 	snop  }
0x134: {  	v3 =	vadd.f32 v2, v3  }
0x135: {  	s1 =	sshra.s32 s0, $0x2  }
0x136: {  	s0 =	sadd.s32 $0x40, s0;
	v2 =	vld [tilespmem:s1+$0x7780];
	[tilespmem:s31+$0x7A00] =	vst v3;
	s31 =	smov.u32 s1  }
0x137: {  	v3 =	vld [tilespmem:s31+$0x7A00];
	_ =	sdelay $0x4  }
0x138: {  	s30 =	sadd.s32 $0x1, s30;
	v2 =	vadd.f32 v2, v3  }
0x139: {  	p0 =	sne.s32 s30, s21  }
.Ltmp18:
0x13a: {  	[tilespmem:s31+$0x7A00] =	vst v2;
	(pc) =	sbr.rel @p0 .LBB2_1-.Ltmp18, $4  }
0x13b: {  	[hbm4b:s22+s2] =	stream.linear.scatter [tilespmem:s29], [sflag:$0x1], $0x280, $0x38;
	[tilespmem:$0x7C80] =	vst v63  }
0x13c: {  	_ =	swait.ge [sflag:s23], $0x280  }
0x13d: {  	[sflag:s23] =	ssyncset.done $0x0  }
0x13e: {  	[sflag:s23] =	ssyncadd.s32 $0xFFFFFD80  }
0x13f: {  	_ =	sfence.sel $0x180000  }
0x140: {  	[bflag:$0x0] =	sbarrier.arrive $0xFFFF  }
0x141: {  	_ =	strace $0x90000047  }
0x142: {  	s0 =	stileid.u32;
	[bflag:$0x2] =	sbarrier.arrive $0xFFFF  }
0x143: {  	p0 =	sne.s32 s0, $0x0;
	s0 =	rddreg [dreg:$0x3]  }
0x144: {  	s0 =	sadd.s32 @!p0 $0x100000, s0  }
0x145: {  	[sflag:s0] =	ssyncadd.tile.s32 @!p0 $0x1;
	_ =	shalt  }
.Lfunc_end2:
_tile_overlayer_lowered:
.L_overlay_start_2:
0x146: {  	(tag) =	ssettag $0x2  }
0x147: {  	s0 =	rddreg [dreg:$0x0];
	s2 =	stileid.u32  }
0x148: {  	s1 =	rddreg [dreg:$0x1];
	p0 =	sne.s32 s2, $0x0  }
0x149: {  	s3 =	rddreg [dreg:$0x2];
	[bflag:$0x3] =	sbarrier.arrive $0xFFFF;
	s2 =	simm.s32 @!p0 $0x1C01  }
0x14a: {  	[timem:s3], [sflag:s2] =	dma.local @!p0 [hbm:s0], s1  }
0x14b: {  	s0 =	simm.s32 @!p0 $0x1  }
0x14c: {  	_ =	swait.ge @!p0 [sflag:s0], s1  }
0x14d: {  	s1 =	ssub.s32 @!p0 $0x0, s1;
	[sflag:s0] =	ssyncset.done @!p0 $0x0  }
0x14e: {  	[sflag:s0] =	ssyncadd.s32 @!p0 s1  }
0x14f: {  	[bflag:$0x3] =	sbarrier.arrive $0xFFFF  }
0x150: {  	_ =	shalt  }

</sc_bundles>
